<compile_context>
chip_gen: v7x
topology: tpu7x:2x2x1
jax: 0.10.2.dev20260603
libtpu: 0.0.44.dev20260713+nightly
codegen_flags: <defaults>
</compile_context>

<pallas_src>
import functools

import jax
import jax.numpy as jnp
from jax import lax
from jax.experimental import pallas as pl

_INTERPRET = False

H = 128


def _mm(x, w):
    return lax.dot_general(x, w, (((1,), (1,)), ((), ())),
                           preferred_element_type=jnp.float32)


def _ln(h, g, b):
    mu = jnp.mean(h, axis=-1, keepdims=True)
    v = jnp.mean((h - mu) * (h - mu), axis=-1, keepdims=True)
    return (h - mu) * lax.rsqrt(v + 1e-5) * g + b



def _mlp_body(x_ref, w1_ref, b1_ref, w2_ref, b2_ref, g_ref, b_ref, o_ref,
              *, final_relu):
    h = jnp.maximum(_mm(x_ref[...], w1_ref[...]) + b1_ref[...], 0.0)
    h = _ln(_mm(h, w2_ref[...]) + b2_ref[...], g_ref[...], b_ref[...])
    if final_relu:
        h = jnp.maximum(h, 0.0)
    o_ref[...] = h


def _mlp_block(x, p, block_rows, final_relu=False):
    n, din = x.shape
    grid = n // block_rows
    full = lambda s: pl.BlockSpec(s, lambda i: (0,) * len(s))
    return pl.pallas_call(
        functools.partial(_mlp_body, final_relu=final_relu),
        grid=(grid,),
        in_specs=[
            pl.BlockSpec((block_rows, din), lambda i: (i, 0)),
            full(p["W1"].shape), full((1, H)), full(p["W2"].shape),
            full((1, H)), full((1, H)), full((1, H)),
        ],
        out_specs=pl.BlockSpec((block_rows, H), lambda i: (i, 0)),
        out_shape=jax.ShapeDtypeStruct((n, H), jnp.float32),
        interpret=_INTERPRET,
    )(x, p["W1"], p["b1"].reshape(1, H), p["W2"], p["b2"].reshape(1, H),
      p["g"].reshape(1, H), p["b"].reshape(1, H))



def _prep_body(nd_ref, gd_ref, w1s_ref, w1d_ref, w1mc_ref, w1ge_ref,
               w1gn_ref, t1_ref, t2_ref, ag_ref, bg_ref):
    nd = nd_ref[...]
    t1_ref[...] = _mm(nd, w1s_ref[...])
    t2_ref[...] = jnp.concatenate(
        [_mm(nd, w1d_ref[...]), _mm(nd, w1mc_ref[...])], axis=1)

    @pl.when(pl.program_id(0) == 0)
    def _():
        gd = gd_ref[...]
        ag_ref[...] = _mm(gd, w1ge_ref[...])
        bg_ref[...] = _mm(gd, w1gn_ref[...])


def _prep(nd, gd, w1s, w1d, w1mc, w1ge, w1gn, block_rows):
    n = nd.shape[0]
    grid = n // block_rows
    full = lambda s: pl.BlockSpec(s, lambda i: (0,) * len(s))
    return pl.pallas_call(
        _prep_body,
        grid=(grid,),
        in_specs=[
            pl.BlockSpec((block_rows, H), lambda i: (i, 0)),
            full((16, H)), full((H, H)), full((H, H)), full((H, H)),
            full((H, H)), full((H, H)),
        ],
        out_specs=[
            pl.BlockSpec((block_rows, H), lambda i: (i, 0)),
            pl.BlockSpec((block_rows, 2 * H), lambda i: (i, 0)),
            full((16, H)), full((16, H)),
        ],
        out_shape=[
            jax.ShapeDtypeStruct((n, H), jnp.float32),
            jax.ShapeDtypeStruct((n, 2 * H), jnp.float32),
            jax.ShapeDtypeStruct((16, H), jnp.float32),
            jax.ShapeDtypeStruct((16, H), jnp.float32),
        ],
        interpret=_INTERPRET,
    )(nd, gd, w1s, w1d, w1mc, w1ge, w1gn)



def _edge_body(s1_ref, s2_ref, ea_ref, egi_ref, ag_ref,
               w1e_ref, b1_ref, w2_ref, b2_ref, g_ref, b_ref,
               w1me_ref, b1m_ref, w2m_ref, b2m_ref, gm_ref, bm_ref,
               ea_out_ref, m_ref, eg_ref):
    egi = egi_ref[0, 0, :]
    nb = egi.shape[0]
    oh = (lax.broadcasted_iota(jnp.int32, (nb, 16), 1)
          == egi[:, None]).astype(jnp.float32)
    s2 = s2_ref[...]
    t = (s1_ref[...] + s2[:, :H] + _mm(ea_ref[...], w1e_ref[...])
         + jnp.dot(oh, ag_ref[...], preferred_element_type=jnp.float32)
         + b1_ref[...])
    t = jnp.maximum(t, 0.0)
    ea_new = jnp.maximum(
        _ln(_mm(t, w2_ref[...]) + b2_ref[...], g_ref[...], b_ref[...]), 0.0)
    ea_out_ref[...] = ea_new

    mp = jnp.maximum(s2[:, H:] + _mm(ea_new, w1me_ref[...]) + b1m_ref[...],
                     0.0)
    m_ref[...] = _ln(_mm(mp, w2m_ref[...]) + b2m_ref[...], gm_ref[...],
                     bm_ref[...])

    @pl.when(pl.program_id(0) == 0)
    def _():
        eg_ref[...] = jnp.zeros_like(eg_ref)

    eg_ref[...] += lax.dot_general(oh, ea_new, (((0,), (0,)), ((), ())),
                                   preferred_element_type=jnp.float32)


def _edge(s1, s2, ea, egi3, ag, peu, pn1, block_rows):
    e = ea.shape[0]
    grid = e // block_rows
    full = lambda s: pl.BlockSpec(s, lambda i: (0,) * len(s))
    return pl.pallas_call(
        _edge_body,
        grid=(grid,),
        in_specs=[
            pl.BlockSpec((block_rows, H), lambda i: (i, 0)),
            pl.BlockSpec((block_rows, 2 * H), lambda i: (i, 0)),
            pl.BlockSpec((block_rows, H), lambda i: (i, 0)),
            pl.BlockSpec((1, 1, block_rows), lambda i: (i, 0, 0)),
            full((16, H)),
            full((H, H)), full((1, H)), full((H, H)), full((1, H)),
            full((1, H)), full((1, H)),
            full((H, H)), full((1, H)), full((H, H)), full((1, H)),
            full((1, H)), full((1, H)),
        ],
        out_specs=[
            pl.BlockSpec((block_rows, H), lambda i: (i, 0)),
            pl.BlockSpec((block_rows, H), lambda i: (i, 0)),
            full((16, H)),
        ],
        out_shape=[
            jax.ShapeDtypeStruct((e, H), jnp.float32),
            jax.ShapeDtypeStruct((e, H), jnp.float32),
            jax.ShapeDtypeStruct((16, H), jnp.float32),
        ],
        interpret=_INTERPRET,
    )(s1, s2, ea, egi3, ag,
      peu["W1"][:, 2 * H:3 * H], peu["b1"].reshape(1, H), peu["W2"],
      peu["b2"].reshape(1, H), peu["g"].reshape(1, H), peu["b"].reshape(1, H),
      pn1["W1"][:, H:], pn1["b1"].reshape(1, H), pn1["W2"],
      pn1["b2"].reshape(1, H), pn1["g"].reshape(1, H), pn1["b"].reshape(1, H))



def _node_body(nd_ref, sp_ref, cp_ref, ni_ref, bg_ref,
               w1a_ref, w1b_ref, b1_ref, w2_ref, b2_ref, g_ref, b_ref,
               nd_out_ref, na_ref):
    ni = ni_ref[0, 0, :]
    nb = ni.shape[0]
    oh = (lax.broadcasted_iota(jnp.int32, (nb, 16), 1)
          == ni[:, None]).astype(jnp.float32)
    s = sp_ref[0] + sp_ref[1]
    cnt = jnp.maximum(cp_ref[0, :, 0] + cp_ref[1, :, 0], 1.0)
    agg = s / cnt[:, None]
    nd = nd_ref[...]
    t = jnp.maximum(
        _mm(nd, w1a_ref[...]) + _mm(agg, w1b_ref[...])
        + jnp.dot(oh, bg_ref[...], preferred_element_type=jnp.float32)
        + b1_ref[...], 0.0)
    nd_new = jnp.maximum(
        _ln(_mm(t, w2_ref[...]) + b2_ref[...], g_ref[...], b_ref[...]), 0.0)
    nd_out_ref[...] = nd_new

    @pl.when(pl.program_id(0) == 0)
    def _():
        na_ref[...] = jnp.zeros_like(na_ref)

    na_ref[...] += lax.dot_general(oh, nd_new, (((0,), (0,)), ((), ())),
                                   preferred_element_type=jnp.float32)


def _node(nd, sp, cp, ni3, bg, pn2, block_rows):
    n = nd.shape[0]
    grid = n // block_rows
    full = lambda s: pl.BlockSpec(s, lambda i: (0,) * len(s))
    return pl.pallas_call(
        _node_body,
        grid=(grid,),
        in_specs=[
            pl.BlockSpec((block_rows, H), lambda i: (i, 0)),
            pl.BlockSpec((2, block_rows, H), lambda i: (0, i, 0)),
            pl.BlockSpec((2, block_rows, 8), lambda i: (0, i, 0)),
            pl.BlockSpec((1, 1, block_rows), lambda i: (i, 0, 0)),
            full((16, H)),
            full((H, H)), full((H, H)), full((1, H)), full((H, H)),
            full((1, H)), full((1, H)), full((1, H)),
        ],
        out_specs=[
            pl.BlockSpec((block_rows, H), lambda i: (i, 0)),
            full((16, H)),
        ],
        out_shape=[
            jax.ShapeDtypeStruct((n, H), jnp.float32),
            jax.ShapeDtypeStruct((16, H), jnp.float32),
        ],
        interpret=_INTERPRET,
    )(nd, sp, cp, ni3, bg,
      pn2["W1"][:, :H], pn2["W1"][:, H:2 * H], pn2["b1"].reshape(1, H),
      pn2["W2"], pn2["b2"].reshape(1, H), pn2["g"].reshape(1, H),
      pn2["b"].reshape(1, H))



def _glob_body(gd_ref, na_ref, eg_ref, w1a_ref, w1b_ref, w1c_ref, b1_ref,
               w2_ref, b2_ref, g_ref, b_ref, o_ref):
    t = jnp.maximum(
        _mm(gd_ref[...], w1a_ref[...]) + _mm(na_ref[...], w1b_ref[...])
        + _mm(eg_ref[...], w1c_ref[...]) + b1_ref[...], 0.0)
    o_ref[...] = jnp.maximum(
        _ln(_mm(t, w2_ref[...]) + b2_ref[...], g_ref[...], b_ref[...]), 0.0)


def _glob(gd, na, eg, pg2):
    return pl.pallas_call(
        _glob_body,
        interpret=_INTERPRET,
        out_shape=jax.ShapeDtypeStruct((16, H), jnp.float32),
    )(gd, na, eg, pg2["W1"][:, :H], pg2["W1"][:, H:2 * H],
      pg2["W1"][:, 2 * H:], pg2["b1"].reshape(1, H), pg2["W2"],
      pg2["b2"].reshape(1, H), pg2["g"].reshape(1, H), pg2["b"].reshape(1, H))



def _gru_body(gd_ref, wz0_ref, wn0_ref, wz1_ref, wn1_ref, h_ref):
    gd = gd_ref[...]
    h1 = ((1.0 - jax.nn.sigmoid(_mm(gd, wz0_ref[...])))
          * jnp.tanh(_mm(gd, wn0_ref[...])))
    h2 = ((1.0 - jax.nn.sigmoid(_mm(h1, wz1_ref[...])))
          * jnp.tanh(_mm(h1, wn1_ref[...])))
    h_ref[0] = h1
    h_ref[1] = h2


def _gru(gd, params):
    wih0, wih1 = params["gru_Wih"]
    return pl.pallas_call(
        _gru_body,
        interpret=_INTERPRET,
        out_shape=jax.ShapeDtypeStruct((2, 16, H), jnp.float32),
    )(gd, wih0[H:2 * H], wih0[2 * H:], wih1[H:2 * H], wih1[2 * H:])



def _gather(table, idx):
    return jnp.take(table, idx, axis=0)


def _scatter_counts(row, n):
    ones = jnp.ones((row.shape[0], 8), jnp.float32)
    c = jax.ops.segment_sum(ones, row, num_segments=n)
    return jnp.stack([c, jnp.zeros_like(c)], axis=0)


def _scatter_sum(m, row, n):
    s = jax.ops.segment_sum(m, row, num_segments=n)
    return jnp.stack([s, jnp.zeros_like(s)], axis=0)



def kernel(x, edge_index, edge_attr, u, node_index, edge_graph_index, params):
    n, e = x.shape[0], edge_attr.shape[0]
    row, col = edge_index[0], edge_index[1]
    be, bn = 2000, 1000

    nd = _mlp_block(x, params["ne"], 2000)
    ea = _mlp_block(edge_attr, params["ee"], 4000)
    gd = _mlp_block(u, params["ge"], 16)

    cp = _scatter_counts(row, n)
    egi3 = edge_graph_index.reshape(e // be, 1, be)
    ni3 = node_index.reshape(n // bn, 1, bn)

    peu, pn1, pn2, pg2 = params["eu"], params["n1"], params["n2"], params["g2"]
    w1s = peu["W1"][:, :H]
    w1d = peu["W1"][:, H:2 * H]
    w1ge = peu["W1"][:, 3 * H:]
    w1mc = pn1["W1"][:, :H]
    w1gn = pn2["W1"][:, 2 * H:]

    for _ in range(3):
        t1, t2, ag, bg = _prep(nd, gd, w1s, w1d, w1mc, w1ge, w1gn, bn)
        s1 = _gather(t1, row)
        s2 = _gather(t2, col)
        ea, m, eg = _edge(s1, s2, ea, egi3, ag, peu, pn1, be)
        sp = _scatter_sum(m, row, n)
        nd, na = _node(nd, sp, cp, ni3, bg, pn2, bn)
        gd = _glob(gd, na, eg, pg2)

    hidden = _gru(gd, params)
    return nd, ea, gd, hidden

# --- scband reference (transcript-rebuilt; emitter-appended) ---
"""Pipeline reference for scband-gnn-gru-64750926954667 (READ-ONLY COPY).

The authoritative reference and input builder live on the scoring server;
editing this copy changes nothing except your own understanding.
"""

import jax, jax.numpy as jnp
import numpy as np

N, E, G = 10000, 320000, 16
F_IN, D_EDGE, D_GLOB, H = 128, 16, 16, 128
ROUNDS, LAYERS = 3, 2


def _dense(k, o, i):
    return jax.random.normal(k, (o, i), dtype=jnp.float32) * (1.0 / np.sqrt(i))


def _blk(k, o, i):
    k1, k2 = jax.random.split(k)
    return {"W1": _dense(k1, o, i), "b1": jnp.zeros((o,), jnp.float32),
            "W2": _dense(k2, o, o), "b2": jnp.zeros((o,), jnp.float32),
            "g": jnp.ones((o,), jnp.float32), "b": jnp.zeros((o,), jnp.float32)}


def setup_inputs(seed: int = 0) -> dict:
    key = jax.random.key(seed)
    ks = jax.random.split(key, 16)
    x = jax.random.normal(ks[0], (N, F_IN), dtype=jnp.float32)
    edge_index = jax.random.randint(ks[1], (2, E), 0, N, dtype=jnp.int32)
    edge_attr = jax.random.normal(ks[2], (E, D_EDGE), dtype=jnp.float32)
    u = jax.random.normal(ks[3], (G, D_GLOB), dtype=jnp.float32)
    node_index = jnp.sort(jax.random.randint(ks[4], (N,), 0, G, dtype=jnp.int32))
    edge_graph_index = jnp.sort(jax.random.randint(ks[5], (E,), 0, G, dtype=jnp.int32))
    params = {
        "ne": _blk(ks[6], H, F_IN), "ee": _blk(ks[7], H, D_EDGE), "ge": _blk(ks[8], H, D_GLOB),
        "eu": _blk(ks[9], H, 4 * H), "n1": _blk(ks[10], H, 2 * H), "n2": _blk(ks[11], H, 3 * H),
        "g2": _blk(ks[12], H, 3 * H),
        "gru_Wih": [_dense(ks[13], 3 * H, H), _dense(ks[14], 3 * H, H)],
        "gru_Whh": [_dense(jax.random.fold_in(ks[15], 0), 3 * H, H), _dense(jax.random.fold_in(ks[15], 1), 3 * H, H)],
    }
    return {"x": x, "edge_index": edge_index, "edge_attr": edge_attr, "u": u,
            "node_index": node_index, "edge_graph_index": edge_graph_index, "params": params}


def _ln(h, g, b):
    m = jnp.mean(h, axis=-1, keepdims=True)
    v = jnp.var(h, axis=-1, keepdims=True)
    return (h - m) * jax.lax.rsqrt(v + 1e-5) * g + b


def _block(h, p):
    h = jnp.maximum(h @ p["W1"].T + p["b1"], 0.0)
    h = h @ p["W2"].T + p["b2"]
    return _ln(h, p["g"], p["b"])


def _encoder(x, edge_index, edge_attr, u, node_index, edge_graph_index, params):
    nd = _block(x, params["ne"])
    ea = _block(edge_attr, params["ee"])
    gd = _block(u, params["ge"])
    row, col = edge_index[0], edge_index[1]
    n_nodes = x.shape[0]
    n_graphs = u.shape[0]
    for _ in range(ROUNDS):
        src = nd[row]
        dest = nd[col]
        g_edge = gd[edge_graph_index]
        g_node = gd[node_index]
        ea = jnp.maximum(_block(jnp.concatenate([src, dest, ea, g_edge], axis=1), params["eu"]), 0.0)
        m = _block(jnp.concatenate([nd[col], ea], axis=1), params["n1"])
        s = jax.ops.segment_sum(m, row, num_segments=n_nodes)
        cnt = jax.ops.segment_sum(jnp.ones((row.shape[0], 1), jnp.float32), row, num_segments=n_nodes)
        agg = s / jnp.maximum(cnt, 1.0)
        nd = jnp.maximum(_block(jnp.concatenate([nd, agg, g_node], axis=1), params["n2"]), 0.0)
        na = jax.ops.segment_sum(nd, node_index, num_segments=n_graphs)
        eg = jax.ops.segment_sum(ea, edge_graph_index, num_segments=n_graphs)
        gd = jnp.maximum(_block(jnp.concatenate([gd, na, eg], axis=1), params["g2"]), 0.0)
    return nd, ea, gd


def _gru(u_in, params):
    inp = u_in
    hs = []
    for l in range(LAYERS):
        h0 = jnp.zeros((u_in.shape[0], H), jnp.float32)
        gi = inp @ params["gru_Wih"][l].T
        gh = h0 @ params["gru_Whh"][l].T
        r = jax.nn.sigmoid(gi[:, :H] + gh[:, :H])
        z = jax.nn.sigmoid(gi[:, H:2 * H] + gh[:, H:2 * H])
        n = jnp.tanh(gi[:, 2 * H:] + r * gh[:, 2 * H:])
        h = (1.0 - z) * n + z * h0
        hs.append(h)
        inp = h
    return jnp.stack(hs, axis=0)


def reference(x, edge_index, edge_attr, u, node_index, edge_graph_index, params):
    nd, ea, gd = _encoder(x, edge_index, edge_attr, u, node_index, edge_graph_index, params)
    hidden = _gru(gd, params)
    return (nd, ea, gd, hidden)

if __name__ == "__main__":
    import jax
    _d = setup_inputs()
    print(jax.jit(kernel)(*tuple(_d.values())))

</pallas_src>

<mosaic_0001>
module attributes {stable_mosaic.version = 14 : i64} {
  func.func @_mlp_body(%arg0: i32, %arg1: memref<2000x128xf32, #tpu.memory_space<vmem>>, %arg2: memref<128x128xf32, #tpu.memory_space<vmem>>, %arg3: memref<1x128xf32, #tpu.memory_space<vmem>>, %arg4: memref<128x128xf32, #tpu.memory_space<vmem>>, %arg5: memref<1x128xf32, #tpu.memory_space<vmem>>, %arg6: memref<1x128xf32, #tpu.memory_space<vmem>>, %arg7: memref<1x128xf32, #tpu.memory_space<vmem>>, %arg8: memref<2000x128xf32, #tpu.memory_space<vmem>>) attributes {dimension_semantics = [#tpu.dimension_semantics<arbitrary>], iteration_bounds = array<i64: 5>, scalar_prefetch = 0 : i64, scratch_operands = 0 : i64, tpu.core_type = #tpu.core_type<tc>, window_params = [{transform_indices = @transform_0, window_bounds = array<i64: 2000, 128>}, {pipeline_mode = #tpu.pipeline_mode<synchronous>, transform_indices = @transform_1, window_bounds = array<i64: 128, 128>}, {pipeline_mode = #tpu.pipeline_mode<synchronous>, transform_indices = @transform_2, window_bounds = array<i64: 1, 128>}, {pipeline_mode = #tpu.pipeline_mode<synchronous>, transform_indices = @transform_3, window_bounds = array<i64: 128, 128>}, {pipeline_mode = #tpu.pipeline_mode<synchronous>, transform_indices = @transform_4, window_bounds = array<i64: 1, 128>}, {pipeline_mode = #tpu.pipeline_mode<synchronous>, transform_indices = @transform_5, window_bounds = array<i64: 1, 128>}, {pipeline_mode = #tpu.pipeline_mode<synchronous>, transform_indices = @transform_6, window_bounds = array<i64: 1, 128>}, {transform_indices = @transform_7, window_bounds = array<i64: 2000, 128>}]} {
    %get3A = arith.constant 0 : index
    %get3A_0 = arith.constant 0 : index
    %get3A_1 = vector.load %arg1[%get3A, %get3A_0] : memref<2000x128xf32, #tpu.memory_space<vmem>>, vector<2000x128xf32>
    %get3A_2 = arith.constant 0 : index
    %get3A_3 = arith.constant 0 : index
    %get3A_4 = vector.load %arg2[%get3A_2, %get3A_3] : memref<128x128xf32, #tpu.memory_space<vmem>>, vector<128x128xf32>
    %dot_general3A = arith.constant dense<0.000000e+00> : vector<2000x128xf32>
    %dot_general3A_5 = tpu.matmul %get3A_1, %get3A_4, %dot_general3A {dimension_numbers = #tpu.dot_dimension_numbers<[1], [1], [0], [0], [0, 0, 1, 0], [], []>, transpose_lhs_hint = false} : vector<2000x128xf32>, vector<128x128xf32>, vector<2000x128xf32> -> vector<2000x128xf32>
    %get3A_6 = arith.constant 0 : index
    %get3A_7 = arith.constant 0 : index
    %get3A_8 = vector.load %arg3[%get3A_6, %get3A_7] : memref<1x128xf32, #tpu.memory_space<vmem>>, vector<1x128xf32>
    %add3A = vector.broadcast %get3A_8 : vector<1x128xf32> to vector<2000x128xf32>
    %add3A_9 = arith.addf %dot_general3A_5, %add3A : vector<2000x128xf32>
    %max3A = arith.constant 0.000000e+00 : f32
    %max3A_10 = vector.broadcast %max3A : f32 to vector<2000x128xf32>
    %max3A_11 = arith.maximumf %add3A_9, %max3A_10 : vector<2000x128xf32>
    %get3A_12 = arith.constant 0 : index
    %get3A_13 = arith.constant 0 : index
    %get3A_14 = vector.load %arg4[%get3A_12, %get3A_13] : memref<128x128xf32, #tpu.memory_space<vmem>>, vector<128x128xf32>
    %dot_general3A_15 = arith.constant dense<0.000000e+00> : vector<2000x128xf32>
    %dot_general3A_16 = tpu.matmul %max3A_11, %get3A_14, %dot_general3A_15 {dimension_numbers = #tpu.dot_dimension_numbers<[1], [1], [0], [0], [0, 0, 1, 0], [], []>, transpose_lhs_hint = false} : vector<2000x128xf32>, vector<128x128xf32>, vector<2000x128xf32> -> vector<2000x128xf32>
    %get3A_17 = arith.constant 0 : index
    %get3A_18 = arith.constant 0 : index
    %get3A_19 = vector.load %arg5[%get3A_17, %get3A_18] : memref<1x128xf32, #tpu.memory_space<vmem>>, vector<1x128xf32>
    %add3A_20 = vector.broadcast %get3A_19 : vector<1x128xf32> to vector<2000x128xf32>
    %add3A_21 = arith.addf %dot_general3A_16, %add3A_20 : vector<2000x128xf32>
    %get3A_22 = arith.constant 0 : index
    %get3A_23 = arith.constant 0 : index
    %get3A_24 = vector.load %arg6[%get3A_22, %get3A_23] : memref<1x128xf32, #tpu.memory_space<vmem>>, vector<1x128xf32>
    %get3A_25 = arith.constant 0 : index
    %get3A_26 = arith.constant 0 : index
    %get3A_27 = vector.load %arg7[%get3A_25, %get3A_26] : memref<1x128xf32, #tpu.memory_space<vmem>>, vector<1x128xf32>
    %reduce_sum3A = arith.constant dense<0.000000e+00> : vector<2000xf32>
    %reduce_sum3A_28 = vector.multi_reduction <add>, %add3A_21, %reduce_sum3A [1] : vector<2000x128xf32> to vector<2000xf32>
    %broadcast_in_dim3A = vector.shape_cast %reduce_sum3A_28 : vector<2000xf32> to vector<2000x1xf32>
    %div3A = arith.constant 1.280000e+02 : f32
    %div3A_29 = vector.broadcast %div3A : f32 to vector<2000x1xf32>
    %div3A_30 = arith.divf %broadcast_in_dim3A, %div3A_29 : vector<2000x1xf32>
    %jit3A = arith.constant 0 : i32
    %reduce_sum3A_31 = arith.constant dense<0.000000e+00> : vector<2000xf32>
    %reduce_sum3A_32 = vector.multi_reduction <add>, %add3A_21, %reduce_sum3A_31 [1] : vector<2000x128xf32> to vector<2000xf32>
    %broadcast_in_dim3A_33 = vector.shape_cast %reduce_sum3A_32 : vector<2000xf32> to vector<2000x1xf32>
    %div3A_34 = arith.constant 1.280000e+02 : f32
    %div3A_35 = vector.broadcast %div3A_34 : f32 to vector<2000x1xf32>
    %div3A_36 = arith.divf %broadcast_in_dim3A_33, %div3A_35 : vector<2000x1xf32>
    %sub3A = vector.broadcast %div3A_36 : vector<2000x1xf32> to vector<2000x128xf32>
    %sub3A_37 = arith.subf %add3A_21, %sub3A : vector<2000x128xf32>
    %square3A = arith.mulf %sub3A_37, %sub3A_37 : vector<2000x128xf32>
    %convert_element_type3A = arith.sitofp %jit3A : i32 to f32
    %sub3A_38 = arith.constant 1.280000e+02 : f32
    %sub3A_39 = arith.subf %sub3A_38, %convert_element_type3A : f32
    %reduce_sum3A_40 = arith.constant dense<0.000000e+00> : vector<2000xf32>
    %reduce_sum3A_41 = vector.multi_reduction <add>, %square3A, %reduce_sum3A_40 [1] : vector<2000x128xf32> to vector<2000xf32>
    %broadcast_in_dim3A_42 = vector.shape_cast %reduce_sum3A_41 : vector<2000xf32> to vector<2000x1xf32>
    %div3A_43 = vector.broadcast %sub3A_39 : f32 to vector<2000x1xf32>
    %div3A_44 = arith.divf %broadcast_in_dim3A_42, %div3A_43 : vector<2000x1xf32>
    %gt3A = arith.constant 0.000000e+00 : f32
    %gt3A_45 = arith.cmpf ogt, %sub3A_39, %gt3A : f32
    %jit3A_46 = arith.constant 0x7FC00000 : f32
    %broadcast_in_dim3A_47 = vector.broadcast %jit3A_46 : f32 to vector<2000x1xf32>
    %select_n3A = arith.select %gt3A_45, %div3A_44, %broadcast_in_dim3A_47 : vector<2000x1xf32>
    %sub3A_48 = vector.broadcast %div3A_30 : vector<2000x1xf32> to vector<2000x128xf32>
    %sub3A_49 = arith.subf %add3A_21, %sub3A_48 : vector<2000x128xf32>
    %add3A_50 = arith.constant 9.99999974E-6 : f32
    %add3A_51 = vector.broadcast %add3A_50 : f32 to vector<2000x1xf32>
    %add3A_52 = arith.addf %select_n3A, %add3A_51 : vector<2000x1xf32>
    %rsqrt3A = math.rsqrt %add3A_52 : vector<2000x1xf32>
    %mul3A = vector.broadcast %rsqrt3A : vector<2000x1xf32> to vector<2000x128xf32>
    %mul3A_53 = arith.mulf %sub3A_49, %mul3A : vector<2000x128xf32>
    %mul3A_54 = vector.broadcast %get3A_24 : vector<1x128xf32> to vector<2000x128xf32>
    %mul3A_55 = arith.mulf %mul3A_53, %mul3A_54 : vector<2000x128xf32>
    %add3A_56 = vector.broadcast %get3A_27 : vector<1x128xf32> to vector<2000x128xf32>
    %add3A_57 = arith.addf %mul3A_55, %add3A_56 : vector<2000x128xf32>
    %swap3A = arith.constant 0 : index
    %swap3A_58 = arith.constant 0 : index
    %swap3A_59 = vector.load %arg8[%swap3A, %swap3A_58] : memref<2000x128xf32, #tpu.memory_space<vmem>>, vector<2000x128xf32>
    tpu.vector_store %arg8[%swap3A, %swap3A_58], %add3A_57 {strides = array<i32>} : memref<2000x128xf32, #tpu.memory_space<vmem>>, vector<2000x128xf32>,
    return
  }
  func.func @transform_0(%arg0: i32) -> (i32, i32) {
    %c0_i32 = arith.constant 0 : i32
    %c0_i32_0 = arith.constant 0 : i32
    return %arg0, %c0_i32 : i32, i32
  }
  func.func @transform_1(%arg0: i32) -> (i32, i32) {
    %c0_i32 = arith.constant 0 : i32
    %c0_i32_0 = arith.constant 0 : i32
    %c0_i32_1 = arith.constant 0 : i32
    return %c0_i32, %c0_i32_0 : i32, i32
  }
  func.func @transform_2(%arg0: i32) -> (i32, i32) {
    %c0_i32 = arith.constant 0 : i32
    %c0_i32_0 = arith.constant 0 : i32
    %c0_i32_1 = arith.constant 0 : i32
    return %c0_i32, %c0_i32_0 : i32, i32
  }
  func.func @transform_3(%arg0: i32) -> (i32, i32) {
    %c0_i32 = arith.constant 0 : i32
    %c0_i32_0 = arith.constant 0 : i32
    %c0_i32_1 = arith.constant 0 : i32
    return %c0_i32, %c0_i32_0 : i32, i32
  }
  func.func @transform_4(%arg0: i32) -> (i32, i32) {
    %c0_i32 = arith.constant 0 : i32
    %c0_i32_0 = arith.constant 0 : i32
    %c0_i32_1 = arith.constant 0 : i32
    return %c0_i32, %c0_i32_0 : i32, i32
  }
  func.func @transform_5(%arg0: i32) -> (i32, i32) {
    %c0_i32 = arith.constant 0 : i32
    %c0_i32_0 = arith.constant 0 : i32
    %c0_i32_1 = arith.constant 0 : i32
    return %c0_i32, %c0_i32_0 : i32, i32
  }
  func.func @transform_6(%arg0: i32) -> (i32, i32) {
    %c0_i32 = arith.constant 0 : i32
    %c0_i32_0 = arith.constant 0 : i32
    %c0_i32_1 = arith.constant 0 : i32
    return %c0_i32, %c0_i32_0 : i32, i32
  }
  func.func @transform_7(%arg0: i32) -> (i32, i32) {
    %c0_i32 = arith.constant 0 : i32
    %c0_i32_0 = arith.constant 0 : i32
    return %arg0, %c0_i32 : i32, i32
  }
}

module attributes {stable_mosaic.version = 14 : i64} {
  func.func @_mlp_body(%arg0: i32, %arg1: memref<16x16xf32, #tpu.memory_space<vmem>>, %arg2: memref<128x16xf32, #tpu.memory_space<vmem>>, %arg3: memref<1x128xf32, #tpu.memory_space<vmem>>, %arg4: memref<128x128xf32, #tpu.memory_space<vmem>>, %arg5: memref<1x128xf32, #tpu.memory_space<vmem>>, %arg6: memref<1x128xf32, #tpu.memory_space<vmem>>, %arg7: memref<1x128xf32, #tpu.memory_space<vmem>>, %arg8: memref<16x128xf32, #tpu.memory_space<vmem>>) attributes {dimension_semantics = [#tpu.dimension_semantics<arbitrary>], iteration_bounds = array<i64: 1>, scalar_prefetch = 0 : i64, scratch_operands = 0 : i64, tpu.core_type = #tpu.core_type<tc>, window_params = [{transform_indices = @transform_0, window_bounds = array<i64: 16, 16>}, {pipeline_mode = #tpu.pipeline_mode<synchronous>, transform_indices = @transform_1, window_bounds = array<i64: 128, 16>}, {pipeline_mode = #tpu.pipeline_mode<synchronous>, transform_indices = @transform_2, window_bounds = array<i64: 1, 128>}, {pipeline_mode = #tpu.pipeline_mode<synchronous>, transform_indices = @transform_3, window_bounds = array<i64: 128, 128>}, {pipeline_mode = #tpu.pipeline_mode<synchronous>, transform_indices = @transform_4, window_bounds = array<i64: 1, 128>}, {pipeline_mode = #tpu.pipeline_mode<synchronous>, transform_indices = @transform_5, window_bounds = array<i64: 1, 128>}, {pipeline_mode = #tpu.pipeline_mode<synchronous>, transform_indices = @transform_6, window_bounds = array<i64: 1, 128>}, {transform_indices = @transform_7, window_bounds = array<i64: 16, 128>}]} {
    %get3A = arith.constant 0 : index
    %get3A_0 = arith.constant 0 : index
    %get3A_1 = vector.load %arg1[%get3A, %get3A_0] : memref<16x16xf32, #tpu.memory_space<vmem>>, vector<16x16xf32>
    %get3A_2 = arith.constant 0 : index
    %get3A_3 = arith.constant 0 : index
    %get3A_4 = vector.load %arg2[%get3A_2, %get3A_3] : memref<128x16xf32, #tpu.memory_space<vmem>>, vector<128x16xf32>
    %dot_general3A = arith.constant dense<0.000000e+00> : vector<16x128xf32>
    %dot_general3A_5 = tpu.matmul %get3A_1, %get3A_4, %dot_general3A {dimension_numbers = #tpu.dot_dimension_numbers<[1], [1], [0], [0], [0, 0, 1, 0], [], []>, transpose_lhs_hint = false} : vector<16x16xf32>, vector<128x16xf32>, vector<16x128xf32> -> vector<16x128xf32>
    %get3A_6 = arith.constant 0 : index
    %get3A_7 = arith.constant 0 : index
    %get3A_8 = vector.load %arg3[%get3A_6, %get3A_7] : memref<1x128xf32, #tpu.memory_space<vmem>>, vector<1x128xf32>
    %add3A = vector.broadcast %get3A_8 : vector<1x128xf32> to vector<16x128xf32>
    %add3A_9 = arith.addf %dot_general3A_5, %add3A : vector<16x128xf32>
    %max3A = arith.constant 0.000000e+00 : f32
    %max3A_10 = vector.broadcast %max3A : f32 to vector<16x128xf32>
    %max3A_11 = arith.maximumf %add3A_9, %max3A_10 : vector<16x128xf32>
    %get3A_12 = arith.constant 0 : index
    %get3A_13 = arith.constant 0 : index
    %get3A_14 = vector.load %arg4[%get3A_12, %get3A_13] : memref<128x128xf32, #tpu.memory_space<vmem>>, vector<128x128xf32>
    %dot_general3A_15 = arith.constant dense<0.000000e+00> : vector<16x128xf32>
    %dot_general3A_16 = tpu.matmul %max3A_11, %get3A_14, %dot_general3A_15 {dimension_numbers = #tpu.dot_dimension_numbers<[1], [1], [0], [0], [0, 0, 1, 0], [], []>, transpose_lhs_hint = false} : vector<16x128xf32>, vector<128x128xf32>, vector<16x128xf32> -> vector<16x128xf32>
    %get3A_17 = arith.constant 0 : index
    %get3A_18 = arith.constant 0 : index
    %get3A_19 = vector.load %arg5[%get3A_17, %get3A_18] : memref<1x128xf32, #tpu.memory_space<vmem>>, vector<1x128xf32>
    %add3A_20 = vector.broadcast %get3A_19 : vector<1x128xf32> to vector<16x128xf32>
    %add3A_21 = arith.addf %dot_general3A_16, %add3A_20 : vector<16x128xf32>
    %get3A_22 = arith.constant 0 : index
    %get3A_23 = arith.constant 0 : index
    %get3A_24 = vector.load %arg6[%get3A_22, %get3A_23] : memref<1x128xf32, #tpu.memory_space<vmem>>, vector<1x128xf32>
    %get3A_25 = arith.constant 0 : index
    %get3A_26 = arith.constant 0 : index
    %get3A_27 = vector.load %arg7[%get3A_25, %get3A_26] : memref<1x128xf32, #tpu.memory_space<vmem>>, vector<1x128xf32>
    %reduce_sum3A = arith.constant dense<0.000000e+00> : vector<16xf32>
    %reduce_sum3A_28 = vector.multi_reduction <add>, %add3A_21, %reduce_sum3A [1] : vector<16x128xf32> to vector<16xf32>
    %broadcast_in_dim3A = vector.shape_cast %reduce_sum3A_28 : vector<16xf32> to vector<16x1xf32>
    %div3A = arith.constant 1.280000e+02 : f32
    %div3A_29 = vector.broadcast %div3A : f32 to vector<16x1xf32>
    %div3A_30 = arith.divf %broadcast_in_dim3A, %div3A_29 : vector<16x1xf32>
    %jit3A = arith.constant 0 : i32
    %reduce_sum3A_31 = arith.constant dense<0.000000e+00> : vector<16xf32>
    %reduce_sum3A_32 = vector.multi_reduction <add>, %add3A_21, %reduce_sum3A_31 [1] : vector<16x128xf32> to vector<16xf32>
    %broadcast_in_dim3A_33 = vector.shape_cast %reduce_sum3A_32 : vector<16xf32> to vector<16x1xf32>
    %div3A_34 = arith.constant 1.280000e+02 : f32
    %div3A_35 = vector.broadcast %div3A_34 : f32 to vector<16x1xf32>
    %div3A_36 = arith.divf %broadcast_in_dim3A_33, %div3A_35 : vector<16x1xf32>
    %sub3A = vector.broadcast %div3A_36 : vector<16x1xf32> to vector<16x128xf32>
    %sub3A_37 = arith.subf %add3A_21, %sub3A : vector<16x128xf32>
    %square3A = arith.mulf %sub3A_37, %sub3A_37 : vector<16x128xf32>
    %convert_element_type3A = arith.sitofp %jit3A : i32 to f32
    %sub3A_38 = arith.constant 1.280000e+02 : f32
    %sub3A_39 = arith.subf %sub3A_38, %convert_element_type3A : f32
    %reduce_sum3A_40 = arith.constant dense<0.000000e+00> : vector<16xf32>
    %reduce_sum3A_41 = vector.multi_reduction <add>, %square3A, %reduce_sum3A_40 [1] : vector<16x128xf32> to vector<16xf32>
    %broadcast_in_dim3A_42 = vector.shape_cast %reduce_sum3A_41 : vector<16xf32> to vector<16x1xf32>
    %div3A_43 = vector.broadcast %sub3A_39 : f32 to vector<16x1xf32>
    %div3A_44 = arith.divf %broadcast_in_dim3A_42, %div3A_43 : vector<16x1xf32>
    %gt3A = arith.constant 0.000000e+00 : f32
    %gt3A_45 = arith.cmpf ogt, %sub3A_39, %gt3A : f32
    %jit3A_46 = arith.constant 0x7FC00000 : f32
    %broadcast_in_dim3A_47 = vector.broadcast %jit3A_46 : f32 to vector<16x1xf32>
    %select_n3A = arith.select %gt3A_45, %div3A_44, %broadcast_in_dim3A_47 : vector<16x1xf32>
    %sub3A_48 = vector.broadcast %div3A_30 : vector<16x1xf32> to vector<16x128xf32>
    %sub3A_49 = arith.subf %add3A_21, %sub3A_48 : vector<16x128xf32>
    %add3A_50 = arith.constant 9.99999974E-6 : f32
    %add3A_51 = vector.broadcast %add3A_50 : f32 to vector<16x1xf32>
    %add3A_52 = arith.addf %select_n3A, %add3A_51 : vector<16x1xf32>
    %rsqrt3A = math.rsqrt %add3A_52 : vector<16x1xf32>
    %mul3A = vector.broadcast %rsqrt3A : vector<16x1xf32> to vector<16x128xf32>
    %mul3A_53 = arith.mulf %sub3A_49, %mul3A : vector<16x128xf32>
    %mul3A_54 = vector.broadcast %get3A_24 : vector<1x128xf32> to vector<16x128xf32>
    %mul3A_55 = arith.mulf %mul3A_53, %mul3A_54 : vector<16x128xf32>
    %add3A_56 = vector.broadcast %get3A_27 : vector<1x128xf32> to vector<16x128xf32>
    %add3A_57 = arith.addf %mul3A_55, %add3A_56 : vector<16x128xf32>
    %swap3A = arith.constant 0 : index
    %swap3A_58 = arith.constant 0 : index
    %swap3A_59 = vector.load %arg8[%swap3A, %swap3A_58] : memref<16x128xf32, #tpu.memory_space<vmem>>, vector<16x128xf32>
    tpu.vector_store %arg8[%swap3A, %swap3A_58], %add3A_57 {strides = array<i32>} : memref<16x128xf32, #tpu.memory_space<vmem>>, vector<16x128xf32>,
    return
  }
  func.func @transform_0(%arg0: i32) -> (i32, i32) {
    %c0_i32 = arith.constant 0 : i32
    %c0_i32_0 = arith.constant 0 : i32
    return %arg0, %c0_i32 : i32, i32
  }
  func.func @transform_1(%arg0: i32) -> (i32, i32) {
    %c0_i32 = arith.constant 0 : i32
    %c0_i32_0 = arith.constant 0 : i32
    %c0_i32_1 = arith.constant 0 : i32
    return %c0_i32, %c0_i32_0 : i32, i32
  }
  func.func @transform_2(%arg0: i32) -> (i32, i32) {
    %c0_i32 = arith.constant 0 : i32
    %c0_i32_0 = arith.constant 0 : i32
    %c0_i32_1 = arith.constant 0 : i32
    return %c0_i32, %c0_i32_0 : i32, i32
  }
  func.func @transform_3(%arg0: i32) -> (i32, i32) {
    %c0_i32 = arith.constant 0 : i32
    %c0_i32_0 = arith.constant 0 : i32
    %c0_i32_1 = arith.constant 0 : i32
    return %c0_i32, %c0_i32_0 : i32, i32
  }
  func.func @transform_4(%arg0: i32) -> (i32, i32) {
    %c0_i32 = arith.constant 0 : i32
    %c0_i32_0 = arith.constant 0 : i32
    %c0_i32_1 = arith.constant 0 : i32
    return %c0_i32, %c0_i32_0 : i32, i32
  }
  func.func @transform_5(%arg0: i32) -> (i32, i32) {
    %c0_i32 = arith.constant 0 : i32
    %c0_i32_0 = arith.constant 0 : i32
    %c0_i32_1 = arith.constant 0 : i32
    return %c0_i32, %c0_i32_0 : i32, i32
  }
  func.func @transform_6(%arg0: i32) -> (i32, i32) {
    %c0_i32 = arith.constant 0 : i32
    %c0_i32_0 = arith.constant 0 : i32
    %c0_i32_1 = arith.constant 0 : i32
    return %c0_i32, %c0_i32_0 : i32, i32
  }
  func.func @transform_7(%arg0: i32) -> (i32, i32) {
    %c0_i32 = arith.constant 0 : i32
    %c0_i32_0 = arith.constant 0 : i32
    return %arg0, %c0_i32 : i32, i32
  }
}

module attributes {stable_mosaic.version = 14 : i64} {
  func.func @_prep_body(%arg0: i32, %arg1: memref<1000x128xf32, #tpu.memory_space<vmem>>, %arg2: memref<16x128xf32, #tpu.memory_space<vmem>>, %arg3: memref<128x128xf32, #tpu.memory_space<vmem>>, %arg4: memref<128x128xf32, #tpu.memory_space<vmem>>, %arg5: memref<128x128xf32, #tpu.memory_space<vmem>>, %arg6: memref<128x128xf32, #tpu.memory_space<vmem>>, %arg7: memref<128x128xf32, #tpu.memory_space<vmem>>, %arg8: memref<1000x128xf32, #tpu.memory_space<vmem>>, %arg9: memref<1000x256xf32, #tpu.memory_space<vmem>>, %arg10: memref<16x128xf32, #tpu.memory_space<vmem>>, %arg11: memref<16x128xf32, #tpu.memory_space<vmem>>) attributes {dimension_semantics = [#tpu.dimension_semantics<arbitrary>], iteration_bounds = array<i64: 10>, scalar_prefetch = 0 : i64, scratch_operands = 0 : i64, tpu.core_type = #tpu.core_type<tc>, window_params = [{transform_indices = @transform_0, window_bounds = array<i64: 1000, 128>}, {pipeline_mode = #tpu.pipeline_mode<synchronous>, transform_indices = @transform_1, window_bounds = array<i64: 16, 128>}, {pipeline_mode = #tpu.pipeline_mode<synchronous>, transform_indices = @transform_2, window_bounds = array<i64: 128, 128>}, {pipeline_mode = #tpu.pipeline_mode<synchronous>, transform_indices = @transform_3, window_bounds = array<i64: 128, 128>}, {pipeline_mode = #tpu.pipeline_mode<synchronous>, transform_indices = @transform_4, window_bounds = array<i64: 128, 128>}, {pipeline_mode = #tpu.pipeline_mode<synchronous>, transform_indices = @transform_5, window_bounds = array<i64: 128, 128>}, {pipeline_mode = #tpu.pipeline_mode<synchronous>, transform_indices = @transform_6, window_bounds = array<i64: 128, 128>}, {transform_indices = @transform_7, window_bounds = array<i64: 1000, 128>}, {transform_indices = @transform_8, window_bounds = array<i64: 1000, 256>}, {pipeline_mode = #tpu.pipeline_mode<synchronous>, transform_indices = @transform_9, window_bounds = array<i64: 16, 128>}, {pipeline_mode = #tpu.pipeline_mode<synchronous>, transform_indices = @transform_10, window_bounds = array<i64: 16, 128>}]} {
    %get3A = arith.constant 0 : index
    %get3A_0 = arith.constant 0 : index
    %get3A_1 = vector.load %arg1[%get3A, %get3A_0] : memref<1000x128xf32, #tpu.memory_space<vmem>>, vector<1000x128xf32>
    %get3A_2 = arith.constant 0 : index
    %get3A_3 = arith.constant 0 : index
    %get3A_4 = vector.load %arg3[%get3A_2, %get3A_3] : memref<128x128xf32, #tpu.memory_space<vmem>>, vector<128x128xf32>
    %dot_general3A = arith.constant dense<0.000000e+00> : vector<1000x128xf32>
    %dot_general3A_5 = tpu.matmul %get3A_1, %get3A_4, %dot_general3A {dimension_numbers = #tpu.dot_dimension_numbers<[1], [1], [0], [0], [0, 0, 1, 0], [], []>, transpose_lhs_hint = false} : vector<1000x128xf32>, vector<128x128xf32>, vector<1000x128xf32> -> vector<1000x128xf32>
    %swap3A = arith.constant 0 : index
    %swap3A_6 = arith.constant 0 : index
    %swap3A_7 = vector.load %arg8[%swap3A, %swap3A_6] : memref<1000x128xf32, #tpu.memory_space<vmem>>, vector<1000x128xf32>
    tpu.vector_store %arg8[%swap3A, %swap3A_6], %dot_general3A_5 {strides = array<i32>} : memref<1000x128xf32, #tpu.memory_space<vmem>>, vector<1000x128xf32>,
    %get3A_8 = arith.constant 0 : index
    %get3A_9 = arith.constant 0 : index
    %get3A_10 = vector.load %arg4[%get3A_8, %get3A_9] : memref<128x128xf32, #tpu.memory_space<vmem>>, vector<128x128xf32>
    %dot_general3A_11 = arith.constant dense<0.000000e+00> : vector<1000x128xf32>
    %dot_general3A_12 = tpu.matmul %get3A_1, %get3A_10, %dot_general3A_11 {dimension_numbers = #tpu.dot_dimension_numbers<[1], [1], [0], [0], [0, 0, 1, 0], [], []>, transpose_lhs_hint = false} : vector<1000x128xf32>, vector<128x128xf32>, vector<1000x128xf32> -> vector<1000x128xf32>
    %get3A_13 = arith.constant 0 : index
    %get3A_14 = arith.constant 0 : index
    %get3A_15 = vector.load %arg5[%get3A_13, %get3A_14] : memref<128x128xf32, #tpu.memory_space<vmem>>, vector<128x128xf32>
    %dot_general3A_16 = arith.constant dense<0.000000e+00> : vector<1000x128xf32>
    %dot_general3A_17 = tpu.matmul %get3A_1, %get3A_15, %dot_general3A_16 {dimension_numbers = #tpu.dot_dimension_numbers<[1], [1], [0], [0], [0, 0, 1, 0], [], []>, transpose_lhs_hint = false} : vector<1000x128xf32>, vector<128x128xf32>, vector<1000x128xf32> -> vector<1000x128xf32>
    %concatenate3A = tpu.concatenate %dot_general3A_12, %dot_general3A_17 in 1 : vector<1000x128xf32>, vector<1000x128xf32> -> vector<1000x256xf32>
    %swap3A_18 = arith.constant 0 : index
    %swap3A_19 = arith.constant 0 : index
    %swap3A_20 = vector.load %arg9[%swap3A_18, %swap3A_19] : memref<1000x256xf32, #tpu.memory_space<vmem>>, vector<1000x256xf32>
    tpu.vector_store %arg9[%swap3A_18, %swap3A_19], %concatenate3A {strides = array<i32>} : memref<1000x256xf32, #tpu.memory_space<vmem>>, vector<1000x256xf32>,
    %eq3A = arith.constant 0 : i32
    %eq3A_21 = arith.cmpi eq, %arg0, %eq3A : i32
    %convert_element_type3A = arith.extui %eq3A_21 : i1 to i32
    %cond3A = arith.constant 0 : i32
    %cond3A_22 = arith.cmpi ne, %convert_element_type3A, %cond3A : i32
    scf.if %cond3A_22 {
      %get3A_23 = arith.constant 0 : index
      %get3A_24 = arith.constant 0 : index
      %get3A_25 = vector.load %arg2[%get3A_23, %get3A_24] : memref<16x128xf32, #tpu.memory_space<vmem>>, vector<16x128xf32>
      %get3A_26 = arith.constant 0 : index
      %get3A_27 = arith.constant 0 : index
      %get3A_28 = vector.load %arg6[%get3A_26, %get3A_27] : memref<128x128xf32, #tpu.memory_space<vmem>>, vector<128x128xf32>
      %dot_general3A_29 = arith.constant dense<0.000000e+00> : vector<16x128xf32>
      %dot_general3A_30 = tpu.matmul %get3A_25, %get3A_28, %dot_general3A_29 {dimension_numbers = #tpu.dot_dimension_numbers<[1], [1], [0], [0], [0, 0, 1, 0], [], []>, transpose_lhs_hint = false} : vector<16x128xf32>, vector<128x128xf32>, vector<16x128xf32> -> vector<16x128xf32>
      %swap3A_31 = arith.constant 0 : index
      %swap3A_32 = arith.constant 0 : index
      %swap3A_33 = vector.load %arg10[%swap3A_31, %swap3A_32] : memref<16x128xf32, #tpu.memory_space<vmem>>, vector<16x128xf32>
      tpu.vector_store %arg10[%swap3A_31, %swap3A_32], %dot_general3A_30 {strides = array<i32>} : memref<16x128xf32, #tpu.memory_space<vmem>>, vector<16x128xf32>,
      %get3A_34 = arith.constant 0 : index
      %get3A_35 = arith.constant 0 : index
      %get3A_36 = vector.load %arg7[%get3A_34, %get3A_35] : memref<128x128xf32, #tpu.memory_space<vmem>>, vector<128x128xf32>
      %dot_general3A_37 = arith.constant dense<0.000000e+00> : vector<16x128xf32>
      %dot_general3A_38 = tpu.matmul %get3A_25, %get3A_36, %dot_general3A_37 {dimension_numbers = #tpu.dot_dimension_numbers<[1], [1], [0], [0], [0, 0, 1, 0], [], []>, transpose_lhs_hint = false} : vector<16x128xf32>, vector<128x128xf32>, vector<16x128xf32> -> vector<16x128xf32>
      %swap3A_39 = arith.constant 0 : index
      %swap3A_40 = arith.constant 0 : index
      %swap3A_41 = vector.load %arg11[%swap3A_39, %swap3A_40] : memref<16x128xf32, #tpu.memory_space<vmem>>, vector<16x128xf32>
      tpu.vector_store %arg11[%swap3A_39, %swap3A_40], %dot_general3A_38 {strides = array<i32>} : memref<16x128xf32, #tpu.memory_space<vmem>>, vector<16x128xf32>,
    } else {
    }
    return
  }
  func.func @transform_0(%arg0: i32) -> (i32, i32) {
    %c0_i32 = arith.constant 0 : i32
    %c0_i32_0 = arith.constant 0 : i32
    return %arg0, %c0_i32 : i32, i32
  }
  func.func @transform_1(%arg0: i32) -> (i32, i32) {
    %c0_i32 = arith.constant 0 : i32
    %c0_i32_0 = arith.constant 0 : i32
    %c0_i32_1 = arith.constant 0 : i32
    return %c0_i32, %c0_i32_0 : i32, i32
  }
  func.func @transform_2(%arg0: i32) -> (i32, i32) {
    %c0_i32 = arith.constant 0 : i32
    %c0_i32_0 = arith.constant 0 : i32
    %c0_i32_1 = arith.constant 0 : i32
    return %c0_i32, %c0_i32_0 : i32, i32
  }
  func.func @transform_3(%arg0: i32) -> (i32, i32) {
    %c0_i32 = arith.constant 0 : i32
    %c0_i32_0 = arith.constant 0 : i32
    %c0_i32_1 = arith.constant 0 : i32
    return %c0_i32, %c0_i32_0 : i32, i32
  }
  func.func @transform_4(%arg0: i32) -> (i32, i32) {
    %c0_i32 = arith.constant 0 : i32
    %c0_i32_0 = arith.constant 0 : i32
    %c0_i32_1 = arith.constant 0 : i32
    return %c0_i32, %c0_i32_0 : i32, i32
  }
  func.func @transform_5(%arg0: i32) -> (i32, i32) {
    %c0_i32 = arith.constant 0 : i32
    %c0_i32_0 = arith.constant 0 : i32
    %c0_i32_1 = arith.constant 0 : i32
    return %c0_i32, %c0_i32_0 : i32, i32
  }
  func.func @transform_6(%arg0: i32) -> (i32, i32) {
    %c0_i32 = arith.constant 0 : i32
    %c0_i32_0 = arith.constant 0 : i32
    %c0_i32_1 = arith.constant 0 : i32
    return %c0_i32, %c0_i32_0 : i32, i32
  }
  func.func @transform_7(%arg0: i32) -> (i32, i32) {
    %c0_i32 = arith.constant 0 : i32
    %c0_i32_0 = arith.constant 0 : i32
    return %arg0, %c0_i32 : i32, i32
  }
  func.func @transform_8(%arg0: i32) -> (i32, i32) {
    %c0_i32 = arith.constant 0 : i32
    %c0_i32_0 = arith.constant 0 : i32
    return %arg0, %c0_i32 : i32, i32
  }
  func.func @transform_9(%arg0: i32) -> (i32, i32) {
    %c0_i32 = arith.constant 0 : i32
    %c0_i32_0 = arith.constant 0 : i32
    %c0_i32_1 = arith.constant 0 : i32
    return %c0_i32, %c0_i32_0 : i32, i32
  }
  func.func @transform_10(%arg0: i32) -> (i32, i32) {
    %c0_i32 = arith.constant 0 : i32
    %c0_i32_0 = arith.constant 0 : i32
    %c0_i32_1 = arith.constant 0 : i32
    return %c0_i32, %c0_i32_0 : i32, i32
  }
}

module attributes {stable_mosaic.version = 14 : i64} {
  func.func @_mlp_body(%arg0: i32, %arg1: memref<4000x16xf32, #tpu.memory_space<vmem>>, %arg2: memref<128x16xf32, #tpu.memory_space<vmem>>, %arg3: memref<1x128xf32, #tpu.memory_space<vmem>>, %arg4: memref<128x128xf32, #tpu.memory_space<vmem>>, %arg5: memref<1x128xf32, #tpu.memory_space<vmem>>, %arg6: memref<1x128xf32, #tpu.memory_space<vmem>>, %arg7: memref<1x128xf32, #tpu.memory_space<vmem>>, %arg8: memref<4000x128xf32, #tpu.memory_space<vmem>>) attributes {dimension_semantics = [#tpu.dimension_semantics<arbitrary>], iteration_bounds = array<i64: 80>, scalar_prefetch = 0 : i64, scratch_operands = 0 : i64, tpu.core_type = #tpu.core_type<tc>, window_params = [{transform_indices = @transform_0, window_bounds = array<i64: 4000, 16>}, {pipeline_mode = #tpu.pipeline_mode<synchronous>, transform_indices = @transform_1, window_bounds = array<i64: 128, 16>}, {pipeline_mode = #tpu.pipeline_mode<synchronous>, transform_indices = @transform_2, window_bounds = array<i64: 1, 128>}, {pipeline_mode = #tpu.pipeline_mode<synchronous>, transform_indices = @transform_3, window_bounds = array<i64: 128, 128>}, {pipeline_mode = #tpu.pipeline_mode<synchronous>, transform_indices = @transform_4, window_bounds = array<i64: 1, 128>}, {pipeline_mode = #tpu.pipeline_mode<synchronous>, transform_indices = @transform_5, window_bounds = array<i64: 1, 128>}, {pipeline_mode = #tpu.pipeline_mode<synchronous>, transform_indices = @transform_6, window_bounds = array<i64: 1, 128>}, {transform_indices = @transform_7, window_bounds = array<i64: 4000, 128>}]} {
    %get3A = arith.constant 0 : index
    %get3A_0 = arith.constant 0 : index
    %get3A_1 = vector.load %arg1[%get3A, %get3A_0] : memref<4000x16xf32, #tpu.memory_space<vmem>>, vector<4000x16xf32>
    %get3A_2 = arith.constant 0 : index
    %get3A_3 = arith.constant 0 : index
    %get3A_4 = vector.load %arg2[%get3A_2, %get3A_3] : memref<128x16xf32, #tpu.memory_space<vmem>>, vector<128x16xf32>
    %dot_general3A = arith.constant dense<0.000000e+00> : vector<4000x128xf32>
    %dot_general3A_5 = tpu.matmul %get3A_1, %get3A_4, %dot_general3A {dimension_numbers = #tpu.dot_dimension_numbers<[1], [1], [0], [0], [0, 0, 1, 0], [], []>, transpose_lhs_hint = false} : vector<4000x16xf32>, vector<128x16xf32>, vector<4000x128xf32> -> vector<4000x128xf32>
    %get3A_6 = arith.constant 0 : index
    %get3A_7 = arith.constant 0 : index
    %get3A_8 = vector.load %arg3[%get3A_6, %get3A_7] : memref<1x128xf32, #tpu.memory_space<vmem>>, vector<1x128xf32>
    %add3A = vector.broadcast %get3A_8 : vector<1x128xf32> to vector<4000x128xf32>
    %add3A_9 = arith.addf %dot_general3A_5, %add3A : vector<4000x128xf32>
    %max3A = arith.constant 0.000000e+00 : f32
    %max3A_10 = vector.broadcast %max3A : f32 to vector<4000x128xf32>
    %max3A_11 = arith.maximumf %add3A_9, %max3A_10 : vector<4000x128xf32>
    %get3A_12 = arith.constant 0 : index
    %get3A_13 = arith.constant 0 : index
    %get3A_14 = vector.load %arg4[%get3A_12, %get3A_13] : memref<128x128xf32, #tpu.memory_space<vmem>>, vector<128x128xf32>
    %dot_general3A_15 = arith.constant dense<0.000000e+00> : vector<4000x128xf32>
    %dot_general3A_16 = tpu.matmul %max3A_11, %get3A_14, %dot_general3A_15 {dimension_numbers = #tpu.dot_dimension_numbers<[1], [1], [0], [0], [0, 0, 1, 0], [], []>, transpose_lhs_hint = false} : vector<4000x128xf32>, vector<128x128xf32>, vector<4000x128xf32> -> vector<4000x128xf32>
    %get3A_17 = arith.constant 0 : index
    %get3A_18 = arith.constant 0 : index
    %get3A_19 = vector.load %arg5[%get3A_17, %get3A_18] : memref<1x128xf32, #tpu.memory_space<vmem>>, vector<1x128xf32>
    %add3A_20 = vector.broadcast %get3A_19 : vector<1x128xf32> to vector<4000x128xf32>
    %add3A_21 = arith.addf %dot_general3A_16, %add3A_20 : vector<4000x128xf32>
    %get3A_22 = arith.constant 0 : index
    %get3A_23 = arith.constant 0 : index
    %get3A_24 = vector.load %arg6[%get3A_22, %get3A_23] : memref<1x128xf32, #tpu.memory_space<vmem>>, vector<1x128xf32>
    %get3A_25 = arith.constant 0 : index
    %get3A_26 = arith.constant 0 : index
    %get3A_27 = vector.load %arg7[%get3A_25, %get3A_26] : memref<1x128xf32, #tpu.memory_space<vmem>>, vector<1x128xf32>
    %reduce_sum3A = arith.constant dense<0.000000e+00> : vector<4000xf32>
    %reduce_sum3A_28 = vector.multi_reduction <add>, %add3A_21, %reduce_sum3A [1] : vector<4000x128xf32> to vector<4000xf32>
    %broadcast_in_dim3A = vector.shape_cast %reduce_sum3A_28 : vector<4000xf32> to vector<4000x1xf32>
    %div3A = arith.constant 1.280000e+02 : f32
    %div3A_29 = vector.broadcast %div3A : f32 to vector<4000x1xf32>
    %div3A_30 = arith.divf %broadcast_in_dim3A, %div3A_29 : vector<4000x1xf32>
    %jit3A = arith.constant 0 : i32
    %reduce_sum3A_31 = arith.constant dense<0.000000e+00> : vector<4000xf32>
    %reduce_sum3A_32 = vector.multi_reduction <add>, %add3A_21, %reduce_sum3A_31 [1] : vector<4000x128xf32> to vector<4000xf32>
    %broadcast_in_dim3A_33 = vector.shape_cast %reduce_sum3A_32 : vector<4000xf32> to vector<4000x1xf32>
    %div3A_34 = arith.constant 1.280000e+02 : f32
    %div3A_35 = vector.broadcast %div3A_34 : f32 to vector<4000x1xf32>
    %div3A_36 = arith.divf %broadcast_in_dim3A_33, %div3A_35 : vector<4000x1xf32>
    %sub3A = vector.broadcast %div3A_36 : vector<4000x1xf32> to vector<4000x128xf32>
    %sub3A_37 = arith.subf %add3A_21, %sub3A : vector<4000x128xf32>
    %square3A = arith.mulf %sub3A_37, %sub3A_37 : vector<4000x128xf32>
    %convert_element_type3A = arith.sitofp %jit3A : i32 to f32
    %sub3A_38 = arith.constant 1.280000e+02 : f32
    %sub3A_39 = arith.subf %sub3A_38, %convert_element_type3A : f32
    %reduce_sum3A_40 = arith.constant dense<0.000000e+00> : vector<4000xf32>
    %reduce_sum3A_41 = vector.multi_reduction <add>, %square3A, %reduce_sum3A_40 [1] : vector<4000x128xf32> to vector<4000xf32>
    %broadcast_in_dim3A_42 = vector.shape_cast %reduce_sum3A_41 : vector<4000xf32> to vector<4000x1xf32>
    %div3A_43 = vector.broadcast %sub3A_39 : f32 to vector<4000x1xf32>
    %div3A_44 = arith.divf %broadcast_in_dim3A_42, %div3A_43 : vector<4000x1xf32>
    %gt3A = arith.constant 0.000000e+00 : f32
    %gt3A_45 = arith.cmpf ogt, %sub3A_39, %gt3A : f32
    %jit3A_46 = arith.constant 0x7FC00000 : f32
    %broadcast_in_dim3A_47 = vector.broadcast %jit3A_46 : f32 to vector<4000x1xf32>
    %select_n3A = arith.select %gt3A_45, %div3A_44, %broadcast_in_dim3A_47 : vector<4000x1xf32>
    %sub3A_48 = vector.broadcast %div3A_30 : vector<4000x1xf32> to vector<4000x128xf32>
    %sub3A_49 = arith.subf %add3A_21, %sub3A_48 : vector<4000x128xf32>
    %add3A_50 = arith.constant 9.99999974E-6 : f32
    %add3A_51 = vector.broadcast %add3A_50 : f32 to vector<4000x1xf32>
    %add3A_52 = arith.addf %select_n3A, %add3A_51 : vector<4000x1xf32>
    %rsqrt3A = math.rsqrt %add3A_52 : vector<4000x1xf32>
    %mul3A = vector.broadcast %rsqrt3A : vector<4000x1xf32> to vector<4000x128xf32>
    %mul3A_53 = arith.mulf %sub3A_49, %mul3A : vector<4000x128xf32>
    %mul3A_54 = vector.broadcast %get3A_24 : vector<1x128xf32> to vector<4000x128xf32>
    %mul3A_55 = arith.mulf %mul3A_53, %mul3A_54 : vector<4000x128xf32>
    %add3A_56 = vector.broadcast %get3A_27 : vector<1x128xf32> to vector<4000x128xf32>
    %add3A_57 = arith.addf %mul3A_55, %add3A_56 : vector<4000x128xf32>
    %swap3A = arith.constant 0 : index
    %swap3A_58 = arith.constant 0 : index
    %swap3A_59 = vector.load %arg8[%swap3A, %swap3A_58] : memref<4000x128xf32, #tpu.memory_space<vmem>>, vector<4000x128xf32>
    tpu.vector_store %arg8[%swap3A, %swap3A_58], %add3A_57 {strides = array<i32>} : memref<4000x128xf32, #tpu.memory_space<vmem>>, vector<4000x128xf32>,
    return
  }
  func.func @transform_0(%arg0: i32) -> (i32, i32) {
    %c0_i32 = arith.constant 0 : i32
    %c0_i32_0 = arith.constant 0 : i32
    return %arg0, %c0_i32 : i32, i32
  }
  func.func @transform_1(%arg0: i32) -> (i32, i32) {
    %c0_i32 = arith.constant 0 : i32
    %c0_i32_0 = arith.constant 0 : i32
    %c0_i32_1 = arith.constant 0 : i32
    return %c0_i32, %c0_i32_0 : i32, i32
  }
  func.func @transform_2(%arg0: i32) -> (i32, i32) {
    %c0_i32 = arith.constant 0 : i32
    %c0_i32_0 = arith.constant 0 : i32
    %c0_i32_1 = arith.constant 0 : i32
    return %c0_i32, %c0_i32_0 : i32, i32
  }
  func.func @transform_3(%arg0: i32) -> (i32, i32) {
    %c0_i32 = arith.constant 0 : i32
    %c0_i32_0 = arith.constant 0 : i32
    %c0_i32_1 = arith.constant 0 : i32
    return %c0_i32, %c0_i32_0 : i32, i32
  }
  func.func @transform_4(%arg0: i32) -> (i32, i32) {
    %c0_i32 = arith.constant 0 : i32
    %c0_i32_0 = arith.constant 0 : i32
    %c0_i32_1 = arith.constant 0 : i32
    return %c0_i32, %c0_i32_0 : i32, i32
  }
  func.func @transform_5(%arg0: i32) -> (i32, i32) {
    %c0_i32 = arith.constant 0 : i32
    %c0_i32_0 = arith.constant 0 : i32
    %c0_i32_1 = arith.constant 0 : i32
    return %c0_i32, %c0_i32_0 : i32, i32
  }
  func.func @transform_6(%arg0: i32) -> (i32, i32) {
    %c0_i32 = arith.constant 0 : i32
    %c0_i32_0 = arith.constant 0 : i32
    %c0_i32_1 = arith.constant 0 : i32
    return %c0_i32, %c0_i32_0 : i32, i32
  }
  func.func @transform_7(%arg0: i32) -> (i32, i32) {
    %c0_i32 = arith.constant 0 : i32
    %c0_i32_0 = arith.constant 0 : i32
    return %arg0, %c0_i32 : i32, i32
  }
}

module attributes {stable_mosaic.version = 14 : i64} {
  func.func @_edge_body(%arg0: i32, %arg1: memref<2000x128xf32, #tpu.memory_space<vmem>>, %arg2: memref<2000x256xf32, #tpu.memory_space<vmem>>, %arg3: memref<2000x128xf32, #tpu.memory_space<vmem>>, %arg4: memref<1x1x2000xi32, #tpu.memory_space<vmem>>, %arg5: memref<16x128xf32, #tpu.memory_space<vmem>>, %arg6: memref<128x128xf32, #tpu.memory_space<vmem>>, %arg7: memref<1x128xf32, #tpu.memory_space<vmem>>, %arg8: memref<128x128xf32, #tpu.memory_space<vmem>>, %arg9: memref<1x128xf32, #tpu.memory_space<vmem>>, %arg10: memref<1x128xf32, #tpu.memory_space<vmem>>, %arg11: memref<1x128xf32, #tpu.memory_space<vmem>>, %arg12: memref<128x128xf32, #tpu.memory_space<vmem>>, %arg13: memref<1x128xf32, #tpu.memory_space<vmem>>, %arg14: memref<128x128xf32, #tpu.memory_space<vmem>>, %arg15: memref<1x128xf32, #tpu.memory_space<vmem>>, %arg16: memref<1x128xf32, #tpu.memory_space<vmem>>, %arg17: memref<1x128xf32, #tpu.memory_space<vmem>>, %arg18: memref<2000x128xf32, #tpu.memory_space<vmem>>, %arg19: memref<2000x128xf32, #tpu.memory_space<vmem>>, %arg20: memref<16x128xf32, #tpu.memory_space<vmem>>) attributes {dimension_semantics = [#tpu.dimension_semantics<arbitrary>], iteration_bounds = array<i64: 160>, scalar_prefetch = 0 : i64, scratch_operands = 0 : i64, tpu.core_type = #tpu.core_type<tc>, window_params = [{transform_indices = @transform_0, window_bounds = array<i64: 2000, 128>}, {transform_indices = @transform_1, window_bounds = array<i64: 2000, 256>}, {transform_indices = @transform_2, window_bounds = array<i64: 2000, 128>}, {transform_indices = @transform_3, window_bounds = array<i64: 1, 1, 2000>}, {pipeline_mode = #tpu.pipeline_mode<synchronous>, transform_indices = @transform_4, window_bounds = array<i64: 16, 128>}, {pipeline_mode = #tpu.pipeline_mode<synchronous>, transform_indices = @transform_5, window_bounds = array<i64: 128, 128>}, {pipeline_mode = #tpu.pipeline_mode<synchronous>, transform_indices = @transform_6, window_bounds = array<i64: 1, 128>}, {pipeline_mode = #tpu.pipeline_mode<synchronous>, transform_indices = @transform_7, window_bounds = array<i64: 128, 128>}, {pipeline_mode = #tpu.pipeline_mode<synchronous>, transform_indices = @transform_8, window_bounds = array<i64: 1, 128>}, {pipeline_mode = #tpu.pipeline_mode<synchronous>, transform_indices = @transform_9, window_bounds = array<i64: 1, 128>}, {pipeline_mode = #tpu.pipeline_mode<synchronous>, transform_indices = @transform_10, window_bounds = array<i64: 1, 128>}, {pipeline_mode = #tpu.pipeline_mode<synchronous>, transform_indices = @transform_11, window_bounds = array<i64: 128, 128>}, {pipeline_mode = #tpu.pipeline_mode<synchronous>, transform_indices = @transform_12, window_bounds = array<i64: 1, 128>}, {pipeline_mode = #tpu.pipeline_mode<synchronous>, transform_indices = @transform_13, window_bounds = array<i64: 128, 128>}, {pipeline_mode = #tpu.pipeline_mode<synchronous>, transform_indices = @transform_14, window_bounds = array<i64: 1, 128>}, {pipeline_mode = #tpu.pipeline_mode<synchronous>, transform_indices = @transform_15, window_bounds = array<i64: 1, 128>}, {pipeline_mode = #tpu.pipeline_mode<synchronous>, transform_indices = @transform_16, window_bounds = array<i64: 1, 128>}, {transform_indices = @transform_17, window_bounds = array<i64: 2000, 128>}, {transform_indices = @transform_18, window_bounds = array<i64: 2000, 128>}, {pipeline_mode = #tpu.pipeline_mode<synchronous>, transform_indices = @transform_19, window_bounds = array<i64: 16, 128>}]} {
    %get3A = arith.constant 0 : index
    %get3A_0 = arith.constant 0 : index
    %get3A_1 = arith.constant 0 : index
    %get3A_2 = vector.load %arg4[%get3A, %get3A_0, %get3A_1] : memref<1x1x2000xi32, #tpu.memory_space<vmem>>, vector<1x1x2000xi32>
    %get3A_3 = vector.shape_cast %get3A_2 : vector<1x1x2000xi32> to vector<2000xi32>
    %iota3A = tpu.iota {dimensions = array<i32: 1>} : vector<2000x16xi32>
    %broadcast_in_dim3A = vector.shape_cast %get3A_3 : vector<2000xi32> to vector<2000x1xi32>
    %eq3A = vector.broadcast %broadcast_in_dim3A : vector<2000x1xi32> to vector<2000x16xi32>
    %eq3A_4 = arith.cmpi eq, %iota3A, %eq3A : vector<2000x16xi32>
    %convert_element_type3A = arith.extui %eq3A_4 : vector<2000x16xi1> to vector<2000x16xi32>
    %convert_element_type3A_5 = arith.sitofp %convert_element_type3A : vector<2000x16xi32> to vector<2000x16xf32>
    %get3A_6 = arith.constant 0 : index
    %get3A_7 = arith.constant 0 : index
    %get3A_8 = vector.load %arg2[%get3A_6, %get3A_7] : memref<2000x256xf32, #tpu.memory_space<vmem>>, vector<2000x256xf32>
    %get3A_9 = arith.constant 0 : index
    %get3A_10 = arith.constant 0 : index
    %get3A_11 = vector.load %arg1[%get3A_9, %get3A_10] : memref<2000x128xf32, #tpu.memory_space<vmem>>, vector<2000x128xf32>
    %slice3A = vector.extract_strided_slice %get3A_8 {offsets = [0, 0], sizes = [2000, 128], strides = [1, 1]} : vector<2000x256xf32> to vector<2000x128xf32>
    %add3A = arith.addf %get3A_11, %slice3A : vector<2000x128xf32>
    %get3A_12 = arith.constant 0 : index
    %get3A_13 = arith.constant 0 : index
    %get3A_14 = vector.load %arg3[%get3A_12, %get3A_13] : memref<2000x128xf32, #tpu.memory_space<vmem>>, vector<2000x128xf32>
    %get3A_15 = arith.constant 0 : index
    %get3A_16 = arith.constant 0 : index
    %get3A_17 = vector.load %arg6[%get3A_15, %get3A_16] : memref<128x128xf32, #tpu.memory_space<vmem>>, vector<128x128xf32>
    %dot_general3A = arith.constant dense<0.000000e+00> : vector<2000x128xf32>
    %dot_general3A_18 = tpu.matmul %get3A_14, %get3A_17, %dot_general3A {dimension_numbers = #tpu.dot_dimension_numbers<[1], [1], [0], [0], [0, 0, 1, 0], [], []>, transpose_lhs_hint = false} : vector<2000x128xf32>, vector<128x128xf32>, vector<2000x128xf32> -> vector<2000x128xf32>
    %add3A_19 = arith.addf %add3A, %dot_general3A_18 : vector<2000x128xf32>
    %get3A_20 = arith.constant 0 : index
    %get3A_21 = arith.constant 0 : index
    %get3A_22 = vector.load %arg5[%get3A_20, %get3A_21] : memref<16x128xf32, #tpu.memory_space<vmem>>, vector<16x128xf32>
    %dot_general3A_23 = arith.constant dense<0.000000e+00> : vector<2000x128xf32>
    %dot_general3A_24 = tpu.matmul %convert_element_type3A_5, %get3A_22, %dot_general3A_23 {dimension_numbers = #tpu.dot_dimension_numbers<[1], [0], [0], [1], [0, 0, 1, 1], [], []>, transpose_lhs_hint = false} : vector<2000x16xf32>, vector<16x128xf32>, vector<2000x128xf32> -> vector<2000x128xf32>
    %add3A_25 = arith.addf %add3A_19, %dot_general3A_24 : vector<2000x128xf32>
    %get3A_26 = arith.constant 0 : index
    %get3A_27 = arith.constant 0 : index
    %get3A_28 = vector.load %arg7[%get3A_26, %get3A_27] : memref<1x128xf32, #tpu.memory_space<vmem>>, vector<1x128xf32>
    %add3A_29 = vector.broadcast %get3A_28 : vector<1x128xf32> to vector<2000x128xf32>
    %add3A_30 = arith.addf %add3A_25, %add3A_29 : vector<2000x128xf32>
    %max3A = arith.constant 0.000000e+00 : f32
    %max3A_31 = vector.broadcast %max3A : f32 to vector<2000x128xf32>
    %max3A_32 = arith.maximumf %add3A_30, %max3A_31 : vector<2000x128xf32>
    %get3A_33 = arith.constant 0 : index
    %get3A_34 = arith.constant 0 : index
    %get3A_35 = vector.load %arg8[%get3A_33, %get3A_34] : memref<128x128xf32, #tpu.memory_space<vmem>>, vector<128x128xf32>
    %dot_general3A_36 = arith.constant dense<0.000000e+00> : vector<2000x128xf32>
    %dot_general3A_37 = tpu.matmul %max3A_32, %get3A_35, %dot_general3A_36 {dimension_numbers = #tpu.dot_dimension_numbers<[1], [1], [0], [0], [0, 0, 1, 0], [], []>, transpose_lhs_hint = false} : vector<2000x128xf32>, vector<128x128xf32>, vector<2000x128xf32> -> vector<2000x128xf32>
    %get3A_38 = arith.constant 0 : index
    %get3A_39 = arith.constant 0 : index
    %get3A_40 = vector.load %arg9[%get3A_38, %get3A_39] : memref<1x128xf32, #tpu.memory_space<vmem>>, vector<1x128xf32>
    %add3A_41 = vector.broadcast %get3A_40 : vector<1x128xf32> to vector<2000x128xf32>
    %add3A_42 = arith.addf %dot_general3A_37, %add3A_41 : vector<2000x128xf32>
    %get3A_43 = arith.constant 0 : index
    %get3A_44 = arith.constant 0 : index
    %get3A_45 = vector.load %arg10[%get3A_43, %get3A_44] : memref<1x128xf32, #tpu.memory_space<vmem>>, vector<1x128xf32>
    %get3A_46 = arith.constant 0 : index
    %get3A_47 = arith.constant 0 : index
    %get3A_48 = vector.load %arg11[%get3A_46, %get3A_47] : memref<1x128xf32, #tpu.memory_space<vmem>>, vector<1x128xf32>
    %reduce_sum3A = arith.constant dense<0.000000e+00> : vector<2000xf32>
    %reduce_sum3A_49 = vector.multi_reduction <add>, %add3A_42, %reduce_sum3A [1] : vector<2000x128xf32> to vector<2000xf32>
    %broadcast_in_dim3A_50 = vector.shape_cast %reduce_sum3A_49 : vector<2000xf32> to vector<2000x1xf32>
    %div3A = arith.constant 1.280000e+02 : f32
    %div3A_51 = vector.broadcast %div3A : f32 to vector<2000x1xf32>
    %div3A_52 = arith.divf %broadcast_in_dim3A_50, %div3A_51 : vector<2000x1xf32>
    %jit3A = arith.constant 0 : i32
    %reduce_sum3A_53 = arith.constant dense<0.000000e+00> : vector<2000xf32>
    %reduce_sum3A_54 = vector.multi_reduction <add>, %add3A_42, %reduce_sum3A_53 [1] : vector<2000x128xf32> to vector<2000xf32>
    %broadcast_in_dim3A_55 = vector.shape_cast %reduce_sum3A_54 : vector<2000xf32> to vector<2000x1xf32>
    %div3A_56 = arith.constant 1.280000e+02 : f32
    %div3A_57 = vector.broadcast %div3A_56 : f32 to vector<2000x1xf32>
    %div3A_58 = arith.divf %broadcast_in_dim3A_55, %div3A_57 : vector<2000x1xf32>
    %sub3A = vector.broadcast %div3A_58 : vector<2000x1xf32> to vector<2000x128xf32>
    %sub3A_59 = arith.subf %add3A_42, %sub3A : vector<2000x128xf32>
    %square3A = arith.mulf %sub3A_59, %sub3A_59 : vector<2000x128xf32>
    %convert_element_type3A_60 = arith.sitofp %jit3A : i32 to f32
    %sub3A_61 = arith.constant 1.280000e+02 : f32
    %sub3A_62 = arith.subf %sub3A_61, %convert_element_type3A_60 : f32
    %reduce_sum3A_63 = arith.constant dense<0.000000e+00> : vector<2000xf32>
    %reduce_sum3A_64 = vector.multi_reduction <add>, %square3A, %reduce_sum3A_63 [1] : vector<2000x128xf32> to vector<2000xf32>
    %broadcast_in_dim3A_65 = vector.shape_cast %reduce_sum3A_64 : vector<2000xf32> to vector<2000x1xf32>
    %div3A_66 = vector.broadcast %sub3A_62 : f32 to vector<2000x1xf32>
    %div3A_67 = arith.divf %broadcast_in_dim3A_65, %div3A_66 : vector<2000x1xf32>
    %gt3A = arith.constant 0.000000e+00 : f32
    %gt3A_68 = arith.cmpf ogt, %sub3A_62, %gt3A : f32
    %jit3A_69 = arith.constant 0x7FC00000 : f32
    %broadcast_in_dim3A_70 = vector.broadcast %jit3A_69 : f32 to vector<2000x1xf32>
    %select_n3A = arith.select %gt3A_68, %div3A_67, %broadcast_in_dim3A_70 : vector<2000x1xf32>
    %sub3A_71 = vector.broadcast %div3A_52 : vector<2000x1xf32> to vector<2000x128xf32>
    %sub3A_72 = arith.subf %add3A_42, %sub3A_71 : vector<2000x128xf32>
    %add3A_73 = arith.constant 9.99999974E-6 : f32
    %add3A_74 = vector.broadcast %add3A_73 : f32 to vector<2000x1xf32>
    %add3A_75 = arith.addf %select_n3A, %add3A_74 : vector<2000x1xf32>
    %rsqrt3A = math.rsqrt %add3A_75 : vector<2000x1xf32>
    %mul3A = vector.broadcast %rsqrt3A : vector<2000x1xf32> to vector<2000x128xf32>
    %mul3A_76 = arith.mulf %sub3A_72, %mul3A : vector<2000x128xf32>
    %mul3A_77 = vector.broadcast %get3A_45 : vector<1x128xf32> to vector<2000x128xf32>
    %mul3A_78 = arith.mulf %mul3A_76, %mul3A_77 : vector<2000x128xf32>
    %add3A_79 = vector.broadcast %get3A_48 : vector<1x128xf32> to vector<2000x128xf32>
    %add3A_80 = arith.addf %mul3A_78, %add3A_79 : vector<2000x128xf32>
    %max3A_81 = arith.constant 0.000000e+00 : f32
    %max3A_82 = vector.broadcast %max3A_81 : f32 to vector<2000x128xf32>
    %max3A_83 = arith.maximumf %add3A_80, %max3A_82 : vector<2000x128xf32>
    %swap3A = arith.constant 0 : index
    %swap3A_84 = arith.constant 0 : index
    %swap3A_85 = vector.load %arg18[%swap3A, %swap3A_84] : memref<2000x128xf32, #tpu.memory_space<vmem>>, vector<2000x128xf32>
    tpu.vector_store %arg18[%swap3A, %swap3A_84], %max3A_83 {strides = array<i32>} : memref<2000x128xf32, #tpu.memory_space<vmem>>, vector<2000x128xf32>,
    %slice3A_86 = vector.extract_strided_slice %get3A_8 {offsets = [0, 128], sizes = [2000, 128], strides = [1, 1]} : vector<2000x256xf32> to vector<2000x128xf32>
    %get3A_87 = arith.constant 0 : index
    %get3A_88 = arith.constant 0 : index
    %get3A_89 = vector.load %arg12[%get3A_87, %get3A_88] : memref<128x128xf32, #tpu.memory_space<vmem>>, vector<128x128xf32>
    %dot_general3A_90 = arith.constant dense<0.000000e+00> : vector<2000x128xf32>
    %dot_general3A_91 = tpu.matmul %max3A_83, %get3A_89, %dot_general3A_90 {dimension_numbers = #tpu.dot_dimension_numbers<[1], [1], [0], [0], [0, 0, 1, 0], [], []>, transpose_lhs_hint = false} : vector<2000x128xf32>, vector<128x128xf32>, vector<2000x128xf32> -> vector<2000x128xf32>
    %add3A_92 = arith.addf %slice3A_86, %dot_general3A_91 : vector<2000x128xf32>
    %get3A_93 = arith.constant 0 : index
    %get3A_94 = arith.constant 0 : index
    %get3A_95 = vector.load %arg13[%get3A_93, %get3A_94] : memref<1x128xf32, #tpu.memory_space<vmem>>, vector<1x128xf32>
    %add3A_96 = vector.broadcast %get3A_95 : vector<1x128xf32> to vector<2000x128xf32>
    %add3A_97 = arith.addf %add3A_92, %add3A_96 : vector<2000x128xf32>
    %max3A_98 = arith.constant 0.000000e+00 : f32
    %max3A_99 = vector.broadcast %max3A_98 : f32 to vector<2000x128xf32>
    %max3A_100 = arith.maximumf %add3A_97, %max3A_99 : vector<2000x128xf32>
    %get3A_101 = arith.constant 0 : index
    %get3A_102 = arith.constant 0 : index
    %get3A_103 = vector.load %arg14[%get3A_101, %get3A_102] : memref<128x128xf32, #tpu.memory_space<vmem>>, vector<128x128xf32>
    %dot_general3A_104 = arith.constant dense<0.000000e+00> : vector<2000x128xf32>
    %dot_general3A_105 = tpu.matmul %max3A_100, %get3A_103, %dot_general3A_104 {dimension_numbers = #tpu.dot_dimension_numbers<[1], [1], [0], [0], [0, 0, 1, 0], [], []>, transpose_lhs_hint = false} : vector<2000x128xf32>, vector<128x128xf32>, vector<2000x128xf32> -> vector<2000x128xf32>
    %get3A_106 = arith.constant 0 : index
    %get3A_107 = arith.constant 0 : index
    %get3A_108 = vector.load %arg15[%get3A_106, %get3A_107] : memref<1x128xf32, #tpu.memory_space<vmem>>, vector<1x128xf32>
    %add3A_109 = vector.broadcast %get3A_108 : vector<1x128xf32> to vector<2000x128xf32>
    %add3A_110 = arith.addf %dot_general3A_105, %add3A_109 : vector<2000x128xf32>
    %get3A_111 = arith.constant 0 : index
    %get3A_112 = arith.constant 0 : index
    %get3A_113 = vector.load %arg16[%get3A_111, %get3A_112] : memref<1x128xf32, #tpu.memory_space<vmem>>, vector<1x128xf32>
    %get3A_114 = arith.constant 0 : index
    %get3A_115 = arith.constant 0 : index
    %get3A_116 = vector.load %arg17[%get3A_114, %get3A_115] : memref<1x128xf32, #tpu.memory_space<vmem>>, vector<1x128xf32>
    %reduce_sum3A_117 = arith.constant dense<0.000000e+00> : vector<2000xf32>
    %reduce_sum3A_118 = vector.multi_reduction <add>, %add3A_110, %reduce_sum3A_117 [1] : vector<2000x128xf32> to vector<2000xf32>
    %broadcast_in_dim3A_119 = vector.shape_cast %reduce_sum3A_118 : vector<2000xf32> to vector<2000x1xf32>
    %div3A_120 = arith.constant 1.280000e+02 : f32
    %div3A_121 = vector.broadcast %div3A_120 : f32 to vector<2000x1xf32>
    %div3A_122 = arith.divf %broadcast_in_dim3A_119, %div3A_121 : vector<2000x1xf32>
    %jit3A_123 = arith.constant 0 : i32
    %reduce_sum3A_124 = arith.constant dense<0.000000e+00> : vector<2000xf32>
    %reduce_sum3A_125 = vector.multi_reduction <add>, %add3A_110, %reduce_sum3A_124 [1] : vector<2000x128xf32> to vector<2000xf32>
    %broadcast_in_dim3A_126 = vector.shape_cast %reduce_sum3A_125 : vector<2000xf32> to vector<2000x1xf32>
    %div3A_127 = arith.constant 1.280000e+02 : f32
    %div3A_128 = vector.broadcast %div3A_127 : f32 to vector<2000x1xf32>
    %div3A_129 = arith.divf %broadcast_in_dim3A_126, %div3A_128 : vector<2000x1xf32>
    %sub3A_130 = vector.broadcast %div3A_129 : vector<2000x1xf32> to vector<2000x128xf32>
    %sub3A_131 = arith.subf %add3A_110, %sub3A_130 : vector<2000x128xf32>
    %square3A_132 = arith.mulf %sub3A_131, %sub3A_131 : vector<2000x128xf32>
    %convert_element_type3A_133 = arith.sitofp %jit3A_123 : i32 to f32
    %sub3A_134 = arith.constant 1.280000e+02 : f32
    %sub3A_135 = arith.subf %sub3A_134, %convert_element_type3A_133 : f32
    %reduce_sum3A_136 = arith.constant dense<0.000000e+00> : vector<2000xf32>
    %reduce_sum3A_137 = vector.multi_reduction <add>, %square3A_132, %reduce_sum3A_136 [1] : vector<2000x128xf32> to vector<2000xf32>
    %broadcast_in_dim3A_138 = vector.shape_cast %reduce_sum3A_137 : vector<2000xf32> to vector<2000x1xf32>
    %div3A_139 = vector.broadcast %sub3A_135 : f32 to vector<2000x1xf32>
    %div3A_140 = arith.divf %broadcast_in_dim3A_138, %div3A_139 : vector<2000x1xf32>
    %gt3A_141 = arith.constant 0.000000e+00 : f32
    %gt3A_142 = arith.cmpf ogt, %sub3A_135, %gt3A_141 : f32
    %jit3A_143 = arith.constant 0x7FC00000 : f32
    %broadcast_in_dim3A_144 = vector.broadcast %jit3A_143 : f32 to vector<2000x1xf32>
    %select_n3A_145 = arith.select %gt3A_142, %div3A_140, %broadcast_in_dim3A_144 : vector<2000x1xf32>
    %sub3A_146 = vector.broadcast %div3A_122 : vector<2000x1xf32> to vector<2000x128xf32>
    %sub3A_147 = arith.subf %add3A_110, %sub3A_146 : vector<2000x128xf32>
    %add3A_148 = arith.constant 9.99999974E-6 : f32
    %add3A_149 = vector.broadcast %add3A_148 : f32 to vector<2000x1xf32>
    %add3A_150 = arith.addf %select_n3A_145, %add3A_149 : vector<2000x1xf32>
    %rsqrt3A_151 = math.rsqrt %add3A_150 : vector<2000x1xf32>
    %mul3A_152 = vector.broadcast %rsqrt3A_151 : vector<2000x1xf32> to vector<2000x128xf32>
    %mul3A_153 = arith.mulf %sub3A_147, %mul3A_152 : vector<2000x128xf32>
    %mul3A_154 = vector.broadcast %get3A_113 : vector<1x128xf32> to vector<2000x128xf32>
    %mul3A_155 = arith.mulf %mul3A_153, %mul3A_154 : vector<2000x128xf32>
    %add3A_156 = vector.broadcast %get3A_116 : vector<1x128xf32> to vector<2000x128xf32>
    %add3A_157 = arith.addf %mul3A_155, %add3A_156 : vector<2000x128xf32>
    %swap3A_158 = arith.constant 0 : index
    %swap3A_159 = arith.constant 0 : index
    %swap3A_160 = vector.load %arg19[%swap3A_158, %swap3A_159] : memref<2000x128xf32, #tpu.memory_space<vmem>>, vector<2000x128xf32>
    tpu.vector_store %arg19[%swap3A_158, %swap3A_159], %add3A_157 {strides = array<i32>} : memref<2000x128xf32, #tpu.memory_space<vmem>>, vector<2000x128xf32>,
    %eq3A_161 = arith.constant 0 : i32
    %eq3A_162 = arith.cmpi eq, %arg0, %eq3A_161 : i32
    %convert_element_type3A_163 = arith.extui %eq3A_162 : i1 to i32
    %cond3A = arith.constant 0 : i32
    %cond3A_164 = arith.cmpi ne, %convert_element_type3A_163, %cond3A : i32
    scf.if %cond3A_164 {
      %broadcast_in_dim3A_174 = arith.constant 0.000000e+00 : f32
      %broadcast_in_dim3A_175 = vector.broadcast %broadcast_in_dim3A_174 : f32 to vector<16x128xf32>
      %swap3A_176 = arith.constant 0 : index
      %swap3A_177 = arith.constant 0 : index
      %swap3A_178 = vector.load %arg20[%swap3A_176, %swap3A_177] : memref<16x128xf32, #tpu.memory_space<vmem>>, vector<16x128xf32>
      tpu.vector_store %arg20[%swap3A_176, %swap3A_177], %broadcast_in_dim3A_175 {strides = array<i32>} : memref<16x128xf32, #tpu.memory_space<vmem>>, vector<16x128xf32>,
    } else {
    }
    %get3A_165 = arith.constant 0 : index
    %get3A_166 = arith.constant 0 : index
    %get3A_167 = vector.load %arg20[%get3A_165, %get3A_166] : memref<16x128xf32, #tpu.memory_space<vmem>>, vector<16x128xf32>
    %dot_general3A_168 = arith.constant dense<0.000000e+00> : vector<16x128xf32>
    %dot_general3A_169 = tpu.matmul %convert_element_type3A_5, %max3A_83, %dot_general3A_168 {dimension_numbers = #tpu.dot_dimension_numbers<[0], [0], [1], [1], [0, 1, 1, 1], [], []>, transpose_lhs_hint = false} : vector<2000x16xf32>, vector<2000x128xf32>, vector<16x128xf32> -> vector<16x128xf32>
    %add3A_170 = arith.addf %get3A_167, %dot_general3A_169 : vector<16x128xf32>
    %swap3A_171 = arith.constant 0 : index
    %swap3A_172 = arith.constant 0 : index
    %swap3A_173 = vector.load %arg20[%swap3A_171, %swap3A_172] : memref<16x128xf32, #tpu.memory_space<vmem>>, vector<16x128xf32>
    tpu.vector_store %arg20[%swap3A_171, %swap3A_172], %add3A_170 {strides = array<i32>} : memref<16x128xf32, #tpu.memory_space<vmem>>, vector<16x128xf32>,
    return
  }
  func.func @transform_0(%arg0: i32) -> (i32, i32) {
    %c0_i32 = arith.constant 0 : i32
    %c0_i32_0 = arith.constant 0 : i32
    return %arg0, %c0_i32 : i32, i32
  }
  func.func @transform_1(%arg0: i32) -> (i32, i32) {
    %c0_i32 = arith.constant 0 : i32
    %c0_i32_0 = arith.constant 0 : i32
    return %arg0, %c0_i32 : i32, i32
  }
  func.func @transform_2(%arg0: i32) -> (i32, i32) {
    %c0_i32 = arith.constant 0 : i32
    %c0_i32_0 = arith.constant 0 : i32
    return %arg0, %c0_i32 : i32, i32
  }
  func.func @transform_3(%arg0: i32) -> (i32, i32, i32) {
    %c0_i32 = arith.constant 0 : i32
    %c0_i32_0 = arith.constant 0 : i32
    %c0_i32_1 = arith.constant 0 : i32
    return %arg0, %c0_i32, %c0_i32_0 : i32, i32, i32
  }
  func.func @transform_4(%arg0: i32) -> (i32, i32) {
    %c0_i32 = arith.constant 0 : i32
    %c0_i32_0 = arith.constant 0 : i32
    %c0_i32_1 = arith.constant 0 : i32
    return %c0_i32, %c0_i32_0 : i32, i32
  }
  func.func @transform_5(%arg0: i32) -> (i32, i32) {
    %c0_i32 = arith.constant 0 : i32
    %c0_i32_0 = arith.constant 0 : i32
    %c0_i32_1 = arith.constant 0 : i32
    return %c0_i32, %c0_i32_0 : i32, i32
  }
  func.func @transform_6(%arg0: i32) -> (i32, i32) {
    %c0_i32 = arith.constant 0 : i32
    %c0_i32_0 = arith.constant 0 : i32
    %c0_i32_1 = arith.constant 0 : i32
    return %c0_i32, %c0_i32_0 : i32, i32
  }
  func.func @transform_7(%arg0: i32) -> (i32, i32) {
    %c0_i32 = arith.constant 0 : i32
    %c0_i32_0 = arith.constant 0 : i32
    %c0_i32_1 = arith.constant 0 : i32
    return %c0_i32, %c0_i32_0 : i32, i32
  }
  func.func @transform_8(%arg0: i32) -> (i32, i32) {
    %c0_i32 = arith.constant 0 : i32
    %c0_i32_0 = arith.constant 0 : i32
    %c0_i32_1 = arith.constant 0 : i32
    return %c0_i32, %c0_i32_0 : i32, i32
  }
  func.func @transform_9(%arg0: i32) -> (i32, i32) {
    %c0_i32 = arith.constant 0 : i32
    %c0_i32_0 = arith.constant 0 : i32
    %c0_i32_1 = arith.constant 0 : i32
    return %c0_i32, %c0_i32_0 : i32, i32
  }
  func.func @transform_10(%arg0: i32) -> (i32, i32) {
    %c0_i32 = arith.constant 0 : i32
    %c0_i32_0 = arith.constant 0 : i32
    %c0_i32_1 = arith.constant 0 : i32
    return %c0_i32, %c0_i32_0 : i32, i32
  }
  func.func @transform_11(%arg0: i32) -> (i32, i32) {
    %c0_i32 = arith.constant 0 : i32
    %c0_i32_0 = arith.constant 0 : i32
    %c0_i32_1 = arith.constant 0 : i32
    return %c0_i32, %c0_i32_0 : i32, i32
  }
  func.func @transform_12(%arg0: i32) -> (i32, i32) {
    %c0_i32 = arith.constant 0 : i32
    %c0_i32_0 = arith.constant 0 : i32
    %c0_i32_1 = arith.constant 0 : i32
    return %c0_i32, %c0_i32_0 : i32, i32
  }
  func.func @transform_13(%arg0: i32) -> (i32, i32) {
    %c0_i32 = arith.constant 0 : i32
    %c0_i32_0 = arith.constant 0 : i32
    %c0_i32_1 = arith.constant 0 : i32
    return %c0_i32, %c0_i32_0 : i32, i32
  }
  func.func @transform_14(%arg0: i32) -> (i32, i32) {
    %c0_i32 = arith.constant 0 : i32
    %c0_i32_0 = arith.constant 0 : i32
    %c0_i32_1 = arith.constant 0 : i32
    return %c0_i32, %c0_i32_0 : i32, i32
  }
  func.func @transform_15(%arg0: i32) -> (i32, i32) {
    %c0_i32 = arith.constant 0 : i32
    %c0_i32_0 = arith.constant 0 : i32
    %c0_i32_1 = arith.constant 0 : i32
    return %c0_i32, %c0_i32_0 : i32, i32
  }
  func.func @transform_16(%arg0: i32) -> (i32, i32) {
    %c0_i32 = arith.constant 0 : i32
    %c0_i32_0 = arith.constant 0 : i32
    %c0_i32_1 = arith.constant 0 : i32
    return %c0_i32, %c0_i32_0 : i32, i32
  }
  func.func @transform_17(%arg0: i32) -> (i32, i32) {
    %c0_i32 = arith.constant 0 : i32
    %c0_i32_0 = arith.constant 0 : i32
    return %arg0, %c0_i32 : i32, i32
  }
  func.func @transform_18(%arg0: i32) -> (i32, i32) {
    %c0_i32 = arith.constant 0 : i32
    %c0_i32_0 = arith.constant 0 : i32
    return %arg0, %c0_i32 : i32, i32
  }
  func.func @transform_19(%arg0: i32) -> (i32, i32) {
    %c0_i32 = arith.constant 0 : i32
    %c0_i32_0 = arith.constant 0 : i32
    %c0_i32_1 = arith.constant 0 : i32
    return %c0_i32, %c0_i32_0 : i32, i32
  }
}

module attributes {stable_mosaic.version = 14 : i64} {
  func.func @_node_body(%arg0: i32, %arg1: memref<1000x128xf32, #tpu.memory_space<vmem>>, %arg2: memref<2x1000x128xf32, #tpu.memory_space<vmem>>, %arg3: memref<2x1000x8xf32, #tpu.memory_space<vmem>>, %arg4: memref<1x1x1000xi32, #tpu.memory_space<vmem>>, %arg5: memref<16x128xf32, #tpu.memory_space<vmem>>, %arg6: memref<128x128xf32, #tpu.memory_space<vmem>>, %arg7: memref<128x128xf32, #tpu.memory_space<vmem>>, %arg8: memref<1x128xf32, #tpu.memory_space<vmem>>, %arg9: memref<128x128xf32, #tpu.memory_space<vmem>>, %arg10: memref<1x128xf32, #tpu.memory_space<vmem>>, %arg11: memref<1x128xf32, #tpu.memory_space<vmem>>, %arg12: memref<1x128xf32, #tpu.memory_space<vmem>>, %arg13: memref<1000x128xf32, #tpu.memory_space<vmem>>, %arg14: memref<16x128xf32, #tpu.memory_space<vmem>>) attributes {dimension_semantics = [#tpu.dimension_semantics<arbitrary>], iteration_bounds = array<i64: 10>, scalar_prefetch = 0 : i64, scratch_operands = 0 : i64, tpu.core_type = #tpu.core_type<tc>, window_params = [{transform_indices = @transform_0, window_bounds = array<i64: 1000, 128>}, {transform_indices = @transform_1, window_bounds = array<i64: 2, 1000, 128>}, {transform_indices = @transform_2, window_bounds = array<i64: 2, 1000, 8>}, {transform_indices = @transform_3, window_bounds = array<i64: 1, 1, 1000>}, {pipeline_mode = #tpu.pipeline_mode<synchronous>, transform_indices = @transform_4, window_bounds = array<i64: 16, 128>}, {pipeline_mode = #tpu.pipeline_mode<synchronous>, transform_indices = @transform_5, window_bounds = array<i64: 128, 128>}, {pipeline_mode = #tpu.pipeline_mode<synchronous>, transform_indices = @transform_6, window_bounds = array<i64: 128, 128>}, {pipeline_mode = #tpu.pipeline_mode<synchronous>, transform_indices = @transform_7, window_bounds = array<i64: 1, 128>}, {pipeline_mode = #tpu.pipeline_mode<synchronous>, transform_indices = @transform_8, window_bounds = array<i64: 128, 128>}, {pipeline_mode = #tpu.pipeline_mode<synchronous>, transform_indices = @transform_9, window_bounds = array<i64: 1, 128>}, {pipeline_mode = #tpu.pipeline_mode<synchronous>, transform_indices = @transform_10, window_bounds = array<i64: 1, 128>}, {pipeline_mode = #tpu.pipeline_mode<synchronous>, transform_indices = @transform_11, window_bounds = array<i64: 1, 128>}, {transform_indices = @transform_12, window_bounds = array<i64: 1000, 128>}, {pipeline_mode = #tpu.pipeline_mode<synchronous>, transform_indices = @transform_13, window_bounds = array<i64: 16, 128>}]} {
    %get3A = arith.constant 0 : index
    %get3A_0 = arith.constant 0 : index
    %get3A_1 = arith.constant 0 : index
    %get3A_2 = vector.load %arg4[%get3A, %get3A_0, %get3A_1] : memref<1x1x1000xi32, #tpu.memory_space<vmem>>, vector<1x1x1000xi32>
    %get3A_3 = vector.shape_cast %get3A_2 : vector<1x1x1000xi32> to vector<1000xi32>
    %iota3A = tpu.iota {dimensions = array<i32: 1>} : vector<1000x16xi32>
    %broadcast_in_dim3A = vector.shape_cast %get3A_3 : vector<1000xi32> to vector<1000x1xi32>
    %eq3A = vector.broadcast %broadcast_in_dim3A : vector<1000x1xi32> to vector<1000x16xi32>
    %eq3A_4 = arith.cmpi eq, %iota3A, %eq3A : vector<1000x16xi32>
    %convert_element_type3A = arith.extui %eq3A_4 : vector<1000x16xi1> to vector<1000x16xi32>
    %convert_element_type3A_5 = arith.sitofp %convert_element_type3A : vector<1000x16xi32> to vector<1000x16xf32>
    %get3A_6 = arith.constant 0 : index
    %get3A_7 = arith.constant 0 : index
    %get3A_8 = arith.constant 0 : index
    %get3A_9 = vector.load %arg2[%get3A_6, %get3A_7, %get3A_8] : memref<2x1000x128xf32, #tpu.memory_space<vmem>>, vector<1x1000x128xf32>
    %get3A_10 = vector.shape_cast %get3A_9 : vector<1x1000x128xf32> to vector<1000x128xf32>
    %get3A_11 = arith.constant 1 : index
    %get3A_12 = arith.constant 0 : index
    %get3A_13 = arith.constant 0 : index
    %get3A_14 = vector.load %arg2[%get3A_11, %get3A_12, %get3A_13] : memref<2x1000x128xf32, #tpu.memory_space<vmem>>, vector<1x1000x128xf32>
    %get3A_15 = vector.shape_cast %get3A_14 : vector<1x1000x128xf32> to vector<1000x128xf32>
    %add3A = arith.addf %get3A_10, %get3A_15 : vector<1000x128xf32>
    %get3A_16 = arith.constant 0 : index
    %get3A_17 = arith.constant 0 : index
    %get3A_18 = arith.constant 0 : index
    %get3A_19 = vector.load %arg3[%get3A_16, %get3A_17, %get3A_18] : memref<2x1000x8xf32, #tpu.memory_space<vmem>>, vector<1x1000x1xf32>
    %get3A_20 = vector.shape_cast %get3A_19 : vector<1x1000x1xf32> to vector<1000xf32>
    %get3A_21 = arith.constant 1 : index
    %get3A_22 = arith.constant 0 : index
    %get3A_23 = arith.constant 0 : index
    %get3A_24 = vector.load %arg3[%get3A_21, %get3A_22, %get3A_23] : memref<2x1000x8xf32, #tpu.memory_space<vmem>>, vector<1x1000x1xf32>
    %get3A_25 = vector.shape_cast %get3A_24 : vector<1x1000x1xf32> to vector<1000xf32>
    %add3A_26 = arith.addf %get3A_20, %get3A_25 : vector<1000xf32>
    %max3A = arith.constant 1.000000e+00 : f32
    %max3A_27 = vector.broadcast %max3A : f32 to vector<1000xf32>
    %max3A_28 = arith.maximumf %add3A_26, %max3A_27 : vector<1000xf32>
    %broadcast_in_dim3A_29 = vector.shape_cast %max3A_28 : vector<1000xf32> to vector<1000x1xf32>
    %div3A = vector.broadcast %broadcast_in_dim3A_29 : vector<1000x1xf32> to vector<1000x128xf32>
    %div3A_30 = arith.divf %add3A, %div3A : vector<1000x128xf32>
    %get3A_31 = arith.constant 0 : index
    %get3A_32 = arith.constant 0 : index
    %get3A_33 = vector.load %arg1[%get3A_31, %get3A_32] : memref<1000x128xf32, #tpu.memory_space<vmem>>, vector<1000x128xf32>
    %get3A_34 = arith.constant 0 : index
    %get3A_35 = arith.constant 0 : index
    %get3A_36 = vector.load %arg6[%get3A_34, %get3A_35] : memref<128x128xf32, #tpu.memory_space<vmem>>, vector<128x128xf32>
    %dot_general3A = arith.constant dense<0.000000e+00> : vector<1000x128xf32>
    %dot_general3A_37 = tpu.matmul %get3A_33, %get3A_36, %dot_general3A {dimension_numbers = #tpu.dot_dimension_numbers<[1], [1], [0], [0], [0, 0, 1, 0], [], []>, transpose_lhs_hint = false} : vector<1000x128xf32>, vector<128x128xf32>, vector<1000x128xf32> -> vector<1000x128xf32>
    %get3A_38 = arith.constant 0 : index
    %get3A_39 = arith.constant 0 : index
    %get3A_40 = vector.load %arg7[%get3A_38, %get3A_39] : memref<128x128xf32, #tpu.memory_space<vmem>>, vector<128x128xf32>
    %dot_general3A_41 = arith.constant dense<0.000000e+00> : vector<1000x128xf32>
    %dot_general3A_42 = tpu.matmul %div3A_30, %get3A_40, %dot_general3A_41 {dimension_numbers = #tpu.dot_dimension_numbers<[1], [1], [0], [0], [0, 0, 1, 0], [], []>, transpose_lhs_hint = false} : vector<1000x128xf32>, vector<128x128xf32>, vector<1000x128xf32> -> vector<1000x128xf32>
    %add3A_43 = arith.addf %dot_general3A_37, %dot_general3A_42 : vector<1000x128xf32>
    %get3A_44 = arith.constant 0 : index
    %get3A_45 = arith.constant 0 : index
    %get3A_46 = vector.load %arg5[%get3A_44, %get3A_45] : memref<16x128xf32, #tpu.memory_space<vmem>>, vector<16x128xf32>
    %dot_general3A_47 = arith.constant dense<0.000000e+00> : vector<1000x128xf32>
    %dot_general3A_48 = tpu.matmul %convert_element_type3A_5, %get3A_46, %dot_general3A_47 {dimension_numbers = #tpu.dot_dimension_numbers<[1], [0], [0], [1], [0, 0, 1, 1], [], []>, transpose_lhs_hint = false} : vector<1000x16xf32>, vector<16x128xf32>, vector<1000x128xf32> -> vector<1000x128xf32>
    %add3A_49 = arith.addf %add3A_43, %dot_general3A_48 : vector<1000x128xf32>
    %get3A_50 = arith.constant 0 : index
    %get3A_51 = arith.constant 0 : index
    %get3A_52 = vector.load %arg8[%get3A_50, %get3A_51] : memref<1x128xf32, #tpu.memory_space<vmem>>, vector<1x128xf32>
    %add3A_53 = vector.broadcast %get3A_52 : vector<1x128xf32> to vector<1000x128xf32>
    %add3A_54 = arith.addf %add3A_49, %add3A_53 : vector<1000x128xf32>
    %max3A_55 = arith.constant 0.000000e+00 : f32
    %max3A_56 = vector.broadcast %max3A_55 : f32 to vector<1000x128xf32>
    %max3A_57 = arith.maximumf %add3A_54, %max3A_56 : vector<1000x128xf32>
    %get3A_58 = arith.constant 0 : index
    %get3A_59 = arith.constant 0 : index
    %get3A_60 = vector.load %arg9[%get3A_58, %get3A_59] : memref<128x128xf32, #tpu.memory_space<vmem>>, vector<128x128xf32>
    %dot_general3A_61 = arith.constant dense<0.000000e+00> : vector<1000x128xf32>
    %dot_general3A_62 = tpu.matmul %max3A_57, %get3A_60, %dot_general3A_61 {dimension_numbers = #tpu.dot_dimension_numbers<[1], [1], [0], [0], [0, 0, 1, 0], [], []>, transpose_lhs_hint = false} : vector<1000x128xf32>, vector<128x128xf32>, vector<1000x128xf32> -> vector<1000x128xf32>
    %get3A_63 = arith.constant 0 : index
    %get3A_64 = arith.constant 0 : index
    %get3A_65 = vector.load %arg10[%get3A_63, %get3A_64] : memref<1x128xf32, #tpu.memory_space<vmem>>, vector<1x128xf32>
    %add3A_66 = vector.broadcast %get3A_65 : vector<1x128xf32> to vector<1000x128xf32>
    %add3A_67 = arith.addf %dot_general3A_62, %add3A_66 : vector<1000x128xf32>
    %get3A_68 = arith.constant 0 : index
    %get3A_69 = arith.constant 0 : index
    %get3A_70 = vector.load %arg11[%get3A_68, %get3A_69] : memref<1x128xf32, #tpu.memory_space<vmem>>, vector<1x128xf32>
    %get3A_71 = arith.constant 0 : index
    %get3A_72 = arith.constant 0 : index
    %get3A_73 = vector.load %arg12[%get3A_71, %get3A_72] : memref<1x128xf32, #tpu.memory_space<vmem>>, vector<1x128xf32>
    %reduce_sum3A = arith.constant dense<0.000000e+00> : vector<1000xf32>
    %reduce_sum3A_74 = vector.multi_reduction <add>, %add3A_67, %reduce_sum3A [1] : vector<1000x128xf32> to vector<1000xf32>
    %broadcast_in_dim3A_75 = vector.shape_cast %reduce_sum3A_74 : vector<1000xf32> to vector<1000x1xf32>
    %div3A_76 = arith.constant 1.280000e+02 : f32
    %div3A_77 = vector.broadcast %div3A_76 : f32 to vector<1000x1xf32>
    %div3A_78 = arith.divf %broadcast_in_dim3A_75, %div3A_77 : vector<1000x1xf32>
    %jit3A = arith.constant 0 : i32
    %reduce_sum3A_79 = arith.constant dense<0.000000e+00> : vector<1000xf32>
    %reduce_sum3A_80 = vector.multi_reduction <add>, %add3A_67, %reduce_sum3A_79 [1] : vector<1000x128xf32> to vector<1000xf32>
    %broadcast_in_dim3A_81 = vector.shape_cast %reduce_sum3A_80 : vector<1000xf32> to vector<1000x1xf32>
    %div3A_82 = arith.constant 1.280000e+02 : f32
    %div3A_83 = vector.broadcast %div3A_82 : f32 to vector<1000x1xf32>
    %div3A_84 = arith.divf %broadcast_in_dim3A_81, %div3A_83 : vector<1000x1xf32>
    %sub3A = vector.broadcast %div3A_84 : vector<1000x1xf32> to vector<1000x128xf32>
    %sub3A_85 = arith.subf %add3A_67, %sub3A : vector<1000x128xf32>
    %square3A = arith.mulf %sub3A_85, %sub3A_85 : vector<1000x128xf32>
    %convert_element_type3A_86 = arith.sitofp %jit3A : i32 to f32
    %sub3A_87 = arith.constant 1.280000e+02 : f32
    %sub3A_88 = arith.subf %sub3A_87, %convert_element_type3A_86 : f32
    %reduce_sum3A_89 = arith.constant dense<0.000000e+00> : vector<1000xf32>
    %reduce_sum3A_90 = vector.multi_reduction <add>, %square3A, %reduce_sum3A_89 [1] : vector<1000x128xf32> to vector<1000xf32>
    %broadcast_in_dim3A_91 = vector.shape_cast %reduce_sum3A_90 : vector<1000xf32> to vector<1000x1xf32>
    %div3A_92 = vector.broadcast %sub3A_88 : f32 to vector<1000x1xf32>
    %div3A_93 = arith.divf %broadcast_in_dim3A_91, %div3A_92 : vector<1000x1xf32>
    %gt3A = arith.constant 0.000000e+00 : f32
    %gt3A_94 = arith.cmpf ogt, %sub3A_88, %gt3A : f32
    %jit3A_95 = arith.constant 0x7FC00000 : f32
    %broadcast_in_dim3A_96 = vector.broadcast %jit3A_95 : f32 to vector<1000x1xf32>
    %select_n3A = arith.select %gt3A_94, %div3A_93, %broadcast_in_dim3A_96 : vector<1000x1xf32>
    %sub3A_97 = vector.broadcast %div3A_78 : vector<1000x1xf32> to vector<1000x128xf32>
    %sub3A_98 = arith.subf %add3A_67, %sub3A_97 : vector<1000x128xf32>
    %add3A_99 = arith.constant 9.99999974E-6 : f32
    %add3A_100 = vector.broadcast %add3A_99 : f32 to vector<1000x1xf32>
    %add3A_101 = arith.addf %select_n3A, %add3A_100 : vector<1000x1xf32>
    %rsqrt3A = math.rsqrt %add3A_101 : vector<1000x1xf32>
    %mul3A = vector.broadcast %rsqrt3A : vector<1000x1xf32> to vector<1000x128xf32>
    %mul3A_102 = arith.mulf %sub3A_98, %mul3A : vector<1000x128xf32>
    %mul3A_103 = vector.broadcast %get3A_70 : vector<1x128xf32> to vector<1000x128xf32>
    %mul3A_104 = arith.mulf %mul3A_102, %mul3A_103 : vector<1000x128xf32>
    %add3A_105 = vector.broadcast %get3A_73 : vector<1x128xf32> to vector<1000x128xf32>
    %add3A_106 = arith.addf %mul3A_104, %add3A_105 : vector<1000x128xf32>
    %max3A_107 = arith.constant 0.000000e+00 : f32
    %max3A_108 = vector.broadcast %max3A_107 : f32 to vector<1000x128xf32>
    %max3A_109 = arith.maximumf %add3A_106, %max3A_108 : vector<1000x128xf32>
    %swap3A = arith.constant 0 : index
    %swap3A_110 = arith.constant 0 : index
    %swap3A_111 = vector.load %arg13[%swap3A, %swap3A_110] : memref<1000x128xf32, #tpu.memory_space<vmem>>, vector<1000x128xf32>
    tpu.vector_store %arg13[%swap3A, %swap3A_110], %max3A_109 {strides = array<i32>} : memref<1000x128xf32, #tpu.memory_space<vmem>>, vector<1000x128xf32>,
    %eq3A_112 = arith.constant 0 : i32
    %eq3A_113 = arith.cmpi eq, %arg0, %eq3A_112 : i32
    %convert_element_type3A_114 = arith.extui %eq3A_113 : i1 to i32
    %cond3A = arith.constant 0 : i32
    %cond3A_115 = arith.cmpi ne, %convert_element_type3A_114, %cond3A : i32
    scf.if %cond3A_115 {
      %broadcast_in_dim3A_125 = arith.constant 0.000000e+00 : f32
      %broadcast_in_dim3A_126 = vector.broadcast %broadcast_in_dim3A_125 : f32 to vector<16x128xf32>
      %swap3A_127 = arith.constant 0 : index
      %swap3A_128 = arith.constant 0 : index
      %swap3A_129 = vector.load %arg14[%swap3A_127, %swap3A_128] : memref<16x128xf32, #tpu.memory_space<vmem>>, vector<16x128xf32>
      tpu.vector_store %arg14[%swap3A_127, %swap3A_128], %broadcast_in_dim3A_126 {strides = array<i32>} : memref<16x128xf32, #tpu.memory_space<vmem>>, vector<16x128xf32>,
    } else {
    }
    %get3A_116 = arith.constant 0 : index
    %get3A_117 = arith.constant 0 : index
    %get3A_118 = vector.load %arg14[%get3A_116, %get3A_117] : memref<16x128xf32, #tpu.memory_space<vmem>>, vector<16x128xf32>
    %dot_general3A_119 = arith.constant dense<0.000000e+00> : vector<16x128xf32>
    %dot_general3A_120 = tpu.matmul %convert_element_type3A_5, %max3A_109, %dot_general3A_119 {dimension_numbers = #tpu.dot_dimension_numbers<[0], [0], [1], [1], [0, 1, 1, 1], [], []>, transpose_lhs_hint = false} : vector<1000x16xf32>, vector<1000x128xf32>, vector<16x128xf32> -> vector<16x128xf32>
    %add3A_121 = arith.addf %get3A_118, %dot_general3A_120 : vector<16x128xf32>
    %swap3A_122 = arith.constant 0 : index
    %swap3A_123 = arith.constant 0 : index
    %swap3A_124 = vector.load %arg14[%swap3A_122, %swap3A_123] : memref<16x128xf32, #tpu.memory_space<vmem>>, vector<16x128xf32>
    tpu.vector_store %arg14[%swap3A_122, %swap3A_123], %add3A_121 {strides = array<i32>} : memref<16x128xf32, #tpu.memory_space<vmem>>, vector<16x128xf32>,
    return
  }
  func.func @transform_0(%arg0: i32) -> (i32, i32) {
    %c0_i32 = arith.constant 0 : i32
    %c0_i32_0 = arith.constant 0 : i32
    return %arg0, %c0_i32 : i32, i32
  }
  func.func @transform_1(%arg0: i32) -> (i32, i32, i32) {
    %c0_i32 = arith.constant 0 : i32
    %c0_i32_0 = arith.constant 0 : i32
    %c0_i32_1 = arith.constant 0 : i32
    return %c0_i32, %arg0, %c0_i32_0 : i32, i32, i32
  }
  func.func @transform_2(%arg0: i32) -> (i32, i32, i32) {
    %c0_i32 = arith.constant 0 : i32
    %c0_i32_0 = arith.constant 0 : i32
    %c0_i32_1 = arith.constant 0 : i32
    return %c0_i32, %arg0, %c0_i32_0 : i32, i32, i32
  }
  func.func @transform_3(%arg0: i32) -> (i32, i32, i32) {
    %c0_i32 = arith.constant 0 : i32
    %c0_i32_0 = arith.constant 0 : i32
    %c0_i32_1 = arith.constant 0 : i32
    return %arg0, %c0_i32, %c0_i32_0 : i32, i32, i32
  }
  func.func @transform_4(%arg0: i32) -> (i32, i32) {
    %c0_i32 = arith.constant 0 : i32
    %c0_i32_0 = arith.constant 0 : i32
    %c0_i32_1 = arith.constant 0 : i32
    return %c0_i32, %c0_i32_0 : i32, i32
  }
  func.func @transform_5(%arg0: i32) -> (i32, i32) {
    %c0_i32 = arith.constant 0 : i32
    %c0_i32_0 = arith.constant 0 : i32
    %c0_i32_1 = arith.constant 0 : i32
    return %c0_i32, %c0_i32_0 : i32, i32
  }
  func.func @transform_6(%arg0: i32) -> (i32, i32) {
    %c0_i32 = arith.constant 0 : i32
    %c0_i32_0 = arith.constant 0 : i32
    %c0_i32_1 = arith.constant 0 : i32
    return %c0_i32, %c0_i32_0 : i32, i32
  }
  func.func @transform_7(%arg0: i32) -> (i32, i32) {
    %c0_i32 = arith.constant 0 : i32
    %c0_i32_0 = arith.constant 0 : i32
    %c0_i32_1 = arith.constant 0 : i32
    return %c0_i32, %c0_i32_0 : i32, i32
  }
  func.func @transform_8(%arg0: i32) -> (i32, i32) {
    %c0_i32 = arith.constant 0 : i32
    %c0_i32_0 = arith.constant 0 : i32
    %c0_i32_1 = arith.constant 0 : i32
    return %c0_i32, %c0_i32_0 : i32, i32
  }
  func.func @transform_9(%arg0: i32) -> (i32, i32) {
    %c0_i32 = arith.constant 0 : i32
    %c0_i32_0 = arith.constant 0 : i32
    %c0_i32_1 = arith.constant 0 : i32
    return %c0_i32, %c0_i32_0 : i32, i32
  }
  func.func @transform_10(%arg0: i32) -> (i32, i32) {
    %c0_i32 = arith.constant 0 : i32
    %c0_i32_0 = arith.constant 0 : i32
    %c0_i32_1 = arith.constant 0 : i32
    return %c0_i32, %c0_i32_0 : i32, i32
  }
  func.func @transform_11(%arg0: i32) -> (i32, i32) {
    %c0_i32 = arith.constant 0 : i32
    %c0_i32_0 = arith.constant 0 : i32
    %c0_i32_1 = arith.constant 0 : i32
    return %c0_i32, %c0_i32_0 : i32, i32
  }
  func.func @transform_12(%arg0: i32) -> (i32, i32) {
    %c0_i32 = arith.constant 0 : i32
    %c0_i32_0 = arith.constant 0 : i32
    return %arg0, %c0_i32 : i32, i32
  }
  func.func @transform_13(%arg0: i32) -> (i32, i32) {
    %c0_i32 = arith.constant 0 : i32
    %c0_i32_0 = arith.constant 0 : i32
    %c0_i32_1 = arith.constant 0 : i32
    return %c0_i32, %c0_i32_0 : i32, i32
  }
}

module attributes {stable_mosaic.version = 14 : i64} {
  func.func @_glob_body(%arg0: memref<16x128xf32, #tpu.memory_space<vmem>>, %arg1: memref<16x128xf32, #tpu.memory_space<vmem>>, %arg2: memref<16x128xf32, #tpu.memory_space<vmem>>, %arg3: memref<128x128xf32, #tpu.memory_space<vmem>>, %arg4: memref<128x128xf32, #tpu.memory_space<vmem>>, %arg5: memref<128x128xf32, #tpu.memory_space<vmem>>, %arg6: memref<1x128xf32, #tpu.memory_space<vmem>>, %arg7: memref<128x128xf32, #tpu.memory_space<vmem>>, %arg8: memref<1x128xf32, #tpu.memory_space<vmem>>, %arg9: memref<1x128xf32, #tpu.memory_space<vmem>>, %arg10: memref<1x128xf32, #tpu.memory_space<vmem>>, %arg11: memref<16x128xf32, #tpu.memory_space<vmem>>) attributes {dimension_semantics = [], scalar_prefetch = 0 : i64, scratch_operands = 0 : i64, tpu.core_type = #tpu.core_type<tc>} {
    %get3A = arith.constant 0 : index
    %get3A_0 = arith.constant 0 : index
    %get3A_1 = vector.load %arg0[%get3A, %get3A_0] : memref<16x128xf32, #tpu.memory_space<vmem>>, vector<16x128xf32>
    %get3A_2 = arith.constant 0 : index
    %get3A_3 = arith.constant 0 : index
    %get3A_4 = vector.load %arg3[%get3A_2, %get3A_3] : memref<128x128xf32, #tpu.memory_space<vmem>>, vector<128x128xf32>
    %dot_general3A = arith.constant dense<0.000000e+00> : vector<16x128xf32>
    %dot_general3A_5 = tpu.matmul %get3A_1, %get3A_4, %dot_general3A {dimension_numbers = #tpu.dot_dimension_numbers<[1], [1], [0], [0], [0, 0, 1, 0], [], []>, transpose_lhs_hint = false} : vector<16x128xf32>, vector<128x128xf32>, vector<16x128xf32> -> vector<16x128xf32>
    %get3A_6 = arith.constant 0 : index
    %get3A_7 = arith.constant 0 : index
    %get3A_8 = vector.load %arg1[%get3A_6, %get3A_7] : memref<16x128xf32, #tpu.memory_space<vmem>>, vector<16x128xf32>
    %get3A_9 = arith.constant 0 : index
    %get3A_10 = arith.constant 0 : index
    %get3A_11 = vector.load %arg4[%get3A_9, %get3A_10] : memref<128x128xf32, #tpu.memory_space<vmem>>, vector<128x128xf32>
    %dot_general3A_12 = arith.constant dense<0.000000e+00> : vector<16x128xf32>
    %dot_general3A_13 = tpu.matmul %get3A_8, %get3A_11, %dot_general3A_12 {dimension_numbers = #tpu.dot_dimension_numbers<[1], [1], [0], [0], [0, 0, 1, 0], [], []>, transpose_lhs_hint = false} : vector<16x128xf32>, vector<128x128xf32>, vector<16x128xf32> -> vector<16x128xf32>
    %add3A = arith.addf %dot_general3A_5, %dot_general3A_13 : vector<16x128xf32>
    %get3A_14 = arith.constant 0 : index
    %get3A_15 = arith.constant 0 : index
    %get3A_16 = vector.load %arg2[%get3A_14, %get3A_15] : memref<16x128xf32, #tpu.memory_space<vmem>>, vector<16x128xf32>
    %get3A_17 = arith.constant 0 : index
    %get3A_18 = arith.constant 0 : index
    %get3A_19 = vector.load %arg5[%get3A_17, %get3A_18] : memref<128x128xf32, #tpu.memory_space<vmem>>, vector<128x128xf32>
    %dot_general3A_20 = arith.constant dense<0.000000e+00> : vector<16x128xf32>
    %dot_general3A_21 = tpu.matmul %get3A_16, %get3A_19, %dot_general3A_20 {dimension_numbers = #tpu.dot_dimension_numbers<[1], [1], [0], [0], [0, 0, 1, 0], [], []>, transpose_lhs_hint = false} : vector<16x128xf32>, vector<128x128xf32>, vector<16x128xf32> -> vector<16x128xf32>
    %add3A_22 = arith.addf %add3A, %dot_general3A_21 : vector<16x128xf32>
    %get3A_23 = arith.constant 0 : index
    %get3A_24 = arith.constant 0 : index
    %get3A_25 = vector.load %arg6[%get3A_23, %get3A_24] : memref<1x128xf32, #tpu.memory_space<vmem>>, vector<1x128xf32>
    %add3A_26 = vector.broadcast %get3A_25 : vector<1x128xf32> to vector<16x128xf32>
    %add3A_27 = arith.addf %add3A_22, %add3A_26 : vector<16x128xf32>
    %max3A = arith.constant 0.000000e+00 : f32
    %max3A_28 = vector.broadcast %max3A : f32 to vector<16x128xf32>
    %max3A_29 = arith.maximumf %add3A_27, %max3A_28 : vector<16x128xf32>
    %get3A_30 = arith.constant 0 : index
    %get3A_31 = arith.constant 0 : index
    %get3A_32 = vector.load %arg7[%get3A_30, %get3A_31] : memref<128x128xf32, #tpu.memory_space<vmem>>, vector<128x128xf32>
    %dot_general3A_33 = arith.constant dense<0.000000e+00> : vector<16x128xf32>
    %dot_general3A_34 = tpu.matmul %max3A_29, %get3A_32, %dot_general3A_33 {dimension_numbers = #tpu.dot_dimension_numbers<[1], [1], [0], [0], [0, 0, 1, 0], [], []>, transpose_lhs_hint = false} : vector<16x128xf32>, vector<128x128xf32>, vector<16x128xf32> -> vector<16x128xf32>
    %get3A_35 = arith.constant 0 : index
    %get3A_36 = arith.constant 0 : index
    %get3A_37 = vector.load %arg8[%get3A_35, %get3A_36] : memref<1x128xf32, #tpu.memory_space<vmem>>, vector<1x128xf32>
    %add3A_38 = vector.broadcast %get3A_37 : vector<1x128xf32> to vector<16x128xf32>
    %add3A_39 = arith.addf %dot_general3A_34, %add3A_38 : vector<16x128xf32>
    %get3A_40 = arith.constant 0 : index
    %get3A_41 = arith.constant 0 : index
    %get3A_42 = vector.load %arg9[%get3A_40, %get3A_41] : memref<1x128xf32, #tpu.memory_space<vmem>>, vector<1x128xf32>
    %get3A_43 = arith.constant 0 : index
    %get3A_44 = arith.constant 0 : index
    %get3A_45 = vector.load %arg10[%get3A_43, %get3A_44] : memref<1x128xf32, #tpu.memory_space<vmem>>, vector<1x128xf32>
    %reduce_sum3A = arith.constant dense<0.000000e+00> : vector<16xf32>
    %reduce_sum3A_46 = vector.multi_reduction <add>, %add3A_39, %reduce_sum3A [1] : vector<16x128xf32> to vector<16xf32>
    %broadcast_in_dim3A = vector.shape_cast %reduce_sum3A_46 : vector<16xf32> to vector<16x1xf32>
    %div3A = arith.constant 1.280000e+02 : f32
    %div3A_47 = vector.broadcast %div3A : f32 to vector<16x1xf32>
    %div3A_48 = arith.divf %broadcast_in_dim3A, %div3A_47 : vector<16x1xf32>
    %jit3A = arith.constant 0 : i32
    %reduce_sum3A_49 = arith.constant dense<0.000000e+00> : vector<16xf32>
    %reduce_sum3A_50 = vector.multi_reduction <add>, %add3A_39, %reduce_sum3A_49 [1] : vector<16x128xf32> to vector<16xf32>
    %broadcast_in_dim3A_51 = vector.shape_cast %reduce_sum3A_50 : vector<16xf32> to vector<16x1xf32>
    %div3A_52 = arith.constant 1.280000e+02 : f32
    %div3A_53 = vector.broadcast %div3A_52 : f32 to vector<16x1xf32>
    %div3A_54 = arith.divf %broadcast_in_dim3A_51, %div3A_53 : vector<16x1xf32>
    %sub3A = vector.broadcast %div3A_54 : vector<16x1xf32> to vector<16x128xf32>
    %sub3A_55 = arith.subf %add3A_39, %sub3A : vector<16x128xf32>
    %square3A = arith.mulf %sub3A_55, %sub3A_55 : vector<16x128xf32>
    %convert_element_type3A = arith.sitofp %jit3A : i32 to f32
    %sub3A_56 = arith.constant 1.280000e+02 : f32
    %sub3A_57 = arith.subf %sub3A_56, %convert_element_type3A : f32
    %reduce_sum3A_58 = arith.constant dense<0.000000e+00> : vector<16xf32>
    %reduce_sum3A_59 = vector.multi_reduction <add>, %square3A, %reduce_sum3A_58 [1] : vector<16x128xf32> to vector<16xf32>
    %broadcast_in_dim3A_60 = vector.shape_cast %reduce_sum3A_59 : vector<16xf32> to vector<16x1xf32>
    %div3A_61 = vector.broadcast %sub3A_57 : f32 to vector<16x1xf32>
    %div3A_62 = arith.divf %broadcast_in_dim3A_60, %div3A_61 : vector<16x1xf32>
    %gt3A = arith.constant 0.000000e+00 : f32
    %gt3A_63 = arith.cmpf ogt, %sub3A_57, %gt3A : f32
    %jit3A_64 = arith.constant 0x7FC00000 : f32
    %broadcast_in_dim3A_65 = vector.broadcast %jit3A_64 : f32 to vector<16x1xf32>
    %select_n3A = arith.select %gt3A_63, %div3A_62, %broadcast_in_dim3A_65 : vector<16x1xf32>
    %sub3A_66 = vector.broadcast %div3A_48 : vector<16x1xf32> to vector<16x128xf32>
    %sub3A_67 = arith.subf %add3A_39, %sub3A_66 : vector<16x128xf32>
    %add3A_68 = arith.constant 9.99999974E-6 : f32
    %add3A_69 = vector.broadcast %add3A_68 : f32 to vector<16x1xf32>
    %add3A_70 = arith.addf %select_n3A, %add3A_69 : vector<16x1xf32>
    %rsqrt3A = math.rsqrt %add3A_70 : vector<16x1xf32>
    %mul3A = vector.broadcast %rsqrt3A : vector<16x1xf32> to vector<16x128xf32>
    %mul3A_71 = arith.mulf %sub3A_67, %mul3A : vector<16x128xf32>
    %mul3A_72 = vector.broadcast %get3A_42 : vector<1x128xf32> to vector<16x128xf32>
    %mul3A_73 = arith.mulf %mul3A_71, %mul3A_72 : vector<16x128xf32>
    %add3A_74 = vector.broadcast %get3A_45 : vector<1x128xf32> to vector<16x128xf32>
    %add3A_75 = arith.addf %mul3A_73, %add3A_74 : vector<16x128xf32>
    %max3A_76 = arith.constant 0.000000e+00 : f32
    %max3A_77 = vector.broadcast %max3A_76 : f32 to vector<16x128xf32>
    %max3A_78 = arith.maximumf %add3A_75, %max3A_77 : vector<16x128xf32>
    %swap3A = arith.constant 0 : index
    %swap3A_79 = arith.constant 0 : index
    %swap3A_80 = vector.load %arg11[%swap3A, %swap3A_79] : memref<16x128xf32, #tpu.memory_space<vmem>>, vector<16x128xf32>
    tpu.vector_store %arg11[%swap3A, %swap3A_79], %max3A_78 {strides = array<i32>} : memref<16x128xf32, #tpu.memory_space<vmem>>, vector<16x128xf32>,
    return
  }
}

module attributes {stable_mosaic.version = 14 : i64} {
  func.func @_node_body(%arg0: i32, %arg1: memref<1000x128xf32, #tpu.memory_space<vmem>>, %arg2: memref<2x1000x128xf32, #tpu.memory_space<vmem>>, %arg3: memref<2x1000x8xf32, #tpu.memory_space<vmem>>, %arg4: memref<1x1x1000xi32, #tpu.memory_space<vmem>>, %arg5: memref<16x128xf32, #tpu.memory_space<vmem>>, %arg6: memref<128x128xf32, #tpu.memory_space<vmem>>, %arg7: memref<128x128xf32, #tpu.memory_space<vmem>>, %arg8: memref<1x128xf32, #tpu.memory_space<vmem>>, %arg9: memref<128x128xf32, #tpu.memory_space<vmem>>, %arg10: memref<1x128xf32, #tpu.memory_space<vmem>>, %arg11: memref<1x128xf32, #tpu.memory_space<vmem>>, %arg12: memref<1x128xf32, #tpu.memory_space<vmem>>, %arg13: memref<1000x128xf32, #tpu.memory_space<vmem>>, %arg14: memref<16x128xf32, #tpu.memory_space<vmem>>) attributes {dimension_semantics = [#tpu.dimension_semantics<arbitrary>], iteration_bounds = array<i64: 10>, scalar_prefetch = 0 : i64, scratch_operands = 0 : i64, tpu.core_type = #tpu.core_type<tc>, window_params = [{transform_indices = @transform_0, window_bounds = array<i64: 1000, 128>}, {transform_indices = @transform_1, window_bounds = array<i64: 2, 1000, 128>}, {transform_indices = @transform_2, window_bounds = array<i64: 2, 1000, 8>}, {transform_indices = @transform_3, window_bounds = array<i64: 1, 1, 1000>}, {pipeline_mode = #tpu.pipeline_mode<synchronous>, transform_indices = @transform_4, window_bounds = array<i64: 16, 128>}, {pipeline_mode = #tpu.pipeline_mode<synchronous>, transform_indices = @transform_5, window_bounds = array<i64: 128, 128>}, {pipeline_mode = #tpu.pipeline_mode<synchronous>, transform_indices = @transform_6, window_bounds = array<i64: 128, 128>}, {pipeline_mode = #tpu.pipeline_mode<synchronous>, transform_indices = @transform_7, window_bounds = array<i64: 1, 128>}, {pipeline_mode = #tpu.pipeline_mode<synchronous>, transform_indices = @transform_8, window_bounds = array<i64: 128, 128>}, {pipeline_mode = #tpu.pipeline_mode<synchronous>, transform_indices = @transform_9, window_bounds = array<i64: 1, 128>}, {pipeline_mode = #tpu.pipeline_mode<synchronous>, transform_indices = @transform_10, window_bounds = array<i64: 1, 128>}, {pipeline_mode = #tpu.pipeline_mode<synchronous>, transform_indices = @transform_11, window_bounds = array<i64: 1, 128>}, {transform_indices = @transform_12, window_bounds = array<i64: 1000, 128>}, {pipeline_mode = #tpu.pipeline_mode<synchronous>, transform_indices = @transform_13, window_bounds = array<i64: 16, 128>}]} {
    %get3A = arith.constant 0 : index
    %get3A_0 = arith.constant 0 : index
    %get3A_1 = arith.constant 0 : index
    %get3A_2 = vector.load %arg4[%get3A, %get3A_0, %get3A_1] : memref<1x1x1000xi32, #tpu.memory_space<vmem>>, vector<1x1x1000xi32>
    %get3A_3 = vector.shape_cast %get3A_2 : vector<1x1x1000xi32> to vector<1000xi32>
    %iota3A = tpu.iota {dimensions = array<i32: 1>} : vector<1000x16xi32>
    %broadcast_in_dim3A = vector.shape_cast %get3A_3 : vector<1000xi32> to vector<1000x1xi32>
    %eq3A = vector.broadcast %broadcast_in_dim3A : vector<1000x1xi32> to vector<1000x16xi32>
    %eq3A_4 = arith.cmpi eq, %iota3A, %eq3A : vector<1000x16xi32>
    %convert_element_type3A = arith.extui %eq3A_4 : vector<1000x16xi1> to vector<1000x16xi32>
    %convert_element_type3A_5 = arith.sitofp %convert_element_type3A : vector<1000x16xi32> to vector<1000x16xf32>
    %get3A_6 = arith.constant 0 : index
    %get3A_7 = arith.constant 0 : index
    %get3A_8 = arith.constant 0 : index
    %get3A_9 = vector.load %arg2[%get3A_6, %get3A_7, %get3A_8] : memref<2x1000x128xf32, #tpu.memory_space<vmem>>, vector<1x1000x128xf32>
    %get3A_10 = vector.shape_cast %get3A_9 : vector<1x1000x128xf32> to vector<1000x128xf32>
    %get3A_11 = arith.constant 1 : index
    %get3A_12 = arith.constant 0 : index
    %get3A_13 = arith.constant 0 : index
    %get3A_14 = vector.load %arg2[%get3A_11, %get3A_12, %get3A_13] : memref<2x1000x128xf32, #tpu.memory_space<vmem>>, vector<1x1000x128xf32>
    %get3A_15 = vector.shape_cast %get3A_14 : vector<1x1000x128xf32> to vector<1000x128xf32>
    %add3A = arith.addf %get3A_10, %get3A_15 : vector<1000x128xf32>
    %get3A_16 = arith.constant 0 : index
    %get3A_17 = arith.constant 0 : index
    %get3A_18 = arith.constant 0 : index
    %get3A_19 = vector.load %arg3[%get3A_16, %get3A_17, %get3A_18] : memref<2x1000x8xf32, #tpu.memory_space<vmem>>, vector<1x1000x1xf32>
    %get3A_20 = vector.shape_cast %get3A_19 : vector<1x1000x1xf32> to vector<1000xf32>
    %get3A_21 = arith.constant 1 : index
    %get3A_22 = arith.constant 0 : index
    %get3A_23 = arith.constant 0 : index
    %get3A_24 = vector.load %arg3[%get3A_21, %get3A_22, %get3A_23] : memref<2x1000x8xf32, #tpu.memory_space<vmem>>, vector<1x1000x1xf32>
    %get3A_25 = vector.shape_cast %get3A_24 : vector<1x1000x1xf32> to vector<1000xf32>
    %add3A_26 = arith.addf %get3A_20, %get3A_25 : vector<1000xf32>
    %max3A = arith.constant 1.000000e+00 : f32
    %max3A_27 = vector.broadcast %max3A : f32 to vector<1000xf32>
    %max3A_28 = arith.maximumf %add3A_26, %max3A_27 : vector<1000xf32>
    %broadcast_in_dim3A_29 = vector.shape_cast %max3A_28 : vector<1000xf32> to vector<1000x1xf32>
    %div3A = vector.broadcast %broadcast_in_dim3A_29 : vector<1000x1xf32> to vector<1000x128xf32>
    %div3A_30 = arith.divf %add3A, %div3A : vector<1000x128xf32>
    %get3A_31 = arith.constant 0 : index
    %get3A_32 = arith.constant 0 : index
    %get3A_33 = vector.load %arg1[%get3A_31, %get3A_32] : memref<1000x128xf32, #tpu.memory_space<vmem>>, vector<1000x128xf32>
    %get3A_34 = arith.constant 0 : index
    %get3A_35 = arith.constant 0 : index
    %get3A_36 = vector.load %arg6[%get3A_34, %get3A_35] : memref<128x128xf32, #tpu.memory_space<vmem>>, vector<128x128xf32>
    %dot_general3A = arith.constant dense<0.000000e+00> : vector<1000x128xf32>
    %dot_general3A_37 = tpu.matmul %get3A_33, %get3A_36, %dot_general3A {dimension_numbers = #tpu.dot_dimension_numbers<[1], [1], [0], [0], [0, 0, 1, 0], [], []>, transpose_lhs_hint = false} : vector<1000x128xf32>, vector<128x128xf32>, vector<1000x128xf32> -> vector<1000x128xf32>
    %get3A_38 = arith.constant 0 : index
    %get3A_39 = arith.constant 0 : index
    %get3A_40 = vector.load %arg7[%get3A_38, %get3A_39] : memref<128x128xf32, #tpu.memory_space<vmem>>, vector<128x128xf32>
    %dot_general3A_41 = arith.constant dense<0.000000e+00> : vector<1000x128xf32>
    %dot_general3A_42 = tpu.matmul %div3A_30, %get3A_40, %dot_general3A_41 {dimension_numbers = #tpu.dot_dimension_numbers<[1], [1], [0], [0], [0, 0, 1, 0], [], []>, transpose_lhs_hint = false} : vector<1000x128xf32>, vector<128x128xf32>, vector<1000x128xf32> -> vector<1000x128xf32>
    %add3A_43 = arith.addf %dot_general3A_37, %dot_general3A_42 : vector<1000x128xf32>
    %get3A_44 = arith.constant 0 : index
    %get3A_45 = arith.constant 0 : index
    %get3A_46 = vector.load %arg5[%get3A_44, %get3A_45] : memref<16x128xf32, #tpu.memory_space<vmem>>, vector<16x128xf32>
    %dot_general3A_47 = arith.constant dense<0.000000e+00> : vector<1000x128xf32>
    %dot_general3A_48 = tpu.matmul %convert_element_type3A_5, %get3A_46, %dot_general3A_47 {dimension_numbers = #tpu.dot_dimension_numbers<[1], [0], [0], [1], [0, 0, 1, 1], [], []>, transpose_lhs_hint = false} : vector<1000x16xf32>, vector<16x128xf32>, vector<1000x128xf32> -> vector<1000x128xf32>
    %add3A_49 = arith.addf %add3A_43, %dot_general3A_48 : vector<1000x128xf32>
    %get3A_50 = arith.constant 0 : index
    %get3A_51 = arith.constant 0 : index
    %get3A_52 = vector.load %arg8[%get3A_50, %get3A_51] : memref<1x128xf32, #tpu.memory_space<vmem>>, vector<1x128xf32>
    %add3A_53 = vector.broadcast %get3A_52 : vector<1x128xf32> to vector<1000x128xf32>
    %add3A_54 = arith.addf %add3A_49, %add3A_53 : vector<1000x128xf32>
    %max3A_55 = arith.constant 0.000000e+00 : f32
    %max3A_56 = vector.broadcast %max3A_55 : f32 to vector<1000x128xf32>
    %max3A_57 = arith.maximumf %add3A_54, %max3A_56 : vector<1000x128xf32>
    %get3A_58 = arith.constant 0 : index
    %get3A_59 = arith.constant 0 : index
    %get3A_60 = vector.load %arg9[%get3A_58, %get3A_59] : memref<128x128xf32, #tpu.memory_space<vmem>>, vector<128x128xf32>
    %dot_general3A_61 = arith.constant dense<0.000000e+00> : vector<1000x128xf32>
    %dot_general3A_62 = tpu.matmul %max3A_57, %get3A_60, %dot_general3A_61 {dimension_numbers = #tpu.dot_dimension_numbers<[1], [1], [0], [0], [0, 0, 1, 0], [], []>, transpose_lhs_hint = false} : vector<1000x128xf32>, vector<128x128xf32>, vector<1000x128xf32> -> vector<1000x128xf32>
    %get3A_63 = arith.constant 0 : index
    %get3A_64 = arith.constant 0 : index
    %get3A_65 = vector.load %arg10[%get3A_63, %get3A_64] : memref<1x128xf32, #tpu.memory_space<vmem>>, vector<1x128xf32>
    %add3A_66 = vector.broadcast %get3A_65 : vector<1x128xf32> to vector<1000x128xf32>
    %add3A_67 = arith.addf %dot_general3A_62, %add3A_66 : vector<1000x128xf32>
    %get3A_68 = arith.constant 0 : index
    %get3A_69 = arith.constant 0 : index
    %get3A_70 = vector.load %arg11[%get3A_68, %get3A_69] : memref<1x128xf32, #tpu.memory_space<vmem>>, vector<1x128xf32>
    %get3A_71 = arith.constant 0 : index
    %get3A_72 = arith.constant 0 : index
    %get3A_73 = vector.load %arg12[%get3A_71, %get3A_72] : memref<1x128xf32, #tpu.memory_space<vmem>>, vector<1x128xf32>
    %reduce_sum3A = arith.constant dense<0.000000e+00> : vector<1000xf32>
    %reduce_sum3A_74 = vector.multi_reduction <add>, %add3A_67, %reduce_sum3A [1] : vector<1000x128xf32> to vector<1000xf32>
    %broadcast_in_dim3A_75 = vector.shape_cast %reduce_sum3A_74 : vector<1000xf32> to vector<1000x1xf32>
    %div3A_76 = arith.constant 1.280000e+02 : f32
    %div3A_77 = vector.broadcast %div3A_76 : f32 to vector<1000x1xf32>
    %div3A_78 = arith.divf %broadcast_in_dim3A_75, %div3A_77 : vector<1000x1xf32>
    %jit3A = arith.constant 0 : i32
    %reduce_sum3A_79 = arith.constant dense<0.000000e+00> : vector<1000xf32>
    %reduce_sum3A_80 = vector.multi_reduction <add>, %add3A_67, %reduce_sum3A_79 [1] : vector<1000x128xf32> to vector<1000xf32>
    %broadcast_in_dim3A_81 = vector.shape_cast %reduce_sum3A_80 : vector<1000xf32> to vector<1000x1xf32>
    %div3A_82 = arith.constant 1.280000e+02 : f32
    %div3A_83 = vector.broadcast %div3A_82 : f32 to vector<1000x1xf32>
    %div3A_84 = arith.divf %broadcast_in_dim3A_81, %div3A_83 : vector<1000x1xf32>
    %sub3A = vector.broadcast %div3A_84 : vector<1000x1xf32> to vector<1000x128xf32>
    %sub3A_85 = arith.subf %add3A_67, %sub3A : vector<1000x128xf32>
    %square3A = arith.mulf %sub3A_85, %sub3A_85 : vector<1000x128xf32>
    %convert_element_type3A_86 = arith.sitofp %jit3A : i32 to f32
    %sub3A_87 = arith.constant 1.280000e+02 : f32
    %sub3A_88 = arith.subf %sub3A_87, %convert_element_type3A_86 : f32
    %reduce_sum3A_89 = arith.constant dense<0.000000e+00> : vector<1000xf32>
    %reduce_sum3A_90 = vector.multi_reduction <add>, %square3A, %reduce_sum3A_89 [1] : vector<1000x128xf32> to vector<1000xf32>
    %broadcast_in_dim3A_91 = vector.shape_cast %reduce_sum3A_90 : vector<1000xf32> to vector<1000x1xf32>
    %div3A_92 = vector.broadcast %sub3A_88 : f32 to vector<1000x1xf32>
    %div3A_93 = arith.divf %broadcast_in_dim3A_91, %div3A_92 : vector<1000x1xf32>
    %gt3A = arith.constant 0.000000e+00 : f32
    %gt3A_94 = arith.cmpf ogt, %sub3A_88, %gt3A : f32
    %jit3A_95 = arith.constant 0x7FC00000 : f32
    %broadcast_in_dim3A_96 = vector.broadcast %jit3A_95 : f32 to vector<1000x1xf32>
    %select_n3A = arith.select %gt3A_94, %div3A_93, %broadcast_in_dim3A_96 : vector<1000x1xf32>
    %sub3A_97 = vector.broadcast %div3A_78 : vector<1000x1xf32> to vector<1000x128xf32>
    %sub3A_98 = arith.subf %add3A_67, %sub3A_97 : vector<1000x128xf32>
    %add3A_99 = arith.constant 9.99999974E-6 : f32
    %add3A_100 = vector.broadcast %add3A_99 : f32 to vector<1000x1xf32>
    %add3A_101 = arith.addf %select_n3A, %add3A_100 : vector<1000x1xf32>
    %rsqrt3A = math.rsqrt %add3A_101 : vector<1000x1xf32>
    %mul3A = vector.broadcast %rsqrt3A : vector<1000x1xf32> to vector<1000x128xf32>
    %mul3A_102 = arith.mulf %sub3A_98, %mul3A : vector<1000x128xf32>
    %mul3A_103 = vector.broadcast %get3A_70 : vector<1x128xf32> to vector<1000x128xf32>
    %mul3A_104 = arith.mulf %mul3A_102, %mul3A_103 : vector<1000x128xf32>
    %add3A_105 = vector.broadcast %get3A_73 : vector<1x128xf32> to vector<1000x128xf32>
    %add3A_106 = arith.addf %mul3A_104, %add3A_105 : vector<1000x128xf32>
    %max3A_107 = arith.constant 0.000000e+00 : f32
    %max3A_108 = vector.broadcast %max3A_107 : f32 to vector<1000x128xf32>
    %max3A_109 = arith.maximumf %add3A_106, %max3A_108 : vector<1000x128xf32>
    %swap3A = arith.constant 0 : index
    %swap3A_110 = arith.constant 0 : index
    %swap3A_111 = vector.load %arg13[%swap3A, %swap3A_110] : memref<1000x128xf32, #tpu.memory_space<vmem>>, vector<1000x128xf32>
    tpu.vector_store %arg13[%swap3A, %swap3A_110], %max3A_109 {strides = array<i32>} : memref<1000x128xf32, #tpu.memory_space<vmem>>, vector<1000x128xf32>,
    %eq3A_112 = arith.constant 0 : i32
    %eq3A_113 = arith.cmpi eq, %arg0, %eq3A_112 : i32
    %convert_element_type3A_114 = arith.extui %eq3A_113 : i1 to i32
    %cond3A = arith.constant 0 : i32
    %cond3A_115 = arith.cmpi ne, %convert_element_type3A_114, %cond3A : i32
    scf.if %cond3A_115 {
      %broadcast_in_dim3A_125 = arith.constant 0.000000e+00 : f32
      %broadcast_in_dim3A_126 = vector.broadcast %broadcast_in_dim3A_125 : f32 to vector<16x128xf32>
      %swap3A_127 = arith.constant 0 : index
      %swap3A_128 = arith.constant 0 : index
      %swap3A_129 = vector.load %arg14[%swap3A_127, %swap3A_128] : memref<16x128xf32, #tpu.memory_space<vmem>>, vector<16x128xf32>
      tpu.vector_store %arg14[%swap3A_127, %swap3A_128], %broadcast_in_dim3A_126 {strides = array<i32>} : memref<16x128xf32, #tpu.memory_space<vmem>>, vector<16x128xf32>,
    } else {
    }
    %get3A_116 = arith.constant 0 : index
    %get3A_117 = arith.constant 0 : index
    %get3A_118 = vector.load %arg14[%get3A_116, %get3A_117] : memref<16x128xf32, #tpu.memory_space<vmem>>, vector<16x128xf32>
    %dot_general3A_119 = arith.constant dense<0.000000e+00> : vector<16x128xf32>
    %dot_general3A_120 = tpu.matmul %convert_element_type3A_5, %max3A_109, %dot_general3A_119 {dimension_numbers = #tpu.dot_dimension_numbers<[0], [0], [1], [1], [0, 1, 1, 1], [], []>, transpose_lhs_hint = false} : vector<1000x16xf32>, vector<1000x128xf32>, vector<16x128xf32> -> vector<16x128xf32>
    %add3A_121 = arith.addf %get3A_118, %dot_general3A_120 : vector<16x128xf32>
    %swap3A_122 = arith.constant 0 : index
    %swap3A_123 = arith.constant 0 : index
    %swap3A_124 = vector.load %arg14[%swap3A_122, %swap3A_123] : memref<16x128xf32, #tpu.memory_space<vmem>>, vector<16x128xf32>
    tpu.vector_store %arg14[%swap3A_122, %swap3A_123], %add3A_121 {strides = array<i32>} : memref<16x128xf32, #tpu.memory_space<vmem>>, vector<16x128xf32>,
    return
  }
  func.func @transform_0(%arg0: i32) -> (i32, i32) {
    %c0_i32 = arith.constant 0 : i32
    %c0_i32_0 = arith.constant 0 : i32
    return %arg0, %c0_i32 : i32, i32
  }
  func.func @transform_1(%arg0: i32) -> (i32, i32, i32) {
    %c0_i32 = arith.constant 0 : i32
    %c0_i32_0 = arith.constant 0 : i32
    %c0_i32_1 = arith.constant 0 : i32
    return %c0_i32, %arg0, %c0_i32_0 : i32, i32, i32
  }
  func.func @transform_2(%arg0: i32) -> (i32, i32, i32) {
    %c0_i32 = arith.constant 0 : i32
    %c0_i32_0 = arith.constant 0 : i32
    %c0_i32_1 = arith.constant 0 : i32
    return %c0_i32, %arg0, %c0_i32_0 : i32, i32, i32
  }
  func.func @transform_3(%arg0: i32) -> (i32, i32, i32) {
    %c0_i32 = arith.constant 0 : i32
    %c0_i32_0 = arith.constant 0 : i32
    %c0_i32_1 = arith.constant 0 : i32
    return %arg0, %c0_i32, %c0_i32_0 : i32, i32, i32
  }
  func.func @transform_4(%arg0: i32) -> (i32, i32) {
    %c0_i32 = arith.constant 0 : i32
    %c0_i32_0 = arith.constant 0 : i32
    %c0_i32_1 = arith.constant 0 : i32
    return %c0_i32, %c0_i32_0 : i32, i32
  }
  func.func @transform_5(%arg0: i32) -> (i32, i32) {
    %c0_i32 = arith.constant 0 : i32
    %c0_i32_0 = arith.constant 0 : i32
    %c0_i32_1 = arith.constant 0 : i32
    return %c0_i32, %c0_i32_0 : i32, i32
  }
  func.func @transform_6(%arg0: i32) -> (i32, i32) {
    %c0_i32 = arith.constant 0 : i32
    %c0_i32_0 = arith.constant 0 : i32
    %c0_i32_1 = arith.constant 0 : i32
    return %c0_i32, %c0_i32_0 : i32, i32
  }
  func.func @transform_7(%arg0: i32) -> (i32, i32) {
    %c0_i32 = arith.constant 0 : i32
    %c0_i32_0 = arith.constant 0 : i32
    %c0_i32_1 = arith.constant 0 : i32
    return %c0_i32, %c0_i32_0 : i32, i32
  }
  func.func @transform_8(%arg0: i32) -> (i32, i32) {
    %c0_i32 = arith.constant 0 : i32
    %c0_i32_0 = arith.constant 0 : i32
    %c0_i32_1 = arith.constant 0 : i32
    return %c0_i32, %c0_i32_0 : i32, i32
  }
  func.func @transform_9(%arg0: i32) -> (i32, i32) {
    %c0_i32 = arith.constant 0 : i32
    %c0_i32_0 = arith.constant 0 : i32
    %c0_i32_1 = arith.constant 0 : i32
    return %c0_i32, %c0_i32_0 : i32, i32
  }
  func.func @transform_10(%arg0: i32) -> (i32, i32) {
    %c0_i32 = arith.constant 0 : i32
    %c0_i32_0 = arith.constant 0 : i32
    %c0_i32_1 = arith.constant 0 : i32
    return %c0_i32, %c0_i32_0 : i32, i32
  }
  func.func @transform_11(%arg0: i32) -> (i32, i32) {
    %c0_i32 = arith.constant 0 : i32
    %c0_i32_0 = arith.constant 0 : i32
    %c0_i32_1 = arith.constant 0 : i32
    return %c0_i32, %c0_i32_0 : i32, i32
  }
  func.func @transform_12(%arg0: i32) -> (i32, i32) {
    %c0_i32 = arith.constant 0 : i32
    %c0_i32_0 = arith.constant 0 : i32
    return %arg0, %c0_i32 : i32, i32
  }
  func.func @transform_13(%arg0: i32) -> (i32, i32) {
    %c0_i32 = arith.constant 0 : i32
    %c0_i32_0 = arith.constant 0 : i32
    %c0_i32_1 = arith.constant 0 : i32
    return %c0_i32, %c0_i32_0 : i32, i32
  }
}

module attributes {stable_mosaic.version = 14 : i64} {
  func.func @_glob_body(%arg0: memref<16x128xf32, #tpu.memory_space<vmem>>, %arg1: memref<16x128xf32, #tpu.memory_space<vmem>>, %arg2: memref<16x128xf32, #tpu.memory_space<vmem>>, %arg3: memref<128x128xf32, #tpu.memory_space<vmem>>, %arg4: memref<128x128xf32, #tpu.memory_space<vmem>>, %arg5: memref<128x128xf32, #tpu.memory_space<vmem>>, %arg6: memref<1x128xf32, #tpu.memory_space<vmem>>, %arg7: memref<128x128xf32, #tpu.memory_space<vmem>>, %arg8: memref<1x128xf32, #tpu.memory_space<vmem>>, %arg9: memref<1x128xf32, #tpu.memory_space<vmem>>, %arg10: memref<1x128xf32, #tpu.memory_space<vmem>>, %arg11: memref<16x128xf32, #tpu.memory_space<vmem>>) attributes {dimension_semantics = [], scalar_prefetch = 0 : i64, scratch_operands = 0 : i64, tpu.core_type = #tpu.core_type<tc>} {
    %get3A = arith.constant 0 : index
    %get3A_0 = arith.constant 0 : index
    %get3A_1 = vector.load %arg0[%get3A, %get3A_0] : memref<16x128xf32, #tpu.memory_space<vmem>>, vector<16x128xf32>
    %get3A_2 = arith.constant 0 : index
    %get3A_3 = arith.constant 0 : index
    %get3A_4 = vector.load %arg3[%get3A_2, %get3A_3] : memref<128x128xf32, #tpu.memory_space<vmem>>, vector<128x128xf32>
    %dot_general3A = arith.constant dense<0.000000e+00> : vector<16x128xf32>
    %dot_general3A_5 = tpu.matmul %get3A_1, %get3A_4, %dot_general3A {dimension_numbers = #tpu.dot_dimension_numbers<[1], [1], [0], [0], [0, 0, 1, 0], [], []>, transpose_lhs_hint = false} : vector<16x128xf32>, vector<128x128xf32>, vector<16x128xf32> -> vector<16x128xf32>
    %get3A_6 = arith.constant 0 : index
    %get3A_7 = arith.constant 0 : index
    %get3A_8 = vector.load %arg1[%get3A_6, %get3A_7] : memref<16x128xf32, #tpu.memory_space<vmem>>, vector<16x128xf32>
    %get3A_9 = arith.constant 0 : index
    %get3A_10 = arith.constant 0 : index
    %get3A_11 = vector.load %arg4[%get3A_9, %get3A_10] : memref<128x128xf32, #tpu.memory_space<vmem>>, vector<128x128xf32>
    %dot_general3A_12 = arith.constant dense<0.000000e+00> : vector<16x128xf32>
    %dot_general3A_13 = tpu.matmul %get3A_8, %get3A_11, %dot_general3A_12 {dimension_numbers = #tpu.dot_dimension_numbers<[1], [1], [0], [0], [0, 0, 1, 0], [], []>, transpose_lhs_hint = false} : vector<16x128xf32>, vector<128x128xf32>, vector<16x128xf32> -> vector<16x128xf32>
    %add3A = arith.addf %dot_general3A_5, %dot_general3A_13 : vector<16x128xf32>
    %get3A_14 = arith.constant 0 : index
    %get3A_15 = arith.constant 0 : index
    %get3A_16 = vector.load %arg2[%get3A_14, %get3A_15] : memref<16x128xf32, #tpu.memory_space<vmem>>, vector<16x128xf32>
    %get3A_17 = arith.constant 0 : index
    %get3A_18 = arith.constant 0 : index
    %get3A_19 = vector.load %arg5[%get3A_17, %get3A_18] : memref<128x128xf32, #tpu.memory_space<vmem>>, vector<128x128xf32>
    %dot_general3A_20 = arith.constant dense<0.000000e+00> : vector<16x128xf32>
    %dot_general3A_21 = tpu.matmul %get3A_16, %get3A_19, %dot_general3A_20 {dimension_numbers = #tpu.dot_dimension_numbers<[1], [1], [0], [0], [0, 0, 1, 0], [], []>, transpose_lhs_hint = false} : vector<16x128xf32>, vector<128x128xf32>, vector<16x128xf32> -> vector<16x128xf32>
    %add3A_22 = arith.addf %add3A, %dot_general3A_21 : vector<16x128xf32>
    %get3A_23 = arith.constant 0 : index
    %get3A_24 = arith.constant 0 : index
    %get3A_25 = vector.load %arg6[%get3A_23, %get3A_24] : memref<1x128xf32, #tpu.memory_space<vmem>>, vector<1x128xf32>
    %add3A_26 = vector.broadcast %get3A_25 : vector<1x128xf32> to vector<16x128xf32>
    %add3A_27 = arith.addf %add3A_22, %add3A_26 : vector<16x128xf32>
    %max3A = arith.constant 0.000000e+00 : f32
    %max3A_28 = vector.broadcast %max3A : f32 to vector<16x128xf32>
    %max3A_29 = arith.maximumf %add3A_27, %max3A_28 : vector<16x128xf32>
    %get3A_30 = arith.constant 0 : index
    %get3A_31 = arith.constant 0 : index
    %get3A_32 = vector.load %arg7[%get3A_30, %get3A_31] : memref<128x128xf32, #tpu.memory_space<vmem>>, vector<128x128xf32>
    %dot_general3A_33 = arith.constant dense<0.000000e+00> : vector<16x128xf32>
    %dot_general3A_34 = tpu.matmul %max3A_29, %get3A_32, %dot_general3A_33 {dimension_numbers = #tpu.dot_dimension_numbers<[1], [1], [0], [0], [0, 0, 1, 0], [], []>, transpose_lhs_hint = false} : vector<16x128xf32>, vector<128x128xf32>, vector<16x128xf32> -> vector<16x128xf32>
    %get3A_35 = arith.constant 0 : index
    %get3A_36 = arith.constant 0 : index
    %get3A_37 = vector.load %arg8[%get3A_35, %get3A_36] : memref<1x128xf32, #tpu.memory_space<vmem>>, vector<1x128xf32>
    %add3A_38 = vector.broadcast %get3A_37 : vector<1x128xf32> to vector<16x128xf32>
    %add3A_39 = arith.addf %dot_general3A_34, %add3A_38 : vector<16x128xf32>
    %get3A_40 = arith.constant 0 : index
    %get3A_41 = arith.constant 0 : index
    %get3A_42 = vector.load %arg9[%get3A_40, %get3A_41] : memref<1x128xf32, #tpu.memory_space<vmem>>, vector<1x128xf32>
    %get3A_43 = arith.constant 0 : index
    %get3A_44 = arith.constant 0 : index
    %get3A_45 = vector.load %arg10[%get3A_43, %get3A_44] : memref<1x128xf32, #tpu.memory_space<vmem>>, vector<1x128xf32>
    %reduce_sum3A = arith.constant dense<0.000000e+00> : vector<16xf32>
    %reduce_sum3A_46 = vector.multi_reduction <add>, %add3A_39, %reduce_sum3A [1] : vector<16x128xf32> to vector<16xf32>
    %broadcast_in_dim3A = vector.shape_cast %reduce_sum3A_46 : vector<16xf32> to vector<16x1xf32>
    %div3A = arith.constant 1.280000e+02 : f32
    %div3A_47 = vector.broadcast %div3A : f32 to vector<16x1xf32>
    %div3A_48 = arith.divf %broadcast_in_dim3A, %div3A_47 : vector<16x1xf32>
    %jit3A = arith.constant 0 : i32
    %reduce_sum3A_49 = arith.constant dense<0.000000e+00> : vector<16xf32>
    %reduce_sum3A_50 = vector.multi_reduction <add>, %add3A_39, %reduce_sum3A_49 [1] : vector<16x128xf32> to vector<16xf32>
    %broadcast_in_dim3A_51 = vector.shape_cast %reduce_sum3A_50 : vector<16xf32> to vector<16x1xf32>
    %div3A_52 = arith.constant 1.280000e+02 : f32
    %div3A_53 = vector.broadcast %div3A_52 : f32 to vector<16x1xf32>
    %div3A_54 = arith.divf %broadcast_in_dim3A_51, %div3A_53 : vector<16x1xf32>
    %sub3A = vector.broadcast %div3A_54 : vector<16x1xf32> to vector<16x128xf32>
    %sub3A_55 = arith.subf %add3A_39, %sub3A : vector<16x128xf32>
    %square3A = arith.mulf %sub3A_55, %sub3A_55 : vector<16x128xf32>
    %convert_element_type3A = arith.sitofp %jit3A : i32 to f32
    %sub3A_56 = arith.constant 1.280000e+02 : f32
    %sub3A_57 = arith.subf %sub3A_56, %convert_element_type3A : f32
    %reduce_sum3A_58 = arith.constant dense<0.000000e+00> : vector<16xf32>
    %reduce_sum3A_59 = vector.multi_reduction <add>, %square3A, %reduce_sum3A_58 [1] : vector<16x128xf32> to vector<16xf32>
    %broadcast_in_dim3A_60 = vector.shape_cast %reduce_sum3A_59 : vector<16xf32> to vector<16x1xf32>
    %div3A_61 = vector.broadcast %sub3A_57 : f32 to vector<16x1xf32>
    %div3A_62 = arith.divf %broadcast_in_dim3A_60, %div3A_61 : vector<16x1xf32>
    %gt3A = arith.constant 0.000000e+00 : f32
    %gt3A_63 = arith.cmpf ogt, %sub3A_57, %gt3A : f32
    %jit3A_64 = arith.constant 0x7FC00000 : f32
    %broadcast_in_dim3A_65 = vector.broadcast %jit3A_64 : f32 to vector<16x1xf32>
    %select_n3A = arith.select %gt3A_63, %div3A_62, %broadcast_in_dim3A_65 : vector<16x1xf32>
    %sub3A_66 = vector.broadcast %div3A_48 : vector<16x1xf32> to vector<16x128xf32>
    %sub3A_67 = arith.subf %add3A_39, %sub3A_66 : vector<16x128xf32>
    %add3A_68 = arith.constant 9.99999974E-6 : f32
    %add3A_69 = vector.broadcast %add3A_68 : f32 to vector<16x1xf32>
    %add3A_70 = arith.addf %select_n3A, %add3A_69 : vector<16x1xf32>
    %rsqrt3A = math.rsqrt %add3A_70 : vector<16x1xf32>
    %mul3A = vector.broadcast %rsqrt3A : vector<16x1xf32> to vector<16x128xf32>
    %mul3A_71 = arith.mulf %sub3A_67, %mul3A : vector<16x128xf32>
    %mul3A_72 = vector.broadcast %get3A_42 : vector<1x128xf32> to vector<16x128xf32>
    %mul3A_73 = arith.mulf %mul3A_71, %mul3A_72 : vector<16x128xf32>
    %add3A_74 = vector.broadcast %get3A_45 : vector<1x128xf32> to vector<16x128xf32>
    %add3A_75 = arith.addf %mul3A_73, %add3A_74 : vector<16x128xf32>
    %max3A_76 = arith.constant 0.000000e+00 : f32
    %max3A_77 = vector.broadcast %max3A_76 : f32 to vector<16x128xf32>
    %max3A_78 = arith.maximumf %add3A_75, %max3A_77 : vector<16x128xf32>
    %swap3A = arith.constant 0 : index
    %swap3A_79 = arith.constant 0 : index
    %swap3A_80 = vector.load %arg11[%swap3A, %swap3A_79] : memref<16x128xf32, #tpu.memory_space<vmem>>, vector<16x128xf32>
    tpu.vector_store %arg11[%swap3A, %swap3A_79], %max3A_78 {strides = array<i32>} : memref<16x128xf32, #tpu.memory_space<vmem>>, vector<16x128xf32>,
    return
  }
}

</mosaic_0001>

<sc_bundles>
// kernel: scatter_offload_async_start.1
scs
__scs_entry_jumppad:
0x0: {  	(pc) =	sbr.rel $0x88, $3  }
0x1: {  	(tag) =	ssettag $0x0;
	lr =	simm.s32 $0x1  }
0x2: {  	[smem:$0x3F6D] =	sst lr;
	_ =	strace $0xD0000000  }
0x3: {  	_ = 	snop  }
0x4: {  	_ = 	snop  }
0x5: {  	_ = 	snop  }
0x6: {  	_ = 	snop  }
0x7: {  	_ = 	snop  }
__scs_overlays_trampoline_lowered:
0x8: {  	[smem:$0x3F7C] =	sst s0  }
0x9: {  	[smem:$0x3F7D] =	sst s1  }
0xa: {  	[smem:$0x3F7E] =	sst s2  }
0xb: {  	[smem:$0x3F7F] =	sst s3  }
0xc: {  	[smem:$0x3F80] =	sst s4  }
0xd: {  	[smem:$0x3F81] =	sst s5  }
0xe: {  	[smem:$0x3F82] =	sst s6  }
0xf: {  	[smem:$0x3F83] =	sst s7  }
0x10: {  	[smem:$0x3F84] =	sst s8  }
0x11: {  	[smem:$0x3F85] =	sst s9;
	s0 =	simm.s32 @!p0 $0x0  }
0x12: {  	s1 =	sld [smem:$0x3F6B];
	s0 =	simm.s32 @p0 $0x1  }
0x13: {  	[smem:$0x3F86] =	sst s0;
	s0 =	simm.s32 @!p1 $0x0  }
0x14: {  	s2 =	sld [smem:$0x3F6A];
	s0 =	simm.s32 @p1 $0x1  }
0x15: {  	[smem:$0x3F87] =	sst s0;
	s0 =	simm.s32 @!p2 $0x0  }
0x16: {  	s3 =	sld [smem:$0x3FDB];
	s0 =	simm.s32 @p2 $0x1  }
0x17: {  	s4 =	simm.s32 $0x1BF5;
	[smem:$0x3F89] =	sst s0  }
0x18: {  	s0 =	sld [smem:$0x3F6C];
	_ =	swait.ge [sflag:s4], $0x0  }
0x19: {  	s7 =	sld [smem:$0x3F6D]  }
0x1a: {  	s8 =	sadd.s32 $0xFFFFE003, lr  }
0x1b: {  	s9 =	sadd.s32 $0xFFFFFEF7, lr;
	s5 =	simm.s32 $0xFFFFFFFF;
	p2 =	slt.u32 s8, $0xFFFFF086  }
0x1c: {  	p1 =	slt.u32 s9, $0xF7A;
	s5 =	simm.s32 @!p2 $0x0  }
0x1d: {  	s5 =	simm.s32 @p1 $0x1;
	p0 =	seq.s32 s7, s2  }
0x1e: {  	s7 =	smul.u32 @!p0 $0xF7A, s2;
	p2 =	seq.s32 @!p0 s5, $0x0  }
0x1f: {  	s9 =	smul.u32 $0xF7A, s1;
	s8 =	simm.s32 @!p0 $0x1BF5;
	p2 =	por !p2, p0  }
0x20: {  	[sflag:s8] =	ssyncset.s32 @!p0 $0xFFFFF086;
	s6 =	sadd.s32 @!p0 s3, s7;
	s7 =	simm.s32 @!p0 $0x108  }
0x21: {  	s3 =	sadd.s32 s3, s9;
	s6 =	sadd.s32 @!p0 $0x88, s6;
	s7 =	simm.s32 @p2 $0x1082  }
0x22: {  	[simem:s7], [sflag:s8] =	dma.local @!p0 [hbm:s6], $0xF7A  }
0x23: {  	s9 =	sor.u32 $0xD0000000, s2;
	s6 =	simm.s32 $0x108;
	_ =	swait.ge @!p0 [sflag:s8], $0x0  }
0x24: {  	s3 =	sadd.s32 $0x88, s3;
	s6 =	simm.s32 @!p1 $0x1082;
	[sflag:s4] =	ssyncset.s32 $0xFFFFF086  }
0x25: {  	[simem:s6], [sflag:s4] =	dma.local [hbm:s3], $0xF7A  }
0x26: {  	[smem:$0x3F6D] =	sst s1;
	(tag) =	ssettag s2;
	_ =	strace s9  }
0x27: {  	s1 =	sld [smem:$0x3F7D]  }
0x28: {  	s2 =	sld [smem:$0x3F7E]  }
0x29: {  	s4 =	sld [smem:$0x3F80]  }
0x2a: {  	p0 =	seq.s32 s5, $0x0;
	s5 =	sld [smem:$0x3F81]  }
0x2b: {  	s6 =	sld [smem:$0x3F82]  }
0x2c: {  	s7 =	sld [smem:$0x3F83]  }
0x2d: {  	s3 =	simm.s32 $0x108;
	s8 =	sld [smem:$0x3F84]  }
0x2e: {  	s3 =	simm.s32 @!p0 $0x1082;
	s9 =	sld [smem:$0x3F85]  }
0x2f: {  	lr =	sadd.s32 s0, s3;
	s0 =	sld [smem:$0x3F7C]  }
0x30: {  	s3 =	sld [smem:$0x3F7F]  }
0x31: {  	[smem:$0x3F88] =	sst s10  }
0x32: {  	s10 =	sld [smem:$0x3F86];
	_ =	sdelay $0x3  }
0x33: {  	p0 =	seq.s32 s10, $0x1;
	s10 =	sld [smem:$0x3F88];
	_ =	sdelay $0x3  }
0x34: {  	[smem:$0x3F88] =	sst s10  }
0x35: {  	s10 =	sld [smem:$0x3F87];
	_ =	sdelay $0x3  }
0x36: {  	p1 =	seq.s32 s10, $0x1;
	s10 =	sld [smem:$0x3F88];
	_ =	sdelay $0x3  }
0x37: {  	[smem:$0x3F88] =	sst s10  }
0x38: {  	s10 =	sld [smem:$0x3F89]  }
0x39: {  	_ = 	snop;
	(pc) =	sbr.ind lr, $3  }
0x3a: {  	_ = 	snop  }
0x3b: {  	_ = 	snop  }
0x3c: {  	p2 =	seq.s32 s10, $0x1;
	s10 =	sld [smem:$0x3F88]  }
0x3d: {  	_ =	shalt  }
0x3e: {  	_ =	shalt  }
0x3f: {  	_ =	shalt  }
0x40: {  	_ =	shalt  }
0x41: {  	_ =	shalt  }
0x42: {  	_ =	shalt  }
0x43: {  	_ =	shalt  }
0x44: {  	_ =	shalt  }
0x45: {  	_ =	shalt  }
0x46: {  	_ =	shalt  }
0x47: {  	_ =	shalt  }
0x48: {  	_ =	shalt  }
0x49: {  	_ =	shalt  }
0x4a: {  	_ =	shalt  }
0x4b: {  	_ =	shalt  }
0x4c: {  	_ =	shalt  }
0x4d: {  	_ =	shalt  }
0x4e: {  	_ =	shalt  }
0x4f: {  	_ =	shalt  }
0x50: {  	_ =	shalt  }
0x51: {  	_ =	shalt  }
0x52: {  	_ =	shalt  }
0x53: {  	_ =	shalt  }
0x54: {  	_ =	shalt  }
0x55: {  	_ =	shalt  }
0x56: {  	_ =	shalt  }
0x57: {  	_ =	shalt  }
0x58: {  	_ =	shalt  }
0x59: {  	_ =	shalt  }
0x5a: {  	_ =	shalt  }
0x5b: {  	_ =	shalt  }
0x5c: {  	_ =	shalt  }
0x5d: {  	_ =	shalt  }
0x5e: {  	_ =	shalt  }
0x5f: {  	_ =	shalt  }
0x60: {  	_ =	shalt  }
0x61: {  	_ =	shalt  }
0x62: {  	_ =	shalt  }
0x63: {  	_ =	shalt  }
0x64: {  	_ =	shalt  }
0x65: {  	_ =	shalt  }
0x66: {  	_ =	shalt  }
0x67: {  	_ =	shalt  }
0x68: {  	_ =	shalt  }
0x69: {  	_ =	shalt  }
0x6a: {  	_ =	shalt  }
0x6b: {  	_ =	shalt  }
0x6c: {  	_ =	shalt  }
0x6d: {  	_ =	shalt  }
0x6e: {  	_ =	shalt  }
0x6f: {  	_ =	shalt  }
0x70: {  	_ =	shalt  }
0x71: {  	_ =	shalt  }
0x72: {  	_ =	shalt  }
0x73: {  	_ =	shalt  }
0x74: {  	_ =	shalt  }
0x75: {  	_ =	shalt  }
0x76: {  	_ =	shalt  }
0x77: {  	_ =	shalt  }
0x78: {  	_ =	shalt  }
0x79: {  	_ =	shalt  }
0x7a: {  	_ =	shalt  }
0x7b: {  	_ =	shalt  }
0x7c: {  	_ =	shalt  }
0x7d: {  	_ =	shalt  }
0x7e: {  	_ =	shalt  }
0x7f: {  	_ =	shalt  }
0x80: {  	_ =	shalt  }
0x81: {  	_ =	shalt  }
0x82: {  	_ =	shalt  }
0x83: {  	_ =	shalt  }
0x84: {  	_ =	shalt  }
0x85: {  	_ =	shalt  }
0x86: {  	_ =	shalt  }
0x87: {  	_ =	shalt  }
.Lfunc_end0:
.L_simem_size_0:
called_computation.1_lowered:
.L_overlay_start_0:
0x88: {  	s2 =	sld [smem:$0x3FD9]  }
0x89: {  	s3 =	sld [smem:$0x3FFE];
	_ =	sdelay $0x1  }
0x8a: {  	s1 =	srdreg.scid  }
0x8b: {  	s0 =	sand.u32 $0x1, s1  }
0x8c: {  	s10 =	sshll.u32 s0, $0xA;
	s2 =	sadd.s32 s3, s2  }
0x8d: {  	s2 =	sadd.s32 s2, s10  }
0x8e: {  	[smem:$0x3F94] =	sst s2  }
0x8f: {  	_ = 	snop  }
0x90: {  	s2 =	sld [smem:$0x3FD0];
	_ =	sdelay $0x2  }
0x91: {  	s11 =	simm.s32 $0xC;
	s4 =	simm.s32 $0x10  }
0x92: {  	[smem:s4], [sflag:s11] =	dma.local [hbm:s2], $0x1  }
0x93: {  	_ =	swait.eq [sflag:s11], $0x1  }
0x94: {  	[sflag:s11] =	ssyncset.done $0x0  }
0x95: {  	[sflag:s11] =	ssyncadd.s32 $0xFFFFFFFF  }
0x96: {  	s12 =	sld [smem:$0x11];
	(tm) =	ssettm $0x1  }
0x97: {  	s13 =	sld [smem:$0x3FFB];
	_ =	sdelay $0x3  }
0x98: {  	_ =	strace s13  }
0x99: {  	s2 =	sld [smem:$0x3FFC];
	_ =	sdelay $0x3  }
0x9a: {  	_ =	strace s2  }
0x9b: {  	s2 =	sld [smem:$0x3FFD];
	_ =	sdelay $0x3  }
0x9c: {  	_ =	strace s2  }
0x9d: {  	_ =	strace $0x8FFFFFFF  }
0x9e: {  	s14 =	sld [smem:$0x3FDB];
	_ =	sdelay $0x1  }
0x9f: {  	s15 =	simm.s32 $_scs_section_size  }
0xa0: {  	s5 =	simm.s32 $_size__tile_overlayer_lowered;
	s6 =	simm.s32 $_tile_overlayer_lowered  }
0xa1: {  	s19 =	simm.s32 $0x1BFF;
	s17 =	sshll.u32 s6, $0x1;
	s7 =	sadd.s32 s15, s14  }
0xa2: {  	s20 =	simm.s32 $0x0;
	s16 =	sshll.u32 s5, $0x1;
	s18 =	sadd.s32 s17, s7  }
0xa3: {  	[timem:s20], [sflag:s19] =	dma.local [hbm:s18], s16  }
0xa4: {  	_ =	swait.ge [sflag:s19], s16  }
0xa5: {  	s4 =	ssub.s32 $0x0, s16;
	[sflag:s19] =	ssyncset.done $0x0  }
0xa6: {  	[sflag:s19] =	ssyncadd.s32 s4;
	_ =	sdelay $0x1  }
0xa7: {  	s21 =	simm.s32 $0x1B8B  }
0xa8: {  	_ =	swait.ge [sflag:s21], $0x1  }
0xa9: {  	[sflag:s21] =	ssyncset.done $0x0  }
0xaa: {  	[sflag:s21] =	ssyncadd.s32 $0xFFFFFFFF  }
0xab: {  	s4 =	sld [smem:$0x0]  }
0xac: {  	s5 =	sand.u32 $0xFFFFFFFE, s1  }
0xad: {  	p0 =	sne.s32 s1, s5  }
0xae: {  	s5 =	sshll.u32 @p0 s5, $0xE  }
0xaf: {  	s6 =	sadd.s32 @p0 $0x11B8D, s5;
	s8 =	sshll.u32 @p0 s4, $0x11  }
0xb0: {  	s6 =	sor.u32 @p0 s8, s6  }
0xb1: {  	[sflag:s6] =	ssyncadd.remote.s32 @p0 $0x1;
	_ =	sdelay $0x1  }
0xb2: {  	s6 =	simm.s32 @p0 $0x1B8D  }
0xb3: {  	_ =	swait.eq @p0 [sflag:s6], $0x1  }
0xb4: {  	[sflag:s6] =	ssyncadd.s32 @p0 $0xFFFFFFFF  }
0xb5: {  	s8 =	sshll.u32 @!p0 s1, $0xE  }
0xb6: {  	s8 =	sor.u32 @!p0 $0x4000, s8;
	s6 =	simm.s32 @!p0 $0x1B8D  }
0xb7: {  	s10 =	sshll.u32 @!p0 s4, $0x11;
	s9 =	sadd.s32 @!p0 $0x11B8D, s8;
	_ =	swait.eq @!p0 [sflag:s6], $0x1  }
0xb8: {  	[sflag:s6] =	ssyncadd.s32 @!p0 $0xFFFFFFFF;
	s6 =	sor.u32 @!p0 s10, s9  }
0xb9: {  	s23 =	simm.s32 $0x1B8E;
	s22 =	sld [smem:$0x3FFE];
	[sflag:s6] =	ssyncadd.remote.s32 @!p0 $0x1  }
0xba: {  	s24 =	simm.s32 $execute0_lowered;
	[smem:$0x3FD2] =	sst s23  }
0xbb: {  	s9 =	sshll.u32 s24, $0x1;
	_ =	strace $0x80000049;
	[dreg:$0x1] =	wrdreg $0xFFFFFFFF  }
0xbc: {  	s25 =	simm.s32 $_size_execute0_lowered;
	s9 =	sadd.s32 s7, s9;
	[dreg:$0x0] =	wrdreg $0x0  }
0xbd: {  	s10 =	sshll.u32 s25, $0x1;
	[dreg:$0x2] =	wrdreg s9  }
0xbe: {  	[dreg:$0x3] =	wrdreg s10  }
0xbf: {  	[dreg:$0x4] =	wrdreg $0xC0  }
0xc0: {  	s26 =	simm.s32 $execute1_lowered;
	_ =	task [dreg:s20], $0x5FFFF  }
0xc1: {  	s9 =	sshll.u32 s26, $0x1;
	[dreg:$0x1] =	wrdreg $0xFFFFFFFF  }
0xc2: {  	s7 =	sadd.s32 s7, s9;
	[dreg:$0x0] =	wrdreg $0x60  }
0xc3: {  	[dreg:$0x2] =	wrdreg s7  }
0xc4: {  	[dreg:$0x3] =	wrdreg s22  }
0xc5: {  	[dreg:$0x4] =	wrdreg s12  }
0xc6: {  	[dreg:$0x5] =	wrdreg $0xA  }
0xc7: {  	_ =	task.clear_ibuf [dreg:s20], $0x6FFFF;
	_ =	strace $0x90000049  }
0xc8: {  	s28 =	simm.s32 $0xA;
	_ =	strace $0x8000004B  }
0xc9: {  	_ =	swait.ge [sflag:s28], $0x1  }
0xca: {  	[sflag:s28] =	ssyncadd.s32 $0xFFFFFFFF  }
0xcb: {  	_ =	strace $0x9000004B  }
0xcc: {  	s7 =	sld [smem:$0x0];
	_ =	sdelay $0x3  }
0xcd: {  	s5 =	sadd.s32 @p0 $0x11BF3, s5;
	s9 =	sshll.u32 @p0 s7, $0x11  }
0xce: {  	s5 =	sor.u32 @p0 s9, s5  }
0xcf: {  	[sflag:s5] =	ssyncadd.remote.s32 @p0 $0x1;
	_ =	sdelay $0x1  }
0xd0: {  	s5 =	simm.s32 @p0 $0x1BF3  }
0xd1: {  	_ =	swait.eq @p0 [sflag:s5], $0x1  }
0xd2: {  	[sflag:s5] =	ssyncadd.s32 @p0 $0xFFFFFFFF;
	_ =	sdelay $0x1  }
0xd3: {  	s5 =	simm.s32 @!p0 $0x1BF3  }
0xd4: {  	s8 =	sadd.s32 @!p0 $0x11BF3, s8;
	s7 =	sshll.u32 @!p0 s7, $0x11;
	_ =	swait.eq @!p0 [sflag:s5], $0x1  }
0xd5: {  	[sflag:s5] =	ssyncadd.s32 @!p0 $0xFFFFFFFF;
	s5 =	sor.u32 @!p0 s7, s8  }
0xd6: {  	[sflag:s5] =	ssyncadd.remote.s32 @!p0 $0x1  }
0xd7: {  	_ =	strace $0x8000004C;
	[dreg:$0x1] =	wrdreg $0xFFFFFFFF  }
0xd8: {  	[dreg:$0x0] =	wrdreg $0x2030  }
0xd9: {  	[dreg:$0x2] =	wrdreg s12  }
0xda: {  	[dreg:$0x3] =	wrdreg s22  }
0xdb: {  	[dreg:$0x4] =	wrdreg s1  }
0xdc: {  	[dreg:$0x5] =	wrdreg s4  }
0xdd: {  	[dreg:$0x6] =	wrdreg $0xB  }
0xde: {  	_ =	task.clear_ibuf [dreg:s20], $0x7FFFF;
	_ =	strace $0x9000004C  }
0xdf: {  	s29 =	simm.s32 $0xB;
	_ =	strace $0x8000004E  }
0xe0: {  	_ =	swait.ge [sflag:s29], $0x1  }
0xe1: {  	[sflag:s29] =	ssyncadd.s32 $0xFFFFFFFF  }
0xe2: {  	_ =	strace $0x9000004E  }
0xe3: {  	_ =	sfence  }
0xe4: {  	s30 =	sld [smem:$0x0];
	_ =	sdelay $0x2  }
0xe5: {  	s31 =	sshll.u32 s1, $0xD;
	s1 =	sshrl.u32 s1, $0x2  }
0xe6: {  	s4 =	sand.u32 $0x4000, s31;
	s1 =	sadd.s32 s1, s30  }
0xe7: {  	s0 =	sor.u32 s4, s0;
	s1 =	sshll.u32 s1, $0x11  }
0xe8: {  	s0 =	sor.u32 s1, s0  }
0xe9: {  	s0 =	sadd.s32 $0x8F2B, s0  }
0xea: {  	[sflag:s0] =	ssyncadd.remote.s32 $0x1  }
0xeb: {  	_ =	sfence.sel $0xFFFF  }
0xec: {  	[dreg:$0x0] =	wrdreg $0xFFFFFFFF;
	(pc) =	sbr.abs _section_cstart, $3  }
0xed: {  	[dreg:$0x1] =	wrdreg $0xFFFFFFFF  }
0xee: {  	_ =	task.clear_ibuf [dreg:s20], $0x2FFFF;
	_ =	strace $0x9FFFFFFF  }
0xef: {  	(tm) =	ssettm $0x7FFFFFFF  }
tec
execute0_lowered:
.L_overlay_start_1:
0x0: {  	(tag) =	ssettag $0x1  }
0x1: {  	s3 =	rddreg [dreg:$0x0]  }
0x2: {  	s4 =	rddreg [dreg:$0x1]  }
0x3: {  	s2 =	rddreg [dreg:$0x2]  }
0x4: {  	s0 =	rddreg [dreg:$0x3]  }
0x5: {  	s5 =	stileid.u32;
	[bflag:$0x3] =	sbarrier.arrive $0xFFFF;
	s1 =	simm.s32 $_size_execute1_lowered  }
0x6: {  	s29 =	srdreg.scid;
	s31 =	simm.s32 $0x2;
	p0 =	sne.s32 s5, $0x0  }
0x7: {  	s1 =	sshll.u32 s1, $0x1;
	s6 =	simm.s32 @!p0 $0x1C3F;
	s7 =	simm.s32 @!p0 $0x4060  }
0x8: {  	[timem:s7], [sflag:s6] =	dma.local @!p0 [hbm:s3], s1  }
0x9: {  	s8 =	simm.s32 $0x0;
	s12 =	simm.s32 $0x0;
	s3 =	sshll.u32 s29, $0x7  }
.Ltmp0:
0xa: {  	s5 =	sshll.u32 s5, $0x8;
	s3 =	sand.u32 $0x80, s3;
	(pc) =	sbr.rel .LBB2_1-.Ltmp0, $4  }
0xb: {  	s10 =	simm.s32 $0x0;
	s11 =	simm.s32 $0x0;
	s3 =	sor.u32 s5, s3  }
0xc: {  	_ =	strace $0x8000004A;
	s5 =	simm.s32 $0x1;
	s30 =	ssub.s32 $0x2700, s3  }
0xd: {  	s4 =	sadd.s32 $0x55C000, s4;
	[sflag:s5] =	ssyncpa.u1 $0x0;
	s6 =	sshrl.u32 s30, $0xC  }
0xe: {  	s9 =	smov.u32 s3;
	[sflag:s31] =	ssyncpa.u1 $0x0;
	s7 =	sadd.s32 $0x2, s6  }
.LBB2_4:
0xf: {  	_ = 	snop  }
.LBB2_7:
0x10: {  	_ =	sdelay $0x3  }
0x11: {  	[tilespmem:v0+s16+$0x0 ss:$0x1] =	vst.idx.msk @p1 $0xffff, v2  }
0x12: {  	v56 =	vld.idx.msk [tilespmem:v1+s15+$0x0 ss:$0x1], $0xffff;
	s24 =	sor.u32 $0x70, s15;
	[tilespmem:v0+s17+$0x0 ss:$0x1] =	vst.idx.msk @p1 $0xffff, v4  }
0x13: {  	s25 =	sor.u32 $0x10, s15;
	[tilespmem:v0+s18+$0x0 ss:$0x1] =	vst.idx.msk @p1 $0xffff, v3;
	v57 =	vld.idx.msk [tilespmem:v1+s24+$0x0 ss:$0x1], $0xffff  }
0x14: {  	s26 =	sor.u32 $0x20, s15;
	[tilespmem:v0+s19+$0x0 ss:$0x1] =	vst.idx.msk @p1 $0xffff, v5;
	v58 =	vld.idx.msk [tilespmem:v1+s25+$0x0 ss:$0x1], $0xffff  }
0x15: {  	s28 =	sor.u32 $0x30, s15;
	[tilespmem:v0+s20+$0x0 ss:$0x1] =	vst.idx.msk @p1 $0xffff, v6;
	v59 =	vld.idx.msk [tilespmem:v1+s26+$0x0 ss:$0x1], $0xffff  }
0x16: {  	s29 =	sor.u32 $0x40, s15;
	[tilespmem:v0+s21+$0x0 ss:$0x1] =	vst.idx.msk @p1 $0xffff, v7;
	v60 =	vld.idx.msk [tilespmem:v1+s28+$0x0 ss:$0x1], $0xffff  }
0x17: {  	s30 =	sor.u32 $0x50, s15;
	v61 =	vld.idx.msk [tilespmem:v1+s29+$0x0 ss:$0x1], $0xffff;
	[tilespmem:v0+s15+$0x0 ss:$0x1] =	vst.idx.msk $0xffff, v56  }
0x18: {  	s31 =	sor.u32 $0x60, s15;
	v62 =	vld.idx.msk [tilespmem:v1+s30+$0x0 ss:$0x1], $0xffff;
	[tilespmem:v0+s24+$0x0 ss:$0x1] =	vst.idx.msk $0xffff, v57  }
0x19: {  	v63 =	vld.idx.msk [tilespmem:v1+s31+$0x0 ss:$0x1], $0xffff;
	[tilespmem:v0+s25+$0x0 ss:$0x1] =	vst.idx.msk $0xffff, v58  }
0x1a: {  	[tilespmem:v0+s26+$0x0 ss:$0x1] =	vst.idx.msk $0xffff, v59  }
0x1b: {  	[tilespmem:v0+s28+$0x0 ss:$0x1] =	vst.idx.msk $0xffff, v60  }
0x1c: {  	[tilespmem:v0+s29+$0x0 ss:$0x1] =	vst.idx.msk $0xffff, v61  }
0x1d: {  	[tilespmem:v0+s30+$0x0 ss:$0x1] =	vst.idx.msk $0xffff, v62  }
0x1e: {  	[tilespmem:v0+s31+$0x0 ss:$0x1] =	vst.idx.msk $0xffff, v63  }
.LBB2_8:
0x1f: {  	s15 =	sand.u32 $0x1FFFFFF, s10  }
0x20: {  	s16 =	smulhi.u32 $0x1A36E2F, s15;
	_ =	sdelay $0x1  }
0x21: {  	s16 =	sshrl.u32 s16, $0x6  }
0x22: {  	s16 =	smul.u32 $0x2710, s16;
	_ =	sdelay $0x1  }
0x23: {  	s15 =	ssub.s32 s15, s16  }
0x24: {  	s15 =	sshll.u32 s15, $0x4  }
0x25: {  	s15 =	sadd.s32 s2, s15  }
0x26: {  	[hbm4b:s15+s8] =	stream.linear.scatter [tilespmem:s14], [sflag:$0x2], s13, $0x38;
	[tilespmem:$0x10000] =	vst v63  }
.LBB2_9:
0x27: {  	p1 =	slt.u32 s11, $0x2  }
0x28: {  	p2 =	sgt.s32 @!p1 s12, $0x2690  }
0x29: {  	s13 =	smov.u32 s12;
	s14 =	sshra.s32 @!p1 s12, $0x1F;
	p2 =	por !p2, p1  }
0x2a: {  	s12 =	sand.u32 @!p1 s14, s12;
	s13 =	simm.s32 @p2 $0x2690  }
0x2b: {  	s12 =	ssub.s32 @!p1 s13, s12  }
0x2c: {  	s12 =	sadd.s32 @!p1 $0xFFFFD970, s12  }
0x2d: {  	s13 =	sshll.u32 @!p1 s12, $0x9  }
0x2e: {  	p2 =	sgt.s32 @!p1 s12, $0x7F;
	s12 =	ssub.s32 @!p1 $0x10000, s13  }
0x2f: {  	s14 =	sadd.s32 $0x1000, s9;
	p2 =	por !p2, p1;
	s12 =	sshrl.u32 @!p1 s12, $0x2  }
0x30: {  	s12 =	simm.s32 @!p2 $0x0;
	p2 =	sgt.s32 s14, $0x270F  }
0x31: {  	s14 =	smov.u32 @p2 s3;
	p2 =	sne.s32 s11, s7  }
.Ltmp1:
0x32: {  	_ = 	snop;
	(pc) =	sbr.rel @!p2 .LBB2_10-.Ltmp1, $4  }
0x33: {  	s13 =	simm.s32 @!p1 $0x2  }
0x34: {  	_ =	swait.ge @!p1 [sflag:s13], s12;
	s15 =	ssub.s32 @!p1 $0x0, s12  }
0x35: {  	s12 =	smov.u32 s10;
	s11 =	sadd.s32 $0x1, s11;
	[sflag:s13] =	ssyncset.done @!p1 $0x0  }
0x36: {  	s10 =	smov.u32 s9;
	s9 =	smov.u32 s14;
	[sflag:s13] =	ssyncadd.s32 @!p1 s15  }
.LBB2_1:
0x37: {  	p1 =	sgt.u32 s11, s6  }
0x38: {  	s13 =	sand.u32 @!p1 $0x1FFFFFF, s9  }
0x39: {  	p2 =	sgt.s32 @!p1 s9, $0x2690;
	s14 =	smulhi.u32 @!p1 $0x1A36E2F, s13  }
0x3a: {  	s15 =	smov.u32 s9;
	s16 =	sshra.s32 @!p1 s9, $0x1F;
	p2 =	por !p2, p1  }
0x3b: {  	s16 =	sand.u32 @!p1 s16, s9;
	s15 =	simm.s32 @p2 $0x2690;
	s14 =	sshrl.u32 @!p1 s14, $0x6  }
0x3c: {  	s15 =	ssub.s32 @!p1 s15, s16;
	s14 =	smul.u32 @!p1 $0x2710, s14  }
0x3d: {  	s16 =	sxor.u32 @!p1 $0xFFFFFFFF, s11;
	s15 =	sadd.s32 @!p1 $0xFFFFD970, s15  }
0x3e: {  	s16 =	sshll.u32 @!p1 s16, $0xE;
	s13 =	ssub.s32 @!p1 s13, s14;
	s14 =	sshll.u32 @!p1 s15, $0x9  }
0x3f: {  	s16 =	sand.u32 @!p1 $0x4000, s16;
	p2 =	sgt.s32 @!p1 s15, $0x7F;
	s14 =	ssub.s32 @!p1 $0x10000, s14  }
0x40: {  	p2 =	por !p2, p1;
	s13 =	sshll.u32 @!p1 s13, $0x4;
	s14 =	sshrl.u32 @!p1 s14, $0x2  }
0x41: {  	s15 =	simm.s32 @!p1 $0x0;
	s13 =	sadd.s32 @!p1 s4, s13;
	s14 =	simm.s32 @!p2 $0x0  }
0x42: {  	[tilespmem:s16], [sflag:$0x1] =	stream.linear.gather @!p1 [hbm4b:s13+s15], s14, $0x38;
	[tilespmem:$0x10000] =	vst v63  }
0x43: {  	p1 =	seq.s32 s11, $0x0  }
0x44: {  	p2 =	sge.u32 @!p1 s11, s7  }
0x45: {  	p1 =	por p1, p2  }
.Ltmp2:
0x46: {  	_ = 	snop;
	(pc) =	sbr.rel @p1 .LBB2_9-.Ltmp2, $1  }
0x47: {  	_ =	sdelay $0x3  }
0x48: {  	p1 =	sgt.s32 s10, $0x2690;
	s13 =	smov.u32 s10;
	s14 =	sshra.s32 s10, $0x1F  }
0x49: {  	s13 =	simm.s32 @!p1 $0x2690;
	s14 =	sand.u32 s14, s10  }
0x4a: {  	s13 =	ssub.s32 s13, s14  }
0x4b: {  	s13 =	sadd.s32 $0xFFFFD970, s13  }
0x4c: {  	s31 =	sshll.u32 s13, $0x9  }
0x4d: {  	s14 =	ssub.s32 $0x10000, s31  }
0x4e: {  	p1 =	sgt.s32 s13, $0x7F;
	s13 =	sshrl.u32 s14, $0x2;
	s14 =	sadd.s32 $0x80, s10  }
0x4f: {  	s13 =	simm.s32 @p1 $0x0;
	p1 =	slt.s32 s14, $0x2710  }
0x50: {  	s14 =	simm.s32 @!p1 $0x2710  }
0x51: {  	s16 =	ssub.s32 s14, s10  }
0x52: {  	p1 =	slt.s32 s16, $0x1  }
.Ltmp3:
0x53: {  	_ = 	snop;
	(pc) =	sbr.rel @p1 .LBB2_8-.Ltmp3, $4  }
0x54: {  	_ = 	snop  }
0x55: {  	s15 =	sshll.u32 s11, $0xE;
	_ =	swait.ge [sflag:s5], s13  }
0x56: {  	s15 =	sand.u32 $0x4000, s15;
	s17 =	ssub.s32 $0x0, s13;
	[sflag:s5] =	ssyncset.done $0x0  }
0x57: {  	s14 =	sor.u32 $0x8000, s15;
	[sflag:s5] =	ssyncadd.s32 s17  }
0x58: {  	p2 =	sne.s32 s16, $0x1  }
.Ltmp4:
0x59: {  	v1 =	vmov s15;
	v0 =	vmov s14;
	(pc) =	sbr.rel @!p2 .LBB2_4-.Ltmp4, $3  }
0x5a: {  	_ =	sdelay $0x1  }
0x5b: {  	s17 =	simm.s32 $0x0  }
0x5c: {  	s23 =	sadd.s32 $0xFFFFFFFF, s16;
	p1 =	por $0x0, $0x0;
	s15 =	sand.u32 $0x3F80, s17  }
0x5d: {  	_ =	sdelay $0x3  }
0x5e: {  	v6 =	vld.idx.msk [tilespmem:v1+s15+$0x0 ss:$0x1], $0xffff;
	s24 =	sor.u32 $0x70, s15  }
0x5f: {  	s16 =	sor.u32 $0x10, s15;
	v8 =	vld.idx.msk [tilespmem:v1+s24+$0x0 ss:$0x1], $0xffff  }
0x60: {  	s17 =	sor.u32 $0x20, s15;
	p2 =	sne.s32 s23, $0x1;
	v2 =	vld.idx.msk [tilespmem:v1+s16+$0x0 ss:$0x1], $0xffff  }
.Ltmp5:
0x61: {  	s18 =	sor.u32 $0x30, s15;
	v4 =	vld.idx.msk [tilespmem:v1+s17+$0x0 ss:$0x1], $0xffff;
	(pc) =	sbr.rel @!p2 .LBB2_7-.Ltmp5, $4  }
0x62: {  	s19 =	sor.u32 $0x40, s15;
	v3 =	vld.idx.msk [tilespmem:v1+s18+$0x0 ss:$0x1], $0xffff  }
0x63: {  	s21 =	sor.u32 $0x60, s15;
	v5 =	vld.idx.msk [tilespmem:v1+s19+$0x0 ss:$0x1], $0xffff  }
0x64: {  	s20 =	sor.u32 $0x50, s15;
	s22 =	simm.s32 $0x80;
	v7 =	vld.idx.msk [tilespmem:v1+s21+$0x0 ss:$0x1], $0xffff;
	[tilespmem:v0+s15+$0x0 ss:$0x1] =	vst.idx.msk $0xffff, v6  }
0x65: {  	s23 =	sadd.s32 $0xFFFFFFFF, s23;
	p1 =	por $0x1, $0x1;
	v6 =	vld.idx.msk [tilespmem:v1+s20+$0x0 ss:$0x1], $0xffff;
	s15 =	sand.u32 $0x3F80, s22;
	[tilespmem:v0+s24+$0x0 ss:$0x1] =	vst.idx.msk $0xffff, v8  }
.LBB2_6:
0x66: {  	p2 =	sne.s32 s23, $0x1;
	v8 =	vld.idx.msk [tilespmem:v1+s15+$0x0 ss:$0x1], $0xffff;
	s24 =	sor.u32 $0x70, s15;
	[tilespmem:v0+s16+$0x0 ss:$0x1] =	vst.idx.msk $0xffff, v2;
	s16 =	sor.u32 $0x10, s15  }
0x67: {  	s25 =	sor.u32 $0x30, s15;
	s26 =	sor.u32 $0x40, s15;
	v9 =	vld.idx.msk [tilespmem:v1+s24+$0x0 ss:$0x1], $0xffff;
	[tilespmem:v0+s17+$0x0 ss:$0x1] =	vst.idx.msk $0xffff, v4;
	s17 =	sor.u32 $0x20, s15  }
0x68: {  	s28 =	sor.u32 $0x50, s15;
	s29 =	sor.u32 $0x60, s15;
	v2 =	vld.idx.msk [tilespmem:v1+s16+$0x0 ss:$0x1], $0xffff;
	[tilespmem:v0+s18+$0x0 ss:$0x1] =	vst.idx.msk $0xffff, v3;
	s18 =	smov.u32 s25  }
.Ltmp6:
0x69: {  	v4 =	vld.idx.msk [tilespmem:v1+s17+$0x0 ss:$0x1], $0xffff;
	[tilespmem:v0+s19+$0x0 ss:$0x1] =	vst.idx.msk $0xffff, v5;
	s19 =	smov.u32 s26;
	(pc) =	sbr.rel @p2 .LBB2_6-.Ltmp6, $4  }
0x6a: {  	v3 =	vld.idx.msk [tilespmem:v1+s18+$0x0 ss:$0x1], $0xffff;
	[tilespmem:v0+s20+$0x0 ss:$0x1] =	vst.idx.msk $0xffff, v6;
	s20 =	smov.u32 s28  }
0x6b: {  	v5 =	vld.idx.msk [tilespmem:v1+s19+$0x0 ss:$0x1], $0xffff;
	[tilespmem:v0+s21+$0x0 ss:$0x1] =	vst.idx.msk $0xffff, v7;
	s21 =	smov.u32 s29  }
0x6c: {  	s22 =	sadd.s32 $0x80, s22;
	[tilespmem:v0+s15+$0x0 ss:$0x1] =	vst.idx.msk $0xffff, v8;
	v6 =	vld.idx.msk [tilespmem:v1+s20+$0x0 ss:$0x1], $0xffff  }
0x6d: {  	s23 =	sadd.s32 $0xFFFFFFFF, s23;
	s15 =	sand.u32 $0x3F80, s22;
	v7 =	vld.idx.msk [tilespmem:v1+s21+$0x0 ss:$0x1], $0xffff;
	[tilespmem:v0+s24+$0x0 ss:$0x1] =	vst.idx.msk $0xffff, v9  }
.Ltmp7:
0x6e: {  	_ = 	snop;
	(pc) =	sbr.rel .LBB2_7-.Ltmp7, $1  }
0x6f: {  	_ =	sdelay $0x3  }
.LBB2_10:
0x70: {  	_ =	sfence.sel $0x180000  }
0x71: {  	s2 =	simm.s32 $0x1;
	[bflag:$0x0] =	sbarrier.arrive $0xFFFF  }
0x72: {  	s31 =	simm.s32 $0x2;
	[sflag:s2] =	ssyncpa.u1 $0x1  }
0x73: {  	[sflag:s31] =	ssyncpa.u1 $0x1  }
0x74: {  	_ =	strace $0x9000004A  }
0x75: {  	s0 =	sadd.s32 @!p0 $0x100000, s0;
	[bflag:$0x2] =	sbarrier.arrive $0xFFFF  }
0x76: {  	[sflag:s0] =	ssyncadd.tile.s32 @!p0 $0x1;
	s0 =	simm.s32 @!p0 $0x3F  }
0x77: {  	_ =	swait.ge @!p0 [sflag:s0], s1  }
0x78: {  	s1 =	ssub.s32 @!p0 $0x0, s1;
	[sflag:s0] =	ssyncset.done @!p0 $0x0  }
0x79: {  	[sflag:s0] =	ssyncadd.s32 @!p0 s1  }
0x7a: {  	[bflag:$0x3] =	sbarrier.arrive $0xFFFF  }
0x7b: {  	_ =	shalt  }
.Lfunc_end2:
execute1_lowered:
.L_overlay_start_2:
0x7c: {  	(tag) =	ssettag $0x2  }
0x7d: {  	s1 =	rddreg [dreg:$0x0]  }
0x7e: {  	s2 =	rddreg [dreg:$0x1]  }
0x7f: {  	s3 =	rddreg [dreg:$0x2];
	_ =	strace $0x8000004D;
	s0 =	simm.s32 $0x1  }
0x80: {  	v0 =	vimm.s32 $0x0;
	[sflag:s0] =	ssyncpa.u1 $0x0;
	s0 =	simm.s32 $0x108  }
0x81: {  	[tilespmem:s0+$0x70] =	vst v0  }
0x82: {  	[tilespmem:s0+$0x60] =	vst v0  }
0x83: {  	[tilespmem:s0+$0x50] =	vst v0  }
0x84: {  	[tilespmem:s0+$0x40] =	vst v0  }
0x85: {  	[tilespmem:s0+$0x30] =	vst v0  }
0x86: {  	s15 =	sadd.s32 $0x51D800, s2;
	s6 =	sadd.s32 $0x1402000, s2;
	[tilespmem:s0+$0x20] =	vst v0  }
0x87: {  	s14 =	sadd.s32 $0x527600, s2;
	s5 =	sand.u32 $0x1, s3;
	s3 =	simm.s32 $0x40;
	[tilespmem:s0+$0x10] =	vst v0  }
.LBB3_1:
0x88: {  	s3 =	sadd.s32 $0x40, s3;
	[tilespmem:s0+$0x0] =	vst v0;
	s0 =	sadd.s32 $0x80, s0  }
0x89: {  	p0 =	slt.u32 s3, $0x3C40;
	[tilespmem:s0+$0x70] =	vst v0  }
0x8a: {  	[tilespmem:s0+$0x60] =	vst v0  }
.Ltmp8:
0x8b: {  	[tilespmem:s0+$0x50] =	vst v0;
	(pc) =	sbr.rel @p0 .LBB3_1-.Ltmp8, $4  }
0x8c: {  	[tilespmem:s0+$0x40] =	vst v0  }
0x8d: {  	[tilespmem:s0+$0x30] =	vst v0  }
0x8e: {  	[tilespmem:s0+$0x20] =	vst v0  }
0x8f: {  	[tilespmem:s0+$0x10] =	vst v0  }
0x90: {  	s9 =	stileid.u32  }
0x91: {  	s2 =	smul.u32 $0x29, s9  }
0x92: {  	s3 =	smin.u32 s9, $0xB  }
0x93: {  	s2 =	sadd.s32 s3, s2  }
0x94: {  	p0 =	slt.u32 s9, $0xB;
	s7 =	smul.u32 $0xF0, s2;
	s2 =	simm.s32 $0x2760  }
0x95: {  	s2 =	simm.s32 @!p0 $0x2670  }
0x96: {  	s2 =	sadd.s32 s2, s7  }
0x97: {  	s8 =	smin.u32 s2, $0x27100  }
0x98: {  	s2 =	ssub.s32 s8, s7  }
0x99: {  	p0 =	sgt.s32 s2, $0x0  }
0x9a: {  	s29 =	simm.s32 $0x2;
	s10 =	simm.s32 $0x9;
	s2 =	simm.s32 @!p0 $0x0  }
0x9b: {  	s4 =	simm.s32 $0xA;
	s11 =	simm.s32 $0xB;
	s28 =	smulhi.u32 $0x88888889, s2  }
0x9c: {  	[dreg:$0x5] =	wrdreg s5;
	s31 =	smul.u32 $0x4E20, s5;
	s12 =	simm.s32 $0x1  }
0x9d: {  	s22 =	simm.s32 $0x0;
	s18 =	simm.s32 $0xC;
	s30 =	sshrl.u32 s28, $0x7  }
0x9e: {  	s20 =	simm.s32 $0x0;
	s21 =	simm.s32 $0x0;
	s3 =	smul.u32 $0xF0, s30  }
.Ltmp9:
0x9f: {  	[tilespmem:s0+$0x0] =	vst v0;
	v0 =	vimm.s32 $0xFFFFFFFF;
	[sflag:s29] =	ssyncpa.u1 $0x0;
	s16 =	sshll.u32 s9, $0x8;
	(pc) =	sbr.rel .LBB3_3-.Ltmp9, $4  }
0xa0: {  	[tilespmem:$0xF208] =	vst v0;
	[sflag:s10] =	ssyncpa.u1 $0x0;
	p0 =	sne.s32 s2, s3;
	s2 =	simm.s32 $0x1  }
0xa1: {  	s14 =	sadd.s32 s31, s14;
	[sflag:s4] =	ssyncpa.u1 $0x0;
	s2 =	simm.s32 @!p0 $0x0  }
0xa2: {  	s15 =	sadd.s32 s31, s15;
	[sflag:s11] =	ssyncpa.u1 $0x0;
	s13 =	sadd.s32 s2, s30  }
0xa3: {  	v0 =	vlaneseq.u32;
	s19 =	smov.u32 s7;
	p0 =	por $0x0, $0x0;
	s17 =	sadd.s32 $0x1, s13  }
.LBB3_18:
0xa4: {  	s0 =	sshrl.u32 s31, $0x2  }
.LBB3_20:
0xa5: {  	_ =	swait.ge [sflag:s18], s0  }
0xa6: {  	s31 =	ssub.s32 $0x0, s0;
	v1 =	vmov s24;
	vm0 =	veq.s32 v0, $0x0;
	[sflag:s18] =	ssyncset.done $0x0  }
0xa7: {  	vm15 =	veq.s32 v0, $0x2;
	v1 =	vsel vm0, s30, v1;
	[sflag:s18] =	ssyncadd.s32 s31  }
0xa8: {  	v1 =	vsel vm15, s22, v1;
	[sflag:s18] =	ssyncpa.u1 $0x1  }
0xa9: {  	[tilespmem:$0xF208] =	vst v1  }
.LBB3_21:
0xaa: {  	s0 =	sadd.s32 $0xF0, s19  }
0xab: {  	s2 =	smov.u32 s7;
	p1 =	slt.s32 s0, s8  }
0xac: {  	s2 =	smov.u32 @p1 s0;
	p1 =	sne.s32 s21, s17  }
.Ltmp10:
0xad: {  	_ = 	snop;
	(pc) =	sbr.rel @!p1 .LBB3_22-.Ltmp10, $3  }
0xae: {  	_ =	sdelay $0x1  }
0xaf: {  	s22 =	smov.u32 s20;
	s31 =	sadd.s32 $0x1, s21;
	s20 =	smov.u32 s19  }
0xb0: {  	p0 =	por !p0, !p0;
	s21 =	smov.u32 s31;
	s19 =	smov.u32 s2  }
.LBB3_3:
0xb1: {  	p1 =	sge.u32 s21, s13  }
0xb2: {  	s0 =	smulhi.u32 @!p1 $0xAAAAAAAB, s21  }
0xb3: {  	s2 =	smov.u32 s19;
	p2 =	sgt.s32 @!p1 s19, $0x27010  }
0xb4: {  	s3 =	sshra.s32 @!p1 s19, $0x1F;
	p2 =	por !p2, p1;
	s0 =	sshrl.u32 @!p1 s0, $0x1  }
0xb5: {  	s3 =	sand.u32 @!p1 s3, s19;
	s2 =	simm.s32 @p2 $0x27010;
	s0 =	smul.u32 @!p1 $0x3, s0  }
0xb6: {  	s2 =	ssub.s32 @!p1 s2, s3  }
0xb7: {  	s2 =	sadd.s32 @!p1 $0xFFFD8FF0, s2;
	s0 =	ssub.s32 @!p1 s21, s0  }
0xb8: {  	s3 =	sshll.u32 @!p1 s2, $0x2;
	p2 =	sgt.s32 @!p1 s2, $0xEF;
	s0 =	smul.u32 @!p1 $0x3C0, s0  }
0xb9: {  	s4 =	sand.u32 @!p1 $0x7, s19;
	s2 =	ssub.s32 @!p1 $0x3C0, s3;
	p2 =	por !p2, p1  }
0xba: {  	s3 =	sshrl.u32 @!p1 s19, $0x3;
	s2 =	sshrl.u32 @!p1 s2, $0x2;
	s0 =	sshrl.u32 @!p1 s0, $0x2  }
0xbb: {  	s3 =	sadd.s32 @!p1 s3, s14;
	s2 =	simm.s32 @!p2 $0x0;
	s0 =	sadd.s32 @!p1 $0x10248, s0  }
0xbc: {  	[tilespmem:s0], [sflag:$0xA] =	stream.linear.gather @!p1 [hbm4b:s3+s4], s2, $0x38;
	[tilespmem:$0x1F6F8] =	vst v63  }
0xbd: {  	s0 =	sadd.s32 $0xFFFFFFFF, s21  }
0xbe: {  	p1 =	sge.u32 s0, s13  }
0xbf: {  	p2 =	sgt.s32 @!p1 s20, $0x27010  }
0xc0: {  	s2 =	smov.u32 s20;
	s3 =	sshra.s32 @!p1 s20, $0x1F;
	p2 =	por !p2, p1  }
0xc1: {  	s3 =	sand.u32 @!p1 s3, s20;
	s2 =	simm.s32 @p2 $0x27010  }
0xc2: {  	s2 =	ssub.s32 @!p1 s2, s3  }
0xc3: {  	s2 =	sadd.s32 @!p1 $0xFFFD8FF0, s2  }
0xc4: {  	s4 =	sand.u32 @!p1 $0x1, s0;
	s3 =	sshll.u32 @!p1 s2, $0x2  }
0xc5: {  	p2 =	sgt.s32 @!p1 s2, $0xEF;
	s2 =	ssub.s32 @!p1 $0x3C0, s3;
	s3 =	smulhi.u32 @!p1 $0xAAAAAAAB, s0  }
0xc6: {  	s23 =	smul.u32 @!p1 $0x3C0, s4;
	p2 =	por !p2, p1;
	s2 =	sshrl.u32 @!p1 s2, $0x2  }
0xc7: {  	s5 =	simm.s32 @!p1 $0xA;
	s2 =	simm.s32 @!p2 $0x0;
	s3 =	sshrl.u32 @!p1 s3, $0x1  }
0xc8: {  	s23 =	sshrl.u32 @!p1 s23, $0x2;
	_ =	swait.ge @!p1 [sflag:s5], s2;
	s3 =	smul.u32 @!p1 $0x3, s3  }
0xc9: {  	s23 =	sadd.s32 @!p1 $0x10518, s23;
	s24 =	ssub.s32 @!p1 $0x0, s2;
	[sflag:s5] =	ssyncset.done @!p1 $0x0  }
0xca: {  	[sflag:s5] =	ssyncadd.s32 @!p1 s24;
	s5 =	sshrl.u32 @!p1 s20, $0x3;
	s0 =	ssub.s32 @!p1 s0, s3  }
0xcb: {  	s24 =	sand.u32 @!p1 $0x7, s20;
	s5 =	sadd.s32 @!p1 s5, s15;
	s0 =	smul.u32 @!p1 $0x3C0, s0  }
0xcc: {  	[tilespmem:s23], [sflag:$0xB] =	stream.linear.gather @!p1 [hbm4b:s5+s24], s2, $0x38;
	[tilespmem:$0x1F6F8] =	vst v63  }
0xcd: {  	s3 =	ssub.s32 @!p1 $0x27100, s20;
	s2 =	smul.u32 @!p1 $0x1E000, s4  }
0xce: {  	p2 =	slt.s32 @!p1 s3, $0xF0  }
0xcf: {  	p2 =	por !p2, p1;
	s0 =	sshrl.u32 @!p1 s0, $0x2;
	s2 =	sshrl.u32 @!p1 s2, $0x2  }
0xd0: {  	s3 =	simm.s32 @p2 $0xF0;
	s0 =	sadd.s32 @!p1 $0x10248, s0;
	s2 =	sor.u32 @!p1 $0x106F8, s2  }
0xd1: {  	[tilespmem:s2], [sflag:$0x9] =	stream.indirect.gather @!p1 [hbm4b:s6+s3], $0x80, s0, s3, $0xb8;
	[tilespmem:$0x1F6F8] =	vst v63  }
0xd2: {  	p1 =	slt.u32 s21, $0x2  }
.Ltmp11:
0xd3: {  	_ = 	snop;
	(pc) =	sbr.rel @p1 .LBB3_21-.Ltmp11, $1  }
0xd4: {  	_ =	sdelay $0x3  }
0xd5: {  	p1 =	sgt.s32 s22, $0x27010  }
0xd6: {  	s0 =	smov.u32 s22;
	s2 =	sshra.s32 s22, $0x1F;
	s3 =	ssub.s32 $0x27100, s22  }
0xd7: {  	s0 =	simm.s32 @!p1 $0x27010;
	s2 =	sand.u32 s2, s22;
	p1 =	slt.s32 s3, $0xF0  }
0xd8: {  	s0 =	ssub.s32 s0, s2;
	s3 =	simm.s32 @!p1 $0xF0  }
0xd9: {  	s0 =	sadd.s32 $0xFFFD8FF0, s0;
	s25 =	sshll.u32 s3, $0x7  }
0xda: {  	s26 =	sshll.u32 s0, $0x2;
	s2 =	sand.u32 $0x3FFFFF80, s25  }
0xdb: {  	p1 =	sgt.s32 s0, $0xEF;
	s29 =	ssub.s32 $0x3C0, s26;
	_ =	swait.ge [sflag:s10], s2  }
0xdc: {  	s2 =	ssub.s32 $0x0, s2;
	[sflag:s10] =	ssyncset.done $0x0;
	s0 =	sshrl.u32 s29, $0x2  }
0xdd: {  	[sflag:s10] =	ssyncadd.s32 s2;
	s0 =	simm.s32 @p1 $0x0  }
0xde: {  	_ =	swait.ge [sflag:s11], s0  }
0xdf: {  	s0 =	ssub.s32 $0x0, s0;
	[sflag:s11] =	ssyncset.done $0x0  }
0xe0: {  	[sflag:s11] =	ssyncadd.s32 s0  }
0xe1: {  	v1 =	vld [tilespmem:$0xF208];
	_ =	sdelay $0x4  }
0xe2: {  	(v2sf) =	vpush v1, $0x0  }
0xe3: {  	(v2sf) =	vpush v1, $0x1  }
0xe4: {  	(v2sf) =	vpush v1, $0x2;
	_ =	sdelay $0x3  }
0xe5: {  	s0 =	sadd.s32 $0xF0, s22  }
0xe6: {  	s2 =	ssub.s32 $0x4E200, s22;
	p1 =	slt.s32 s8, s0  }
0xe7: {  	s0 =	smov.u32 @p1 s8;
	p1 =	sgt.s32 s2, $0x0  }
0xe8: {  	s26 =	ssub.s32 s0, s22;
	s2 =	simm.s32 @!p1 $0x0  }
0xe9: {  	p1 =	slt.s32 s2, s26  }
0xea: {  	s26 =	smov.u32 @p1 s2  }
0xeb: {  	s25 =	simm.s32 $0x1;
	p1 =	slt.s32 s26, $0x1  }
.Ltmp12:
0xec: {  	s25 =	simm.s32 @!p0 $0x0;
	(pc) =	sbr.rel @p1 .LBB3_8-.Ltmp12, $4  }
0xed: {  	s31 =	smul.u32 $0x3C0, s25  }
0xee: {  	s28 =	spop (v2sf)  }
0xef: {  	s0 =	sshrl.u32 s31, $0x2;
	s30 =	spop (v2sf)  }
0xf0: {  	s23 =	sadd.s32 $0x10518, s0;
	s22 =	spop (v2sf)  }
0xf1: {  	s0 =	smin.u32 s26, $0x10  }
0xf2: {  	v1 =	vmov s0  }
0xf3: {  	p2 =	sgt.s32 s26, $0x10;
	vm1 =	vgt.u32 v1, v0  }
.Ltmp13:
0xf4: {  	_ = 	snop;
	(pc) =	sbr.rel @!p2 .LBB3_7-.Ltmp13, $2  }
0xf5: {  	_ =	sdelay $0x2  }
0xf6: {  	s4 =	simm.s32 $0x10;
	s24 =	sadd.s32 $0xFFFFFFF0, s26;
	s0 =	smov.u32 s23;
	vm0 =	vmmov vm1  }
.LBB3_6:
0xf7: {  	s2 =	smin.u32 s24, $0x10;
	s4 =	sadd.s32 $0x10, s4;
	v1 =	vld.msk [tilespmem:s0+$0x0 ss:$0x1], vm1  }
0xf8: {  	v2 =	vmov s2;
	p2 =	slt.s32 s4, s26  }
0xf9: {  	vm1 =	vgt.u32 v2, v0  }
.Ltmp14:
0xfa: {  	(pc) =	sbr.rel @p2 .LBB3_6-.Ltmp14, $3  }
0xfb: {  	_ =	sdelay $0x1  }
0xfc: {  	v1 =	vshll.u32 v1, $0x4  }
0xfd: {  	s24 =	sadd.s32 $0xFFFFFFF0, s24;
	[tilespmem:s0+$0x0] =	vst.msk vm0, v1;
	s0 =	sadd.s32 $0x10, s0;
	vm0 =	vmmov vm1  }
.LBB3_7:
0xfe: {  	_ =	sdelay $0x4  }
0xff: {  	v1 =	vld.msk [tilespmem:s0+$0x0 ss:$0x1], vm1;
	_ =	sdelay $0x4  }
0x100: {  	v1 =	vshll.u32 v1, $0x4  }
0x101: {  	[tilespmem:s0+$0x0] =	vst.msk vm0, v1  }
.LBB3_8:
0x102: {  	s0 =	sand.u32 $0x1, s21  }
0x103: {  	s0 =	smul.u32 $0xF0, s0  }
0x104: {  	p2 =	sne.s32 s30, $0xFFFFFFFF  }
0x105: {  	v1 =	vld.msk @!p2 [tilespmem:s0+$0x10518], $0x1;
	_ =	sdelay $0x4  }
0x106: {  	(v2sf) =	vpush @!p2 v1, $0x0;
	_ =	sdelay $0xc  }
.Ltmp15:
0x107: {  	_ = 	snop;
	(pc) =	sbr.rel @p1 .LBB3_19-.Ltmp15, $4  }
0x108: {  	_ = 	snop  }
0x109: {  	s29 =	spop @!p2 (v2sf)  }
0x10a: {  	s22 =	simm.s32 @!p2 $0x0;
	s24 =	smov.u32 s29  }
0x10b: {  	[sflag:s18] =	ssyncpa.u1 $0x0;
	s29 =	smov.u32 @p2 s28;
	s24 =	smov.u32 @p2 s30  }
0x10c: {  	v1 =	vld.msk [tilespmem:s23+$0x0], $0x1;
	_ =	sdelay $0x4  }
0x10d: {  	(v2sf) =	vpush v1, $0x0;
	_ =	sdelay $0xe  }
0x10e: {  	s2 =	smul.u32 $0x1E000, s25;
	s0 =	spop (v2sf)  }
0x10f: {  	s26 =	ssub.s32 $0x0, s26;
	p1 =	seq.s32 s29, s0  }
0x110: {  	s30 =	sadd.s32 $0x1, s26;
	s2 =	sshrl.u32 s2, $0x2;
	p2 =	sgt.s32 @!p1 s29, $0x0  }
0x111: {  	s25 =	sor.u32 $0x10738, s2;
	s2 =	smov.u32 s29;
	p2 =	por !p2, p1  }
0x112: {  	s2 =	simm.s32 @p2 $0x0;
	p2 =	seq.s32 s30, $0x0  }
.Ltmp16:
0x113: {  	_ = 	snop;
	(pc) =	sbr.rel @p2 .LBB3_11-.Ltmp16, $4  }
0x114: {  	_ = 	snop  }
0x115: {  	s28 =	simm.s32 $0x0;
	s31 =	sadd.s32 $0x1, s23;
	s2 =	smin.u32 @!p1 s2, $0x270F0  }
0x116: {  	s4 =	simm.s32 @!p1 $0x1;
	s5 =	simm.s32 @!p1 $0x7988;
	s3 =	sand.u32 @!p1 $0x3FFF8, s2  }
0x117: {  	s4 =	smov.u32 @p1 s28;
	s2 =	sand.u32 @!p1 $0x7, s2;
	s3 =	sadd.s32 @!p1 s1, s3  }
.LBB3_10:
0x118: {  	s9 =	smov.u32 s4  }
0x119: {  	[tilespmem:s5], [sflag:$0x2] =	stream.linear.gather @!p1 [hbm4b:s3+s2], $0x80, $0x38;
	[tilespmem:$0x1F6F8] =	vst v63  }
0x11a: {  	s30 =	sadd.s32 $0x1, s30;
	s2 =	smov.u32 s0;
	v1 =	vld.msk [tilespmem:s31+$0x0], $0x1  }
0x11b: {  	p2 =	seq.s32 s30, $0x0;
	_ =	sdelay $0x3  }
0x11c: {  	(v2sf) =	vpush v1, $0x0;
	_ =	sdelay $0xe  }
0x11d: {  	s0 =	spop (v2sf)  }
0x11e: {  	p1 =	seq.s32 s2, s0  }
0x11f: {  	p3 =	sgt.s32 @!p1 s2, $0x0;
	s3 =	sshll.u32 @!p1 s4, $0x9;
	s4 =	sadd.s32 @!p1 $0x1, s4  }
.Ltmp17:
0x120: {  	p3 =	por !p3, p1;
	s3 =	sshra.s32 @!p1 s3, $0x2;
	(pc) =	sbr.rel @!p2 .LBB3_10-.Ltmp17, $4  }
0x121: {  	s4 =	smov.u32 @p1 s9;
	s2 =	simm.s32 @p3 $0x0;
	s5 =	sadd.s32 @!p1 $0x7988, s3  }
0x122: {  	s2 =	smin.u32 @!p1 s2, $0x270F0  }
0x123: {  	s3 =	sand.u32 @!p1 $0x3FFF8, s2;
	s2 =	sand.u32 @!p1 $0x7, s2  }
0x124: {  	s31 =	sadd.s32 $0x1, s31;
	s3 =	sadd.s32 @!p1 s1, s3  }
.LBB3_11:
0x125: {  	[tilespmem:s5], [sflag:$0x2] =	stream.linear.gather @!p1 [hbm4b:s3+s2], $0x80, $0x38;
	[tilespmem:$0x1F6F8] =	vst v63  }
.Ltmp18:
0x126: {  	s0 =	sshll.u32 s4, $0x7;
	(pc) =	sbr.rel .LBB3_12-.Ltmp18, $4  }
0x127: {  	s30 =	simm.s32 $0x2;
	s0 =	sand.u32 $0x3FFFFF80, s0  }
0x128: {  	_ =	swait.ge [sflag:s30], s0  }
0x129: {  	s0 =	ssub.s32 $0x0, s0;
	[sflag:s30] =	ssyncset.done $0x0  }
0x12a: {  	s31 =	simm.s32 $0x0;
	[sflag:s30] =	ssyncadd.s32 s0  }
.LBB3_13:
0x12b: {  	v1 =	vld [tilespmem:s25+$0xFFFFFFC0];
	_ =	sdelay $0x3  }
0x12c: {  	s0 =	sshra.s32 s0, $0x2  }
0x12d: {  	[tilespmem:s0+$0x108] =	vst.add.f32.msk $0xffff, v1  }
0x12e: {  	v1 =	vld [tilespmem:s25+$0xFFFFFFD0];
	_ =	sdelay $0x4  }
0x12f: {  	[tilespmem:s0+$0x118] =	vst.add.f32.msk $0xffff, v1  }
0x130: {  	v1 =	vld [tilespmem:s25+$0xFFFFFFE0];
	_ =	sdelay $0x4  }
0x131: {  	[tilespmem:s0+$0x128] =	vst.add.f32.msk $0xffff, v1  }
0x132: {  	v1 =	vld [tilespmem:s25+$0xFFFFFFF0];
	_ =	sdelay $0x4  }
0x133: {  	[tilespmem:s0+$0x138] =	vst.add.f32.msk $0xffff, v1  }
0x134: {  	v1 =	vld [tilespmem:s25+$0x0];
	_ =	sdelay $0x4  }
0x135: {  	[tilespmem:s0+$0x148] =	vst.add.f32.msk $0xffff, v1  }
0x136: {  	v1 =	vld [tilespmem:s25+$0x10];
	_ =	sdelay $0x4  }
0x137: {  	[tilespmem:s0+$0x158] =	vst.add.f32.msk $0xffff, v1  }
0x138: {  	v1 =	vld [tilespmem:s25+$0x20];
	_ =	sdelay $0x4  }
0x139: {  	[tilespmem:s0+$0x168] =	vst.add.f32.msk $0xffff, v1  }
0x13a: {  	v1 =	vld [tilespmem:s25+$0x30];
	_ =	sdelay $0x4  }
0x13b: {  	[tilespmem:s0+$0x178] =	vst.add.f32.msk $0xffff, v1  }
.LBB3_17:
0x13c: {  	s26 =	sadd.s32 $0x1, s26  }
0x13d: {  	p1 =	seq.s32 s26, $0x0  }
.Ltmp19:
0x13e: {  	_ = 	snop;
	(pc) =	sbr.rel @p1 .LBB3_18-.Ltmp19, $2  }
0x13f: {  	_ =	sdelay $0x2  }
0x140: {  	s23 =	sadd.s32 $0x1, s23;
	s25 =	sadd.s32 $0x80, s25;
	s29 =	smov.u32 s30  }
.LBB3_12:
0x141: {  	v1 =	vld.msk [tilespmem:s23+$0x0], $0x1;
	_ =	sdelay $0x4  }
0x142: {  	(v2sf) =	vpush v1, $0x0;
	_ =	sdelay $0xe  }
0x143: {  	s30 =	spop (v2sf)  }
0x144: {  	p1 =	sne.s32 s29, s30  }
.Ltmp20:
0x145: {  	_ = 	snop;
	(pc) =	sbr.rel @!p1 .LBB3_13-.Ltmp20, $2  }
0x146: {  	_ =	sdelay $0x2  }
0x147: {  	s0 =	sshll.u32 s22, $0x9  }
0x148: {  	p1 =	seq.s32 s29, s24  }
.Ltmp21:
0x149: {  	_ = 	snop;
	(pc) =	sbr.rel @!p1 .LBB3_15-.Ltmp21, $1  }
0x14a: {  	_ =	sdelay $0x3  }
0x14b: {  	s0 =	sshra.s32 s0, $0x2  }
.Ltmp22:
0x14c: {  	s0 =	sadd.s32 $0x108, s0;
	(pc) =	sbr.rel .LBB3_16-.Ltmp22, $4  }
0x14d: {  	[spmem:s16] =	stream.linear.scatter [tilespmem:s0], [sflag:$0x1], $0x80, $0x38;
	[tilespmem:$0x1F6F8] =	vst v63  }
0x14e: {  	_ =	swait.ge [sflag:s12], $0x80  }
0x14f: {  	[sflag:s12] =	ssyncset.done $0x0  }
0x150: {  	[sflag:s12] =	ssyncadd.s32 $0xFFFFFF80  }
.LBB3_15:
0x151: {  	s2 =	sshll.u32 s28, $0x9  }
0x152: {  	s2 =	sshra.s32 s2, $0x2  }
0x153: {  	v1 =	vld [tilespmem:s2+$0x7988];
	_ =	sdelay $0x3  }
0x154: {  	s0 =	sshra.s32 s0, $0x2  }
0x155: {  	[tilespmem:s0+$0x108] =	vst.add.f32.msk $0xffff, v1  }
0x156: {  	v1 =	vld [tilespmem:s2+$0x7998];
	_ =	sdelay $0x4  }
0x157: {  	[tilespmem:s0+$0x118] =	vst.add.f32.msk $0xffff, v1  }
0x158: {  	v1 =	vld [tilespmem:s2+$0x79A8];
	_ =	sdelay $0x4  }
0x159: {  	[tilespmem:s0+$0x128] =	vst.add.f32.msk $0xffff, v1  }
0x15a: {  	v1 =	vld [tilespmem:s2+$0x79B8];
	_ =	sdelay $0x4  }
0x15b: {  	[tilespmem:s0+$0x138] =	vst.add.f32.msk $0xffff, v1  }
0x15c: {  	v1 =	vld [tilespmem:s2+$0x79C8];
	_ =	sdelay $0x4  }
0x15d: {  	[tilespmem:s0+$0x148] =	vst.add.f32.msk $0xffff, v1  }
0x15e: {  	v1 =	vld [tilespmem:s2+$0x79D8];
	_ =	sdelay $0x4  }
0x15f: {  	[tilespmem:s0+$0x158] =	vst.add.f32.msk $0xffff, v1  }
0x160: {  	v1 =	vld [tilespmem:s2+$0x79E8];
	_ =	sdelay $0x4  }
0x161: {  	[tilespmem:s0+$0x168] =	vst.add.f32.msk $0xffff, v1  }
0x162: {  	v1 =	vld [tilespmem:s2+$0x79F8];
	_ =	sdelay $0x2  }
0x163: {  	p1 =	sgt.u32 s29, $0x270F0  }
0x164: {  	s2 =	sand.u32 @!p1 $0x3FFF8, s29  }
0x165: {  	s3 =	sadd.s32 $0x108, s0;
	[tilespmem:s0+$0x178] =	vst.add.f32.msk $0xffff, v1;
	s0 =	sadd.s32 @!p1 s1, s2;
	s2 =	sand.u32 @!p1 $0x7, s29  }
0x166: {  	[hbm4b:s0+s2] =	stream.linear.scatter @!p1 [tilespmem:s3], [sflag:$0xC], $0x80, $0x38;
	[tilespmem:$0x1F6F8] =	vst v63  }
0x167: {  	s0 =	simm.s32 $0x0  }
0x168: {  	s0 =	simm.s32 @!p1 $0x200  }
0x169: {  	s31 =	sadd.s32 s0, s31  }
.LBB3_16:
0x16a: {  	s0 =	sadd.s32 $0x1, s22  }
0x16b: {  	s2 =	smulhi.u32 $0x88888889, s0;
	_ =	sdelay $0x1  }
0x16c: {  	v1 =	vld [tilespmem:s25+$0xFFFFFFC0];
	s2 =	sshrl.u32 s2, $0x7  }
0x16d: {  	s2 =	smul.u32 $0xF0, s2;
	_ =	sdelay $0x1  }
0x16e: {  	s22 =	ssub.s32 s0, s2  }
0x16f: {  	s0 =	sshll.u32 s22, $0x7  }
0x170: {  	[tilespmem:s0+$0x108] =	vst v1  }
0x171: {  	v1 =	vld [tilespmem:s25+$0xFFFFFFD0];
	_ =	sdelay $0x4  }
0x172: {  	[tilespmem:s0+$0x118] =	vst v1  }
0x173: {  	v1 =	vld [tilespmem:s25+$0xFFFFFFE0];
	_ =	sdelay $0x4  }
0x174: {  	[tilespmem:s0+$0x128] =	vst v1  }
0x175: {  	v1 =	vld [tilespmem:s25+$0xFFFFFFF0];
	_ =	sdelay $0x4  }
0x176: {  	[tilespmem:s0+$0x138] =	vst v1  }
0x177: {  	v1 =	vld [tilespmem:s25+$0x0];
	_ =	sdelay $0x4  }
0x178: {  	[tilespmem:s0+$0x148] =	vst v1  }
0x179: {  	v1 =	vld [tilespmem:s25+$0x10];
	_ =	sdelay $0x4  }
0x17a: {  	[tilespmem:s0+$0x158] =	vst v1  }
0x17b: {  	v1 =	vld [tilespmem:s25+$0x20];
	_ =	sdelay $0x4  }
0x17c: {  	[tilespmem:s0+$0x168] =	vst v1  }
0x17d: {  	v1 =	vld [tilespmem:s25+$0x30]  }
.Ltmp23:
0x17e: {  	_ = 	snop;
	(pc) =	sbr.rel .LBB3_17-.Ltmp23, $2  }
0x17f: {  	_ =	sdelay $0x2  }
0x180: {  	s28 =	sadd.s32 $0x1, s28;
	[tilespmem:s0+$0x178] =	vst v1  }
.LBB3_19:
.Ltmp24:
0x181: {  	(pc) =	sbr.rel .LBB3_20-.Ltmp24, $4  }
0x182: {  	_ = 	snop  }
0x183: {  	s0 =	simm.s32 $0x2  }
0x184: {  	_ =	swait.ge [sflag:s0], $0x0  }
0x185: {  	s30 =	smov.u32 s29;
	[sflag:s0] =	ssyncset.done $0x0;
	s0 =	simm.s32 $0x0  }
.LBB3_22:
0x186: {  	_ =	sfence.sel $0x180000  }
0x187: {  	s0 =	simm.s32 $0x9;
	[bflag:$0x0] =	sbarrier.arrive $0xFFFF  }
0x188: {  	s24 =	simm.s32 $0xA;
	[sflag:s0] =	ssyncpa.u1 $0x1  }
0x189: {  	s25 =	simm.s32 $0xB;
	[sflag:s24] =	ssyncpa.u1 $0x1  }
0x18a: {  	s26 =	simm.s32 $0x2;
	[sflag:s25] =	ssyncpa.u1 $0x1  }
0x18b: {  	[sflag:s26] =	ssyncpa.u1 $0x1  }
0x18c: {  	v0 =	vld [tilespmem:$0xF208];
	_ =	sdelay $0x4  }
0x18d: {  	(v2sf) =	vpush v0, $0x0  }
0x18e: {  	(v2sf) =	vpush v0, $0x1;
	_ =	sdelay $0x1  }
0x18f: {  	(v2sf) =	vpush v0, $0x2;
	_ =	sdelay $0xb  }
0x190: {  	s0 =	spop (v2sf)  }
0x191: {  	s2 =	spop (v2sf)  }
0x192: {  	s3 =	smov.u32 s0;
	p0 =	sne.s32 s0, s2  }
0x193: {  	s4 =	spop (v2sf);
	s3 =	simm.s32 @!p0 $0xFFFFFFFF  }
0x194: {  	v2 =	vimm.s32 $0x1;
	v3 =	vlaneseq.u32;
	p0 =	seq.s32 s4, $0xFFFFFFFF;
	v1 =	vmov s3  }
0x195: {  	s16 =	stileid.u32;
	v0 =	vperm.xlane v0, v2;
	p1 =	sne.s32 @!p0 s0, s2;
	v1 =	vperm.xlane v1, v3  }
0x196: {  	vm0 =	vcmask $0x3F04;
	s6 =	simm.s32 $0xF208;
	s0 =	simm.s32 @!p0 $0x1;
	p1 =	por !p1, p0  }
0x197: {  	s3 =	sshll.u32 s16, $0x1;
	s2 =	sshll.u32 @!p0 s4, $0x9;
	s0 =	simm.s32 @p1 $0x0;
	v0 =	vsel vm0, v1, v0  }
0x198: {  	s5 =	sor.u32 $0x1000, s3;
	s2 =	sshra.s32 @!p0 s2, $0x2;
	s0 =	sor.u32 @!p0 s0, s3;
	[tilespmem:$0xF208] =	vst v0  }
0x199: {  	[spmem:s5] =	stream.linear.scatter [tilespmem:s6], [sflag:$0x1], $0x2, $0x38;
	[tilespmem:$0x1F6F8] =	vst v63  }
0x19a: {  	s2 =	sadd.s32 @!p0 $0x108, s2;
	s0 =	sshll.u32 @!p0 s0, $0x7  }
0x19b: {  	[spmem:s0] =	stream.linear.scatter @!p0 [tilespmem:s2], [sflag:$0x1], $0x80, $0x38;
	[tilespmem:$0x1F6F8] =	vst v63  }
0x19c: {  	s0 =	simm.s32 @!p0 $0x82  }
0x19d: {  	s28 =	simm.s32 $0x1;
	s0 =	simm.s32 @p0 $0x2  }
0x19e: {  	_ =	swait.ge [sflag:s28], s0  }
0x19f: {  	s0 =	ssub.s32 $0x0, s0;
	[sflag:s28] =	ssyncset.done $0x0  }
0x1a0: {  	p0 =	sne.s32 s16, $0x0;
	[sflag:s28] =	ssyncadd.s32 s0  }
.Ltmp25:
0x1a1: {  	_ =	sfence.stream.spmem;
	(pc) =	sbr.rel @p0 .LBB3_39-.Ltmp25, $4  }
0x1a2: {  	s29 =	simm.s32 $0x3;
	[bflag:$0x0] =	sbarrier.arrive $0xFFFF  }
0x1a3: {  	s30 =	simm.s32 $0x4;
	[sflag:s29] =	ssyncpa.u1 $0x1  }
0x1a4: {  	s31 =	simm.s32 $0x3C;
	[sflag:s30] =	ssyncpa.u1 $0x1  }
0x1a5: {  	s15 =	rddreg [dreg:$0x5];
	[sflag:s31] =	ssyncpa.u1 $0x1  }
0x1a6: {  	_ =	sfence.stream.spmem;
	s0 =	simm.s32 $0x5  }
0x1a7: {  	s2 =	simm.s32 $0x1000;
	s3 =	simm.s32 $0xF218;
	[sflag:s0] =	ssyncpa.u1 $0x0  }
0x1a8: {  	[tilespmem:s3], [sflag:$0x5] =	stream.linear.gather [spmem:s2], $0x20, $0x38;
	[tilespmem:$0x1F6F8] =	vst v63  }
0x1a9: {  	s26 =	simm.s32 $0x0;
	s28 =	simm.s32 $0xF238  }
0x1aa: {  	[tilespmem:s28], [sflag:$0x5] =	stream.linear.gather [spmem:s26], $0x1000, $0x38;
	[tilespmem:$0x1F6F8] =	vst v63  }
0x1ab: {  	_ =	swait.ge [sflag:s0], $0x1020  }
0x1ac: {  	[sflag:s0] =	ssyncset.done $0x0  }
0x1ad: {  	s29 =	simm.s32 $0x0;
	[sflag:s0] =	ssyncadd.s32 $0xFFFFEFE0  }
0x1ae: {  	v0 =	vld.msk [tilespmem:s29+$0xF218], $0x1;
	_ =	sdelay $0x1  }
0x1af: {  	s30 =	simm.s32 $0x1  }
0x1b0: {  	v1 =	vld.msk [tilespmem:s30+$0xF218], $0x1;
	_ =	sdelay $0x1  }
0x1b1: {  	(v2sf) =	vpush v0, $0x0;
	_ =	sdelay $0x2  }
0x1b2: {  	(v2sf) =	vpush v1, $0x0;
	_ =	sdelay $0x2  }
0x1b3: {  	s31 =	simm.s32 $0x2  }
0x1b4: {  	v0 =	vld.msk [tilespmem:s31+$0xF218], $0x1;
	_ =	sdelay $0x2  }
0x1b5: {  	s4 =	simm.s32 $0xFFFFFFFF;
	s5 =	simm.s32 $0xFFFFFFFF;
	s0 =	simm.s32 $0xC  }
.LBB3_24:
0x1b6: {  	s2 =	smov.u32 s5;
	s3 =	smov.u32 s4  }
0x1b7: {  	s4 =	sshra.s32 s0, $0x2;
	p1 =	sne.s32 s0, $0x7C;
	s0 =	sadd.s32 $0x4, s0;
	(v2sf) =	vpush v0, $0x0  }
0x1b8: {  	v0 =	vld.msk [tilespmem:s4+$0xF218], $0x1  }
.Ltmp26:
0x1b9: {  	(pc) =	sbr.rel @p1 .LBB3_24-.Ltmp26, $4  }
0x1ba: {  	s5 =	spop (v2sf)  }
0x1bb: {  	p2 =	sne.s32 s3, $0xFFFFFFFF;
	s4 =	smov.u32 s5  }
0x1bc: {  	p3 =	seq.s32 s5, $0xFFFFFFFF;
	s4 =	smov.u32 @p2 s3  }
0x1bd: {  	s5 =	smov.u32 @p3 s2;
	s4 =	smov.u32 @p3 s3  }
0x1be: {  	(v2sf) =	vpush v0, $0x0;
	_ =	sdelay $0x8  }
0x1bf: {  	s0 =	spop (v2sf)  }
0x1c0: {  	p1 =	sne.s32 s4, $0xFFFFFFFF;
	s2 =	smov.u32 s0  }
0x1c1: {  	s9 =	simm.s32 $0x6;
	p2 =	seq.s32 s0, $0xFFFFFFFF;
	s2 =	smov.u32 @p1 s4  }
0x1c2: {  	s6 =	simm.s32 $0x0;
	s2 =	smov.u32 @p2 s4;
	s3 =	spop (v2sf)  }
0x1c3: {  	s0 =	smov.u32 @p2 s5;
	p1 =	sne.s32 s2, $0xFFFFFFFF;
	s4 =	smov.u32 s3  }
.Ltmp27:
0x1c4: {  	p2 =	seq.s32 s3, $0xFFFFFFFF;
	s4 =	smov.u32 @p1 s2;
	(pc) =	sbr.rel .LBB3_26-.Ltmp27, $4  }
0x1c5: {  	s10 =	simm.s32 $0xF188;
	s4 =	smov.u32 @p2 s2;
	s7 =	spop (v2sf)  }
0x1c6: {  	s11 =	simm.s32 $0x0;
	p1 =	sne.s32 s4, $0xFFFFFFFF;
	s8 =	smov.u32 s7  }
0x1c7: {  	s3 =	smov.u32 @p2 s0;
	p2 =	seq.s32 s7, $0xFFFFFFFF;
	s8 =	smov.u32 @p1 s4  }
0x1c8: {  	[sflag:s9] =	ssyncpa.u1 $0x0;
	s7 =	smov.u32 @p2 s3;
	s8 =	smov.u32 @p2 s4  }
.LBB3_32:
0x1c9: {  	p1 =	sgt.u32 s12, $0x270F0  }
0x1ca: {  	p2 =	seq.s32 @!p1 s12, s8  }
0x1cb: {  	p1 =	por p1, p2  }
0x1cc: {  	p2 =	sne.s32 @!p1 s12, s7  }
0x1cd: {  	p1 =	por p1, !p2  }
0x1ce: {  	s0 =	sshll.u32 @p1 s11, $0x9  }
0x1cf: {  	s0 =	sand.u32 @!p1 $0x3FFF8, s12  }
0x1d0: {  	s2 =	sand.u32 @!p1 $0x7, s12;
	s0 =	sadd.s32 @!p1 s1, s0  }
0x1d1: {  	[tilespmem:s10], [sflag:$0x6] =	stream.linear.gather @!p1 [hbm4b:s0+s2], $0x80, $0x38;
	[tilespmem:$0x1F6F8] =	vst v63  }
0x1d2: {  	_ =	swait.ge @!p1 [sflag:s9], $0x80  }
0x1d3: {  	[sflag:s9] =	ssyncset.done @!p1 $0x0  }
0x1d4: {  	[sflag:s9] =	ssyncadd.s32 @!p1 $0xFFFFFF80  }
0x1d5: {  	v1 =	vld @!p1 [tilespmem:$0xF188];
	_ =	sdelay $0x2  }
0x1d6: {  	s0 =	sshll.u32 @!p1 s11, $0x9  }
0x1d7: {  	s2 =	sshrl.u32 @!p1 s0, $0x2  }
0x1d8: {  	[tilespmem:s2+$0xF238] =	vst.add.f32.msk @!p1 $0xffff, v1  }
0x1d9: {  	v1 =	vld @!p1 [tilespmem:$0xF198];
	_ =	sdelay $0x4  }
0x1da: {  	[tilespmem:s2+$0xF248] =	vst.add.f32.msk @!p1 $0xffff, v1  }
0x1db: {  	v1 =	vld @!p1 [tilespmem:$0xF1A8];
	_ =	sdelay $0x4  }
0x1dc: {  	[tilespmem:s2+$0xF258] =	vst.add.f32.msk @!p1 $0xffff, v1  }
0x1dd: {  	v1 =	vld @!p1 [tilespmem:$0xF1B8];
	_ =	sdelay $0x4  }
0x1de: {  	[tilespmem:s2+$0xF268] =	vst.add.f32.msk @!p1 $0xffff, v1  }
0x1df: {  	v1 =	vld @!p1 [tilespmem:$0xF1C8];
	_ =	sdelay $0x4  }
0x1e0: {  	[tilespmem:s2+$0xF278] =	vst.add.f32.msk @!p1 $0xffff, v1  }
0x1e1: {  	v1 =	vld @!p1 [tilespmem:$0xF1D8];
	_ =	sdelay $0x4  }
0x1e2: {  	[tilespmem:s2+$0xF288] =	vst.add.f32.msk @!p1 $0xffff, v1  }
0x1e3: {  	v1 =	vld @!p1 [tilespmem:$0xF1E8];
	_ =	sdelay $0x4  }
0x1e4: {  	[tilespmem:s2+$0xF298] =	vst.add.f32.msk @!p1 $0xffff, v1  }
0x1e5: {  	v1 =	vld @!p1 [tilespmem:$0xF1F8];
	_ =	sdelay $0x4  }
0x1e6: {  	[tilespmem:s2+$0xF2A8] =	vst.add.f32.msk @!p1 $0xffff, v1  }
0x1e7: {  	s0 =	sshrl.u32 s0, $0x2;
	[tilespmem:s6+$0xF218] =	vst.msk $0x1, v0  }
0x1e8: {  	v0 =	vld [tilespmem:s0+$0xF238];
	_ =	sdelay $0x2  }
0x1e9: {  	s31 =	sshll.u32 s6, $0x9  }
0x1ea: {  	s2 =	sshra.s32 s31, $0x2  }
0x1eb: {  	[tilespmem:s2+$0xF238] =	vst v0  }
0x1ec: {  	v0 =	vld [tilespmem:s0+$0xF248];
	_ =	sdelay $0x4  }
0x1ed: {  	[tilespmem:s2+$0xF248] =	vst v0  }
0x1ee: {  	v0 =	vld [tilespmem:s0+$0xF258];
	_ =	sdelay $0x4  }
0x1ef: {  	[tilespmem:s2+$0xF258] =	vst v0  }
0x1f0: {  	v0 =	vld [tilespmem:s0+$0xF268];
	_ =	sdelay $0x4  }
0x1f1: {  	[tilespmem:s2+$0xF268] =	vst v0  }
0x1f2: {  	v0 =	vld [tilespmem:s0+$0xF278];
	_ =	sdelay $0x4  }
0x1f3: {  	[tilespmem:s2+$0xF278] =	vst v0  }
0x1f4: {  	v0 =	vld [tilespmem:s0+$0xF288];
	_ =	sdelay $0x4  }
0x1f5: {  	[tilespmem:s2+$0xF288] =	vst v0  }
0x1f6: {  	v0 =	vld [tilespmem:s0+$0xF298];
	_ =	sdelay $0x4  }
0x1f7: {  	[tilespmem:s2+$0xF298] =	vst v0  }
0x1f8: {  	v0 =	vld [tilespmem:s0+$0xF2A8];
	_ =	sdelay $0x4  }
0x1f9: {  	s6 =	sadd.s32 $0x1, s6;
	[tilespmem:s2+$0xF2A8] =	vst v0  }
.LBB3_33:
0x1fa: {  	s11 =	sadd.s32 $0x1, s11  }
0x1fb: {  	p1 =	sne.s32 s11, $0x20  }
.Ltmp28:
0x1fc: {  	_ = 	snop;
	(pc) =	sbr.rel @!p1 .LBB3_34-.Ltmp28, $1  }
0x1fd: {  	_ =	sdelay $0x3  }
.LBB3_26:
0x1fe: {  	v0 =	vld.msk [tilespmem:s11+$0xF218], $0x1;
	_ =	sdelay $0x4  }
0x1ff: {  	(v2sf) =	vpush v0, $0x0;
	_ =	sdelay $0xe  }
0x200: {  	s12 =	spop (v2sf)  }
0x201: {  	p1 =	seq.s32 s12, $0xFFFFFFFF  }
.Ltmp29:
0x202: {  	_ = 	snop;
	(pc) =	sbr.rel @p1 .LBB3_33-.Ltmp29, $1  }
0x203: {  	_ =	sdelay $0x3  }
0x204: {  	p1 =	slt.s32 s6, $0x1  }
.Ltmp30:
0x205: {  	_ = 	snop;
	(pc) =	sbr.rel @p1 .LBB3_32-.Ltmp30, $1  }
0x206: {  	_ =	sdelay $0x3  }
0x207: {  	s13 =	simm.s32 $0xF218;
	p1 =	por $0x0, $0x0  }
0x208: {  	v1 =	vld.msk @!p1 [tilespmem:s13+$0x0], $0x1;
	_ =	sdelay $0x4  }
0x209: {  	(v2sf) =	vpush @!p1 v1, $0x0;
	_ =	sdelay $0xd  }
0x20a: {  	p3 =	sne.s32 s6, $0x1  }
.Ltmp31:
0x20b: {  	s0 =	spop @!p1 (v2sf);
	(pc) =	sbr.rel @!p3 .LBB3_30-.Ltmp31, $4  }
0x20c: {  	p2 =	seq.s32 @!p1 s12, s0  }
0x20d: {  	s14 =	simm.s32 $0x0;
	p2 =	por !p2, p1  }
0x20e: {  	s2 =	simm.s32 $0xFFFFFFFF;
	s14 =	simm.s32 @p2 $0xFFFFFFFF  }
0x20f: {  	s0 =	simm.s32 $0x1;
	s14 =	smov.u32 @p1 s2  }
.LBB3_29:
0x210: {  	s2 =	smov.u32 s14;
	p1 =	sne.s32 s14, $0xFFFFFFFF  }
0x211: {  	s13 =	sadd.s32 $0x1, s13;
	s14 =	smov.u32 s0;
	s0 =	sadd.s32 $0x1, s0  }
0x212: {  	p2 =	sne.s32 s6, s0;
	v1 =	vld.msk @!p1 [tilespmem:s13+$0x0], $0x1;
	_ =	sdelay $0x4  }
0x213: {  	(v2sf) =	vpush @!p1 v1, $0x0;
	_ =	sdelay $0xe  }
.Ltmp32:
0x214: {  	s3 =	spop @!p1 (v2sf);
	(pc) =	sbr.rel @p2 .LBB3_29-.Ltmp32, $4  }
0x215: {  	p3 =	seq.s32 @!p1 s12, s3  }
0x216: {  	p3 =	por !p3, p1  }
0x217: {  	s14 =	simm.s32 @p3 $0xFFFFFFFF  }
0x218: {  	s14 =	smov.u32 @p1 s2  }
.LBB3_30:
0x219: {  	p1 =	seq.s32 s14, $0xFFFFFFFF  }
.Ltmp33:
0x21a: {  	_ = 	snop;
	(pc) =	sbr.rel @p1 .LBB3_32-.Ltmp33, $1  }
0x21b: {  	_ =	sdelay $0x3  }
0x21c: {  	s0 =	sshll.u32 s11, $0x7  }
0x21d: {  	s0 =	sand.u32 $0x3FFFFF80, s0  }
0x21e: {  	v0 =	vld [tilespmem:s0+$0xF238];
	_ =	sdelay $0x2  }
0x21f: {  	s2 =	sshll.u32 s14, $0x9  }
0x220: {  	s2 =	sshra.s32 s2, $0x2  }
0x221: {  	[tilespmem:s2+$0xF238] =	vst.add.f32.msk $0xffff, v0  }
0x222: {  	v0 =	vld [tilespmem:s0+$0xF248];
	_ =	sdelay $0x4  }
0x223: {  	[tilespmem:s2+$0xF248] =	vst.add.f32.msk $0xffff, v0  }
0x224: {  	v0 =	vld [tilespmem:s0+$0xF258];
	_ =	sdelay $0x4  }
0x225: {  	[tilespmem:s2+$0xF258] =	vst.add.f32.msk $0xffff, v0  }
0x226: {  	v0 =	vld [tilespmem:s0+$0xF268];
	_ =	sdelay $0x4  }
0x227: {  	[tilespmem:s2+$0xF268] =	vst.add.f32.msk $0xffff, v0  }
0x228: {  	v0 =	vld [tilespmem:s0+$0xF278];
	_ =	sdelay $0x4  }
0x229: {  	[tilespmem:s2+$0xF278] =	vst.add.f32.msk $0xffff, v0  }
0x22a: {  	v0 =	vld [tilespmem:s0+$0xF288];
	_ =	sdelay $0x4  }
0x22b: {  	[tilespmem:s2+$0xF288] =	vst.add.f32.msk $0xffff, v0  }
0x22c: {  	v0 =	vld [tilespmem:s0+$0xF298];
	_ =	sdelay $0x4  }
0x22d: {  	[tilespmem:s2+$0xF298] =	vst.add.f32.msk $0xffff, v0  }
0x22e: {  	v0 =	vld [tilespmem:s0+$0xF2A8]  }
.Ltmp34:
0x22f: {  	_ = 	snop;
	(pc) =	sbr.rel .LBB3_33-.Ltmp34, $2  }
0x230: {  	_ =	sdelay $0x2  }
0x231: {  	[tilespmem:s2+$0xF2A8] =	vst.add.f32.msk $0xffff, v0  }
.LBB3_34:
0x232: {  	s0 =	simm.s32 $0x6;
	p1 =	seq.s32 s6, $0x0  }
0x233: {  	[sflag:s0] =	ssyncpa.u1 $0x1;
	v0 =	vimm.s32 @p1 $0xFFFFFFFF  }
0x234: {  	s9 =	sadd.s32 $0xFFFFFFFF, s6;
	[tilespmem:$0x10238] =	vst @p1 v0  }
0x235: {  	v0 =	vld.msk @!p1 [tilespmem:s9+$0xF218], $0x1;
	_ =	sdelay $0x1  }
0x236: {  	v1 =	vld.msk @!p1 [tilespmem:$0xF218], $0x1;
	_ =	sdelay $0x2  }
0x237: {  	p2 =	seq.s32 @!p1 s9, $0x0;
	v0 =	vbroadcast @!p1 v0, $0x0  }
0x238: {  	vm0 =	vmmov @!p1 $0x1;
	p2 =	por !p2, p1  }
0x239: {  	v1 =	vnsel @!p1 vm0, $0xFFFFFFFF, v1;
	vm0 =	vcmask @!p1 $0x308;
	v0 =	vpsel !p2, $0xFFFFFFFF, v0  }
0x23a: {  	p2 =	sne.s32 @!p1 s8, s7;
	v0 =	vsel @!p1 vm0, v1, v0  }
0x23b: {  	s0 =	simm.s32 @!p1 $0xF238;
	s2 =	simm.s32 @!p1 $0x0;
	p3 =	por !p2, p1;
	[tilespmem:$0x10238] =	vst @!p1 v0  }
0x23c: {  	[spmem:s2] =	stream.linear.scatter @!p1 [tilespmem:s0], [sflag:$0x1], $0x80, $0x38;
	[tilespmem:$0x1F6F8] =	vst v63  }
0x23d: {  	s0 =	sshll.u32 @!p3 s9, $0x9  }
0x23e: {  	s0 =	sshra.s32 @!p3 s0, $0x2  }
0x23f: {  	s2 =	simm.s32 @!p3 $0x80;
	s0 =	sadd.s32 @!p3 $0xF238, s0  }
0x240: {  	[spmem:s2] =	stream.linear.scatter @!p3 [tilespmem:s0], [sflag:$0x1], $0x80, $0x38;
	[tilespmem:$0x1F6F8] =	vst v63  }
0x241: {  	s0 =	simm.s32 @!p3 $0x1  }
0x242: {  	_ =	swait.ge @!p3 [sflag:s0], $0x100  }
0x243: {  	p1 =	por p2, p1;
	[sflag:s0] =	ssyncset.done @!p3 $0x0  }
0x244: {  	[sflag:s0] =	ssyncadd.s32 @!p3 $0xFFFFFF00;
	s0 =	simm.s32 @!p1 $0x1  }
0x245: {  	_ =	swait.ge @!p1 [sflag:s0], $0x80  }
0x246: {  	s29 =	simm.s32 $0x10238;
	[sflag:s0] =	ssyncset.done @!p1 $0x0  }
0x247: {  	s30 =	simm.s32 $0x1000;
	s31 =	simm.s32 $0x1;
	[sflag:s0] =	ssyncadd.s32 @!p1 $0xFFFFFF80  }
0x248: {  	[spmem:s30] =	stream.linear.scatter [tilespmem:s29], [sflag:$0x1], $0x10, $0x38;
	[tilespmem:$0x1F6F8] =	vst v63  }
0x249: {  	_ =	swait.ge [sflag:s31], $0x10  }
0x24a: {  	[sflag:s31] =	ssyncset.done $0x0  }
0x24b: {  	p1 =	seq.s32 s15, $0x0;
	s8 =	rddreg [dreg:$0x2];
	[sflag:s31] =	ssyncadd.s32 $0xFFFFFFF0  }
0x24c: {  	s2 =	sshll.u32 @p1 s8, $0xE;
	s7 =	rddreg [dreg:$0x3]  }
0x24d: {  	s0 =	sadd.s32 @p1 $0x15C3C, s2;
	s2 =	sshll.u32 @p1 s7, $0x11  }
0x24e: {  	_ =	sfence.stream.spmem;
	s0 =	sor.u32 @p1 s2, s0  }
0x24f: {  	[sflag:s0] =	ssyncadd.remote.s32 @p1 $0x1;
	s0 =	simm.s32 @p1 $0x4  }
0x250: {  	s3 =	simm.s32 @!p1 $0x3C;
	s2 =	sand.u32 $0xFFFFFFFE, s8;
	_ =	swait.ge @p1 [sflag:s0], $0x22  }
0x251: {  	s4 =	simm.s32 @!p1 $0x0;
	s2 =	sadd.s32 @!p1 $0x4, s2;
	[sflag:s0] =	ssyncset.done @p1 $0x0  }
0x252: {  	s5 =	simm.s32 @!p1 $0x100;
	[sflag:s0] =	ssyncadd.s32 @p1 $0xFFFFFFDE;
	s0 =	sshll.u32 @!p1 s2, $0x1A  }
0x253: {  	s2 =	sshll.u32 @!p1 s2, $0xD;
	s0 =	sor.u32 @!p1 s0, s7;
	_ =	swait.eq @!p1 [sflag:s3], $0x1  }
0x254: {  	s2 =	sor.u32 @!p1 $0x1C04, s2;
	s3 =	simm.s32 @!p1 $0x1C03;
	s0 =	sor.u32 @!p1 $0x80004000, s0  }
0x255: {  	[spmem:s5], [sflag:s2] =	dma.general @!p1 [spmem:s4], [sflag:s3], length:$0x20, [dreg:$0x0], stride_count:$0x0, ici_dest:s0, dma_misc:DstOpCode:WRITE  }
0x256: {  	p2 =	slt.s32 s9, $0x2;
	s4 =	simm.s32 @!p1 $0x200;
	s5 =	simm.s32 @!p1 $0x202  }
0x257: {  	[spmem:s5], [sflag:s2] =	dma.general @!p1 [spmem:s4], [sflag:s3], length:$0x2, [dreg:$0x0], stride_count:$0x0, ici_dest:s0, dma_misc:DstOpCode:WRITE  }
.Ltmp35:
0x258: {  	s0 =	simm.s32 @!p1 $0x3;
	(pc) =	sbr.rel @p2 .LBB3_38-.Ltmp35, $4  }
0x259: {  	s2 =	sshll.u32 @!p1 s8, $0xE;
	_ =	swait.ge @!p1 [sflag:s0], $0x22  }
0x25a: {  	s3 =	sshll.u32 @!p1 s7, $0x11;
	s2 =	sadd.s32 @!p1 $0x11C3C, s2;
	[sflag:s0] =	ssyncset.done @!p1 $0x0  }
0x25b: {  	[sflag:s0] =	ssyncadd.s32 @!p1 $0xFFFFFFDE;
	s0 =	sor.u32 @!p1 s3, s2  }
0x25c: {  	[sflag:s0] =	ssyncadd.remote.s32 @!p1 $0xFFFFFFFF;
	s0 =	simm.s32 $0x0  }
0x25d: {  	s0 =	simm.s32 $0xF219  }
0x25e: {  	v0 =	vld.msk [tilespmem:s0+$0x0], $0x1;
	_ =	sdelay $0x4  }
0x25f: {  	(v2sf) =	vpush v0, $0x0;
	_ =	sdelay $0xb  }
0x260: {  	s31 =	sadd.s32 $0xFFFFFFFE, s6  }
0x261: {  	s0 =	sadd.s32 $0xFFFFFFFF, s31  }
0x262: {  	p2 =	sne.s32 s0, $0x0  }
.Ltmp36:
0x263: {  	s2 =	spop (v2sf);
	(pc) =	sbr.rel @!p2 .LBB3_37-.Ltmp36, $4  }
0x264: {  	s4 =	simm.s32 $0xF2B8;
	s7 =	simm.s32 $0x0;
	p1 =	sgt.u32 s2, $0x270F0  }
0x265: {  	s5 =	simm.s32 $0x0;
	s6 =	simm.s32 $0xF21A;
	s3 =	sand.u32 @!p1 $0x3FFF8, s2  }
0x266: {  	s2 =	sand.u32 @!p1 $0x7, s2;
	s7 =	simm.s32 @!p1 $0x200;
	s3 =	sadd.s32 @!p1 s1, s3  }
0x267: {  	[hbm4b:s3+s2] =	stream.linear.scatter @!p1 [tilespmem:s4], [sflag:$0x5], $0x80, $0x38;
	[tilespmem:$0x1F6F8] =	vst v63  }
.LBB3_36:
0x268: {  	v0 =	vld.msk [tilespmem:s6+$0x0], $0x1;
	s0 =	sadd.s32 $0xFFFFFFFF, s0;
	s5 =	sadd.s32 s5, s7  }
0x269: {  	p1 =	sne.s32 s0, $0x0;
	_ =	sdelay $0x3  }
0x26a: {  	(v2sf) =	vpush v0, $0x0;
	_ =	sdelay $0xe  }
.Ltmp37:
0x26b: {  	s2 =	spop (v2sf);
	(pc) =	sbr.rel @p1 .LBB3_36-.Ltmp37, $4  }
0x26c: {  	s7 =	simm.s32 $0x0;
	p2 =	sgt.u32 s2, $0x270F0  }
0x26d: {  	s4 =	sadd.s32 $0x80, s4;
	s7 =	simm.s32 @!p2 $0x200;
	s3 =	sand.u32 @!p2 $0x3FFF8, s2  }
0x26e: {  	s6 =	sadd.s32 $0x1, s6;
	s2 =	sand.u32 @!p2 $0x7, s2;
	s3 =	sadd.s32 @!p2 s1, s3  }
0x26f: {  	[hbm4b:s3+s2] =	stream.linear.scatter @!p2 [tilespmem:s4], [sflag:$0x5], $0x80, $0x38;
	[tilespmem:$0x1F6F8] =	vst v63  }
.LBB3_37:
0x270: {  	s0 =	sadd.s32 s5, s7  }
0x271: {  	s0 =	sshrl.u32 s0, $0x2  }
.LBB3_38:
0x272: {  	s2 =	simm.s32 $0x5  }
0x273: {  	_ =	swait.ge [sflag:s2], s0  }
0x274: {  	s31 =	ssub.s32 $0x0, s0;
	[sflag:s2] =	ssyncset.done $0x0  }
0x275: {  	[sflag:s2] =	ssyncadd.s32 s31  }
0x276: {  	[sflag:s2] =	ssyncpa.u1 $0x1  }
.LBB3_39:
0x277: {  	s0 =	sor.u32 s15, s16  }
0x278: {  	p1 =	sne.s32 s0, $0x0  }
.Ltmp38:
0x279: {  	_ = 	snop;
	(pc) =	sbr.rel @p1 .LBB3_54-.Ltmp38, $3  }
0x27a: {  	_ =	sdelay $0x1  }
0x27b: {  	[bflag:$0x0] =	sbarrier.arrive $0xFFFF  }
0x27c: {  	_ =	sfence  }
0x27d: {  	s0 =	simm.s32 $0x7  }
0x27e: {  	s2 =	simm.s32 $0x1000;
	s3 =	simm.s32 $0xF218;
	[sflag:s0] =	ssyncpa.u1 $0x0  }
0x27f: {  	[tilespmem:s3], [sflag:$0x7] =	stream.linear.gather [spmem:s2], $0x20, $0x38;
	[tilespmem:$0x1F6F8] =	vst v63  }
0x280: {  	s30 =	simm.s32 $0xF238;
	s2 =	simm.s32 $0x0  }
0x281: {  	[tilespmem:s30], [sflag:$0x7] =	stream.linear.gather [spmem:s2], $0x1000, $0x38;
	[tilespmem:$0x1F6F8] =	vst v63  }
.Ltmp39:
0x282: {  	_ = 	snop;
	(pc) =	sbr.rel .LBB3_41-.Ltmp39, $4  }
0x283: {  	_ =	swait.ge [sflag:s0], $0x1020  }
0x284: {  	[sflag:s0] =	ssyncset.done $0x0  }
0x285: {  	s31 =	simm.s32 $0x8;
	[sflag:s0] =	ssyncadd.s32 $0xFFFFEFE0  }
0x286: {  	s3 =	simm.s32 $0x0;
	[sflag:s31] =	ssyncpa.u1 $0x0  }
.LBB3_47:
0x287: {  	p1 =	slt.u32 s4, $0x270F1  }
0x288: {  	s0 =	sand.u32 @p1 $0x3FFF8, s4  }
0x289: {  	s4 =	sand.u32 @p1 $0x7, s4;
	s5 =	simm.s32 @p1 $0xF188;
	s0 =	sadd.s32 @p1 s1, s0  }
0x28a: {  	[tilespmem:s5], [sflag:$0x8] =	stream.linear.gather @p1 [hbm4b:s0+s4], $0x80, $0x38;
	[tilespmem:$0x1F6F8] =	vst v63  }
0x28b: {  	s0 =	simm.s32 @p1 $0x8  }
0x28c: {  	_ =	swait.ge @p1 [sflag:s0], $0x80  }
0x28d: {  	[sflag:s0] =	ssyncset.done @p1 $0x0  }
0x28e: {  	[sflag:s0] =	ssyncadd.s32 @p1 $0xFFFFFF80  }
0x28f: {  	v1 =	vld @p1 [tilespmem:$0xF188];
	_ =	sdelay $0x2  }
0x290: {  	s0 =	sshll.u32 @p1 s3, $0x9  }
0x291: {  	s4 =	sshrl.u32 @p1 s0, $0x2  }
0x292: {  	[tilespmem:s4+$0xF238] =	vst.add.f32.msk @p1 $0xffff, v1  }
0x293: {  	v1 =	vld @p1 [tilespmem:$0xF198];
	_ =	sdelay $0x4  }
0x294: {  	[tilespmem:s4+$0xF248] =	vst.add.f32.msk @p1 $0xffff, v1  }
0x295: {  	v1 =	vld @p1 [tilespmem:$0xF1A8];
	_ =	sdelay $0x4  }
0x296: {  	[tilespmem:s4+$0xF258] =	vst.add.f32.msk @p1 $0xffff, v1  }
0x297: {  	v1 =	vld @p1 [tilespmem:$0xF1B8];
	_ =	sdelay $0x4  }
0x298: {  	[tilespmem:s4+$0xF268] =	vst.add.f32.msk @p1 $0xffff, v1  }
0x299: {  	v1 =	vld @p1 [tilespmem:$0xF1C8];
	_ =	sdelay $0x4  }
0x29a: {  	[tilespmem:s4+$0xF278] =	vst.add.f32.msk @p1 $0xffff, v1  }
0x29b: {  	v1 =	vld @p1 [tilespmem:$0xF1D8];
	_ =	sdelay $0x4  }
0x29c: {  	[tilespmem:s4+$0xF288] =	vst.add.f32.msk @p1 $0xffff, v1  }
0x29d: {  	v1 =	vld @p1 [tilespmem:$0xF1E8];
	_ =	sdelay $0x4  }
0x29e: {  	[tilespmem:s4+$0xF298] =	vst.add.f32.msk @p1 $0xffff, v1  }
0x29f: {  	v1 =	vld @p1 [tilespmem:$0xF1F8];
	_ =	sdelay $0x3  }
0x2a0: {  	s5 =	sshll.u32 @!p1 s3, $0x9  }
0x2a1: {  	s5 =	smov.u32 @p1 s0;
	[tilespmem:s4+$0xF2A8] =	vst.add.f32.msk @p1 $0xffff, v1  }
0x2a2: {  	s0 =	sshrl.u32 s5, $0x2;
	[tilespmem:s2+$0xF218] =	vst.msk $0x1, v0  }
0x2a3: {  	v0 =	vld [tilespmem:s0+$0xF238];
	_ =	sdelay $0x2  }
0x2a4: {  	s31 =	sshll.u32 s2, $0x9  }
0x2a5: {  	s4 =	sshra.s32 s31, $0x2  }
0x2a6: {  	[tilespmem:s4+$0xF238] =	vst v0  }
0x2a7: {  	v0 =	vld [tilespmem:s0+$0xF248];
	_ =	sdelay $0x4  }
0x2a8: {  	[tilespmem:s4+$0xF248] =	vst v0  }
0x2a9: {  	v0 =	vld [tilespmem:s0+$0xF258];
	_ =	sdelay $0x4  }
0x2aa: {  	[tilespmem:s4+$0xF258] =	vst v0  }
0x2ab: {  	v0 =	vld [tilespmem:s0+$0xF268];
	_ =	sdelay $0x4  }
0x2ac: {  	[tilespmem:s4+$0xF268] =	vst v0  }
0x2ad: {  	v0 =	vld [tilespmem:s0+$0xF278];
	_ =	sdelay $0x4  }
0x2ae: {  	[tilespmem:s4+$0xF278] =	vst v0  }
0x2af: {  	v0 =	vld [tilespmem:s0+$0xF288];
	_ =	sdelay $0x4  }
0x2b0: {  	[tilespmem:s4+$0xF288] =	vst v0  }
0x2b1: {  	v0 =	vld [tilespmem:s0+$0xF298];
	_ =	sdelay $0x4  }
0x2b2: {  	[tilespmem:s4+$0xF298] =	vst v0  }
0x2b3: {  	v0 =	vld [tilespmem:s0+$0xF2A8];
	_ =	sdelay $0x4  }
0x2b4: {  	s2 =	sadd.s32 $0x1, s2;
	[tilespmem:s4+$0xF2A8] =	vst v0  }
.LBB3_48:
0x2b5: {  	s3 =	sadd.s32 $0x1, s3  }
0x2b6: {  	p1 =	sne.s32 s3, $0x20  }
.Ltmp40:
0x2b7: {  	_ = 	snop;
	(pc) =	sbr.rel @!p1 .LBB3_49-.Ltmp40, $1  }
0x2b8: {  	_ =	sdelay $0x3  }
.LBB3_41:
0x2b9: {  	v0 =	vld.msk [tilespmem:s3+$0xF218], $0x1;
	_ =	sdelay $0x4  }
0x2ba: {  	(v2sf) =	vpush v0, $0x0;
	_ =	sdelay $0xe  }
0x2bb: {  	s4 =	spop (v2sf)  }
0x2bc: {  	p1 =	seq.s32 s4, $0xFFFFFFFF  }
.Ltmp41:
0x2bd: {  	_ = 	snop;
	(pc) =	sbr.rel @p1 .LBB3_48-.Ltmp41, $1  }
0x2be: {  	_ =	sdelay $0x3  }
0x2bf: {  	p1 =	slt.s32 s2, $0x1  }
.Ltmp42:
0x2c0: {  	_ = 	snop;
	(pc) =	sbr.rel @p1 .LBB3_47-.Ltmp42, $1  }
0x2c1: {  	_ =	sdelay $0x3  }
0x2c2: {  	s5 =	simm.s32 $0xF218;
	p1 =	por $0x0, $0x0  }
0x2c3: {  	v1 =	vld.msk @!p1 [tilespmem:s5+$0x0], $0x1;
	_ =	sdelay $0x4  }
0x2c4: {  	(v2sf) =	vpush @!p1 v1, $0x0;
	_ =	sdelay $0xd  }
0x2c5: {  	p3 =	sne.s32 s2, $0x1  }
.Ltmp43:
0x2c6: {  	s0 =	spop @!p1 (v2sf);
	(pc) =	sbr.rel @!p3 .LBB3_45-.Ltmp43, $4  }
0x2c7: {  	p2 =	seq.s32 @!p1 s4, s0  }
0x2c8: {  	s6 =	simm.s32 $0x0;
	p2 =	por !p2, p1  }
0x2c9: {  	s7 =	simm.s32 $0xFFFFFFFF;
	s6 =	simm.s32 @p2 $0xFFFFFFFF  }
0x2ca: {  	s0 =	simm.s32 $0x1;
	s6 =	smov.u32 @p1 s7  }
.LBB3_44:
0x2cb: {  	s7 =	smov.u32 s6;
	p1 =	sne.s32 s6, $0xFFFFFFFF  }
0x2cc: {  	s5 =	sadd.s32 $0x1, s5;
	s6 =	smov.u32 s0;
	s0 =	sadd.s32 $0x1, s0  }
0x2cd: {  	p2 =	sne.s32 s2, s0;
	v1 =	vld.msk @!p1 [tilespmem:s5+$0x0], $0x1;
	_ =	sdelay $0x4  }
0x2ce: {  	(v2sf) =	vpush @!p1 v1, $0x0;
	_ =	sdelay $0xe  }
.Ltmp44:
0x2cf: {  	s8 =	spop @!p1 (v2sf);
	(pc) =	sbr.rel @p2 .LBB3_44-.Ltmp44, $4  }
0x2d0: {  	p3 =	seq.s32 @!p1 s4, s8  }
0x2d1: {  	p3 =	por !p3, p1  }
0x2d2: {  	s6 =	simm.s32 @p3 $0xFFFFFFFF  }
0x2d3: {  	s6 =	smov.u32 @p1 s7  }
.LBB3_45:
0x2d4: {  	p1 =	seq.s32 s6, $0xFFFFFFFF  }
.Ltmp45:
0x2d5: {  	_ = 	snop;
	(pc) =	sbr.rel @p1 .LBB3_47-.Ltmp45, $1  }
0x2d6: {  	_ =	sdelay $0x3  }
0x2d7: {  	s0 =	sshll.u32 s3, $0x7  }
0x2d8: {  	s0 =	sand.u32 $0x3FFFFF80, s0  }
0x2d9: {  	v0 =	vld [tilespmem:s0+$0xF238];
	_ =	sdelay $0x2  }
0x2da: {  	s4 =	sshll.u32 s6, $0x9  }
0x2db: {  	s4 =	sshra.s32 s4, $0x2  }
0x2dc: {  	[tilespmem:s4+$0xF238] =	vst.add.f32.msk $0xffff, v0  }
0x2dd: {  	v0 =	vld [tilespmem:s0+$0xF248];
	_ =	sdelay $0x4  }
0x2de: {  	[tilespmem:s4+$0xF248] =	vst.add.f32.msk $0xffff, v0  }
0x2df: {  	v0 =	vld [tilespmem:s0+$0xF258];
	_ =	sdelay $0x4  }
0x2e0: {  	[tilespmem:s4+$0xF258] =	vst.add.f32.msk $0xffff, v0  }
0x2e1: {  	v0 =	vld [tilespmem:s0+$0xF268];
	_ =	sdelay $0x4  }
0x2e2: {  	[tilespmem:s4+$0xF268] =	vst.add.f32.msk $0xffff, v0  }
0x2e3: {  	v0 =	vld [tilespmem:s0+$0xF278];
	_ =	sdelay $0x4  }
0x2e4: {  	[tilespmem:s4+$0xF278] =	vst.add.f32.msk $0xffff, v0  }
0x2e5: {  	v0 =	vld [tilespmem:s0+$0xF288];
	_ =	sdelay $0x4  }
0x2e6: {  	[tilespmem:s4+$0xF288] =	vst.add.f32.msk $0xffff, v0  }
0x2e7: {  	v0 =	vld [tilespmem:s0+$0xF298];
	_ =	sdelay $0x4  }
0x2e8: {  	[tilespmem:s4+$0xF298] =	vst.add.f32.msk $0xffff, v0  }
0x2e9: {  	v0 =	vld [tilespmem:s0+$0xF2A8]  }
.Ltmp46:
0x2ea: {  	_ = 	snop;
	(pc) =	sbr.rel .LBB3_48-.Ltmp46, $2  }
0x2eb: {  	_ =	sdelay $0x2  }
0x2ec: {  	[tilespmem:s4+$0xF2A8] =	vst.add.f32.msk $0xffff, v0  }
.LBB3_49:
0x2ed: {  	p1 =	slt.s32 s2, $0x1  }
.Ltmp47:
0x2ee: {  	_ = 	snop;
	(pc) =	sbr.rel @p1 .LBB3_53-.Ltmp47, $3  }
0x2ef: {  	_ =	sdelay $0x1  }
0x2f0: {  	s0 =	simm.s32 $0x8  }
0x2f1: {  	s3 =	simm.s32 $0x0;
	[sflag:s0] =	ssyncpa.u1 $0x1  }
0x2f2: {  	s0 =	simm.s32 $0xF218  }
0x2f3: {  	v0 =	vld.msk [tilespmem:s0+$0x0], $0x1;
	_ =	sdelay $0x4  }
0x2f4: {  	(v2sf) =	vpush v0, $0x0;
	_ =	sdelay $0xe  }
0x2f5: {  	s0 =	sadd.s32 $0xFFFFFFFF, s2;
	s5 =	spop (v2sf)  }
0x2f6: {  	p2 =	sne.s32 s0, $0x0;
	p1 =	sgt.u32 s5, $0x270F0  }
.Ltmp48:
0x2f7: {  	s6 =	sand.u32 @!p1 $0x3FFF8, s5;
	(pc) =	sbr.rel @!p2 .LBB3_52-.Ltmp48, $4  }
0x2f8: {  	s4 =	simm.s32 $0xF238;
	s5 =	sand.u32 @!p1 $0x7, s5;
	s2 =	sadd.s32 @!p1 s1, s6  }
0x2f9: {  	[hbm4b:s2+s5] =	stream.linear.scatter @!p1 [tilespmem:s4], [sflag:$0x7], $0x80, $0x38;
	[tilespmem:$0x1F6F8] =	vst v63  }
0x2fa: {  	s5 =	simm.s32 $0x0  }
0x2fb: {  	s2 =	simm.s32 $0xF219;
	s5 =	simm.s32 @!p1 $0x200  }
.LBB3_51:
0x2fc: {  	v0 =	vld.msk [tilespmem:s2+$0x0], $0x1;
	s0 =	sadd.s32 $0xFFFFFFFF, s0;
	s3 =	sadd.s32 s3, s5  }
0x2fd: {  	p1 =	sne.s32 s0, $0x0;
	_ =	sdelay $0x3  }
0x2fe: {  	(v2sf) =	vpush v0, $0x0;
	_ =	sdelay $0xe  }
.Ltmp49:
0x2ff: {  	s6 =	spop (v2sf);
	(pc) =	sbr.rel @p1 .LBB3_51-.Ltmp49, $4  }
0x300: {  	s5 =	simm.s32 $0x0;
	p2 =	sgt.u32 s6, $0x270F0  }
0x301: {  	s4 =	sadd.s32 $0x80, s4;
	s5 =	simm.s32 @!p2 $0x200;
	s7 =	sand.u32 @!p2 $0x3FFF8, s6  }
0x302: {  	s2 =	sadd.s32 $0x1, s2;
	s6 =	sand.u32 @!p2 $0x7, s6;
	s7 =	sadd.s32 @!p2 s1, s7  }
0x303: {  	[hbm4b:s7+s6] =	stream.linear.scatter @!p2 [tilespmem:s4], [sflag:$0x7], $0x80, $0x38;
	[tilespmem:$0x1F6F8] =	vst v63  }
.LBB3_52:
0x304: {  	s0 =	sadd.s32 s3, s5  }
0x305: {  	s3 =	sshrl.u32 s0, $0x2  }
.LBB3_53:
0x306: {  	s0 =	simm.s32 $0x7  }
0x307: {  	_ =	swait.ge [sflag:s0], s3  }
0x308: {  	s1 =	ssub.s32 $0x0, s3;
	[sflag:s0] =	ssyncset.done $0x0  }
0x309: {  	[sflag:s0] =	ssyncadd.s32 s1  }
0x30a: {  	[sflag:s0] =	ssyncpa.u1 $0x1  }
.LBB3_54:
0x30b: {  	_ =	sfence;
	s0 =	simm.s32 $0x1  }
0x30c: {  	[sflag:s0] =	ssyncpa.u1 $0x1  }
0x30d: {  	_ =	strace $0x9000004D  }
0x30e: {  	[bflag:$0x2] =	sbarrier.arrive $0xFFFF  }
0x30f: {  	s0 =	rddreg [dreg:$0x4]  }
0x310: {  	s0 =	sadd.s32 @!p0 $0x100000, s0  }
0x311: {  	[sflag:s0] =	ssyncadd.tile.s32 @!p0 $0x1;
	_ =	shalt  }
.Lfunc_end3:
_tile_overlayer_lowered:
.L_overlay_start_3:
0x312: {  	(tag) =	ssettag $0x3  }
0x313: {  	s0 =	rddreg [dreg:$0x0];
	s2 =	stileid.u32  }
0x314: {  	s1 =	rddreg [dreg:$0x1];
	p0 =	sne.s32 s2, $0x0  }
0x315: {  	s3 =	rddreg [dreg:$0x2];
	[bflag:$0x3] =	sbarrier.arrive $0xFFFF;
	s2 =	simm.s32 @!p0 $0x1C01  }
0x316: {  	[timem:s3], [sflag:s2] =	dma.local @!p0 [hbm:s0], s1  }
0x317: {  	s0 =	simm.s32 @!p0 $0x1  }
0x318: {  	_ =	swait.ge @!p0 [sflag:s0], s1  }
0x319: {  	s1 =	ssub.s32 @!p0 $0x0, s1;
	[sflag:s0] =	ssyncset.done @!p0 $0x0  }
0x31a: {  	[sflag:s0] =	ssyncadd.s32 @!p0 s1  }
0x31b: {  	[bflag:$0x3] =	sbarrier.arrive $0xFFFF  }
0x31c: {  	_ =	shalt  }

// kernel: scatter_offload_async_start.2
scs
__scs_entry_jumppad:
0x0: {  	(pc) =	sbr.rel $0x88, $3  }
0x1: {  	(tag) =	ssettag $0x0;
	lr =	simm.s32 $0x1  }
0x2: {  	[smem:$0x3F6D] =	sst lr;
	_ =	strace $0xD0000000  }
0x3: {  	_ = 	snop  }
0x4: {  	_ = 	snop  }
0x5: {  	_ = 	snop  }
0x6: {  	_ = 	snop  }
0x7: {  	_ = 	snop  }
__scs_overlays_trampoline_lowered:
0x8: {  	[smem:$0x3F7C] =	sst s0  }
0x9: {  	[smem:$0x3F7D] =	sst s1  }
0xa: {  	[smem:$0x3F7E] =	sst s2  }
0xb: {  	[smem:$0x3F7F] =	sst s3  }
0xc: {  	[smem:$0x3F80] =	sst s4  }
0xd: {  	[smem:$0x3F81] =	sst s5  }
0xe: {  	[smem:$0x3F82] =	sst s6  }
0xf: {  	[smem:$0x3F83] =	sst s7  }
0x10: {  	[smem:$0x3F84] =	sst s8  }
0x11: {  	[smem:$0x3F85] =	sst s9;
	s0 =	simm.s32 @!p0 $0x0  }
0x12: {  	s1 =	sld [smem:$0x3F6B];
	s0 =	simm.s32 @p0 $0x1  }
0x13: {  	[smem:$0x3F86] =	sst s0;
	s0 =	simm.s32 @!p1 $0x0  }
0x14: {  	s2 =	sld [smem:$0x3F6A];
	s0 =	simm.s32 @p1 $0x1  }
0x15: {  	[smem:$0x3F87] =	sst s0;
	s0 =	simm.s32 @!p2 $0x0  }
0x16: {  	s3 =	sld [smem:$0x3FDB];
	s0 =	simm.s32 @p2 $0x1  }
0x17: {  	s4 =	simm.s32 $0x1BF5;
	[smem:$0x3F89] =	sst s0  }
0x18: {  	s0 =	sld [smem:$0x3F6C];
	_ =	swait.ge [sflag:s4], $0x0  }
0x19: {  	s7 =	sld [smem:$0x3F6D]  }
0x1a: {  	s8 =	sadd.s32 $0xFFFFE003, lr  }
0x1b: {  	s9 =	sadd.s32 $0xFFFFFEF7, lr;
	s5 =	simm.s32 $0xFFFFFFFF;
	p2 =	slt.u32 s8, $0xFFFFF086  }
0x1c: {  	p1 =	slt.u32 s9, $0xF7A;
	s5 =	simm.s32 @!p2 $0x0  }
0x1d: {  	s5 =	simm.s32 @p1 $0x1;
	p0 =	seq.s32 s7, s2  }
0x1e: {  	s7 =	smul.u32 @!p0 $0xF7A, s2;
	p2 =	seq.s32 @!p0 s5, $0x0  }
0x1f: {  	s9 =	smul.u32 $0xF7A, s1;
	s8 =	simm.s32 @!p0 $0x1BF5;
	p2 =	por !p2, p0  }
0x20: {  	[sflag:s8] =	ssyncset.s32 @!p0 $0xFFFFF086;
	s6 =	sadd.s32 @!p0 s3, s7;
	s7 =	simm.s32 @!p0 $0x108  }
0x21: {  	s3 =	sadd.s32 s3, s9;
	s6 =	sadd.s32 @!p0 $0x88, s6;
	s7 =	simm.s32 @p2 $0x1082  }
0x22: {  	[simem:s7], [sflag:s8] =	dma.local @!p0 [hbm:s6], $0xF7A  }
0x23: {  	s9 =	sor.u32 $0xD0000000, s2;
	s6 =	simm.s32 $0x108;
	_ =	swait.ge @!p0 [sflag:s8], $0x0  }
0x24: {  	s3 =	sadd.s32 $0x88, s3;
	s6 =	simm.s32 @!p1 $0x1082;
	[sflag:s4] =	ssyncset.s32 $0xFFFFF086  }
0x25: {  	[simem:s6], [sflag:s4] =	dma.local [hbm:s3], $0xF7A  }
0x26: {  	[smem:$0x3F6D] =	sst s1;
	(tag) =	ssettag s2;
	_ =	strace s9  }
0x27: {  	s1 =	sld [smem:$0x3F7D]  }
0x28: {  	s2 =	sld [smem:$0x3F7E]  }
0x29: {  	s4 =	sld [smem:$0x3F80]  }
0x2a: {  	p0 =	seq.s32 s5, $0x0;
	s5 =	sld [smem:$0x3F81]  }
0x2b: {  	s6 =	sld [smem:$0x3F82]  }
0x2c: {  	s7 =	sld [smem:$0x3F83]  }
0x2d: {  	s3 =	simm.s32 $0x108;
	s8 =	sld [smem:$0x3F84]  }
0x2e: {  	s3 =	simm.s32 @!p0 $0x1082;
	s9 =	sld [smem:$0x3F85]  }
0x2f: {  	lr =	sadd.s32 s0, s3;
	s0 =	sld [smem:$0x3F7C]  }
0x30: {  	s3 =	sld [smem:$0x3F7F]  }
0x31: {  	[smem:$0x3F88] =	sst s10  }
0x32: {  	s10 =	sld [smem:$0x3F86];
	_ =	sdelay $0x3  }
0x33: {  	p0 =	seq.s32 s10, $0x1;
	s10 =	sld [smem:$0x3F88];
	_ =	sdelay $0x3  }
0x34: {  	[smem:$0x3F88] =	sst s10  }
0x35: {  	s10 =	sld [smem:$0x3F87];
	_ =	sdelay $0x3  }
0x36: {  	p1 =	seq.s32 s10, $0x1;
	s10 =	sld [smem:$0x3F88];
	_ =	sdelay $0x3  }
0x37: {  	[smem:$0x3F88] =	sst s10  }
0x38: {  	s10 =	sld [smem:$0x3F89]  }
0x39: {  	_ = 	snop;
	(pc) =	sbr.ind lr, $3  }
0x3a: {  	_ = 	snop  }
0x3b: {  	_ = 	snop  }
0x3c: {  	p2 =	seq.s32 s10, $0x1;
	s10 =	sld [smem:$0x3F88]  }
0x3d: {  	_ =	shalt  }
0x3e: {  	_ =	shalt  }
0x3f: {  	_ =	shalt  }
0x40: {  	_ =	shalt  }
0x41: {  	_ =	shalt  }
0x42: {  	_ =	shalt  }
0x43: {  	_ =	shalt  }
0x44: {  	_ =	shalt  }
0x45: {  	_ =	shalt  }
0x46: {  	_ =	shalt  }
0x47: {  	_ =	shalt  }
0x48: {  	_ =	shalt  }
0x49: {  	_ =	shalt  }
0x4a: {  	_ =	shalt  }
0x4b: {  	_ =	shalt  }
0x4c: {  	_ =	shalt  }
0x4d: {  	_ =	shalt  }
0x4e: {  	_ =	shalt  }
0x4f: {  	_ =	shalt  }
0x50: {  	_ =	shalt  }
0x51: {  	_ =	shalt  }
0x52: {  	_ =	shalt  }
0x53: {  	_ =	shalt  }
0x54: {  	_ =	shalt  }
0x55: {  	_ =	shalt  }
0x56: {  	_ =	shalt  }
0x57: {  	_ =	shalt  }
0x58: {  	_ =	shalt  }
0x59: {  	_ =	shalt  }
0x5a: {  	_ =	shalt  }
0x5b: {  	_ =	shalt  }
0x5c: {  	_ =	shalt  }
0x5d: {  	_ =	shalt  }
0x5e: {  	_ =	shalt  }
0x5f: {  	_ =	shalt  }
0x60: {  	_ =	shalt  }
0x61: {  	_ =	shalt  }
0x62: {  	_ =	shalt  }
0x63: {  	_ =	shalt  }
0x64: {  	_ =	shalt  }
0x65: {  	_ =	shalt  }
0x66: {  	_ =	shalt  }
0x67: {  	_ =	shalt  }
0x68: {  	_ =	shalt  }
0x69: {  	_ =	shalt  }
0x6a: {  	_ =	shalt  }
0x6b: {  	_ =	shalt  }
0x6c: {  	_ =	shalt  }
0x6d: {  	_ =	shalt  }
0x6e: {  	_ =	shalt  }
0x6f: {  	_ =	shalt  }
0x70: {  	_ =	shalt  }
0x71: {  	_ =	shalt  }
0x72: {  	_ =	shalt  }
0x73: {  	_ =	shalt  }
0x74: {  	_ =	shalt  }
0x75: {  	_ =	shalt  }
0x76: {  	_ =	shalt  }
0x77: {  	_ =	shalt  }
0x78: {  	_ =	shalt  }
0x79: {  	_ =	shalt  }
0x7a: {  	_ =	shalt  }
0x7b: {  	_ =	shalt  }
0x7c: {  	_ =	shalt  }
0x7d: {  	_ =	shalt  }
0x7e: {  	_ =	shalt  }
0x7f: {  	_ =	shalt  }
0x80: {  	_ =	shalt  }
0x81: {  	_ =	shalt  }
0x82: {  	_ =	shalt  }
0x83: {  	_ =	shalt  }
0x84: {  	_ =	shalt  }
0x85: {  	_ =	shalt  }
0x86: {  	_ =	shalt  }
0x87: {  	_ =	shalt  }
.Lfunc_end0:
.L_simem_size_0:
called_computation.2_lowered:
.L_overlay_start_0:
0x88: {  	s2 =	sld [smem:$0x3FD9]  }
0x89: {  	s3 =	sld [smem:$0x3FFE];
	_ =	sdelay $0x1  }
0x8a: {  	s1 =	srdreg.scid  }
0x8b: {  	s0 =	sand.u32 $0x1, s1  }
0x8c: {  	s13 =	sshll.u32 s0, $0xA;
	s2 =	sadd.s32 s3, s2  }
0x8d: {  	s2 =	sadd.s32 s2, s13  }
0x8e: {  	[smem:$0x3F94] =	sst s2  }
0x8f: {  	_ = 	snop  }
0x90: {  	s2 =	sld [smem:$0x3FD0];
	_ =	sdelay $0x2  }
0x91: {  	s14 =	simm.s32 $0xC;
	s4 =	simm.s32 $0x10  }
0x92: {  	[smem:s4], [sflag:s14] =	dma.local [hbm:s2], $0x1  }
0x93: {  	_ =	swait.eq [sflag:s14], $0x1  }
0x94: {  	[sflag:s14] =	ssyncset.done $0x0  }
0x95: {  	[sflag:s14] =	ssyncadd.s32 $0xFFFFFFFF  }
0x96: {  	s15 =	sld [smem:$0x11];
	(tm) =	ssettm $0x1  }
0x97: {  	s16 =	sld [smem:$0x3FFB];
	_ =	sdelay $0x3  }
0x98: {  	_ =	strace s16  }
0x99: {  	s2 =	sld [smem:$0x3FFC];
	_ =	sdelay $0x3  }
0x9a: {  	_ =	strace s2  }
0x9b: {  	s2 =	sld [smem:$0x3FFD];
	_ =	sdelay $0x3  }
0x9c: {  	_ =	strace s2  }
0x9d: {  	_ =	strace $0x8FFFFFFF  }
0x9e: {  	s17 =	sld [smem:$0x3FDB];
	_ =	sdelay $0x1  }
0x9f: {  	s18 =	simm.s32 $_scs_section_size  }
0xa0: {  	s5 =	simm.s32 $_size__tile_overlayer_lowered;
	s6 =	simm.s32 $_tile_overlayer_lowered  }
0xa1: {  	s7 =	simm.s32 $0x1BFF;
	s19 =	sshll.u32 s6, $0x1;
	s4 =	sadd.s32 s18, s17  }
0xa2: {  	s20 =	simm.s32 $0x0;
	s5 =	sshll.u32 s5, $0x1;
	s6 =	sadd.s32 s19, s4  }
0xa3: {  	[timem:s20], [sflag:s7] =	dma.local [hbm:s6], s5  }
0xa4: {  	_ =	swait.ge [sflag:s7], s5  }
0xa5: {  	s5 =	ssub.s32 $0x0, s5;
	[sflag:s7] =	ssyncset.done $0x0  }
0xa6: {  	[sflag:s7] =	ssyncadd.s32 s5;
	_ =	sdelay $0x1  }
0xa7: {  	s21 =	simm.s32 $0x1B8B  }
0xa8: {  	_ =	swait.ge [sflag:s21], $0x1  }
0xa9: {  	[sflag:s21] =	ssyncset.done $0x0  }
0xaa: {  	s22 =	sld [smem:$0x3FFE];
	[sflag:s21] =	ssyncadd.s32 $0xFFFFFFFF  }
0xab: {  	s24 =	simm.s32 $0x1B8E;
	s23 =	sld [smem:$0x0]  }
0xac: {  	s25 =	simm.s32 $execute0_lowered;
	[smem:$0x3FD2] =	sst s24  }
0xad: {  	s7 =	sshll.u32 s25, $0x1;
	_ =	strace $0x8000004F;
	[dreg:$0x1] =	wrdreg $0xFFFFFFFF  }
0xae: {  	s8 =	simm.s32 $_size_execute0_lowered;
	s7 =	sadd.s32 s4, s7;
	[dreg:$0x0] =	wrdreg $0x0  }
0xaf: {  	s8 =	sshll.u32 s8, $0x1;
	[dreg:$0x2] =	wrdreg s7  }
0xb0: {  	[dreg:$0x3] =	wrdreg s8  }
0xb1: {  	[dreg:$0x4] =	wrdreg $0xC0  }
0xb2: {  	s26 =	simm.s32 $execute1_lowered;
	_ =	task [dreg:s20], $0x5FFFF  }
0xb3: {  	s7 =	sshll.u32 s26, $0x1;
	[dreg:$0x1] =	wrdreg $0xFFFFFFFF  }
0xb4: {  	s4 =	sadd.s32 s4, s7;
	[dreg:$0x0] =	wrdreg $0x60  }
0xb5: {  	[dreg:$0x2] =	wrdreg s4  }
0xb6: {  	[dreg:$0x3] =	wrdreg s22  }
0xb7: {  	[dreg:$0x4] =	wrdreg s15  }
0xb8: {  	[dreg:$0x5] =	wrdreg $0x9  }
0xb9: {  	_ =	task.clear_ibuf [dreg:s20], $0x6FFFF;
	_ =	strace $0x9000004F  }
0xba: {  	s28 =	simm.s32 $0x9;
	_ =	strace $0x80000051  }
0xbb: {  	_ =	swait.ge [sflag:s28], $0x1  }
0xbc: {  	[sflag:s28] =	ssyncadd.s32 $0xFFFFFFFF  }
0xbd: {  	_ =	strace $0x90000051  }
0xbe: {  	s4 =	sld [smem:$0x0]  }
0xbf: {  	s7 =	sand.u32 $0xFFFFFFFE, s1  }
0xc0: {  	p0 =	sne.s32 s1, s7  }
0xc1: {  	s7 =	sshll.u32 @p0 s7, $0xE  }
0xc2: {  	s7 =	sadd.s32 @p0 $0x11BF3, s7;
	s8 =	sshll.u32 @p0 s4, $0x11  }
0xc3: {  	s7 =	sor.u32 @p0 s8, s7  }
0xc4: {  	[sflag:s7] =	ssyncadd.remote.s32 @p0 $0x1;
	_ =	sdelay $0x1  }
0xc5: {  	s7 =	simm.s32 @p0 $0x1BF3  }
0xc6: {  	_ =	swait.eq @p0 [sflag:s7], $0x1  }
0xc7: {  	[sflag:s7] =	ssyncadd.s32 @p0 $0xFFFFFFFF  }
0xc8: {  	s8 =	sshll.u32 @!p0 s1, $0xE  }
0xc9: {  	s8 =	sor.u32 @!p0 $0x4000, s8;
	s7 =	simm.s32 @!p0 $0x1BF3  }
0xca: {  	s4 =	sshll.u32 @!p0 s4, $0x11;
	s8 =	sadd.s32 @!p0 $0x11BF3, s8;
	_ =	swait.eq @!p0 [sflag:s7], $0x1  }
0xcb: {  	s4 =	sor.u32 @!p0 s4, s8;
	[sflag:s7] =	ssyncadd.s32 @!p0 $0xFFFFFFFF  }
0xcc: {  	[sflag:s4] =	ssyncadd.remote.s32 @!p0 $0x1  }
0xcd: {  	_ =	strace $0x80000052;
	[dreg:$0x1] =	wrdreg $0xFFFFFFFF  }
0xce: {  	[dreg:$0x0] =	wrdreg $0x2030  }
0xcf: {  	[dreg:$0x2] =	wrdreg s15  }
0xd0: {  	[dreg:$0x3] =	wrdreg s22  }
0xd1: {  	[dreg:$0x4] =	wrdreg s1  }
0xd2: {  	[dreg:$0x5] =	wrdreg s23  }
0xd3: {  	[dreg:$0x6] =	wrdreg $0xA  }
0xd4: {  	_ =	task.clear_ibuf [dreg:s20], $0x7FFFF;
	_ =	strace $0x90000052  }
0xd5: {  	s29 =	simm.s32 $0xA;
	_ =	strace $0x80000054  }
0xd6: {  	_ =	swait.ge [sflag:s29], $0x1  }
0xd7: {  	[sflag:s29] =	ssyncadd.s32 $0xFFFFFFFF  }
0xd8: {  	_ =	strace $0x90000054  }
0xd9: {  	_ =	sfence  }
0xda: {  	s30 =	sld [smem:$0x0];
	_ =	sdelay $0x2  }
0xdb: {  	s31 =	sshll.u32 s1, $0xD;
	s1 =	sshrl.u32 s1, $0x2  }
0xdc: {  	s4 =	sand.u32 $0x4000, s31;
	s1 =	sadd.s32 s1, s30  }
0xdd: {  	s0 =	sor.u32 s4, s0;
	s1 =	sshll.u32 s1, $0x11  }
0xde: {  	s0 =	sor.u32 s1, s0  }
0xdf: {  	s0 =	sadd.s32 $0x8F2B, s0  }
0xe0: {  	[sflag:s0] =	ssyncadd.remote.s32 $0x1  }
0xe1: {  	_ =	sfence.sel $0xFFFF  }
0xe2: {  	[dreg:$0x0] =	wrdreg $0xFFFFFFFF;
	(pc) =	sbr.abs _section_cstart, $3  }
0xe3: {  	[dreg:$0x1] =	wrdreg $0xFFFFFFFF  }
0xe4: {  	_ =	task.clear_ibuf [dreg:s20], $0x2FFFF;
	_ =	strace $0x9FFFFFFF  }
0xe5: {  	(tm) =	ssettm $0x7FFFFFFF  }
tec
execute0_lowered:
.L_overlay_start_1:
0x0: {  	(tag) =	ssettag $0x1  }
0x1: {  	s3 =	rddreg [dreg:$0x0]  }
0x2: {  	s4 =	rddreg [dreg:$0x1]  }
0x3: {  	s2 =	rddreg [dreg:$0x2]  }
0x4: {  	s0 =	rddreg [dreg:$0x3]  }
0x5: {  	s5 =	stileid.u32;
	[bflag:$0x3] =	sbarrier.arrive $0xFFFF;
	s1 =	simm.s32 $_size_execute1_lowered  }
0x6: {  	s29 =	srdreg.scid;
	s31 =	simm.s32 $0x2;
	p0 =	sne.s32 s5, $0x0  }
0x7: {  	s1 =	sshll.u32 s1, $0x1;
	s6 =	simm.s32 @!p0 $0x1C3F;
	s7 =	simm.s32 @!p0 $0x4060  }
0x8: {  	[timem:s7], [sflag:s6] =	dma.local @!p0 [hbm:s3], s1  }
0x9: {  	s8 =	simm.s32 $0x0;
	s12 =	simm.s32 $0x0;
	s3 =	sshll.u32 s29, $0x7  }
.Ltmp0:
0xa: {  	s5 =	sshll.u32 s5, $0x8;
	s3 =	sand.u32 $0x80, s3;
	(pc) =	sbr.rel .LBB2_1-.Ltmp0, $4  }
0xb: {  	s10 =	simm.s32 $0x0;
	s11 =	simm.s32 $0x0;
	s3 =	sor.u32 s5, s3  }
0xc: {  	_ =	strace $0x80000050;
	s5 =	simm.s32 $0x1;
	s30 =	ssub.s32 $0x2700, s3  }
0xd: {  	s4 =	sadd.s32 $0x55C000, s4;
	[sflag:s5] =	ssyncpa.u1 $0x0;
	s6 =	sshrl.u32 s30, $0xC  }
0xe: {  	s9 =	smov.u32 s3;
	[sflag:s31] =	ssyncpa.u1 $0x0;
	s7 =	sadd.s32 $0x2, s6  }
.LBB2_4:
0xf: {  	_ = 	snop  }
.LBB2_7:
0x10: {  	_ =	sdelay $0x3  }
0x11: {  	[tilespmem:v0+s16+$0x0 ss:$0x1] =	vst.idx.msk @p1 $0xffff, v2  }
0x12: {  	v56 =	vld.idx.msk [tilespmem:v1+s15+$0x0 ss:$0x1], $0xffff;
	s24 =	sor.u32 $0x70, s15;
	[tilespmem:v0+s17+$0x0 ss:$0x1] =	vst.idx.msk @p1 $0xffff, v4  }
0x13: {  	s25 =	sor.u32 $0x10, s15;
	[tilespmem:v0+s18+$0x0 ss:$0x1] =	vst.idx.msk @p1 $0xffff, v3;
	v57 =	vld.idx.msk [tilespmem:v1+s24+$0x0 ss:$0x1], $0xffff  }
0x14: {  	s26 =	sor.u32 $0x20, s15;
	[tilespmem:v0+s19+$0x0 ss:$0x1] =	vst.idx.msk @p1 $0xffff, v5;
	v58 =	vld.idx.msk [tilespmem:v1+s25+$0x0 ss:$0x1], $0xffff  }
0x15: {  	s28 =	sor.u32 $0x30, s15;
	[tilespmem:v0+s20+$0x0 ss:$0x1] =	vst.idx.msk @p1 $0xffff, v6;
	v59 =	vld.idx.msk [tilespmem:v1+s26+$0x0 ss:$0x1], $0xffff  }
0x16: {  	s29 =	sor.u32 $0x40, s15;
	[tilespmem:v0+s21+$0x0 ss:$0x1] =	vst.idx.msk @p1 $0xffff, v7;
	v60 =	vld.idx.msk [tilespmem:v1+s28+$0x0 ss:$0x1], $0xffff  }
0x17: {  	s30 =	sor.u32 $0x50, s15;
	v61 =	vld.idx.msk [tilespmem:v1+s29+$0x0 ss:$0x1], $0xffff;
	[tilespmem:v0+s15+$0x0 ss:$0x1] =	vst.idx.msk $0xffff, v56  }
0x18: {  	s31 =	sor.u32 $0x60, s15;
	v62 =	vld.idx.msk [tilespmem:v1+s30+$0x0 ss:$0x1], $0xffff;
	[tilespmem:v0+s24+$0x0 ss:$0x1] =	vst.idx.msk $0xffff, v57  }
0x19: {  	v63 =	vld.idx.msk [tilespmem:v1+s31+$0x0 ss:$0x1], $0xffff;
	[tilespmem:v0+s25+$0x0 ss:$0x1] =	vst.idx.msk $0xffff, v58  }
0x1a: {  	[tilespmem:v0+s26+$0x0 ss:$0x1] =	vst.idx.msk $0xffff, v59  }
0x1b: {  	[tilespmem:v0+s28+$0x0 ss:$0x1] =	vst.idx.msk $0xffff, v60  }
0x1c: {  	[tilespmem:v0+s29+$0x0 ss:$0x1] =	vst.idx.msk $0xffff, v61  }
0x1d: {  	[tilespmem:v0+s30+$0x0 ss:$0x1] =	vst.idx.msk $0xffff, v62  }
0x1e: {  	[tilespmem:v0+s31+$0x0 ss:$0x1] =	vst.idx.msk $0xffff, v63  }
.LBB2_8:
0x1f: {  	s15 =	sand.u32 $0x1FFFFFF, s10  }
0x20: {  	s16 =	smulhi.u32 $0x1A36E2F, s15;
	_ =	sdelay $0x1  }
0x21: {  	s16 =	sshrl.u32 s16, $0x6  }
0x22: {  	s16 =	smul.u32 $0x2710, s16;
	_ =	sdelay $0x1  }
0x23: {  	s15 =	ssub.s32 s15, s16  }
0x24: {  	s15 =	sshll.u32 s15, $0x4  }
0x25: {  	s15 =	sadd.s32 s2, s15  }
0x26: {  	[hbm4b:s15+s8] =	stream.linear.scatter [tilespmem:s14], [sflag:$0x2], s13, $0x38;
	[tilespmem:$0x10000] =	vst v63  }
.LBB2_9:
0x27: {  	p1 =	slt.u32 s11, $0x2  }
0x28: {  	p2 =	sgt.s32 @!p1 s12, $0x2690  }
0x29: {  	s13 =	smov.u32 s12;
	s14 =	sshra.s32 @!p1 s12, $0x1F;
	p2 =	por !p2, p1  }
0x2a: {  	s12 =	sand.u32 @!p1 s14, s12;
	s13 =	simm.s32 @p2 $0x2690  }
0x2b: {  	s12 =	ssub.s32 @!p1 s13, s12  }
0x2c: {  	s12 =	sadd.s32 @!p1 $0xFFFFD970, s12  }
0x2d: {  	s13 =	sshll.u32 @!p1 s12, $0x9  }
0x2e: {  	p2 =	sgt.s32 @!p1 s12, $0x7F;
	s12 =	ssub.s32 @!p1 $0x10000, s13  }
0x2f: {  	s14 =	sadd.s32 $0x1000, s9;
	p2 =	por !p2, p1;
	s12 =	sshrl.u32 @!p1 s12, $0x2  }
0x30: {  	s12 =	simm.s32 @!p2 $0x0;
	p2 =	sgt.s32 s14, $0x270F  }
0x31: {  	s14 =	smov.u32 @p2 s3;
	p2 =	sne.s32 s11, s7  }
.Ltmp1:
0x32: {  	_ = 	snop;
	(pc) =	sbr.rel @!p2 .LBB2_10-.Ltmp1, $4  }
0x33: {  	s13 =	simm.s32 @!p1 $0x2  }
0x34: {  	_ =	swait.ge @!p1 [sflag:s13], s12;
	s15 =	ssub.s32 @!p1 $0x0, s12  }
0x35: {  	s12 =	smov.u32 s10;
	s11 =	sadd.s32 $0x1, s11;
	[sflag:s13] =	ssyncset.done @!p1 $0x0  }
0x36: {  	s10 =	smov.u32 s9;
	s9 =	smov.u32 s14;
	[sflag:s13] =	ssyncadd.s32 @!p1 s15  }
.LBB2_1:
0x37: {  	p1 =	sgt.u32 s11, s6  }
0x38: {  	s13 =	sand.u32 @!p1 $0x1FFFFFF, s9  }
0x39: {  	p2 =	sgt.s32 @!p1 s9, $0x2690;
	s14 =	smulhi.u32 @!p1 $0x1A36E2F, s13  }
0x3a: {  	s15 =	smov.u32 s9;
	s16 =	sshra.s32 @!p1 s9, $0x1F;
	p2 =	por !p2, p1  }
0x3b: {  	s16 =	sand.u32 @!p1 s16, s9;
	s15 =	simm.s32 @p2 $0x2690;
	s14 =	sshrl.u32 @!p1 s14, $0x6  }
0x3c: {  	s15 =	ssub.s32 @!p1 s15, s16;
	s14 =	smul.u32 @!p1 $0x2710, s14  }
0x3d: {  	s16 =	sxor.u32 @!p1 $0xFFFFFFFF, s11;
	s15 =	sadd.s32 @!p1 $0xFFFFD970, s15  }
0x3e: {  	s16 =	sshll.u32 @!p1 s16, $0xE;
	s13 =	ssub.s32 @!p1 s13, s14;
	s14 =	sshll.u32 @!p1 s15, $0x9  }
0x3f: {  	s16 =	sand.u32 @!p1 $0x4000, s16;
	p2 =	sgt.s32 @!p1 s15, $0x7F;
	s14 =	ssub.s32 @!p1 $0x10000, s14  }
0x40: {  	p2 =	por !p2, p1;
	s13 =	sshll.u32 @!p1 s13, $0x4;
	s14 =	sshrl.u32 @!p1 s14, $0x2  }
0x41: {  	s15 =	simm.s32 @!p1 $0x0;
	s13 =	sadd.s32 @!p1 s4, s13;
	s14 =	simm.s32 @!p2 $0x0  }
0x42: {  	[tilespmem:s16], [sflag:$0x1] =	stream.linear.gather @!p1 [hbm4b:s13+s15], s14, $0x38;
	[tilespmem:$0x10000] =	vst v63  }
0x43: {  	p1 =	seq.s32 s11, $0x0  }
0x44: {  	p2 =	sge.u32 @!p1 s11, s7  }
0x45: {  	p1 =	por p1, p2  }
.Ltmp2:
0x46: {  	_ = 	snop;
	(pc) =	sbr.rel @p1 .LBB2_9-.Ltmp2, $1  }
0x47: {  	_ =	sdelay $0x3  }
0x48: {  	p1 =	sgt.s32 s10, $0x2690;
	s13 =	smov.u32 s10;
	s14 =	sshra.s32 s10, $0x1F  }
0x49: {  	s13 =	simm.s32 @!p1 $0x2690;
	s14 =	sand.u32 s14, s10  }
0x4a: {  	s13 =	ssub.s32 s13, s14  }
0x4b: {  	s13 =	sadd.s32 $0xFFFFD970, s13  }
0x4c: {  	s31 =	sshll.u32 s13, $0x9  }
0x4d: {  	s14 =	ssub.s32 $0x10000, s31  }
0x4e: {  	p1 =	sgt.s32 s13, $0x7F;
	s13 =	sshrl.u32 s14, $0x2;
	s14 =	sadd.s32 $0x80, s10  }
0x4f: {  	s13 =	simm.s32 @p1 $0x0;
	p1 =	slt.s32 s14, $0x2710  }
0x50: {  	s14 =	simm.s32 @!p1 $0x2710  }
0x51: {  	s16 =	ssub.s32 s14, s10  }
0x52: {  	p1 =	slt.s32 s16, $0x1  }
.Ltmp3:
0x53: {  	_ = 	snop;
	(pc) =	sbr.rel @p1 .LBB2_8-.Ltmp3, $4  }
0x54: {  	_ = 	snop  }
0x55: {  	s15 =	sshll.u32 s11, $0xE;
	_ =	swait.ge [sflag:s5], s13  }
0x56: {  	s15 =	sand.u32 $0x4000, s15;
	s17 =	ssub.s32 $0x0, s13;
	[sflag:s5] =	ssyncset.done $0x0  }
0x57: {  	s14 =	sor.u32 $0x8000, s15;
	[sflag:s5] =	ssyncadd.s32 s17  }
0x58: {  	p2 =	sne.s32 s16, $0x1  }
.Ltmp4:
0x59: {  	v1 =	vmov s15;
	v0 =	vmov s14;
	(pc) =	sbr.rel @!p2 .LBB2_4-.Ltmp4, $3  }
0x5a: {  	_ =	sdelay $0x1  }
0x5b: {  	s17 =	simm.s32 $0x0  }
0x5c: {  	s23 =	sadd.s32 $0xFFFFFFFF, s16;
	p1 =	por $0x0, $0x0;
	s15 =	sand.u32 $0x3F80, s17  }
0x5d: {  	_ =	sdelay $0x3  }
0x5e: {  	v6 =	vld.idx.msk [tilespmem:v1+s15+$0x0 ss:$0x1], $0xffff;
	s24 =	sor.u32 $0x70, s15  }
0x5f: {  	s16 =	sor.u32 $0x10, s15;
	v8 =	vld.idx.msk [tilespmem:v1+s24+$0x0 ss:$0x1], $0xffff  }
0x60: {  	s17 =	sor.u32 $0x20, s15;
	p2 =	sne.s32 s23, $0x1;
	v2 =	vld.idx.msk [tilespmem:v1+s16+$0x0 ss:$0x1], $0xffff  }
.Ltmp5:
0x61: {  	s18 =	sor.u32 $0x30, s15;
	v4 =	vld.idx.msk [tilespmem:v1+s17+$0x0 ss:$0x1], $0xffff;
	(pc) =	sbr.rel @!p2 .LBB2_7-.Ltmp5, $4  }
0x62: {  	s19 =	sor.u32 $0x40, s15;
	v3 =	vld.idx.msk [tilespmem:v1+s18+$0x0 ss:$0x1], $0xffff  }
0x63: {  	s21 =	sor.u32 $0x60, s15;
	v5 =	vld.idx.msk [tilespmem:v1+s19+$0x0 ss:$0x1], $0xffff  }
0x64: {  	s20 =	sor.u32 $0x50, s15;
	s22 =	simm.s32 $0x80;
	v7 =	vld.idx.msk [tilespmem:v1+s21+$0x0 ss:$0x1], $0xffff;
	[tilespmem:v0+s15+$0x0 ss:$0x1] =	vst.idx.msk $0xffff, v6  }
0x65: {  	s23 =	sadd.s32 $0xFFFFFFFF, s23;
	p1 =	por $0x1, $0x1;
	v6 =	vld.idx.msk [tilespmem:v1+s20+$0x0 ss:$0x1], $0xffff;
	s15 =	sand.u32 $0x3F80, s22;
	[tilespmem:v0+s24+$0x0 ss:$0x1] =	vst.idx.msk $0xffff, v8  }
.LBB2_6:
0x66: {  	p2 =	sne.s32 s23, $0x1;
	v8 =	vld.idx.msk [tilespmem:v1+s15+$0x0 ss:$0x1], $0xffff;
	s24 =	sor.u32 $0x70, s15;
	[tilespmem:v0+s16+$0x0 ss:$0x1] =	vst.idx.msk $0xffff, v2;
	s16 =	sor.u32 $0x10, s15  }
0x67: {  	s25 =	sor.u32 $0x30, s15;
	s26 =	sor.u32 $0x40, s15;
	v9 =	vld.idx.msk [tilespmem:v1+s24+$0x0 ss:$0x1], $0xffff;
	[tilespmem:v0+s17+$0x0 ss:$0x1] =	vst.idx.msk $0xffff, v4;
	s17 =	sor.u32 $0x20, s15  }
0x68: {  	s28 =	sor.u32 $0x50, s15;
	s29 =	sor.u32 $0x60, s15;
	v2 =	vld.idx.msk [tilespmem:v1+s16+$0x0 ss:$0x1], $0xffff;
	[tilespmem:v0+s18+$0x0 ss:$0x1] =	vst.idx.msk $0xffff, v3;
	s18 =	smov.u32 s25  }
.Ltmp6:
0x69: {  	v4 =	vld.idx.msk [tilespmem:v1+s17+$0x0 ss:$0x1], $0xffff;
	[tilespmem:v0+s19+$0x0 ss:$0x1] =	vst.idx.msk $0xffff, v5;
	s19 =	smov.u32 s26;
	(pc) =	sbr.rel @p2 .LBB2_6-.Ltmp6, $4  }
0x6a: {  	v3 =	vld.idx.msk [tilespmem:v1+s18+$0x0 ss:$0x1], $0xffff;
	[tilespmem:v0+s20+$0x0 ss:$0x1] =	vst.idx.msk $0xffff, v6;
	s20 =	smov.u32 s28  }
0x6b: {  	v5 =	vld.idx.msk [tilespmem:v1+s19+$0x0 ss:$0x1], $0xffff;
	[tilespmem:v0+s21+$0x0 ss:$0x1] =	vst.idx.msk $0xffff, v7;
	s21 =	smov.u32 s29  }
0x6c: {  	s22 =	sadd.s32 $0x80, s22;
	[tilespmem:v0+s15+$0x0 ss:$0x1] =	vst.idx.msk $0xffff, v8;
	v6 =	vld.idx.msk [tilespmem:v1+s20+$0x0 ss:$0x1], $0xffff  }
0x6d: {  	s23 =	sadd.s32 $0xFFFFFFFF, s23;
	s15 =	sand.u32 $0x3F80, s22;
	v7 =	vld.idx.msk [tilespmem:v1+s21+$0x0 ss:$0x1], $0xffff;
	[tilespmem:v0+s24+$0x0 ss:$0x1] =	vst.idx.msk $0xffff, v9  }
.Ltmp7:
0x6e: {  	_ = 	snop;
	(pc) =	sbr.rel .LBB2_7-.Ltmp7, $1  }
0x6f: {  	_ =	sdelay $0x3  }
.LBB2_10:
0x70: {  	_ =	sfence.sel $0x180000  }
0x71: {  	s2 =	simm.s32 $0x1;
	[bflag:$0x0] =	sbarrier.arrive $0xFFFF  }
0x72: {  	s31 =	simm.s32 $0x2;
	[sflag:s2] =	ssyncpa.u1 $0x1  }
0x73: {  	[sflag:s31] =	ssyncpa.u1 $0x1  }
0x74: {  	_ =	strace $0x90000050  }
0x75: {  	s0 =	sadd.s32 @!p0 $0x100000, s0;
	[bflag:$0x2] =	sbarrier.arrive $0xFFFF  }
0x76: {  	[sflag:s0] =	ssyncadd.tile.s32 @!p0 $0x1;
	s0 =	simm.s32 @!p0 $0x3F  }
0x77: {  	_ =	swait.ge @!p0 [sflag:s0], s1  }
0x78: {  	s1 =	ssub.s32 @!p0 $0x0, s1;
	[sflag:s0] =	ssyncset.done @!p0 $0x0  }
0x79: {  	[sflag:s0] =	ssyncadd.s32 @!p0 s1  }
0x7a: {  	[bflag:$0x3] =	sbarrier.arrive $0xFFFF  }
0x7b: {  	_ =	shalt  }
.Lfunc_end2:
execute1_lowered:
.L_overlay_start_2:
0x7c: {  	(tag) =	ssettag $0x2  }
0x7d: {  	s1 =	rddreg [dreg:$0x0]  }
0x7e: {  	s2 =	rddreg [dreg:$0x1]  }
0x7f: {  	s3 =	rddreg [dreg:$0x2];
	_ =	strace $0x80000053;
	s0 =	simm.s32 $0x1  }
0x80: {  	v0 =	vimm.s32 $0x0;
	[sflag:s0] =	ssyncpa.u1 $0x0;
	s0 =	simm.s32 $0x108  }
0x81: {  	[tilespmem:s0+$0x70] =	vst v0  }
0x82: {  	[tilespmem:s0+$0x60] =	vst v0  }
0x83: {  	[tilespmem:s0+$0x50] =	vst v0  }
0x84: {  	[tilespmem:s0+$0x40] =	vst v0  }
0x85: {  	[tilespmem:s0+$0x30] =	vst v0  }
0x86: {  	s15 =	sadd.s32 $0x51D800, s2;
	s6 =	sadd.s32 $0xF48A00, s2;
	[tilespmem:s0+$0x20] =	vst v0  }
0x87: {  	s14 =	sadd.s32 $0x527600, s2;
	s5 =	sand.u32 $0x1, s3;
	s3 =	simm.s32 $0x40;
	[tilespmem:s0+$0x10] =	vst v0  }
.LBB3_1:
0x88: {  	s3 =	sadd.s32 $0x40, s3;
	[tilespmem:s0+$0x0] =	vst v0;
	s0 =	sadd.s32 $0x80, s0  }
0x89: {  	p0 =	slt.u32 s3, $0x3C40;
	[tilespmem:s0+$0x70] =	vst v0  }
0x8a: {  	[tilespmem:s0+$0x60] =	vst v0  }
.Ltmp8:
0x8b: {  	[tilespmem:s0+$0x50] =	vst v0;
	(pc) =	sbr.rel @p0 .LBB3_1-.Ltmp8, $4  }
0x8c: {  	[tilespmem:s0+$0x40] =	vst v0  }
0x8d: {  	[tilespmem:s0+$0x30] =	vst v0  }
0x8e: {  	[tilespmem:s0+$0x20] =	vst v0  }
0x8f: {  	[tilespmem:s0+$0x10] =	vst v0  }
0x90: {  	s9 =	stileid.u32  }
0x91: {  	s2 =	smul.u32 $0x29, s9  }
0x92: {  	s3 =	smin.u32 s9, $0xB  }
0x93: {  	s2 =	sadd.s32 s3, s2  }
0x94: {  	p0 =	slt.u32 s9, $0xB;
	s7 =	smul.u32 $0xF0, s2;
	s2 =	simm.s32 $0x2760  }
0x95: {  	s2 =	simm.s32 @!p0 $0x2670  }
0x96: {  	s2 =	sadd.s32 s2, s7  }
0x97: {  	s8 =	smin.u32 s2, $0x27100  }
0x98: {  	s2 =	ssub.s32 s8, s7  }
0x99: {  	p0 =	sgt.s32 s2, $0x0  }
0x9a: {  	s29 =	simm.s32 $0x2;
	s10 =	simm.s32 $0x9;
	s2 =	simm.s32 @!p0 $0x0  }
0x9b: {  	s4 =	simm.s32 $0xA;
	s11 =	simm.s32 $0xB;
	s28 =	smulhi.u32 $0x88888889, s2  }
0x9c: {  	[dreg:$0x5] =	wrdreg s5;
	s31 =	smul.u32 $0x4E20, s5;
	s12 =	simm.s32 $0x1  }
0x9d: {  	s22 =	simm.s32 $0x0;
	s18 =	simm.s32 $0xC;
	s30 =	sshrl.u32 s28, $0x7  }
0x9e: {  	s20 =	simm.s32 $0x0;
	s21 =	simm.s32 $0x0;
	s3 =	smul.u32 $0xF0, s30  }
.Ltmp9:
0x9f: {  	[tilespmem:s0+$0x0] =	vst v0;
	v0 =	vimm.s32 $0xFFFFFFFF;
	[sflag:s29] =	ssyncpa.u1 $0x0;
	s16 =	sshll.u32 s9, $0x8;
	(pc) =	sbr.rel .LBB3_3-.Ltmp9, $4  }
0xa0: {  	[tilespmem:$0xF208] =	vst v0;
	[sflag:s10] =	ssyncpa.u1 $0x0;
	p0 =	sne.s32 s2, s3;
	s2 =	simm.s32 $0x1  }
0xa1: {  	s14 =	sadd.s32 s31, s14;
	[sflag:s4] =	ssyncpa.u1 $0x0;
	s2 =	simm.s32 @!p0 $0x0  }
0xa2: {  	s15 =	sadd.s32 s31, s15;
	[sflag:s11] =	ssyncpa.u1 $0x0;
	s13 =	sadd.s32 s2, s30  }
0xa3: {  	v0 =	vlaneseq.u32;
	s19 =	smov.u32 s7;
	p0 =	por $0x0, $0x0;
	s17 =	sadd.s32 $0x1, s13  }
.LBB3_18:
0xa4: {  	s0 =	sshrl.u32 s31, $0x2  }
.LBB3_20:
0xa5: {  	_ =	swait.ge [sflag:s18], s0  }
0xa6: {  	s31 =	ssub.s32 $0x0, s0;
	v1 =	vmov s24;
	vm0 =	veq.s32 v0, $0x0;
	[sflag:s18] =	ssyncset.done $0x0  }
0xa7: {  	vm15 =	veq.s32 v0, $0x2;
	v1 =	vsel vm0, s30, v1;
	[sflag:s18] =	ssyncadd.s32 s31  }
0xa8: {  	v1 =	vsel vm15, s22, v1;
	[sflag:s18] =	ssyncpa.u1 $0x1  }
0xa9: {  	[tilespmem:$0xF208] =	vst v1  }
.LBB3_21:
0xaa: {  	s0 =	sadd.s32 $0xF0, s19  }
0xab: {  	s2 =	smov.u32 s7;
	p1 =	slt.s32 s0, s8  }
0xac: {  	s2 =	smov.u32 @p1 s0;
	p1 =	sne.s32 s21, s17  }
.Ltmp10:
0xad: {  	_ = 	snop;
	(pc) =	sbr.rel @!p1 .LBB3_22-.Ltmp10, $3  }
0xae: {  	_ =	sdelay $0x1  }
0xaf: {  	s22 =	smov.u32 s20;
	s31 =	sadd.s32 $0x1, s21;
	s20 =	smov.u32 s19  }
0xb0: {  	p0 =	por !p0, !p0;
	s21 =	smov.u32 s31;
	s19 =	smov.u32 s2  }
.LBB3_3:
0xb1: {  	p1 =	sge.u32 s21, s13  }
0xb2: {  	s0 =	smulhi.u32 @!p1 $0xAAAAAAAB, s21  }
0xb3: {  	s2 =	smov.u32 s19;
	p2 =	sgt.s32 @!p1 s19, $0x27010  }
0xb4: {  	s3 =	sshra.s32 @!p1 s19, $0x1F;
	p2 =	por !p2, p1;
	s0 =	sshrl.u32 @!p1 s0, $0x1  }
0xb5: {  	s3 =	sand.u32 @!p1 s3, s19;
	s2 =	simm.s32 @p2 $0x27010;
	s0 =	smul.u32 @!p1 $0x3, s0  }
0xb6: {  	s2 =	ssub.s32 @!p1 s2, s3  }
0xb7: {  	s2 =	sadd.s32 @!p1 $0xFFFD8FF0, s2;
	s0 =	ssub.s32 @!p1 s21, s0  }
0xb8: {  	s3 =	sshll.u32 @!p1 s2, $0x2;
	p2 =	sgt.s32 @!p1 s2, $0xEF;
	s0 =	smul.u32 @!p1 $0x3C0, s0  }
0xb9: {  	s4 =	sand.u32 @!p1 $0x7, s19;
	s2 =	ssub.s32 @!p1 $0x3C0, s3;
	p2 =	por !p2, p1  }
0xba: {  	s3 =	sshrl.u32 @!p1 s19, $0x3;
	s2 =	sshrl.u32 @!p1 s2, $0x2;
	s0 =	sshrl.u32 @!p1 s0, $0x2  }
0xbb: {  	s3 =	sadd.s32 @!p1 s3, s14;
	s2 =	simm.s32 @!p2 $0x0;
	s0 =	sadd.s32 @!p1 $0x10248, s0  }
0xbc: {  	[tilespmem:s0], [sflag:$0xA] =	stream.linear.gather @!p1 [hbm4b:s3+s4], s2, $0x38;
	[tilespmem:$0x1F6F8] =	vst v63  }
0xbd: {  	s0 =	sadd.s32 $0xFFFFFFFF, s21  }
0xbe: {  	p1 =	sge.u32 s0, s13  }
0xbf: {  	p2 =	sgt.s32 @!p1 s20, $0x27010  }
0xc0: {  	s2 =	smov.u32 s20;
	s3 =	sshra.s32 @!p1 s20, $0x1F;
	p2 =	por !p2, p1  }
0xc1: {  	s3 =	sand.u32 @!p1 s3, s20;
	s2 =	simm.s32 @p2 $0x27010  }
0xc2: {  	s2 =	ssub.s32 @!p1 s2, s3  }
0xc3: {  	s2 =	sadd.s32 @!p1 $0xFFFD8FF0, s2  }
0xc4: {  	s4 =	sand.u32 @!p1 $0x1, s0;
	s3 =	sshll.u32 @!p1 s2, $0x2  }
0xc5: {  	p2 =	sgt.s32 @!p1 s2, $0xEF;
	s2 =	ssub.s32 @!p1 $0x3C0, s3;
	s3 =	smulhi.u32 @!p1 $0xAAAAAAAB, s0  }
0xc6: {  	s23 =	smul.u32 @!p1 $0x3C0, s4;
	p2 =	por !p2, p1;
	s2 =	sshrl.u32 @!p1 s2, $0x2  }
0xc7: {  	s5 =	simm.s32 @!p1 $0xA;
	s2 =	simm.s32 @!p2 $0x0;
	s3 =	sshrl.u32 @!p1 s3, $0x1  }
0xc8: {  	s23 =	sshrl.u32 @!p1 s23, $0x2;
	_ =	swait.ge @!p1 [sflag:s5], s2;
	s3 =	smul.u32 @!p1 $0x3, s3  }
0xc9: {  	s23 =	sadd.s32 @!p1 $0x10518, s23;
	s24 =	ssub.s32 @!p1 $0x0, s2;
	[sflag:s5] =	ssyncset.done @!p1 $0x0  }
0xca: {  	[sflag:s5] =	ssyncadd.s32 @!p1 s24;
	s5 =	sshrl.u32 @!p1 s20, $0x3;
	s0 =	ssub.s32 @!p1 s0, s3  }
0xcb: {  	s24 =	sand.u32 @!p1 $0x7, s20;
	s5 =	sadd.s32 @!p1 s5, s15;
	s0 =	smul.u32 @!p1 $0x3C0, s0  }
0xcc: {  	[tilespmem:s23], [sflag:$0xB] =	stream.linear.gather @!p1 [hbm4b:s5+s24], s2, $0x38;
	[tilespmem:$0x1F6F8] =	vst v63  }
0xcd: {  	s3 =	ssub.s32 @!p1 $0x27100, s20;
	s2 =	smul.u32 @!p1 $0x1E000, s4  }
0xce: {  	p2 =	slt.s32 @!p1 s3, $0xF0  }
0xcf: {  	p2 =	por !p2, p1;
	s0 =	sshrl.u32 @!p1 s0, $0x2;
	s2 =	sshrl.u32 @!p1 s2, $0x2  }
0xd0: {  	s3 =	simm.s32 @p2 $0xF0;
	s0 =	sadd.s32 @!p1 $0x10248, s0;
	s2 =	sor.u32 @!p1 $0x106F8, s2  }
0xd1: {  	[tilespmem:s2], [sflag:$0x9] =	stream.indirect.gather @!p1 [hbm4b:s6+s3], $0x80, s0, s3, $0xb8;
	[tilespmem:$0x1F6F8] =	vst v63  }
0xd2: {  	p1 =	slt.u32 s21, $0x2  }
.Ltmp11:
0xd3: {  	_ = 	snop;
	(pc) =	sbr.rel @p1 .LBB3_21-.Ltmp11, $1  }
0xd4: {  	_ =	sdelay $0x3  }
0xd5: {  	p1 =	sgt.s32 s22, $0x27010  }
0xd6: {  	s0 =	smov.u32 s22;
	s2 =	sshra.s32 s22, $0x1F;
	s3 =	ssub.s32 $0x27100, s22  }
0xd7: {  	s0 =	simm.s32 @!p1 $0x27010;
	s2 =	sand.u32 s2, s22;
	p1 =	slt.s32 s3, $0xF0  }
0xd8: {  	s0 =	ssub.s32 s0, s2;
	s3 =	simm.s32 @!p1 $0xF0  }
0xd9: {  	s0 =	sadd.s32 $0xFFFD8FF0, s0;
	s25 =	sshll.u32 s3, $0x7  }
0xda: {  	s26 =	sshll.u32 s0, $0x2;
	s2 =	sand.u32 $0x3FFFFF80, s25  }
0xdb: {  	p1 =	sgt.s32 s0, $0xEF;
	s29 =	ssub.s32 $0x3C0, s26;
	_ =	swait.ge [sflag:s10], s2  }
0xdc: {  	s2 =	ssub.s32 $0x0, s2;
	[sflag:s10] =	ssyncset.done $0x0;
	s0 =	sshrl.u32 s29, $0x2  }
0xdd: {  	[sflag:s10] =	ssyncadd.s32 s2;
	s0 =	simm.s32 @p1 $0x0  }
0xde: {  	_ =	swait.ge [sflag:s11], s0  }
0xdf: {  	s0 =	ssub.s32 $0x0, s0;
	[sflag:s11] =	ssyncset.done $0x0  }
0xe0: {  	[sflag:s11] =	ssyncadd.s32 s0  }
0xe1: {  	v1 =	vld [tilespmem:$0xF208];
	_ =	sdelay $0x4  }
0xe2: {  	(v2sf) =	vpush v1, $0x0  }
0xe3: {  	(v2sf) =	vpush v1, $0x1  }
0xe4: {  	(v2sf) =	vpush v1, $0x2;
	_ =	sdelay $0x3  }
0xe5: {  	s0 =	sadd.s32 $0xF0, s22  }
0xe6: {  	s2 =	ssub.s32 $0x4E200, s22;
	p1 =	slt.s32 s8, s0  }
0xe7: {  	s0 =	smov.u32 @p1 s8;
	p1 =	sgt.s32 s2, $0x0  }
0xe8: {  	s26 =	ssub.s32 s0, s22;
	s2 =	simm.s32 @!p1 $0x0  }
0xe9: {  	p1 =	slt.s32 s2, s26  }
0xea: {  	s26 =	smov.u32 @p1 s2  }
0xeb: {  	s25 =	simm.s32 $0x1;
	p1 =	slt.s32 s26, $0x1  }
.Ltmp12:
0xec: {  	s25 =	simm.s32 @!p0 $0x0;
	(pc) =	sbr.rel @p1 .LBB3_8-.Ltmp12, $4  }
0xed: {  	s31 =	smul.u32 $0x3C0, s25  }
0xee: {  	s28 =	spop (v2sf)  }
0xef: {  	s0 =	sshrl.u32 s31, $0x2;
	s30 =	spop (v2sf)  }
0xf0: {  	s23 =	sadd.s32 $0x10518, s0;
	s22 =	spop (v2sf)  }
0xf1: {  	s0 =	smin.u32 s26, $0x10  }
0xf2: {  	v1 =	vmov s0  }
0xf3: {  	p2 =	sgt.s32 s26, $0x10;
	vm1 =	vgt.u32 v1, v0  }
.Ltmp13:
0xf4: {  	_ = 	snop;
	(pc) =	sbr.rel @!p2 .LBB3_7-.Ltmp13, $2  }
0xf5: {  	_ =	sdelay $0x2  }
0xf6: {  	s4 =	simm.s32 $0x10;
	s24 =	sadd.s32 $0xFFFFFFF0, s26;
	s0 =	smov.u32 s23;
	vm0 =	vmmov vm1  }
.LBB3_6:
0xf7: {  	s2 =	smin.u32 s24, $0x10;
	s4 =	sadd.s32 $0x10, s4;
	v1 =	vld.msk [tilespmem:s0+$0x0 ss:$0x1], vm1  }
0xf8: {  	v2 =	vmov s2;
	p2 =	slt.s32 s4, s26  }
0xf9: {  	vm1 =	vgt.u32 v2, v0  }
.Ltmp14:
0xfa: {  	(pc) =	sbr.rel @p2 .LBB3_6-.Ltmp14, $3  }
0xfb: {  	_ =	sdelay $0x1  }
0xfc: {  	v1 =	vshll.u32 v1, $0x4  }
0xfd: {  	s24 =	sadd.s32 $0xFFFFFFF0, s24;
	[tilespmem:s0+$0x0] =	vst.msk vm0, v1;
	s0 =	sadd.s32 $0x10, s0;
	vm0 =	vmmov vm1  }
.LBB3_7:
0xfe: {  	_ =	sdelay $0x4  }
0xff: {  	v1 =	vld.msk [tilespmem:s0+$0x0 ss:$0x1], vm1;
	_ =	sdelay $0x4  }
0x100: {  	v1 =	vshll.u32 v1, $0x4  }
0x101: {  	[tilespmem:s0+$0x0] =	vst.msk vm0, v1  }
.LBB3_8:
0x102: {  	s0 =	sand.u32 $0x1, s21  }
0x103: {  	s0 =	smul.u32 $0xF0, s0  }
0x104: {  	p2 =	sne.s32 s30, $0xFFFFFFFF  }
0x105: {  	v1 =	vld.msk @!p2 [tilespmem:s0+$0x10518], $0x1;
	_ =	sdelay $0x4  }
0x106: {  	(v2sf) =	vpush @!p2 v1, $0x0;
	_ =	sdelay $0xc  }
.Ltmp15:
0x107: {  	_ = 	snop;
	(pc) =	sbr.rel @p1 .LBB3_19-.Ltmp15, $4  }
0x108: {  	_ = 	snop  }
0x109: {  	s29 =	spop @!p2 (v2sf)  }
0x10a: {  	s22 =	simm.s32 @!p2 $0x0;
	s24 =	smov.u32 s29  }
0x10b: {  	[sflag:s18] =	ssyncpa.u1 $0x0;
	s29 =	smov.u32 @p2 s28;
	s24 =	smov.u32 @p2 s30  }
0x10c: {  	v1 =	vld.msk [tilespmem:s23+$0x0], $0x1;
	_ =	sdelay $0x4  }
0x10d: {  	(v2sf) =	vpush v1, $0x0;
	_ =	sdelay $0xe  }
0x10e: {  	s2 =	smul.u32 $0x1E000, s25;
	s0 =	spop (v2sf)  }
0x10f: {  	s26 =	ssub.s32 $0x0, s26;
	p1 =	seq.s32 s29, s0  }
0x110: {  	s30 =	sadd.s32 $0x1, s26;
	s2 =	sshrl.u32 s2, $0x2;
	p2 =	sgt.s32 @!p1 s29, $0x0  }
0x111: {  	s25 =	sor.u32 $0x10738, s2;
	s2 =	smov.u32 s29;
	p2 =	por !p2, p1  }
0x112: {  	s2 =	simm.s32 @p2 $0x0;
	p2 =	seq.s32 s30, $0x0  }
.Ltmp16:
0x113: {  	_ = 	snop;
	(pc) =	sbr.rel @p2 .LBB3_11-.Ltmp16, $4  }
0x114: {  	_ = 	snop  }
0x115: {  	s28 =	simm.s32 $0x0;
	s31 =	sadd.s32 $0x1, s23;
	s2 =	smin.u32 @!p1 s2, $0x270F0  }
0x116: {  	s4 =	simm.s32 @!p1 $0x1;
	s5 =	simm.s32 @!p1 $0x7988;
	s3 =	sand.u32 @!p1 $0x3FFF8, s2  }
0x117: {  	s4 =	smov.u32 @p1 s28;
	s2 =	sand.u32 @!p1 $0x7, s2;
	s3 =	sadd.s32 @!p1 s1, s3  }
.LBB3_10:
0x118: {  	s9 =	smov.u32 s4  }
0x119: {  	[tilespmem:s5], [sflag:$0x2] =	stream.linear.gather @!p1 [hbm4b:s3+s2], $0x80, $0x38;
	[tilespmem:$0x1F6F8] =	vst v63  }
0x11a: {  	s30 =	sadd.s32 $0x1, s30;
	s2 =	smov.u32 s0;
	v1 =	vld.msk [tilespmem:s31+$0x0], $0x1  }
0x11b: {  	p2 =	seq.s32 s30, $0x0;
	_ =	sdelay $0x3  }
0x11c: {  	(v2sf) =	vpush v1, $0x0;
	_ =	sdelay $0xe  }
0x11d: {  	s0 =	spop (v2sf)  }
0x11e: {  	p1 =	seq.s32 s2, s0  }
0x11f: {  	p3 =	sgt.s32 @!p1 s2, $0x0;
	s3 =	sshll.u32 @!p1 s4, $0x9;
	s4 =	sadd.s32 @!p1 $0x1, s4  }
.Ltmp17:
0x120: {  	p3 =	por !p3, p1;
	s3 =	sshra.s32 @!p1 s3, $0x2;
	(pc) =	sbr.rel @!p2 .LBB3_10-.Ltmp17, $4  }
0x121: {  	s4 =	smov.u32 @p1 s9;
	s2 =	simm.s32 @p3 $0x0;
	s5 =	sadd.s32 @!p1 $0x7988, s3  }
0x122: {  	s2 =	smin.u32 @!p1 s2, $0x270F0  }
0x123: {  	s3 =	sand.u32 @!p1 $0x3FFF8, s2;
	s2 =	sand.u32 @!p1 $0x7, s2  }
0x124: {  	s31 =	sadd.s32 $0x1, s31;
	s3 =	sadd.s32 @!p1 s1, s3  }
.LBB3_11:
0x125: {  	[tilespmem:s5], [sflag:$0x2] =	stream.linear.gather @!p1 [hbm4b:s3+s2], $0x80, $0x38;
	[tilespmem:$0x1F6F8] =	vst v63  }
.Ltmp18:
0x126: {  	s0 =	sshll.u32 s4, $0x7;
	(pc) =	sbr.rel .LBB3_12-.Ltmp18, $4  }
0x127: {  	s30 =	simm.s32 $0x2;
	s0 =	sand.u32 $0x3FFFFF80, s0  }
0x128: {  	_ =	swait.ge [sflag:s30], s0  }
0x129: {  	s0 =	ssub.s32 $0x0, s0;
	[sflag:s30] =	ssyncset.done $0x0  }
0x12a: {  	s31 =	simm.s32 $0x0;
	[sflag:s30] =	ssyncadd.s32 s0  }
.LBB3_13:
0x12b: {  	v1 =	vld [tilespmem:s25+$0xFFFFFFC0];
	_ =	sdelay $0x3  }
0x12c: {  	s0 =	sshra.s32 s0, $0x2  }
0x12d: {  	[tilespmem:s0+$0x108] =	vst.add.f32.msk $0xffff, v1  }
0x12e: {  	v1 =	vld [tilespmem:s25+$0xFFFFFFD0];
	_ =	sdelay $0x4  }
0x12f: {  	[tilespmem:s0+$0x118] =	vst.add.f32.msk $0xffff, v1  }
0x130: {  	v1 =	vld [tilespmem:s25+$0xFFFFFFE0];
	_ =	sdelay $0x4  }
0x131: {  	[tilespmem:s0+$0x128] =	vst.add.f32.msk $0xffff, v1  }
0x132: {  	v1 =	vld [tilespmem:s25+$0xFFFFFFF0];
	_ =	sdelay $0x4  }
0x133: {  	[tilespmem:s0+$0x138] =	vst.add.f32.msk $0xffff, v1  }
0x134: {  	v1 =	vld [tilespmem:s25+$0x0];
	_ =	sdelay $0x4  }
0x135: {  	[tilespmem:s0+$0x148] =	vst.add.f32.msk $0xffff, v1  }
0x136: {  	v1 =	vld [tilespmem:s25+$0x10];
	_ =	sdelay $0x4  }
0x137: {  	[tilespmem:s0+$0x158] =	vst.add.f32.msk $0xffff, v1  }
0x138: {  	v1 =	vld [tilespmem:s25+$0x20];
	_ =	sdelay $0x4  }
0x139: {  	[tilespmem:s0+$0x168] =	vst.add.f32.msk $0xffff, v1  }
0x13a: {  	v1 =	vld [tilespmem:s25+$0x30];
	_ =	sdelay $0x4  }
0x13b: {  	[tilespmem:s0+$0x178] =	vst.add.f32.msk $0xffff, v1  }
.LBB3_17:
0x13c: {  	s26 =	sadd.s32 $0x1, s26  }
0x13d: {  	p1 =	seq.s32 s26, $0x0  }
.Ltmp19:
0x13e: {  	_ = 	snop;
	(pc) =	sbr.rel @p1 .LBB3_18-.Ltmp19, $2  }
0x13f: {  	_ =	sdelay $0x2  }
0x140: {  	s23 =	sadd.s32 $0x1, s23;
	s25 =	sadd.s32 $0x80, s25;
	s29 =	smov.u32 s30  }
.LBB3_12:
0x141: {  	v1 =	vld.msk [tilespmem:s23+$0x0], $0x1;
	_ =	sdelay $0x4  }
0x142: {  	(v2sf) =	vpush v1, $0x0;
	_ =	sdelay $0xe  }
0x143: {  	s30 =	spop (v2sf)  }
0x144: {  	p1 =	sne.s32 s29, s30  }
.Ltmp20:
0x145: {  	_ = 	snop;
	(pc) =	sbr.rel @!p1 .LBB3_13-.Ltmp20, $2  }
0x146: {  	_ =	sdelay $0x2  }
0x147: {  	s0 =	sshll.u32 s22, $0x9  }
0x148: {  	p1 =	seq.s32 s29, s24  }
.Ltmp21:
0x149: {  	_ = 	snop;
	(pc) =	sbr.rel @!p1 .LBB3_15-.Ltmp21, $1  }
0x14a: {  	_ =	sdelay $0x3  }
0x14b: {  	s0 =	sshra.s32 s0, $0x2  }
.Ltmp22:
0x14c: {  	s0 =	sadd.s32 $0x108, s0;
	(pc) =	sbr.rel .LBB3_16-.Ltmp22, $4  }
0x14d: {  	[spmem:s16] =	stream.linear.scatter [tilespmem:s0], [sflag:$0x1], $0x80, $0x38;
	[tilespmem:$0x1F6F8] =	vst v63  }
0x14e: {  	_ =	swait.ge [sflag:s12], $0x80  }
0x14f: {  	[sflag:s12] =	ssyncset.done $0x0  }
0x150: {  	[sflag:s12] =	ssyncadd.s32 $0xFFFFFF80  }
.LBB3_15:
0x151: {  	s2 =	sshll.u32 s28, $0x9  }
0x152: {  	s2 =	sshra.s32 s2, $0x2  }
0x153: {  	v1 =	vld [tilespmem:s2+$0x7988];
	_ =	sdelay $0x3  }
0x154: {  	s0 =	sshra.s32 s0, $0x2  }
0x155: {  	[tilespmem:s0+$0x108] =	vst.add.f32.msk $0xffff, v1  }
0x156: {  	v1 =	vld [tilespmem:s2+$0x7998];
	_ =	sdelay $0x4  }
0x157: {  	[tilespmem:s0+$0x118] =	vst.add.f32.msk $0xffff, v1  }
0x158: {  	v1 =	vld [tilespmem:s2+$0x79A8];
	_ =	sdelay $0x4  }
0x159: {  	[tilespmem:s0+$0x128] =	vst.add.f32.msk $0xffff, v1  }
0x15a: {  	v1 =	vld [tilespmem:s2+$0x79B8];
	_ =	sdelay $0x4  }
0x15b: {  	[tilespmem:s0+$0x138] =	vst.add.f32.msk $0xffff, v1  }
0x15c: {  	v1 =	vld [tilespmem:s2+$0x79C8];
	_ =	sdelay $0x4  }
0x15d: {  	[tilespmem:s0+$0x148] =	vst.add.f32.msk $0xffff, v1  }
0x15e: {  	v1 =	vld [tilespmem:s2+$0x79D8];
	_ =	sdelay $0x4  }
0x15f: {  	[tilespmem:s0+$0x158] =	vst.add.f32.msk $0xffff, v1  }
0x160: {  	v1 =	vld [tilespmem:s2+$0x79E8];
	_ =	sdelay $0x4  }
0x161: {  	[tilespmem:s0+$0x168] =	vst.add.f32.msk $0xffff, v1  }
0x162: {  	v1 =	vld [tilespmem:s2+$0x79F8];
	_ =	sdelay $0x2  }
0x163: {  	p1 =	sgt.u32 s29, $0x270F0  }
0x164: {  	s2 =	sand.u32 @!p1 $0x3FFF8, s29  }
0x165: {  	s3 =	sadd.s32 $0x108, s0;
	[tilespmem:s0+$0x178] =	vst.add.f32.msk $0xffff, v1;
	s0 =	sadd.s32 @!p1 s1, s2;
	s2 =	sand.u32 @!p1 $0x7, s29  }
0x166: {  	[hbm4b:s0+s2] =	stream.linear.scatter @!p1 [tilespmem:s3], [sflag:$0xC], $0x80, $0x38;
	[tilespmem:$0x1F6F8] =	vst v63  }
0x167: {  	s0 =	simm.s32 $0x0  }
0x168: {  	s0 =	simm.s32 @!p1 $0x200  }
0x169: {  	s31 =	sadd.s32 s0, s31  }
.LBB3_16:
0x16a: {  	s0 =	sadd.s32 $0x1, s22  }
0x16b: {  	s2 =	smulhi.u32 $0x88888889, s0;
	_ =	sdelay $0x1  }
0x16c: {  	v1 =	vld [tilespmem:s25+$0xFFFFFFC0];
	s2 =	sshrl.u32 s2, $0x7  }
0x16d: {  	s2 =	smul.u32 $0xF0, s2;
	_ =	sdelay $0x1  }
0x16e: {  	s22 =	ssub.s32 s0, s2  }
0x16f: {  	s0 =	sshll.u32 s22, $0x7  }
0x170: {  	[tilespmem:s0+$0x108] =	vst v1  }
0x171: {  	v1 =	vld [tilespmem:s25+$0xFFFFFFD0];
	_ =	sdelay $0x4  }
0x172: {  	[tilespmem:s0+$0x118] =	vst v1  }
0x173: {  	v1 =	vld [tilespmem:s25+$0xFFFFFFE0];
	_ =	sdelay $0x4  }
0x174: {  	[tilespmem:s0+$0x128] =	vst v1  }
0x175: {  	v1 =	vld [tilespmem:s25+$0xFFFFFFF0];
	_ =	sdelay $0x4  }
0x176: {  	[tilespmem:s0+$0x138] =	vst v1  }
0x177: {  	v1 =	vld [tilespmem:s25+$0x0];
	_ =	sdelay $0x4  }
0x178: {  	[tilespmem:s0+$0x148] =	vst v1  }
0x179: {  	v1 =	vld [tilespmem:s25+$0x10];
	_ =	sdelay $0x4  }
0x17a: {  	[tilespmem:s0+$0x158] =	vst v1  }
0x17b: {  	v1 =	vld [tilespmem:s25+$0x20];
	_ =	sdelay $0x4  }
0x17c: {  	[tilespmem:s0+$0x168] =	vst v1  }
0x17d: {  	v1 =	vld [tilespmem:s25+$0x30]  }
.Ltmp23:
0x17e: {  	_ = 	snop;
	(pc) =	sbr.rel .LBB3_17-.Ltmp23, $2  }
0x17f: {  	_ =	sdelay $0x2  }
0x180: {  	s28 =	sadd.s32 $0x1, s28;
	[tilespmem:s0+$0x178] =	vst v1  }
.LBB3_19:
.Ltmp24:
0x181: {  	(pc) =	sbr.rel .LBB3_20-.Ltmp24, $4  }
0x182: {  	_ = 	snop  }
0x183: {  	s0 =	simm.s32 $0x2  }
0x184: {  	_ =	swait.ge [sflag:s0], $0x0  }
0x185: {  	s30 =	smov.u32 s29;
	[sflag:s0] =	ssyncset.done $0x0;
	s0 =	simm.s32 $0x0  }
.LBB3_22:
0x186: {  	_ =	sfence.sel $0x180000  }
0x187: {  	s0 =	simm.s32 $0x9;
	[bflag:$0x0] =	sbarrier.arrive $0xFFFF  }
0x188: {  	s24 =	simm.s32 $0xA;
	[sflag:s0] =	ssyncpa.u1 $0x1  }
0x189: {  	s25 =	simm.s32 $0xB;
	[sflag:s24] =	ssyncpa.u1 $0x1  }
0x18a: {  	s26 =	simm.s32 $0x2;
	[sflag:s25] =	ssyncpa.u1 $0x1  }
0x18b: {  	[sflag:s26] =	ssyncpa.u1 $0x1  }
0x18c: {  	v0 =	vld [tilespmem:$0xF208];
	_ =	sdelay $0x4  }
0x18d: {  	(v2sf) =	vpush v0, $0x0  }
0x18e: {  	(v2sf) =	vpush v0, $0x1;
	_ =	sdelay $0x1  }
0x18f: {  	(v2sf) =	vpush v0, $0x2;
	_ =	sdelay $0xb  }
0x190: {  	s0 =	spop (v2sf)  }
0x191: {  	s2 =	spop (v2sf)  }
0x192: {  	s3 =	smov.u32 s0;
	p0 =	sne.s32 s0, s2  }
0x193: {  	s4 =	spop (v2sf);
	s3 =	simm.s32 @!p0 $0xFFFFFFFF  }
0x194: {  	v2 =	vimm.s32 $0x1;
	v3 =	vlaneseq.u32;
	p0 =	seq.s32 s4, $0xFFFFFFFF;
	v1 =	vmov s3  }
0x195: {  	s16 =	stileid.u32;
	v0 =	vperm.xlane v0, v2;
	p1 =	sne.s32 @!p0 s0, s2;
	v1 =	vperm.xlane v1, v3  }
0x196: {  	vm0 =	vcmask $0x3F04;
	s6 =	simm.s32 $0xF208;
	s0 =	simm.s32 @!p0 $0x1;
	p1 =	por !p1, p0  }
0x197: {  	s3 =	sshll.u32 s16, $0x1;
	s2 =	sshll.u32 @!p0 s4, $0x9;
	s0 =	simm.s32 @p1 $0x0;
	v0 =	vsel vm0, v1, v0  }
0x198: {  	s5 =	sor.u32 $0x1000, s3;
	s2 =	sshra.s32 @!p0 s2, $0x2;
	s0 =	sor.u32 @!p0 s0, s3;
	[tilespmem:$0xF208] =	vst v0  }
0x199: {  	[spmem:s5] =	stream.linear.scatter [tilespmem:s6], [sflag:$0x1], $0x2, $0x38;
	[tilespmem:$0x1F6F8] =	vst v63  }
0x19a: {  	s2 =	sadd.s32 @!p0 $0x108, s2;
	s0 =	sshll.u32 @!p0 s0, $0x7  }
0x19b: {  	[spmem:s0] =	stream.linear.scatter @!p0 [tilespmem:s2], [sflag:$0x1], $0x80, $0x38;
	[tilespmem:$0x1F6F8] =	vst v63  }
0x19c: {  	s0 =	simm.s32 @!p0 $0x82  }
0x19d: {  	s28 =	simm.s32 $0x1;
	s0 =	simm.s32 @p0 $0x2  }
0x19e: {  	_ =	swait.ge [sflag:s28], s0  }
0x19f: {  	s0 =	ssub.s32 $0x0, s0;
	[sflag:s28] =	ssyncset.done $0x0  }
0x1a0: {  	p0 =	sne.s32 s16, $0x0;
	[sflag:s28] =	ssyncadd.s32 s0  }
.Ltmp25:
0x1a1: {  	_ =	sfence.stream.spmem;
	(pc) =	sbr.rel @p0 .LBB3_39-.Ltmp25, $4  }
0x1a2: {  	s29 =	simm.s32 $0x3;
	[bflag:$0x0] =	sbarrier.arrive $0xFFFF  }
0x1a3: {  	s30 =	simm.s32 $0x4;
	[sflag:s29] =	ssyncpa.u1 $0x1  }
0x1a4: {  	s31 =	simm.s32 $0x3C;
	[sflag:s30] =	ssyncpa.u1 $0x1  }
0x1a5: {  	s15 =	rddreg [dreg:$0x5];
	[sflag:s31] =	ssyncpa.u1 $0x1  }
0x1a6: {  	_ =	sfence.stream.spmem;
	s0 =	simm.s32 $0x5  }
0x1a7: {  	s2 =	simm.s32 $0x1000;
	s3 =	simm.s32 $0xF218;
	[sflag:s0] =	ssyncpa.u1 $0x0  }
0x1a8: {  	[tilespmem:s3], [sflag:$0x5] =	stream.linear.gather [spmem:s2], $0x20, $0x38;
	[tilespmem:$0x1F6F8] =	vst v63  }
0x1a9: {  	s26 =	simm.s32 $0x0;
	s28 =	simm.s32 $0xF238  }
0x1aa: {  	[tilespmem:s28], [sflag:$0x5] =	stream.linear.gather [spmem:s26], $0x1000, $0x38;
	[tilespmem:$0x1F6F8] =	vst v63  }
0x1ab: {  	_ =	swait.ge [sflag:s0], $0x1020  }
0x1ac: {  	[sflag:s0] =	ssyncset.done $0x0  }
0x1ad: {  	s29 =	simm.s32 $0x0;
	[sflag:s0] =	ssyncadd.s32 $0xFFFFEFE0  }
0x1ae: {  	v0 =	vld.msk [tilespmem:s29+$0xF218], $0x1;
	_ =	sdelay $0x1  }
0x1af: {  	s30 =	simm.s32 $0x1  }
0x1b0: {  	v1 =	vld.msk [tilespmem:s30+$0xF218], $0x1;
	_ =	sdelay $0x1  }
0x1b1: {  	(v2sf) =	vpush v0, $0x0;
	_ =	sdelay $0x2  }
0x1b2: {  	(v2sf) =	vpush v1, $0x0;
	_ =	sdelay $0x2  }
0x1b3: {  	s31 =	simm.s32 $0x2  }
0x1b4: {  	v0 =	vld.msk [tilespmem:s31+$0xF218], $0x1;
	_ =	sdelay $0x2  }
0x1b5: {  	s4 =	simm.s32 $0xFFFFFFFF;
	s5 =	simm.s32 $0xFFFFFFFF;
	s0 =	simm.s32 $0xC  }
.LBB3_24:
0x1b6: {  	s2 =	smov.u32 s5;
	s3 =	smov.u32 s4  }
0x1b7: {  	s4 =	sshra.s32 s0, $0x2;
	p1 =	sne.s32 s0, $0x7C;
	s0 =	sadd.s32 $0x4, s0;
	(v2sf) =	vpush v0, $0x0  }
0x1b8: {  	v0 =	vld.msk [tilespmem:s4+$0xF218], $0x1  }
.Ltmp26:
0x1b9: {  	(pc) =	sbr.rel @p1 .LBB3_24-.Ltmp26, $4  }
0x1ba: {  	s5 =	spop (v2sf)  }
0x1bb: {  	p2 =	sne.s32 s3, $0xFFFFFFFF;
	s4 =	smov.u32 s5  }
0x1bc: {  	p3 =	seq.s32 s5, $0xFFFFFFFF;
	s4 =	smov.u32 @p2 s3  }
0x1bd: {  	s5 =	smov.u32 @p3 s2;
	s4 =	smov.u32 @p3 s3  }
0x1be: {  	(v2sf) =	vpush v0, $0x0;
	_ =	sdelay $0x8  }
0x1bf: {  	s0 =	spop (v2sf)  }
0x1c0: {  	p1 =	sne.s32 s4, $0xFFFFFFFF;
	s2 =	smov.u32 s0  }
0x1c1: {  	s9 =	simm.s32 $0x6;
	p2 =	seq.s32 s0, $0xFFFFFFFF;
	s2 =	smov.u32 @p1 s4  }
0x1c2: {  	s6 =	simm.s32 $0x0;
	s2 =	smov.u32 @p2 s4;
	s3 =	spop (v2sf)  }
0x1c3: {  	s0 =	smov.u32 @p2 s5;
	p1 =	sne.s32 s2, $0xFFFFFFFF;
	s4 =	smov.u32 s3  }
.Ltmp27:
0x1c4: {  	p2 =	seq.s32 s3, $0xFFFFFFFF;
	s4 =	smov.u32 @p1 s2;
	(pc) =	sbr.rel .LBB3_26-.Ltmp27, $4  }
0x1c5: {  	s10 =	simm.s32 $0xF188;
	s4 =	smov.u32 @p2 s2;
	s7 =	spop (v2sf)  }
0x1c6: {  	s11 =	simm.s32 $0x0;
	p1 =	sne.s32 s4, $0xFFFFFFFF;
	s8 =	smov.u32 s7  }
0x1c7: {  	s3 =	smov.u32 @p2 s0;
	p2 =	seq.s32 s7, $0xFFFFFFFF;
	s8 =	smov.u32 @p1 s4  }
0x1c8: {  	[sflag:s9] =	ssyncpa.u1 $0x0;
	s7 =	smov.u32 @p2 s3;
	s8 =	smov.u32 @p2 s4  }
.LBB3_32:
0x1c9: {  	p1 =	sgt.u32 s12, $0x270F0  }
0x1ca: {  	p2 =	seq.s32 @!p1 s12, s8  }
0x1cb: {  	p1 =	por p1, p2  }
0x1cc: {  	p2 =	sne.s32 @!p1 s12, s7  }
0x1cd: {  	p1 =	por p1, !p2  }
0x1ce: {  	s0 =	sshll.u32 @p1 s11, $0x9  }
0x1cf: {  	s0 =	sand.u32 @!p1 $0x3FFF8, s12  }
0x1d0: {  	s2 =	sand.u32 @!p1 $0x7, s12;
	s0 =	sadd.s32 @!p1 s1, s0  }
0x1d1: {  	[tilespmem:s10], [sflag:$0x6] =	stream.linear.gather @!p1 [hbm4b:s0+s2], $0x80, $0x38;
	[tilespmem:$0x1F6F8] =	vst v63  }
0x1d2: {  	_ =	swait.ge @!p1 [sflag:s9], $0x80  }
0x1d3: {  	[sflag:s9] =	ssyncset.done @!p1 $0x0  }
0x1d4: {  	[sflag:s9] =	ssyncadd.s32 @!p1 $0xFFFFFF80  }
0x1d5: {  	v1 =	vld @!p1 [tilespmem:$0xF188];
	_ =	sdelay $0x2  }
0x1d6: {  	s0 =	sshll.u32 @!p1 s11, $0x9  }
0x1d7: {  	s2 =	sshrl.u32 @!p1 s0, $0x2  }
0x1d8: {  	[tilespmem:s2+$0xF238] =	vst.add.f32.msk @!p1 $0xffff, v1  }
0x1d9: {  	v1 =	vld @!p1 [tilespmem:$0xF198];
	_ =	sdelay $0x4  }
0x1da: {  	[tilespmem:s2+$0xF248] =	vst.add.f32.msk @!p1 $0xffff, v1  }
0x1db: {  	v1 =	vld @!p1 [tilespmem:$0xF1A8];
	_ =	sdelay $0x4  }
0x1dc: {  	[tilespmem:s2+$0xF258] =	vst.add.f32.msk @!p1 $0xffff, v1  }
0x1dd: {  	v1 =	vld @!p1 [tilespmem:$0xF1B8];
	_ =	sdelay $0x4  }
0x1de: {  	[tilespmem:s2+$0xF268] =	vst.add.f32.msk @!p1 $0xffff, v1  }
0x1df: {  	v1 =	vld @!p1 [tilespmem:$0xF1C8];
	_ =	sdelay $0x4  }
0x1e0: {  	[tilespmem:s2+$0xF278] =	vst.add.f32.msk @!p1 $0xffff, v1  }
0x1e1: {  	v1 =	vld @!p1 [tilespmem:$0xF1D8];
	_ =	sdelay $0x4  }
0x1e2: {  	[tilespmem:s2+$0xF288] =	vst.add.f32.msk @!p1 $0xffff, v1  }
0x1e3: {  	v1 =	vld @!p1 [tilespmem:$0xF1E8];
	_ =	sdelay $0x4  }
0x1e4: {  	[tilespmem:s2+$0xF298] =	vst.add.f32.msk @!p1 $0xffff, v1  }
0x1e5: {  	v1 =	vld @!p1 [tilespmem:$0xF1F8];
	_ =	sdelay $0x4  }
0x1e6: {  	[tilespmem:s2+$0xF2A8] =	vst.add.f32.msk @!p1 $0xffff, v1  }
0x1e7: {  	s0 =	sshrl.u32 s0, $0x2;
	[tilespmem:s6+$0xF218] =	vst.msk $0x1, v0  }
0x1e8: {  	v0 =	vld [tilespmem:s0+$0xF238];
	_ =	sdelay $0x2  }
0x1e9: {  	s31 =	sshll.u32 s6, $0x9  }
0x1ea: {  	s2 =	sshra.s32 s31, $0x2  }
0x1eb: {  	[tilespmem:s2+$0xF238] =	vst v0  }
0x1ec: {  	v0 =	vld [tilespmem:s0+$0xF248];
	_ =	sdelay $0x4  }
0x1ed: {  	[tilespmem:s2+$0xF248] =	vst v0  }
0x1ee: {  	v0 =	vld [tilespmem:s0+$0xF258];
	_ =	sdelay $0x4  }
0x1ef: {  	[tilespmem:s2+$0xF258] =	vst v0  }
0x1f0: {  	v0 =	vld [tilespmem:s0+$0xF268];
	_ =	sdelay $0x4  }
0x1f1: {  	[tilespmem:s2+$0xF268] =	vst v0  }
0x1f2: {  	v0 =	vld [tilespmem:s0+$0xF278];
	_ =	sdelay $0x4  }
0x1f3: {  	[tilespmem:s2+$0xF278] =	vst v0  }
0x1f4: {  	v0 =	vld [tilespmem:s0+$0xF288];
	_ =	sdelay $0x4  }
0x1f5: {  	[tilespmem:s2+$0xF288] =	vst v0  }
0x1f6: {  	v0 =	vld [tilespmem:s0+$0xF298];
	_ =	sdelay $0x4  }
0x1f7: {  	[tilespmem:s2+$0xF298] =	vst v0  }
0x1f8: {  	v0 =	vld [tilespmem:s0+$0xF2A8];
	_ =	sdelay $0x4  }
0x1f9: {  	s6 =	sadd.s32 $0x1, s6;
	[tilespmem:s2+$0xF2A8] =	vst v0  }
.LBB3_33:
0x1fa: {  	s11 =	sadd.s32 $0x1, s11  }
0x1fb: {  	p1 =	sne.s32 s11, $0x20  }
.Ltmp28:
0x1fc: {  	_ = 	snop;
	(pc) =	sbr.rel @!p1 .LBB3_34-.Ltmp28, $1  }
0x1fd: {  	_ =	sdelay $0x3  }
.LBB3_26:
0x1fe: {  	v0 =	vld.msk [tilespmem:s11+$0xF218], $0x1;
	_ =	sdelay $0x4  }
0x1ff: {  	(v2sf) =	vpush v0, $0x0;
	_ =	sdelay $0xe  }
0x200: {  	s12 =	spop (v2sf)  }
0x201: {  	p1 =	seq.s32 s12, $0xFFFFFFFF  }
.Ltmp29:
0x202: {  	_ = 	snop;
	(pc) =	sbr.rel @p1 .LBB3_33-.Ltmp29, $1  }
0x203: {  	_ =	sdelay $0x3  }
0x204: {  	p1 =	slt.s32 s6, $0x1  }
.Ltmp30:
0x205: {  	_ = 	snop;
	(pc) =	sbr.rel @p1 .LBB3_32-.Ltmp30, $1  }
0x206: {  	_ =	sdelay $0x3  }
0x207: {  	s13 =	simm.s32 $0xF218;
	p1 =	por $0x0, $0x0  }
0x208: {  	v1 =	vld.msk @!p1 [tilespmem:s13+$0x0], $0x1;
	_ =	sdelay $0x4  }
0x209: {  	(v2sf) =	vpush @!p1 v1, $0x0;
	_ =	sdelay $0xd  }
0x20a: {  	p3 =	sne.s32 s6, $0x1  }
.Ltmp31:
0x20b: {  	s0 =	spop @!p1 (v2sf);
	(pc) =	sbr.rel @!p3 .LBB3_30-.Ltmp31, $4  }
0x20c: {  	p2 =	seq.s32 @!p1 s12, s0  }
0x20d: {  	s14 =	simm.s32 $0x0;
	p2 =	por !p2, p1  }
0x20e: {  	s2 =	simm.s32 $0xFFFFFFFF;
	s14 =	simm.s32 @p2 $0xFFFFFFFF  }
0x20f: {  	s0 =	simm.s32 $0x1;
	s14 =	smov.u32 @p1 s2  }
.LBB3_29:
0x210: {  	s2 =	smov.u32 s14;
	p1 =	sne.s32 s14, $0xFFFFFFFF  }
0x211: {  	s13 =	sadd.s32 $0x1, s13;
	s14 =	smov.u32 s0;
	s0 =	sadd.s32 $0x1, s0  }
0x212: {  	p2 =	sne.s32 s6, s0;
	v1 =	vld.msk @!p1 [tilespmem:s13+$0x0], $0x1;
	_ =	sdelay $0x4  }
0x213: {  	(v2sf) =	vpush @!p1 v1, $0x0;
	_ =	sdelay $0xe  }
.Ltmp32:
0x214: {  	s3 =	spop @!p1 (v2sf);
	(pc) =	sbr.rel @p2 .LBB3_29-.Ltmp32, $4  }
0x215: {  	p3 =	seq.s32 @!p1 s12, s3  }
0x216: {  	p3 =	por !p3, p1  }
0x217: {  	s14 =	simm.s32 @p3 $0xFFFFFFFF  }
0x218: {  	s14 =	smov.u32 @p1 s2  }
.LBB3_30:
0x219: {  	p1 =	seq.s32 s14, $0xFFFFFFFF  }
.Ltmp33:
0x21a: {  	_ = 	snop;
	(pc) =	sbr.rel @p1 .LBB3_32-.Ltmp33, $1  }
0x21b: {  	_ =	sdelay $0x3  }
0x21c: {  	s0 =	sshll.u32 s11, $0x7  }
0x21d: {  	s0 =	sand.u32 $0x3FFFFF80, s0  }
0x21e: {  	v0 =	vld [tilespmem:s0+$0xF238];
	_ =	sdelay $0x2  }
0x21f: {  	s2 =	sshll.u32 s14, $0x9  }
0x220: {  	s2 =	sshra.s32 s2, $0x2  }
0x221: {  	[tilespmem:s2+$0xF238] =	vst.add.f32.msk $0xffff, v0  }
0x222: {  	v0 =	vld [tilespmem:s0+$0xF248];
	_ =	sdelay $0x4  }
0x223: {  	[tilespmem:s2+$0xF248] =	vst.add.f32.msk $0xffff, v0  }
0x224: {  	v0 =	vld [tilespmem:s0+$0xF258];
	_ =	sdelay $0x4  }
0x225: {  	[tilespmem:s2+$0xF258] =	vst.add.f32.msk $0xffff, v0  }
0x226: {  	v0 =	vld [tilespmem:s0+$0xF268];
	_ =	sdelay $0x4  }
0x227: {  	[tilespmem:s2+$0xF268] =	vst.add.f32.msk $0xffff, v0  }
0x228: {  	v0 =	vld [tilespmem:s0+$0xF278];
	_ =	sdelay $0x4  }
0x229: {  	[tilespmem:s2+$0xF278] =	vst.add.f32.msk $0xffff, v0  }
0x22a: {  	v0 =	vld [tilespmem:s0+$0xF288];
	_ =	sdelay $0x4  }
0x22b: {  	[tilespmem:s2+$0xF288] =	vst.add.f32.msk $0xffff, v0  }
0x22c: {  	v0 =	vld [tilespmem:s0+$0xF298];
	_ =	sdelay $0x4  }
0x22d: {  	[tilespmem:s2+$0xF298] =	vst.add.f32.msk $0xffff, v0  }
0x22e: {  	v0 =	vld [tilespmem:s0+$0xF2A8]  }
.Ltmp34:
0x22f: {  	_ = 	snop;
	(pc) =	sbr.rel .LBB3_33-.Ltmp34, $2  }
0x230: {  	_ =	sdelay $0x2  }
0x231: {  	[tilespmem:s2+$0xF2A8] =	vst.add.f32.msk $0xffff, v0  }
.LBB3_34:
0x232: {  	s0 =	simm.s32 $0x6;
	p1 =	seq.s32 s6, $0x0  }
0x233: {  	[sflag:s0] =	ssyncpa.u1 $0x1;
	v0 =	vimm.s32 @p1 $0xFFFFFFFF  }
0x234: {  	s9 =	sadd.s32 $0xFFFFFFFF, s6;
	[tilespmem:$0x10238] =	vst @p1 v0  }
0x235: {  	v0 =	vld.msk @!p1 [tilespmem:s9+$0xF218], $0x1;
	_ =	sdelay $0x1  }
0x236: {  	v1 =	vld.msk @!p1 [tilespmem:$0xF218], $0x1;
	_ =	sdelay $0x2  }
0x237: {  	p2 =	seq.s32 @!p1 s9, $0x0;
	v0 =	vbroadcast @!p1 v0, $0x0  }
0x238: {  	vm0 =	vmmov @!p1 $0x1;
	p2 =	por !p2, p1  }
0x239: {  	v1 =	vnsel @!p1 vm0, $0xFFFFFFFF, v1;
	vm0 =	vcmask @!p1 $0x308;
	v0 =	vpsel !p2, $0xFFFFFFFF, v0  }
0x23a: {  	p2 =	sne.s32 @!p1 s8, s7;
	v0 =	vsel @!p1 vm0, v1, v0  }
0x23b: {  	s0 =	simm.s32 @!p1 $0xF238;
	s2 =	simm.s32 @!p1 $0x0;
	p3 =	por !p2, p1;
	[tilespmem:$0x10238] =	vst @!p1 v0  }
0x23c: {  	[spmem:s2] =	stream.linear.scatter @!p1 [tilespmem:s0], [sflag:$0x1], $0x80, $0x38;
	[tilespmem:$0x1F6F8] =	vst v63  }
0x23d: {  	s0 =	sshll.u32 @!p3 s9, $0x9  }
0x23e: {  	s0 =	sshra.s32 @!p3 s0, $0x2  }
0x23f: {  	s2 =	simm.s32 @!p3 $0x80;
	s0 =	sadd.s32 @!p3 $0xF238, s0  }
0x240: {  	[spmem:s2] =	stream.linear.scatter @!p3 [tilespmem:s0], [sflag:$0x1], $0x80, $0x38;
	[tilespmem:$0x1F6F8] =	vst v63  }
0x241: {  	s0 =	simm.s32 @!p3 $0x1  }
0x242: {  	_ =	swait.ge @!p3 [sflag:s0], $0x100  }
0x243: {  	p1 =	por p2, p1;
	[sflag:s0] =	ssyncset.done @!p3 $0x0  }
0x244: {  	[sflag:s0] =	ssyncadd.s32 @!p3 $0xFFFFFF00;
	s0 =	simm.s32 @!p1 $0x1  }
0x245: {  	_ =	swait.ge @!p1 [sflag:s0], $0x80  }
0x246: {  	s29 =	simm.s32 $0x10238;
	[sflag:s0] =	ssyncset.done @!p1 $0x0  }
0x247: {  	s30 =	simm.s32 $0x1000;
	s31 =	simm.s32 $0x1;
	[sflag:s0] =	ssyncadd.s32 @!p1 $0xFFFFFF80  }
0x248: {  	[spmem:s30] =	stream.linear.scatter [tilespmem:s29], [sflag:$0x1], $0x10, $0x38;
	[tilespmem:$0x1F6F8] =	vst v63  }
0x249: {  	_ =	swait.ge [sflag:s31], $0x10  }
0x24a: {  	[sflag:s31] =	ssyncset.done $0x0  }
0x24b: {  	p1 =	seq.s32 s15, $0x0;
	s8 =	rddreg [dreg:$0x2];
	[sflag:s31] =	ssyncadd.s32 $0xFFFFFFF0  }
0x24c: {  	s2 =	sshll.u32 @p1 s8, $0xE;
	s7 =	rddreg [dreg:$0x3]  }
0x24d: {  	s0 =	sadd.s32 @p1 $0x15C3C, s2;
	s2 =	sshll.u32 @p1 s7, $0x11  }
0x24e: {  	_ =	sfence.stream.spmem;
	s0 =	sor.u32 @p1 s2, s0  }
0x24f: {  	[sflag:s0] =	ssyncadd.remote.s32 @p1 $0x1;
	s0 =	simm.s32 @p1 $0x4  }
0x250: {  	s3 =	simm.s32 @!p1 $0x3C;
	s2 =	sand.u32 $0xFFFFFFFE, s8;
	_ =	swait.ge @p1 [sflag:s0], $0x22  }
0x251: {  	s4 =	simm.s32 @!p1 $0x0;
	s2 =	sadd.s32 @!p1 $0x4, s2;
	[sflag:s0] =	ssyncset.done @p1 $0x0  }
0x252: {  	s5 =	simm.s32 @!p1 $0x100;
	[sflag:s0] =	ssyncadd.s32 @p1 $0xFFFFFFDE;
	s0 =	sshll.u32 @!p1 s2, $0x1A  }
0x253: {  	s2 =	sshll.u32 @!p1 s2, $0xD;
	s0 =	sor.u32 @!p1 s0, s7;
	_ =	swait.eq @!p1 [sflag:s3], $0x1  }
0x254: {  	s2 =	sor.u32 @!p1 $0x1C04, s2;
	s3 =	simm.s32 @!p1 $0x1C03;
	s0 =	sor.u32 @!p1 $0x80004000, s0  }
0x255: {  	[spmem:s5], [sflag:s2] =	dma.general @!p1 [spmem:s4], [sflag:s3], length:$0x20, [dreg:$0x0], stride_count:$0x0, ici_dest:s0, dma_misc:DstOpCode:WRITE  }
0x256: {  	p2 =	slt.s32 s9, $0x2;
	s4 =	simm.s32 @!p1 $0x200;
	s5 =	simm.s32 @!p1 $0x202  }
0x257: {  	[spmem:s5], [sflag:s2] =	dma.general @!p1 [spmem:s4], [sflag:s3], length:$0x2, [dreg:$0x0], stride_count:$0x0, ici_dest:s0, dma_misc:DstOpCode:WRITE  }
.Ltmp35:
0x258: {  	s0 =	simm.s32 @!p1 $0x3;
	(pc) =	sbr.rel @p2 .LBB3_38-.Ltmp35, $4  }
0x259: {  	s2 =	sshll.u32 @!p1 s8, $0xE;
	_ =	swait.ge @!p1 [sflag:s0], $0x22  }
0x25a: {  	s3 =	sshll.u32 @!p1 s7, $0x11;
	s2 =	sadd.s32 @!p1 $0x11C3C, s2;
	[sflag:s0] =	ssyncset.done @!p1 $0x0  }
0x25b: {  	[sflag:s0] =	ssyncadd.s32 @!p1 $0xFFFFFFDE;
	s0 =	sor.u32 @!p1 s3, s2  }
0x25c: {  	[sflag:s0] =	ssyncadd.remote.s32 @!p1 $0xFFFFFFFF;
	s0 =	simm.s32 $0x0  }
0x25d: {  	s0 =	simm.s32 $0xF219  }
0x25e: {  	v0 =	vld.msk [tilespmem:s0+$0x0], $0x1;
	_ =	sdelay $0x4  }
0x25f: {  	(v2sf) =	vpush v0, $0x0;
	_ =	sdelay $0xb  }
0x260: {  	s31 =	sadd.s32 $0xFFFFFFFE, s6  }
0x261: {  	s0 =	sadd.s32 $0xFFFFFFFF, s31  }
0x262: {  	p2 =	sne.s32 s0, $0x0  }
.Ltmp36:
0x263: {  	s2 =	spop (v2sf);
	(pc) =	sbr.rel @!p2 .LBB3_37-.Ltmp36, $4  }
0x264: {  	s4 =	simm.s32 $0xF2B8;
	s7 =	simm.s32 $0x0;
	p1 =	sgt.u32 s2, $0x270F0  }
0x265: {  	s5 =	simm.s32 $0x0;
	s6 =	simm.s32 $0xF21A;
	s3 =	sand.u32 @!p1 $0x3FFF8, s2  }
0x266: {  	s2 =	sand.u32 @!p1 $0x7, s2;
	s7 =	simm.s32 @!p1 $0x200;
	s3 =	sadd.s32 @!p1 s1, s3  }
0x267: {  	[hbm4b:s3+s2] =	stream.linear.scatter @!p1 [tilespmem:s4], [sflag:$0x5], $0x80, $0x38;
	[tilespmem:$0x1F6F8] =	vst v63  }
.LBB3_36:
0x268: {  	v0 =	vld.msk [tilespmem:s6+$0x0], $0x1;
	s0 =	sadd.s32 $0xFFFFFFFF, s0;
	s5 =	sadd.s32 s5, s7  }
0x269: {  	p1 =	sne.s32 s0, $0x0;
	_ =	sdelay $0x3  }
0x26a: {  	(v2sf) =	vpush v0, $0x0;
	_ =	sdelay $0xe  }
.Ltmp37:
0x26b: {  	s2 =	spop (v2sf);
	(pc) =	sbr.rel @p1 .LBB3_36-.Ltmp37, $4  }
0x26c: {  	s7 =	simm.s32 $0x0;
	p2 =	sgt.u32 s2, $0x270F0  }
0x26d: {  	s4 =	sadd.s32 $0x80, s4;
	s7 =	simm.s32 @!p2 $0x200;
	s3 =	sand.u32 @!p2 $0x3FFF8, s2  }
0x26e: {  	s6 =	sadd.s32 $0x1, s6;
	s2 =	sand.u32 @!p2 $0x7, s2;
	s3 =	sadd.s32 @!p2 s1, s3  }
0x26f: {  	[hbm4b:s3+s2] =	stream.linear.scatter @!p2 [tilespmem:s4], [sflag:$0x5], $0x80, $0x38;
	[tilespmem:$0x1F6F8] =	vst v63  }
.LBB3_37:
0x270: {  	s0 =	sadd.s32 s5, s7  }
0x271: {  	s0 =	sshrl.u32 s0, $0x2  }
.LBB3_38:
0x272: {  	s2 =	simm.s32 $0x5  }
0x273: {  	_ =	swait.ge [sflag:s2], s0  }
0x274: {  	s31 =	ssub.s32 $0x0, s0;
	[sflag:s2] =	ssyncset.done $0x0  }
0x275: {  	[sflag:s2] =	ssyncadd.s32 s31  }
0x276: {  	[sflag:s2] =	ssyncpa.u1 $0x1  }
.LBB3_39:
0x277: {  	s0 =	sor.u32 s15, s16  }
0x278: {  	p1 =	sne.s32 s0, $0x0  }
.Ltmp38:
0x279: {  	_ = 	snop;
	(pc) =	sbr.rel @p1 .LBB3_54-.Ltmp38, $3  }
0x27a: {  	_ =	sdelay $0x1  }
0x27b: {  	[bflag:$0x0] =	sbarrier.arrive $0xFFFF  }
0x27c: {  	_ =	sfence  }
0x27d: {  	s0 =	simm.s32 $0x7  }
0x27e: {  	s2 =	simm.s32 $0x1000;
	s3 =	simm.s32 $0xF218;
	[sflag:s0] =	ssyncpa.u1 $0x0  }
0x27f: {  	[tilespmem:s3], [sflag:$0x7] =	stream.linear.gather [spmem:s2], $0x20, $0x38;
	[tilespmem:$0x1F6F8] =	vst v63  }
0x280: {  	s30 =	simm.s32 $0xF238;
	s2 =	simm.s32 $0x0  }
0x281: {  	[tilespmem:s30], [sflag:$0x7] =	stream.linear.gather [spmem:s2], $0x1000, $0x38;
	[tilespmem:$0x1F6F8] =	vst v63  }
.Ltmp39:
0x282: {  	_ = 	snop;
	(pc) =	sbr.rel .LBB3_41-.Ltmp39, $4  }
0x283: {  	_ =	swait.ge [sflag:s0], $0x1020  }
0x284: {  	[sflag:s0] =	ssyncset.done $0x0  }
0x285: {  	s31 =	simm.s32 $0x8;
	[sflag:s0] =	ssyncadd.s32 $0xFFFFEFE0  }
0x286: {  	s3 =	simm.s32 $0x0;
	[sflag:s31] =	ssyncpa.u1 $0x0  }
.LBB3_47:
0x287: {  	p1 =	slt.u32 s4, $0x270F1  }
0x288: {  	s0 =	sand.u32 @p1 $0x3FFF8, s4  }
0x289: {  	s4 =	sand.u32 @p1 $0x7, s4;
	s5 =	simm.s32 @p1 $0xF188;
	s0 =	sadd.s32 @p1 s1, s0  }
0x28a: {  	[tilespmem:s5], [sflag:$0x8] =	stream.linear.gather @p1 [hbm4b:s0+s4], $0x80, $0x38;
	[tilespmem:$0x1F6F8] =	vst v63  }
0x28b: {  	s0 =	simm.s32 @p1 $0x8  }
0x28c: {  	_ =	swait.ge @p1 [sflag:s0], $0x80  }
0x28d: {  	[sflag:s0] =	ssyncset.done @p1 $0x0  }
0x28e: {  	[sflag:s0] =	ssyncadd.s32 @p1 $0xFFFFFF80  }
0x28f: {  	v1 =	vld @p1 [tilespmem:$0xF188];
	_ =	sdelay $0x2  }
0x290: {  	s0 =	sshll.u32 @p1 s3, $0x9  }
0x291: {  	s4 =	sshrl.u32 @p1 s0, $0x2  }
0x292: {  	[tilespmem:s4+$0xF238] =	vst.add.f32.msk @p1 $0xffff, v1  }
0x293: {  	v1 =	vld @p1 [tilespmem:$0xF198];
	_ =	sdelay $0x4  }
0x294: {  	[tilespmem:s4+$0xF248] =	vst.add.f32.msk @p1 $0xffff, v1  }
0x295: {  	v1 =	vld @p1 [tilespmem:$0xF1A8];
	_ =	sdelay $0x4  }
0x296: {  	[tilespmem:s4+$0xF258] =	vst.add.f32.msk @p1 $0xffff, v1  }
0x297: {  	v1 =	vld @p1 [tilespmem:$0xF1B8];
	_ =	sdelay $0x4  }
0x298: {  	[tilespmem:s4+$0xF268] =	vst.add.f32.msk @p1 $0xffff, v1  }
0x299: {  	v1 =	vld @p1 [tilespmem:$0xF1C8];
	_ =	sdelay $0x4  }
0x29a: {  	[tilespmem:s4+$0xF278] =	vst.add.f32.msk @p1 $0xffff, v1  }
0x29b: {  	v1 =	vld @p1 [tilespmem:$0xF1D8];
	_ =	sdelay $0x4  }
0x29c: {  	[tilespmem:s4+$0xF288] =	vst.add.f32.msk @p1 $0xffff, v1  }
0x29d: {  	v1 =	vld @p1 [tilespmem:$0xF1E8];
	_ =	sdelay $0x4  }
0x29e: {  	[tilespmem:s4+$0xF298] =	vst.add.f32.msk @p1 $0xffff, v1  }
0x29f: {  	v1 =	vld @p1 [tilespmem:$0xF1F8];
	_ =	sdelay $0x3  }
0x2a0: {  	s5 =	sshll.u32 @!p1 s3, $0x9  }
0x2a1: {  	s5 =	smov.u32 @p1 s0;
	[tilespmem:s4+$0xF2A8] =	vst.add.f32.msk @p1 $0xffff, v1  }
0x2a2: {  	s0 =	sshrl.u32 s5, $0x2;
	[tilespmem:s2+$0xF218] =	vst.msk $0x1, v0  }
0x2a3: {  	v0 =	vld [tilespmem:s0+$0xF238];
	_ =	sdelay $0x2  }
0x2a4: {  	s31 =	sshll.u32 s2, $0x9  }
0x2a5: {  	s4 =	sshra.s32 s31, $0x2  }
0x2a6: {  	[tilespmem:s4+$0xF238] =	vst v0  }
0x2a7: {  	v0 =	vld [tilespmem:s0+$0xF248];
	_ =	sdelay $0x4  }
0x2a8: {  	[tilespmem:s4+$0xF248] =	vst v0  }
0x2a9: {  	v0 =	vld [tilespmem:s0+$0xF258];
	_ =	sdelay $0x4  }
0x2aa: {  	[tilespmem:s4+$0xF258] =	vst v0  }
0x2ab: {  	v0 =	vld [tilespmem:s0+$0xF268];
	_ =	sdelay $0x4  }
0x2ac: {  	[tilespmem:s4+$0xF268] =	vst v0  }
0x2ad: {  	v0 =	vld [tilespmem:s0+$0xF278];
	_ =	sdelay $0x4  }
0x2ae: {  	[tilespmem:s4+$0xF278] =	vst v0  }
0x2af: {  	v0 =	vld [tilespmem:s0+$0xF288];
	_ =	sdelay $0x4  }
0x2b0: {  	[tilespmem:s4+$0xF288] =	vst v0  }
0x2b1: {  	v0 =	vld [tilespmem:s0+$0xF298];
	_ =	sdelay $0x4  }
0x2b2: {  	[tilespmem:s4+$0xF298] =	vst v0  }
0x2b3: {  	v0 =	vld [tilespmem:s0+$0xF2A8];
	_ =	sdelay $0x4  }
0x2b4: {  	s2 =	sadd.s32 $0x1, s2;
	[tilespmem:s4+$0xF2A8] =	vst v0  }
.LBB3_48:
0x2b5: {  	s3 =	sadd.s32 $0x1, s3  }
0x2b6: {  	p1 =	sne.s32 s3, $0x20  }
.Ltmp40:
0x2b7: {  	_ = 	snop;
	(pc) =	sbr.rel @!p1 .LBB3_49-.Ltmp40, $1  }
0x2b8: {  	_ =	sdelay $0x3  }
.LBB3_41:
0x2b9: {  	v0 =	vld.msk [tilespmem:s3+$0xF218], $0x1;
	_ =	sdelay $0x4  }
0x2ba: {  	(v2sf) =	vpush v0, $0x0;
	_ =	sdelay $0xe  }
0x2bb: {  	s4 =	spop (v2sf)  }
0x2bc: {  	p1 =	seq.s32 s4, $0xFFFFFFFF  }
.Ltmp41:
0x2bd: {  	_ = 	snop;
	(pc) =	sbr.rel @p1 .LBB3_48-.Ltmp41, $1  }
0x2be: {  	_ =	sdelay $0x3  }
0x2bf: {  	p1 =	slt.s32 s2, $0x1  }
.Ltmp42:
0x2c0: {  	_ = 	snop;
	(pc) =	sbr.rel @p1 .LBB3_47-.Ltmp42, $1  }
0x2c1: {  	_ =	sdelay $0x3  }
0x2c2: {  	s5 =	simm.s32 $0xF218;
	p1 =	por $0x0, $0x0  }
0x2c3: {  	v1 =	vld.msk @!p1 [tilespmem:s5+$0x0], $0x1;
	_ =	sdelay $0x4  }
0x2c4: {  	(v2sf) =	vpush @!p1 v1, $0x0;
	_ =	sdelay $0xd  }
0x2c5: {  	p3 =	sne.s32 s2, $0x1  }
.Ltmp43:
0x2c6: {  	s0 =	spop @!p1 (v2sf);
	(pc) =	sbr.rel @!p3 .LBB3_45-.Ltmp43, $4  }
0x2c7: {  	p2 =	seq.s32 @!p1 s4, s0  }
0x2c8: {  	s6 =	simm.s32 $0x0;
	p2 =	por !p2, p1  }
0x2c9: {  	s7 =	simm.s32 $0xFFFFFFFF;
	s6 =	simm.s32 @p2 $0xFFFFFFFF  }
0x2ca: {  	s0 =	simm.s32 $0x1;
	s6 =	smov.u32 @p1 s7  }
.LBB3_44:
0x2cb: {  	s7 =	smov.u32 s6;
	p1 =	sne.s32 s6, $0xFFFFFFFF  }
0x2cc: {  	s5 =	sadd.s32 $0x1, s5;
	s6 =	smov.u32 s0;
	s0 =	sadd.s32 $0x1, s0  }
0x2cd: {  	p2 =	sne.s32 s2, s0;
	v1 =	vld.msk @!p1 [tilespmem:s5+$0x0], $0x1;
	_ =	sdelay $0x4  }
0x2ce: {  	(v2sf) =	vpush @!p1 v1, $0x0;
	_ =	sdelay $0xe  }
.Ltmp44:
0x2cf: {  	s8 =	spop @!p1 (v2sf);
	(pc) =	sbr.rel @p2 .LBB3_44-.Ltmp44, $4  }
0x2d0: {  	p3 =	seq.s32 @!p1 s4, s8  }
0x2d1: {  	p3 =	por !p3, p1  }
0x2d2: {  	s6 =	simm.s32 @p3 $0xFFFFFFFF  }
0x2d3: {  	s6 =	smov.u32 @p1 s7  }
.LBB3_45:
0x2d4: {  	p1 =	seq.s32 s6, $0xFFFFFFFF  }
.Ltmp45:
0x2d5: {  	_ = 	snop;
	(pc) =	sbr.rel @p1 .LBB3_47-.Ltmp45, $1  }
0x2d6: {  	_ =	sdelay $0x3  }
0x2d7: {  	s0 =	sshll.u32 s3, $0x7  }
0x2d8: {  	s0 =	sand.u32 $0x3FFFFF80, s0  }
0x2d9: {  	v0 =	vld [tilespmem:s0+$0xF238];
	_ =	sdelay $0x2  }
0x2da: {  	s4 =	sshll.u32 s6, $0x9  }
0x2db: {  	s4 =	sshra.s32 s4, $0x2  }
0x2dc: {  	[tilespmem:s4+$0xF238] =	vst.add.f32.msk $0xffff, v0  }
0x2dd: {  	v0 =	vld [tilespmem:s0+$0xF248];
	_ =	sdelay $0x4  }
0x2de: {  	[tilespmem:s4+$0xF248] =	vst.add.f32.msk $0xffff, v0  }
0x2df: {  	v0 =	vld [tilespmem:s0+$0xF258];
	_ =	sdelay $0x4  }
0x2e0: {  	[tilespmem:s4+$0xF258] =	vst.add.f32.msk $0xffff, v0  }
0x2e1: {  	v0 =	vld [tilespmem:s0+$0xF268];
	_ =	sdelay $0x4  }
0x2e2: {  	[tilespmem:s4+$0xF268] =	vst.add.f32.msk $0xffff, v0  }
0x2e3: {  	v0 =	vld [tilespmem:s0+$0xF278];
	_ =	sdelay $0x4  }
0x2e4: {  	[tilespmem:s4+$0xF278] =	vst.add.f32.msk $0xffff, v0  }
0x2e5: {  	v0 =	vld [tilespmem:s0+$0xF288];
	_ =	sdelay $0x4  }
0x2e6: {  	[tilespmem:s4+$0xF288] =	vst.add.f32.msk $0xffff, v0  }
0x2e7: {  	v0 =	vld [tilespmem:s0+$0xF298];
	_ =	sdelay $0x4  }
0x2e8: {  	[tilespmem:s4+$0xF298] =	vst.add.f32.msk $0xffff, v0  }
0x2e9: {  	v0 =	vld [tilespmem:s0+$0xF2A8]  }
.Ltmp46:
0x2ea: {  	_ = 	snop;
	(pc) =	sbr.rel .LBB3_48-.Ltmp46, $2  }
0x2eb: {  	_ =	sdelay $0x2  }
0x2ec: {  	[tilespmem:s4+$0xF2A8] =	vst.add.f32.msk $0xffff, v0  }
.LBB3_49:
0x2ed: {  	p1 =	slt.s32 s2, $0x1  }
.Ltmp47:
0x2ee: {  	_ = 	snop;
	(pc) =	sbr.rel @p1 .LBB3_53-.Ltmp47, $3  }
0x2ef: {  	_ =	sdelay $0x1  }
0x2f0: {  	s0 =	simm.s32 $0x8  }
0x2f1: {  	s3 =	simm.s32 $0x0;
	[sflag:s0] =	ssyncpa.u1 $0x1  }
0x2f2: {  	s0 =	simm.s32 $0xF218  }
0x2f3: {  	v0 =	vld.msk [tilespmem:s0+$0x0], $0x1;
	_ =	sdelay $0x4  }
0x2f4: {  	(v2sf) =	vpush v0, $0x0;
	_ =	sdelay $0xe  }
0x2f5: {  	s0 =	sadd.s32 $0xFFFFFFFF, s2;
	s5 =	spop (v2sf)  }
0x2f6: {  	p2 =	sne.s32 s0, $0x0;
	p1 =	sgt.u32 s5, $0x270F0  }
.Ltmp48:
0x2f7: {  	s6 =	sand.u32 @!p1 $0x3FFF8, s5;
	(pc) =	sbr.rel @!p2 .LBB3_52-.Ltmp48, $4  }
0x2f8: {  	s4 =	simm.s32 $0xF238;
	s5 =	sand.u32 @!p1 $0x7, s5;
	s2 =	sadd.s32 @!p1 s1, s6  }
0x2f9: {  	[hbm4b:s2+s5] =	stream.linear.scatter @!p1 [tilespmem:s4], [sflag:$0x7], $0x80, $0x38;
	[tilespmem:$0x1F6F8] =	vst v63  }
0x2fa: {  	s5 =	simm.s32 $0x0  }
0x2fb: {  	s2 =	simm.s32 $0xF219;
	s5 =	simm.s32 @!p1 $0x200  }
.LBB3_51:
0x2fc: {  	v0 =	vld.msk [tilespmem:s2+$0x0], $0x1;
	s0 =	sadd.s32 $0xFFFFFFFF, s0;
	s3 =	sadd.s32 s3, s5  }
0x2fd: {  	p1 =	sne.s32 s0, $0x0;
	_ =	sdelay $0x3  }
0x2fe: {  	(v2sf) =	vpush v0, $0x0;
	_ =	sdelay $0xe  }
.Ltmp49:
0x2ff: {  	s6 =	spop (v2sf);
	(pc) =	sbr.rel @p1 .LBB3_51-.Ltmp49, $4  }
0x300: {  	s5 =	simm.s32 $0x0;
	p2 =	sgt.u32 s6, $0x270F0  }
0x301: {  	s4 =	sadd.s32 $0x80, s4;
	s5 =	simm.s32 @!p2 $0x200;
	s7 =	sand.u32 @!p2 $0x3FFF8, s6  }
0x302: {  	s2 =	sadd.s32 $0x1, s2;
	s6 =	sand.u32 @!p2 $0x7, s6;
	s7 =	sadd.s32 @!p2 s1, s7  }
0x303: {  	[hbm4b:s7+s6] =	stream.linear.scatter @!p2 [tilespmem:s4], [sflag:$0x7], $0x80, $0x38;
	[tilespmem:$0x1F6F8] =	vst v63  }
.LBB3_52:
0x304: {  	s0 =	sadd.s32 s3, s5  }
0x305: {  	s3 =	sshrl.u32 s0, $0x2  }
.LBB3_53:
0x306: {  	s0 =	simm.s32 $0x7  }
0x307: {  	_ =	swait.ge [sflag:s0], s3  }
0x308: {  	s1 =	ssub.s32 $0x0, s3;
	[sflag:s0] =	ssyncset.done $0x0  }
0x309: {  	[sflag:s0] =	ssyncadd.s32 s1  }
0x30a: {  	[sflag:s0] =	ssyncpa.u1 $0x1  }
.LBB3_54:
0x30b: {  	_ =	sfence;
	s0 =	simm.s32 $0x1  }
0x30c: {  	[sflag:s0] =	ssyncpa.u1 $0x1  }
0x30d: {  	_ =	strace $0x90000053  }
0x30e: {  	[bflag:$0x2] =	sbarrier.arrive $0xFFFF  }
0x30f: {  	s0 =	rddreg [dreg:$0x4]  }
0x310: {  	s0 =	sadd.s32 @!p0 $0x100000, s0  }
0x311: {  	[sflag:s0] =	ssyncadd.tile.s32 @!p0 $0x1;
	_ =	shalt  }
.Lfunc_end3:
_tile_overlayer_lowered:
.L_overlay_start_3:
0x312: {  	(tag) =	ssettag $0x3  }
0x313: {  	s0 =	rddreg [dreg:$0x0];
	s2 =	stileid.u32  }
0x314: {  	s1 =	rddreg [dreg:$0x1];
	p0 =	sne.s32 s2, $0x0  }
0x315: {  	s3 =	rddreg [dreg:$0x2];
	[bflag:$0x3] =	sbarrier.arrive $0xFFFF;
	s2 =	simm.s32 @!p0 $0x1C01  }
0x316: {  	[timem:s3], [sflag:s2] =	dma.local @!p0 [hbm:s0], s1  }
0x317: {  	s0 =	simm.s32 @!p0 $0x1  }
0x318: {  	_ =	swait.ge @!p0 [sflag:s0], s1  }
0x319: {  	s1 =	ssub.s32 @!p0 $0x0, s1;
	[sflag:s0] =	ssyncset.done @!p0 $0x0  }
0x31a: {  	[sflag:s0] =	ssyncadd.s32 @!p0 s1  }
0x31b: {  	[bflag:$0x3] =	sbarrier.arrive $0xFFFF  }
0x31c: {  	_ =	shalt  }

// kernel: scatter_offload_async_start.3
scs
__scs_entry_jumppad:
0x0: {  	(pc) =	sbr.rel $0x88, $3  }
0x1: {  	(tag) =	ssettag $0x0;
	lr =	simm.s32 $0x1  }
0x2: {  	[smem:$0x3F6D] =	sst lr;
	_ =	strace $0xD0000000  }
0x3: {  	_ = 	snop  }
0x4: {  	_ = 	snop  }
0x5: {  	_ = 	snop  }
0x6: {  	_ = 	snop  }
0x7: {  	_ = 	snop  }
__scs_overlays_trampoline_lowered:
0x8: {  	[smem:$0x3F7C] =	sst s0  }
0x9: {  	[smem:$0x3F7D] =	sst s1  }
0xa: {  	[smem:$0x3F7E] =	sst s2  }
0xb: {  	[smem:$0x3F7F] =	sst s3  }
0xc: {  	[smem:$0x3F80] =	sst s4  }
0xd: {  	[smem:$0x3F81] =	sst s5  }
0xe: {  	[smem:$0x3F82] =	sst s6  }
0xf: {  	[smem:$0x3F83] =	sst s7  }
0x10: {  	[smem:$0x3F84] =	sst s8  }
0x11: {  	[smem:$0x3F85] =	sst s9;
	s0 =	simm.s32 @!p0 $0x0  }
0x12: {  	s1 =	sld [smem:$0x3F6B];
	s0 =	simm.s32 @p0 $0x1  }
0x13: {  	[smem:$0x3F86] =	sst s0;
	s0 =	simm.s32 @!p1 $0x0  }
0x14: {  	s2 =	sld [smem:$0x3F6A];
	s0 =	simm.s32 @p1 $0x1  }
0x15: {  	[smem:$0x3F87] =	sst s0;
	s0 =	simm.s32 @!p2 $0x0  }
0x16: {  	s3 =	sld [smem:$0x3FDB];
	s0 =	simm.s32 @p2 $0x1  }
0x17: {  	s4 =	simm.s32 $0x1BF5;
	[smem:$0x3F89] =	sst s0  }
0x18: {  	s0 =	sld [smem:$0x3F6C];
	_ =	swait.ge [sflag:s4], $0x0  }
0x19: {  	s7 =	sld [smem:$0x3F6D]  }
0x1a: {  	s8 =	sadd.s32 $0xFFFFE003, lr  }
0x1b: {  	s9 =	sadd.s32 $0xFFFFFEF7, lr;
	s5 =	simm.s32 $0xFFFFFFFF;
	p2 =	slt.u32 s8, $0xFFFFF086  }
0x1c: {  	p1 =	slt.u32 s9, $0xF7A;
	s5 =	simm.s32 @!p2 $0x0  }
0x1d: {  	s5 =	simm.s32 @p1 $0x1;
	p0 =	seq.s32 s7, s2  }
0x1e: {  	s7 =	smul.u32 @!p0 $0xF7A, s2;
	p2 =	seq.s32 @!p0 s5, $0x0  }
0x1f: {  	s9 =	smul.u32 $0xF7A, s1;
	s8 =	simm.s32 @!p0 $0x1BF5;
	p2 =	por !p2, p0  }
0x20: {  	[sflag:s8] =	ssyncset.s32 @!p0 $0xFFFFF086;
	s6 =	sadd.s32 @!p0 s3, s7;
	s7 =	simm.s32 @!p0 $0x108  }
0x21: {  	s3 =	sadd.s32 s3, s9;
	s6 =	sadd.s32 @!p0 $0x88, s6;
	s7 =	simm.s32 @p2 $0x1082  }
0x22: {  	[simem:s7], [sflag:s8] =	dma.local @!p0 [hbm:s6], $0xF7A  }
0x23: {  	s9 =	sor.u32 $0xD0000000, s2;
	s6 =	simm.s32 $0x108;
	_ =	swait.ge @!p0 [sflag:s8], $0x0  }
0x24: {  	s3 =	sadd.s32 $0x88, s3;
	s6 =	simm.s32 @!p1 $0x1082;
	[sflag:s4] =	ssyncset.s32 $0xFFFFF086  }
0x25: {  	[simem:s6], [sflag:s4] =	dma.local [hbm:s3], $0xF7A  }
0x26: {  	[smem:$0x3F6D] =	sst s1;
	(tag) =	ssettag s2;
	_ =	strace s9  }
0x27: {  	s1 =	sld [smem:$0x3F7D]  }
0x28: {  	s2 =	sld [smem:$0x3F7E]  }
0x29: {  	s4 =	sld [smem:$0x3F80]  }
0x2a: {  	p0 =	seq.s32 s5, $0x0;
	s5 =	sld [smem:$0x3F81]  }
0x2b: {  	s6 =	sld [smem:$0x3F82]  }
0x2c: {  	s7 =	sld [smem:$0x3F83]  }
0x2d: {  	s3 =	simm.s32 $0x108;
	s8 =	sld [smem:$0x3F84]  }
0x2e: {  	s3 =	simm.s32 @!p0 $0x1082;
	s9 =	sld [smem:$0x3F85]  }
0x2f: {  	lr =	sadd.s32 s0, s3;
	s0 =	sld [smem:$0x3F7C]  }
0x30: {  	s3 =	sld [smem:$0x3F7F]  }
0x31: {  	[smem:$0x3F88] =	sst s10  }
0x32: {  	s10 =	sld [smem:$0x3F86];
	_ =	sdelay $0x3  }
0x33: {  	p0 =	seq.s32 s10, $0x1;
	s10 =	sld [smem:$0x3F88];
	_ =	sdelay $0x3  }
0x34: {  	[smem:$0x3F88] =	sst s10  }
0x35: {  	s10 =	sld [smem:$0x3F87];
	_ =	sdelay $0x3  }
0x36: {  	p1 =	seq.s32 s10, $0x1;
	s10 =	sld [smem:$0x3F88];
	_ =	sdelay $0x3  }
0x37: {  	[smem:$0x3F88] =	sst s10  }
0x38: {  	s10 =	sld [smem:$0x3F89]  }
0x39: {  	_ = 	snop;
	(pc) =	sbr.ind lr, $3  }
0x3a: {  	_ = 	snop  }
0x3b: {  	_ = 	snop  }
0x3c: {  	p2 =	seq.s32 s10, $0x1;
	s10 =	sld [smem:$0x3F88]  }
0x3d: {  	_ =	shalt  }
0x3e: {  	_ =	shalt  }
0x3f: {  	_ =	shalt  }
0x40: {  	_ =	shalt  }
0x41: {  	_ =	shalt  }
0x42: {  	_ =	shalt  }
0x43: {  	_ =	shalt  }
0x44: {  	_ =	shalt  }
0x45: {  	_ =	shalt  }
0x46: {  	_ =	shalt  }
0x47: {  	_ =	shalt  }
0x48: {  	_ =	shalt  }
0x49: {  	_ =	shalt  }
0x4a: {  	_ =	shalt  }
0x4b: {  	_ =	shalt  }
0x4c: {  	_ =	shalt  }
0x4d: {  	_ =	shalt  }
0x4e: {  	_ =	shalt  }
0x4f: {  	_ =	shalt  }
0x50: {  	_ =	shalt  }
0x51: {  	_ =	shalt  }
0x52: {  	_ =	shalt  }
0x53: {  	_ =	shalt  }
0x54: {  	_ =	shalt  }
0x55: {  	_ =	shalt  }
0x56: {  	_ =	shalt  }
0x57: {  	_ =	shalt  }
0x58: {  	_ =	shalt  }
0x59: {  	_ =	shalt  }
0x5a: {  	_ =	shalt  }
0x5b: {  	_ =	shalt  }
0x5c: {  	_ =	shalt  }
0x5d: {  	_ =	shalt  }
0x5e: {  	_ =	shalt  }
0x5f: {  	_ =	shalt  }
0x60: {  	_ =	shalt  }
0x61: {  	_ =	shalt  }
0x62: {  	_ =	shalt  }
0x63: {  	_ =	shalt  }
0x64: {  	_ =	shalt  }
0x65: {  	_ =	shalt  }
0x66: {  	_ =	shalt  }
0x67: {  	_ =	shalt  }
0x68: {  	_ =	shalt  }
0x69: {  	_ =	shalt  }
0x6a: {  	_ =	shalt  }
0x6b: {  	_ =	shalt  }
0x6c: {  	_ =	shalt  }
0x6d: {  	_ =	shalt  }
0x6e: {  	_ =	shalt  }
0x6f: {  	_ =	shalt  }
0x70: {  	_ =	shalt  }
0x71: {  	_ =	shalt  }
0x72: {  	_ =	shalt  }
0x73: {  	_ =	shalt  }
0x74: {  	_ =	shalt  }
0x75: {  	_ =	shalt  }
0x76: {  	_ =	shalt  }
0x77: {  	_ =	shalt  }
0x78: {  	_ =	shalt  }
0x79: {  	_ =	shalt  }
0x7a: {  	_ =	shalt  }
0x7b: {  	_ =	shalt  }
0x7c: {  	_ =	shalt  }
0x7d: {  	_ =	shalt  }
0x7e: {  	_ =	shalt  }
0x7f: {  	_ =	shalt  }
0x80: {  	_ =	shalt  }
0x81: {  	_ =	shalt  }
0x82: {  	_ =	shalt  }
0x83: {  	_ =	shalt  }
0x84: {  	_ =	shalt  }
0x85: {  	_ =	shalt  }
0x86: {  	_ =	shalt  }
0x87: {  	_ =	shalt  }
.Lfunc_end0:
.L_simem_size_0:
called_computation.3_lowered:
.L_overlay_start_0:
0x88: {  	s2 =	sld [smem:$0x3FD9]  }
0x89: {  	s3 =	sld [smem:$0x3FFE];
	_ =	sdelay $0x1  }
0x8a: {  	s1 =	srdreg.scid  }
0x8b: {  	s0 =	sand.u32 $0x1, s1  }
0x8c: {  	s15 =	sshll.u32 s0, $0xA;
	s2 =	sadd.s32 s3, s2  }
0x8d: {  	s2 =	sadd.s32 s2, s15  }
0x8e: {  	[smem:$0x3F94] =	sst s2  }
0x8f: {  	_ = 	snop  }
0x90: {  	(tm) =	ssettm $0x1  }
0x91: {  	s16 =	sld [smem:$0x3FFB];
	_ =	sdelay $0x3  }
0x92: {  	_ =	strace s16  }
0x93: {  	s2 =	sld [smem:$0x3FFC];
	_ =	sdelay $0x3  }
0x94: {  	_ =	strace s2  }
0x95: {  	s2 =	sld [smem:$0x3FFD];
	_ =	sdelay $0x3  }
0x96: {  	_ =	strace s2  }
0x97: {  	_ =	strace $0x8FFFFFFF  }
0x98: {  	s17 =	sld [smem:$0x3FDB];
	_ =	sdelay $0x1  }
0x99: {  	s18 =	simm.s32 $_scs_section_size  }
0x9a: {  	s4 =	simm.s32 $_size__tile_overlayer_lowered;
	s5 =	simm.s32 $_tile_overlayer_lowered  }
0x9b: {  	s21 =	simm.s32 $0x1BFF;
	s20 =	sshll.u32 s5, $0x1;
	s2 =	sadd.s32 s18, s17  }
0x9c: {  	s6 =	simm.s32 $0x0;
	s19 =	sshll.u32 s4, $0x1;
	s4 =	sadd.s32 s20, s2  }
0x9d: {  	[timem:s6], [sflag:s21] =	dma.local [hbm:s4], s19  }
0x9e: {  	_ =	swait.ge [sflag:s21], s19  }
0x9f: {  	s3 =	ssub.s32 $0x0, s19;
	[sflag:s21] =	ssyncset.done $0x0  }
0xa0: {  	[sflag:s21] =	ssyncadd.s32 s3;
	_ =	sdelay $0x1  }
0xa1: {  	s22 =	simm.s32 $0x1B8B  }
0xa2: {  	_ =	swait.ge [sflag:s22], $0x1  }
0xa3: {  	[sflag:s22] =	ssyncset.done $0x0  }
0xa4: {  	s23 =	sld [smem:$0x3FFE];
	[sflag:s22] =	ssyncadd.s32 $0xFFFFFFFF  }
0xa5: {  	s25 =	simm.s32 $0x1B8E;
	s24 =	sld [smem:$0x0]  }
0xa6: {  	s26 =	simm.s32 $execute0_lowered;
	[smem:$0x3FD2] =	sst s25  }
0xa7: {  	s5 =	sshll.u32 s26, $0x1;
	_ =	strace $0x80000055;
	[dreg:$0x1] =	wrdreg $0xFFFFFFFF  }
0xa8: {  	s28 =	simm.s32 $_size_execute0_lowered;
	s2 =	sadd.s32 s2, s5;
	[dreg:$0x0] =	wrdreg $0x0  }
0xa9: {  	s5 =	sshll.u32 s28, $0x1;
	[dreg:$0x2] =	wrdreg s2  }
0xaa: {  	[dreg:$0x3] =	wrdreg s5  }
0xab: {  	[dreg:$0x4] =	wrdreg $0xC0  }
0xac: {  	_ =	task [dreg:s6], $0x5FFFF  }
0xad: {  	[dreg:$0x1] =	wrdreg $0xFFFFFFFF  }
0xae: {  	[dreg:$0x0] =	wrdreg $0x60  }
0xaf: {  	[dreg:$0x2] =	wrdreg s23  }
0xb0: {  	[dreg:$0x3] =	wrdreg s1  }
0xb1: {  	[dreg:$0x4] =	wrdreg s24  }
0xb2: {  	[dreg:$0x5] =	wrdreg $0x9  }
0xb3: {  	_ =	task.clear_ibuf [dreg:s6], $0x6FFFF;
	_ =	strace $0x90000055  }
0xb4: {  	s29 =	simm.s32 $0x9;
	_ =	strace $0x80000057  }
0xb5: {  	_ =	swait.ge [sflag:s29], $0x1  }
0xb6: {  	[sflag:s29] =	ssyncadd.s32 $0xFFFFFFFF  }
0xb7: {  	_ =	strace $0x90000057  }
0xb8: {  	_ =	sfence  }
0xb9: {  	s30 =	sld [smem:$0x0];
	_ =	sdelay $0x2  }
0xba: {  	s31 =	sshll.u32 s1, $0xD;
	s1 =	sshrl.u32 s1, $0x2  }
0xbb: {  	s3 =	sand.u32 $0x4000, s31;
	s1 =	sadd.s32 s1, s30  }
0xbc: {  	s0 =	sor.u32 s3, s0;
	s1 =	sshll.u32 s1, $0x11  }
0xbd: {  	s0 =	sor.u32 s1, s0  }
0xbe: {  	s0 =	sadd.s32 $0x8F2B, s0  }
0xbf: {  	[sflag:s0] =	ssyncadd.remote.s32 $0x1  }
0xc0: {  	_ =	sfence.sel $0xFFFF  }
0xc1: {  	[dreg:$0x0] =	wrdreg $0xFFFFFFFF;
	(pc) =	sbr.abs _section_cstart, $3  }
0xc2: {  	[dreg:$0x1] =	wrdreg $0xFFFFFFFF  }
0xc3: {  	_ =	task.clear_ibuf [dreg:s6], $0x2FFFF;
	_ =	strace $0x9FFFFFFF  }
0xc4: {  	(tm) =	ssettm $0x7FFFFFFF  }
0xc5: {  	_ =	shalt  }
tec
execute0_lowered:
.L_overlay_start_1:
0x0: {  	(tag) =	ssettag $0x1  }
0x1: {  	s2 =	rddreg [dreg:$0x0]  }
0x2: {  	s3 =	rddreg [dreg:$0x1];
	_ =	strace $0x80000056;
	s0 =	simm.s32 $0x1  }
0x3: {  	v0 =	vimm.s32 $0x0;
	[sflag:s0] =	ssyncpa.u1 $0x0;
	s0 =	simm.s32 $0x108  }
0x4: {  	[tilespmem:s0+$0x70] =	vst v0  }
0x5: {  	[tilespmem:s0+$0x60] =	vst v0  }
0x6: {  	[tilespmem:s0+$0x50] =	vst v0  }
0x7: {  	[tilespmem:s0+$0x40] =	vst v0  }
0x8: {  	s1 =	sadd.s32 $0x55C000, s2;
	[tilespmem:s0+$0x30] =	vst v0  }
0x9: {  	s15 =	sadd.s32 $0x51D800, s2;
	s6 =	sadd.s32 $0x142AA00, s2;
	[tilespmem:s0+$0x20] =	vst v0  }
0xa: {  	s14 =	sadd.s32 $0x527600, s2;
	s5 =	sand.u32 $0x1, s3;
	s3 =	simm.s32 $0x40;
	[tilespmem:s0+$0x10] =	vst v0  }
.LBB2_1:
0xb: {  	s3 =	sadd.s32 $0x40, s3;
	[tilespmem:s0+$0x0] =	vst v0;
	s0 =	sadd.s32 $0x80, s0  }
0xc: {  	p0 =	slt.u32 s3, $0x3C40;
	[tilespmem:s0+$0x70] =	vst v0  }
0xd: {  	[tilespmem:s0+$0x60] =	vst v0  }
.Ltmp0:
0xe: {  	[tilespmem:s0+$0x50] =	vst v0;
	(pc) =	sbr.rel @p0 .LBB2_1-.Ltmp0, $4  }
0xf: {  	[tilespmem:s0+$0x40] =	vst v0  }
0x10: {  	[tilespmem:s0+$0x30] =	vst v0  }
0x11: {  	[tilespmem:s0+$0x20] =	vst v0  }
0x12: {  	[tilespmem:s0+$0x10] =	vst v0  }
0x13: {  	s9 =	stileid.u32  }
0x14: {  	s2 =	smul.u32 $0x29, s9  }
0x15: {  	s3 =	smin.u32 s9, $0xB  }
0x16: {  	s2 =	sadd.s32 s3, s2  }
0x17: {  	p0 =	slt.u32 s9, $0xB;
	s7 =	smul.u32 $0xF0, s2;
	s2 =	simm.s32 $0x2760  }
0x18: {  	s2 =	simm.s32 @!p0 $0x2670  }
0x19: {  	s2 =	sadd.s32 s2, s7  }
0x1a: {  	s8 =	smin.u32 s2, $0x27100  }
0x1b: {  	s2 =	ssub.s32 s8, s7  }
0x1c: {  	p0 =	sgt.s32 s2, $0x0  }
0x1d: {  	s29 =	simm.s32 $0x2;
	s10 =	simm.s32 $0x9;
	s2 =	simm.s32 @!p0 $0x0  }
0x1e: {  	s4 =	simm.s32 $0xA;
	s11 =	simm.s32 $0xB;
	s28 =	smulhi.u32 $0x88888889, s2  }
0x1f: {  	[dreg:$0x4] =	wrdreg s5;
	s31 =	smul.u32 $0x4E20, s5;
	s12 =	simm.s32 $0x1  }
0x20: {  	s22 =	simm.s32 $0x0;
	s18 =	simm.s32 $0xC;
	s30 =	sshrl.u32 s28, $0x7  }
0x21: {  	s20 =	simm.s32 $0x0;
	s21 =	simm.s32 $0x0;
	s3 =	smul.u32 $0xF0, s30  }
.Ltmp1:
0x22: {  	[tilespmem:s0+$0x0] =	vst v0;
	v0 =	vimm.s32 $0xFFFFFFFF;
	[sflag:s29] =	ssyncpa.u1 $0x0;
	s16 =	sshll.u32 s9, $0x8;
	(pc) =	sbr.rel .LBB2_3-.Ltmp1, $4  }
0x23: {  	[tilespmem:$0xF208] =	vst v0;
	[sflag:s10] =	ssyncpa.u1 $0x0;
	p0 =	sne.s32 s2, s3;
	s2 =	simm.s32 $0x1  }
0x24: {  	s14 =	sadd.s32 s31, s14;
	[sflag:s4] =	ssyncpa.u1 $0x0;
	s2 =	simm.s32 @!p0 $0x0  }
0x25: {  	s15 =	sadd.s32 s31, s15;
	[sflag:s11] =	ssyncpa.u1 $0x0;
	s13 =	sadd.s32 s2, s30  }
0x26: {  	v0 =	vlaneseq.u32;
	s19 =	smov.u32 s7;
	p0 =	por $0x0, $0x0;
	s17 =	sadd.s32 $0x1, s13  }
.LBB2_18:
0x27: {  	s0 =	sshrl.u32 s31, $0x2  }
.LBB2_20:
0x28: {  	_ =	swait.ge [sflag:s18], s0  }
0x29: {  	s31 =	ssub.s32 $0x0, s0;
	v1 =	vmov s24;
	vm0 =	veq.s32 v0, $0x0;
	[sflag:s18] =	ssyncset.done $0x0  }
0x2a: {  	vm15 =	veq.s32 v0, $0x2;
	v1 =	vsel vm0, s30, v1;
	[sflag:s18] =	ssyncadd.s32 s31  }
0x2b: {  	v1 =	vsel vm15, s22, v1;
	[sflag:s18] =	ssyncpa.u1 $0x1  }
0x2c: {  	[tilespmem:$0xF208] =	vst v1  }
.LBB2_21:
0x2d: {  	s0 =	sadd.s32 $0xF0, s19  }
0x2e: {  	s2 =	smov.u32 s7;
	p1 =	slt.s32 s0, s8  }
0x2f: {  	s2 =	smov.u32 @p1 s0;
	p1 =	sne.s32 s21, s17  }
.Ltmp2:
0x30: {  	_ = 	snop;
	(pc) =	sbr.rel @!p1 .LBB2_22-.Ltmp2, $3  }
0x31: {  	_ =	sdelay $0x1  }
0x32: {  	s22 =	smov.u32 s20;
	s31 =	sadd.s32 $0x1, s21;
	s20 =	smov.u32 s19  }
0x33: {  	p0 =	por !p0, !p0;
	s21 =	smov.u32 s31;
	s19 =	smov.u32 s2  }
.LBB2_3:
0x34: {  	p1 =	sge.u32 s21, s13  }
0x35: {  	s0 =	smulhi.u32 @!p1 $0xAAAAAAAB, s21  }
0x36: {  	s2 =	smov.u32 s19;
	p2 =	sgt.s32 @!p1 s19, $0x27010  }
0x37: {  	s3 =	sshra.s32 @!p1 s19, $0x1F;
	p2 =	por !p2, p1;
	s0 =	sshrl.u32 @!p1 s0, $0x1  }
0x38: {  	s3 =	sand.u32 @!p1 s3, s19;
	s2 =	simm.s32 @p2 $0x27010;
	s0 =	smul.u32 @!p1 $0x3, s0  }
0x39: {  	s2 =	ssub.s32 @!p1 s2, s3  }
0x3a: {  	s2 =	sadd.s32 @!p1 $0xFFFD8FF0, s2;
	s0 =	ssub.s32 @!p1 s21, s0  }
0x3b: {  	s3 =	sshll.u32 @!p1 s2, $0x2;
	p2 =	sgt.s32 @!p1 s2, $0xEF;
	s0 =	smul.u32 @!p1 $0x3C0, s0  }
0x3c: {  	s4 =	sand.u32 @!p1 $0x7, s19;
	s2 =	ssub.s32 @!p1 $0x3C0, s3;
	p2 =	por !p2, p1  }
0x3d: {  	s3 =	sshrl.u32 @!p1 s19, $0x3;
	s2 =	sshrl.u32 @!p1 s2, $0x2;
	s0 =	sshrl.u32 @!p1 s0, $0x2  }
0x3e: {  	s3 =	sadd.s32 @!p1 s3, s14;
	s2 =	simm.s32 @!p2 $0x0;
	s0 =	sadd.s32 @!p1 $0x10248, s0  }
0x3f: {  	[tilespmem:s0], [sflag:$0xA] =	stream.linear.gather @!p1 [hbm4b:s3+s4], s2, $0x38;
	[tilespmem:$0x1F6F8] =	vst v63  }
0x40: {  	s0 =	sadd.s32 $0xFFFFFFFF, s21  }
0x41: {  	p1 =	sge.u32 s0, s13  }
0x42: {  	p2 =	sgt.s32 @!p1 s20, $0x27010  }
0x43: {  	s2 =	smov.u32 s20;
	s3 =	sshra.s32 @!p1 s20, $0x1F;
	p2 =	por !p2, p1  }
0x44: {  	s3 =	sand.u32 @!p1 s3, s20;
	s2 =	simm.s32 @p2 $0x27010  }
0x45: {  	s2 =	ssub.s32 @!p1 s2, s3  }
0x46: {  	s2 =	sadd.s32 @!p1 $0xFFFD8FF0, s2  }
0x47: {  	s4 =	sand.u32 @!p1 $0x1, s0;
	s3 =	sshll.u32 @!p1 s2, $0x2  }
0x48: {  	p2 =	sgt.s32 @!p1 s2, $0xEF;
	s2 =	ssub.s32 @!p1 $0x3C0, s3;
	s3 =	smulhi.u32 @!p1 $0xAAAAAAAB, s0  }
0x49: {  	s23 =	smul.u32 @!p1 $0x3C0, s4;
	p2 =	por !p2, p1;
	s2 =	sshrl.u32 @!p1 s2, $0x2  }
0x4a: {  	s5 =	simm.s32 @!p1 $0xA;
	s2 =	simm.s32 @!p2 $0x0;
	s3 =	sshrl.u32 @!p1 s3, $0x1  }
0x4b: {  	s23 =	sshrl.u32 @!p1 s23, $0x2;
	_ =	swait.ge @!p1 [sflag:s5], s2;
	s3 =	smul.u32 @!p1 $0x3, s3  }
0x4c: {  	s23 =	sadd.s32 @!p1 $0x10518, s23;
	s24 =	ssub.s32 @!p1 $0x0, s2;
	[sflag:s5] =	ssyncset.done @!p1 $0x0  }
0x4d: {  	[sflag:s5] =	ssyncadd.s32 @!p1 s24;
	s5 =	sshrl.u32 @!p1 s20, $0x3;
	s0 =	ssub.s32 @!p1 s0, s3  }
0x4e: {  	s24 =	sand.u32 @!p1 $0x7, s20;
	s5 =	sadd.s32 @!p1 s5, s15;
	s0 =	smul.u32 @!p1 $0x3C0, s0  }
0x4f: {  	[tilespmem:s23], [sflag:$0xB] =	stream.linear.gather @!p1 [hbm4b:s5+s24], s2, $0x38;
	[tilespmem:$0x1F6F8] =	vst v63  }
0x50: {  	s3 =	ssub.s32 @!p1 $0x27100, s20;
	s2 =	smul.u32 @!p1 $0x1E000, s4  }
0x51: {  	p2 =	slt.s32 @!p1 s3, $0xF0  }
0x52: {  	p2 =	por !p2, p1;
	s0 =	sshrl.u32 @!p1 s0, $0x2;
	s2 =	sshrl.u32 @!p1 s2, $0x2  }
0x53: {  	s3 =	simm.s32 @p2 $0xF0;
	s0 =	sadd.s32 @!p1 $0x10248, s0;
	s2 =	sor.u32 @!p1 $0x106F8, s2  }
0x54: {  	[tilespmem:s2], [sflag:$0x9] =	stream.indirect.gather @!p1 [hbm4b:s6+s3], $0x80, s0, s3, $0xb8;
	[tilespmem:$0x1F6F8] =	vst v63  }
0x55: {  	p1 =	slt.u32 s21, $0x2  }
.Ltmp3:
0x56: {  	_ = 	snop;
	(pc) =	sbr.rel @p1 .LBB2_21-.Ltmp3, $1  }
0x57: {  	_ =	sdelay $0x3  }
0x58: {  	p1 =	sgt.s32 s22, $0x27010  }
0x59: {  	s0 =	smov.u32 s22;
	s2 =	sshra.s32 s22, $0x1F;
	s3 =	ssub.s32 $0x27100, s22  }
0x5a: {  	s0 =	simm.s32 @!p1 $0x27010;
	s2 =	sand.u32 s2, s22;
	p1 =	slt.s32 s3, $0xF0  }
0x5b: {  	s0 =	ssub.s32 s0, s2;
	s3 =	simm.s32 @!p1 $0xF0  }
0x5c: {  	s0 =	sadd.s32 $0xFFFD8FF0, s0;
	s25 =	sshll.u32 s3, $0x7  }
0x5d: {  	s26 =	sshll.u32 s0, $0x2;
	s2 =	sand.u32 $0x3FFFFF80, s25  }
0x5e: {  	p1 =	sgt.s32 s0, $0xEF;
	s29 =	ssub.s32 $0x3C0, s26;
	_ =	swait.ge [sflag:s10], s2  }
0x5f: {  	s2 =	ssub.s32 $0x0, s2;
	[sflag:s10] =	ssyncset.done $0x0;
	s0 =	sshrl.u32 s29, $0x2  }
0x60: {  	[sflag:s10] =	ssyncadd.s32 s2;
	s0 =	simm.s32 @p1 $0x0  }
0x61: {  	_ =	swait.ge [sflag:s11], s0  }
0x62: {  	s0 =	ssub.s32 $0x0, s0;
	[sflag:s11] =	ssyncset.done $0x0  }
0x63: {  	[sflag:s11] =	ssyncadd.s32 s0  }
0x64: {  	v1 =	vld [tilespmem:$0xF208];
	_ =	sdelay $0x4  }
0x65: {  	(v2sf) =	vpush v1, $0x0  }
0x66: {  	(v2sf) =	vpush v1, $0x1  }
0x67: {  	(v2sf) =	vpush v1, $0x2;
	_ =	sdelay $0x3  }
0x68: {  	s0 =	sadd.s32 $0xF0, s22  }
0x69: {  	s2 =	ssub.s32 $0x4E200, s22;
	p1 =	slt.s32 s8, s0  }
0x6a: {  	s0 =	smov.u32 @p1 s8;
	p1 =	sgt.s32 s2, $0x0  }
0x6b: {  	s26 =	ssub.s32 s0, s22;
	s2 =	simm.s32 @!p1 $0x0  }
0x6c: {  	p1 =	slt.s32 s2, s26  }
0x6d: {  	s26 =	smov.u32 @p1 s2  }
0x6e: {  	s25 =	simm.s32 $0x1;
	p1 =	slt.s32 s26, $0x1  }
.Ltmp4:
0x6f: {  	s25 =	simm.s32 @!p0 $0x0;
	(pc) =	sbr.rel @p1 .LBB2_8-.Ltmp4, $4  }
0x70: {  	s31 =	smul.u32 $0x3C0, s25  }
0x71: {  	s28 =	spop (v2sf)  }
0x72: {  	s0 =	sshrl.u32 s31, $0x2;
	s30 =	spop (v2sf)  }
0x73: {  	s23 =	sadd.s32 $0x10518, s0;
	s22 =	spop (v2sf)  }
0x74: {  	s0 =	smin.u32 s26, $0x10  }
0x75: {  	v1 =	vmov s0  }
0x76: {  	p2 =	sgt.s32 s26, $0x10;
	vm1 =	vgt.u32 v1, v0  }
.Ltmp5:
0x77: {  	_ = 	snop;
	(pc) =	sbr.rel @!p2 .LBB2_7-.Ltmp5, $2  }
0x78: {  	_ =	sdelay $0x2  }
0x79: {  	s4 =	simm.s32 $0x10;
	s24 =	sadd.s32 $0xFFFFFFF0, s26;
	s0 =	smov.u32 s23;
	vm0 =	vmmov vm1  }
.LBB2_6:
0x7a: {  	s2 =	smin.u32 s24, $0x10;
	s4 =	sadd.s32 $0x10, s4;
	v1 =	vld.msk [tilespmem:s0+$0x0 ss:$0x1], vm1  }
0x7b: {  	v2 =	vmov s2;
	p2 =	slt.s32 s4, s26  }
0x7c: {  	vm1 =	vgt.u32 v2, v0  }
.Ltmp6:
0x7d: {  	(pc) =	sbr.rel @p2 .LBB2_6-.Ltmp6, $3  }
0x7e: {  	_ =	sdelay $0x1  }
0x7f: {  	v1 =	vshll.u32 v1, $0x4  }
0x80: {  	s24 =	sadd.s32 $0xFFFFFFF0, s24;
	[tilespmem:s0+$0x0] =	vst.msk vm0, v1;
	s0 =	sadd.s32 $0x10, s0;
	vm0 =	vmmov vm1  }
.LBB2_7:
0x81: {  	_ =	sdelay $0x4  }
0x82: {  	v1 =	vld.msk [tilespmem:s0+$0x0 ss:$0x1], vm1;
	_ =	sdelay $0x4  }
0x83: {  	v1 =	vshll.u32 v1, $0x4  }
0x84: {  	[tilespmem:s0+$0x0] =	vst.msk vm0, v1  }
.LBB2_8:
0x85: {  	s0 =	sand.u32 $0x1, s21  }
0x86: {  	s0 =	smul.u32 $0xF0, s0  }
0x87: {  	p2 =	sne.s32 s30, $0xFFFFFFFF  }
0x88: {  	v1 =	vld.msk @!p2 [tilespmem:s0+$0x10518], $0x1;
	_ =	sdelay $0x4  }
0x89: {  	(v2sf) =	vpush @!p2 v1, $0x0;
	_ =	sdelay $0xc  }
.Ltmp7:
0x8a: {  	_ = 	snop;
	(pc) =	sbr.rel @p1 .LBB2_19-.Ltmp7, $4  }
0x8b: {  	_ = 	snop  }
0x8c: {  	s29 =	spop @!p2 (v2sf)  }
0x8d: {  	s22 =	simm.s32 @!p2 $0x0;
	s24 =	smov.u32 s29  }
0x8e: {  	[sflag:s18] =	ssyncpa.u1 $0x0;
	s29 =	smov.u32 @p2 s28;
	s24 =	smov.u32 @p2 s30  }
0x8f: {  	v1 =	vld.msk [tilespmem:s23+$0x0], $0x1;
	_ =	sdelay $0x4  }
0x90: {  	(v2sf) =	vpush v1, $0x0;
	_ =	sdelay $0xe  }
0x91: {  	s2 =	smul.u32 $0x1E000, s25;
	s0 =	spop (v2sf)  }
0x92: {  	s26 =	ssub.s32 $0x0, s26;
	p1 =	seq.s32 s29, s0  }
0x93: {  	s30 =	sadd.s32 $0x1, s26;
	s2 =	sshrl.u32 s2, $0x2;
	p2 =	sgt.s32 @!p1 s29, $0x0  }
0x94: {  	s25 =	sor.u32 $0x10738, s2;
	s2 =	smov.u32 s29;
	p2 =	por !p2, p1  }
0x95: {  	s2 =	simm.s32 @p2 $0x0;
	p2 =	seq.s32 s30, $0x0  }
.Ltmp8:
0x96: {  	_ = 	snop;
	(pc) =	sbr.rel @p2 .LBB2_11-.Ltmp8, $4  }
0x97: {  	_ = 	snop  }
0x98: {  	s28 =	simm.s32 $0x0;
	s31 =	sadd.s32 $0x1, s23;
	s2 =	smin.u32 @!p1 s2, $0x270F0  }
0x99: {  	s4 =	simm.s32 @!p1 $0x1;
	s5 =	simm.s32 @!p1 $0x7988;
	s3 =	sand.u32 @!p1 $0x3FFF8, s2  }
0x9a: {  	s4 =	smov.u32 @p1 s28;
	s2 =	sand.u32 @!p1 $0x7, s2;
	s3 =	sadd.s32 @!p1 s1, s3  }
.LBB2_10:
0x9b: {  	s9 =	smov.u32 s4  }
0x9c: {  	[tilespmem:s5], [sflag:$0x2] =	stream.linear.gather @!p1 [hbm4b:s3+s2], $0x80, $0x38;
	[tilespmem:$0x1F6F8] =	vst v63  }
0x9d: {  	s30 =	sadd.s32 $0x1, s30;
	s2 =	smov.u32 s0;
	v1 =	vld.msk [tilespmem:s31+$0x0], $0x1  }
0x9e: {  	p2 =	seq.s32 s30, $0x0;
	_ =	sdelay $0x3  }
0x9f: {  	(v2sf) =	vpush v1, $0x0;
	_ =	sdelay $0xe  }
0xa0: {  	s0 =	spop (v2sf)  }
0xa1: {  	p1 =	seq.s32 s2, s0  }
0xa2: {  	p3 =	sgt.s32 @!p1 s2, $0x0;
	s3 =	sshll.u32 @!p1 s4, $0x9;
	s4 =	sadd.s32 @!p1 $0x1, s4  }
.Ltmp9:
0xa3: {  	p3 =	por !p3, p1;
	s3 =	sshra.s32 @!p1 s3, $0x2;
	(pc) =	sbr.rel @!p2 .LBB2_10-.Ltmp9, $4  }
0xa4: {  	s4 =	smov.u32 @p1 s9;
	s2 =	simm.s32 @p3 $0x0;
	s5 =	sadd.s32 @!p1 $0x7988, s3  }
0xa5: {  	s2 =	smin.u32 @!p1 s2, $0x270F0  }
0xa6: {  	s3 =	sand.u32 @!p1 $0x3FFF8, s2;
	s2 =	sand.u32 @!p1 $0x7, s2  }
0xa7: {  	s31 =	sadd.s32 $0x1, s31;
	s3 =	sadd.s32 @!p1 s1, s3  }
.LBB2_11:
0xa8: {  	[tilespmem:s5], [sflag:$0x2] =	stream.linear.gather @!p1 [hbm4b:s3+s2], $0x80, $0x38;
	[tilespmem:$0x1F6F8] =	vst v63  }
.Ltmp10:
0xa9: {  	s0 =	sshll.u32 s4, $0x7;
	(pc) =	sbr.rel .LBB2_12-.Ltmp10, $4  }
0xaa: {  	s30 =	simm.s32 $0x2;
	s0 =	sand.u32 $0x3FFFFF80, s0  }
0xab: {  	_ =	swait.ge [sflag:s30], s0  }
0xac: {  	s0 =	ssub.s32 $0x0, s0;
	[sflag:s30] =	ssyncset.done $0x0  }
0xad: {  	s31 =	simm.s32 $0x0;
	[sflag:s30] =	ssyncadd.s32 s0  }
.LBB2_13:
0xae: {  	v1 =	vld [tilespmem:s25+$0xFFFFFFC0];
	_ =	sdelay $0x3  }
0xaf: {  	s0 =	sshra.s32 s0, $0x2  }
0xb0: {  	[tilespmem:s0+$0x108] =	vst.add.f32.msk $0xffff, v1  }
0xb1: {  	v1 =	vld [tilespmem:s25+$0xFFFFFFD0];
	_ =	sdelay $0x4  }
0xb2: {  	[tilespmem:s0+$0x118] =	vst.add.f32.msk $0xffff, v1  }
0xb3: {  	v1 =	vld [tilespmem:s25+$0xFFFFFFE0];
	_ =	sdelay $0x4  }
0xb4: {  	[tilespmem:s0+$0x128] =	vst.add.f32.msk $0xffff, v1  }
0xb5: {  	v1 =	vld [tilespmem:s25+$0xFFFFFFF0];
	_ =	sdelay $0x4  }
0xb6: {  	[tilespmem:s0+$0x138] =	vst.add.f32.msk $0xffff, v1  }
0xb7: {  	v1 =	vld [tilespmem:s25+$0x0];
	_ =	sdelay $0x4  }
0xb8: {  	[tilespmem:s0+$0x148] =	vst.add.f32.msk $0xffff, v1  }
0xb9: {  	v1 =	vld [tilespmem:s25+$0x10];
	_ =	sdelay $0x4  }
0xba: {  	[tilespmem:s0+$0x158] =	vst.add.f32.msk $0xffff, v1  }
0xbb: {  	v1 =	vld [tilespmem:s25+$0x20];
	_ =	sdelay $0x4  }
0xbc: {  	[tilespmem:s0+$0x168] =	vst.add.f32.msk $0xffff, v1  }
0xbd: {  	v1 =	vld [tilespmem:s25+$0x30];
	_ =	sdelay $0x4  }
0xbe: {  	[tilespmem:s0+$0x178] =	vst.add.f32.msk $0xffff, v1  }
.LBB2_17:
0xbf: {  	s26 =	sadd.s32 $0x1, s26  }
0xc0: {  	p1 =	seq.s32 s26, $0x0  }
.Ltmp11:
0xc1: {  	_ = 	snop;
	(pc) =	sbr.rel @p1 .LBB2_18-.Ltmp11, $2  }
0xc2: {  	_ =	sdelay $0x2  }
0xc3: {  	s23 =	sadd.s32 $0x1, s23;
	s25 =	sadd.s32 $0x80, s25;
	s29 =	smov.u32 s30  }
.LBB2_12:
0xc4: {  	v1 =	vld.msk [tilespmem:s23+$0x0], $0x1;
	_ =	sdelay $0x4  }
0xc5: {  	(v2sf) =	vpush v1, $0x0;
	_ =	sdelay $0xe  }
0xc6: {  	s30 =	spop (v2sf)  }
0xc7: {  	p1 =	sne.s32 s29, s30  }
.Ltmp12:
0xc8: {  	_ = 	snop;
	(pc) =	sbr.rel @!p1 .LBB2_13-.Ltmp12, $2  }
0xc9: {  	_ =	sdelay $0x2  }
0xca: {  	s0 =	sshll.u32 s22, $0x9  }
0xcb: {  	p1 =	seq.s32 s29, s24  }
.Ltmp13:
0xcc: {  	_ = 	snop;
	(pc) =	sbr.rel @!p1 .LBB2_15-.Ltmp13, $1  }
0xcd: {  	_ =	sdelay $0x3  }
0xce: {  	s0 =	sshra.s32 s0, $0x2  }
.Ltmp14:
0xcf: {  	s0 =	sadd.s32 $0x108, s0;
	(pc) =	sbr.rel .LBB2_16-.Ltmp14, $4  }
0xd0: {  	[spmem:s16] =	stream.linear.scatter [tilespmem:s0], [sflag:$0x1], $0x80, $0x38;
	[tilespmem:$0x1F6F8] =	vst v63  }
0xd1: {  	_ =	swait.ge [sflag:s12], $0x80  }
0xd2: {  	[sflag:s12] =	ssyncset.done $0x0  }
0xd3: {  	[sflag:s12] =	ssyncadd.s32 $0xFFFFFF80  }
.LBB2_15:
0xd4: {  	s2 =	sshll.u32 s28, $0x9  }
0xd5: {  	s2 =	sshra.s32 s2, $0x2  }
0xd6: {  	v1 =	vld [tilespmem:s2+$0x7988];
	_ =	sdelay $0x3  }
0xd7: {  	s0 =	sshra.s32 s0, $0x2  }
0xd8: {  	[tilespmem:s0+$0x108] =	vst.add.f32.msk $0xffff, v1  }
0xd9: {  	v1 =	vld [tilespmem:s2+$0x7998];
	_ =	sdelay $0x4  }
0xda: {  	[tilespmem:s0+$0x118] =	vst.add.f32.msk $0xffff, v1  }
0xdb: {  	v1 =	vld [tilespmem:s2+$0x79A8];
	_ =	sdelay $0x4  }
0xdc: {  	[tilespmem:s0+$0x128] =	vst.add.f32.msk $0xffff, v1  }
0xdd: {  	v1 =	vld [tilespmem:s2+$0x79B8];
	_ =	sdelay $0x4  }
0xde: {  	[tilespmem:s0+$0x138] =	vst.add.f32.msk $0xffff, v1  }
0xdf: {  	v1 =	vld [tilespmem:s2+$0x79C8];
	_ =	sdelay $0x4  }
0xe0: {  	[tilespmem:s0+$0x148] =	vst.add.f32.msk $0xffff, v1  }
0xe1: {  	v1 =	vld [tilespmem:s2+$0x79D8];
	_ =	sdelay $0x4  }
0xe2: {  	[tilespmem:s0+$0x158] =	vst.add.f32.msk $0xffff, v1  }
0xe3: {  	v1 =	vld [tilespmem:s2+$0x79E8];
	_ =	sdelay $0x4  }
0xe4: {  	[tilespmem:s0+$0x168] =	vst.add.f32.msk $0xffff, v1  }
0xe5: {  	v1 =	vld [tilespmem:s2+$0x79F8];
	_ =	sdelay $0x2  }
0xe6: {  	p1 =	sgt.u32 s29, $0x270F0  }
0xe7: {  	s2 =	sand.u32 @!p1 $0x3FFF8, s29  }
0xe8: {  	s3 =	sadd.s32 $0x108, s0;
	[tilespmem:s0+$0x178] =	vst.add.f32.msk $0xffff, v1;
	s0 =	sadd.s32 @!p1 s1, s2;
	s2 =	sand.u32 @!p1 $0x7, s29  }
0xe9: {  	[hbm4b:s0+s2] =	stream.linear.scatter @!p1 [tilespmem:s3], [sflag:$0xC], $0x80, $0x38;
	[tilespmem:$0x1F6F8] =	vst v63  }
0xea: {  	s0 =	simm.s32 $0x0  }
0xeb: {  	s0 =	simm.s32 @!p1 $0x200  }
0xec: {  	s31 =	sadd.s32 s0, s31  }
.LBB2_16:
0xed: {  	s0 =	sadd.s32 $0x1, s22  }
0xee: {  	s2 =	smulhi.u32 $0x88888889, s0;
	_ =	sdelay $0x1  }
0xef: {  	v1 =	vld [tilespmem:s25+$0xFFFFFFC0];
	s2 =	sshrl.u32 s2, $0x7  }
0xf0: {  	s2 =	smul.u32 $0xF0, s2;
	_ =	sdelay $0x1  }
0xf1: {  	s22 =	ssub.s32 s0, s2  }
0xf2: {  	s0 =	sshll.u32 s22, $0x7  }
0xf3: {  	[tilespmem:s0+$0x108] =	vst v1  }
0xf4: {  	v1 =	vld [tilespmem:s25+$0xFFFFFFD0];
	_ =	sdelay $0x4  }
0xf5: {  	[tilespmem:s0+$0x118] =	vst v1  }
0xf6: {  	v1 =	vld [tilespmem:s25+$0xFFFFFFE0];
	_ =	sdelay $0x4  }
0xf7: {  	[tilespmem:s0+$0x128] =	vst v1  }
0xf8: {  	v1 =	vld [tilespmem:s25+$0xFFFFFFF0];
	_ =	sdelay $0x4  }
0xf9: {  	[tilespmem:s0+$0x138] =	vst v1  }
0xfa: {  	v1 =	vld [tilespmem:s25+$0x0];
	_ =	sdelay $0x4  }
0xfb: {  	[tilespmem:s0+$0x148] =	vst v1  }
0xfc: {  	v1 =	vld [tilespmem:s25+$0x10];
	_ =	sdelay $0x4  }
0xfd: {  	[tilespmem:s0+$0x158] =	vst v1  }
0xfe: {  	v1 =	vld [tilespmem:s25+$0x20];
	_ =	sdelay $0x4  }
0xff: {  	[tilespmem:s0+$0x168] =	vst v1  }
0x100: {  	v1 =	vld [tilespmem:s25+$0x30]  }
.Ltmp15:
0x101: {  	_ = 	snop;
	(pc) =	sbr.rel .LBB2_17-.Ltmp15, $2  }
0x102: {  	_ =	sdelay $0x2  }
0x103: {  	s28 =	sadd.s32 $0x1, s28;
	[tilespmem:s0+$0x178] =	vst v1  }
.LBB2_19:
.Ltmp16:
0x104: {  	(pc) =	sbr.rel .LBB2_20-.Ltmp16, $4  }
0x105: {  	_ = 	snop  }
0x106: {  	s0 =	simm.s32 $0x2  }
0x107: {  	_ =	swait.ge [sflag:s0], $0x0  }
0x108: {  	s30 =	smov.u32 s29;
	[sflag:s0] =	ssyncset.done $0x0;
	s0 =	simm.s32 $0x0  }
.LBB2_22:
0x109: {  	_ =	sfence.sel $0x180000  }
0x10a: {  	s0 =	simm.s32 $0x9;
	[bflag:$0x0] =	sbarrier.arrive $0xFFFF  }
0x10b: {  	s24 =	simm.s32 $0xA;
	[sflag:s0] =	ssyncpa.u1 $0x1  }
0x10c: {  	s25 =	simm.s32 $0xB;
	[sflag:s24] =	ssyncpa.u1 $0x1  }
0x10d: {  	s26 =	simm.s32 $0x2;
	[sflag:s25] =	ssyncpa.u1 $0x1  }
0x10e: {  	[sflag:s26] =	ssyncpa.u1 $0x1  }
0x10f: {  	v0 =	vld [tilespmem:$0xF208];
	_ =	sdelay $0x4  }
0x110: {  	(v2sf) =	vpush v0, $0x0  }
0x111: {  	(v2sf) =	vpush v0, $0x1;
	_ =	sdelay $0x1  }
0x112: {  	(v2sf) =	vpush v0, $0x2;
	_ =	sdelay $0xb  }
0x113: {  	s0 =	spop (v2sf)  }
0x114: {  	s2 =	spop (v2sf)  }
0x115: {  	s3 =	smov.u32 s0;
	p0 =	sne.s32 s0, s2  }
0x116: {  	s4 =	spop (v2sf);
	s3 =	simm.s32 @!p0 $0xFFFFFFFF  }
0x117: {  	v2 =	vimm.s32 $0x1;
	v3 =	vlaneseq.u32;
	p0 =	seq.s32 s4, $0xFFFFFFFF;
	v1 =	vmov s3  }
0x118: {  	s16 =	stileid.u32;
	v0 =	vperm.xlane v0, v2;
	p1 =	sne.s32 @!p0 s0, s2;
	v1 =	vperm.xlane v1, v3  }
0x119: {  	vm0 =	vcmask $0x3F04;
	s6 =	simm.s32 $0xF208;
	s0 =	simm.s32 @!p0 $0x1;
	p1 =	por !p1, p0  }
0x11a: {  	s3 =	sshll.u32 s16, $0x1;
	s2 =	sshll.u32 @!p0 s4, $0x9;
	s0 =	simm.s32 @p1 $0x0;
	v0 =	vsel vm0, v1, v0  }
0x11b: {  	s5 =	sor.u32 $0x1000, s3;
	s2 =	sshra.s32 @!p0 s2, $0x2;
	s0 =	sor.u32 @!p0 s0, s3;
	[tilespmem:$0xF208] =	vst v0  }
0x11c: {  	[spmem:s5] =	stream.linear.scatter [tilespmem:s6], [sflag:$0x1], $0x2, $0x38;
	[tilespmem:$0x1F6F8] =	vst v63  }
0x11d: {  	s2 =	sadd.s32 @!p0 $0x108, s2;
	s0 =	sshll.u32 @!p0 s0, $0x7  }
0x11e: {  	[spmem:s0] =	stream.linear.scatter @!p0 [tilespmem:s2], [sflag:$0x1], $0x80, $0x38;
	[tilespmem:$0x1F6F8] =	vst v63  }
0x11f: {  	s0 =	simm.s32 @!p0 $0x82  }
0x120: {  	s28 =	simm.s32 $0x1;
	s0 =	simm.s32 @p0 $0x2  }
0x121: {  	_ =	swait.ge [sflag:s28], s0  }
0x122: {  	s0 =	ssub.s32 $0x0, s0;
	[sflag:s28] =	ssyncset.done $0x0  }
0x123: {  	p0 =	sne.s32 s16, $0x0;
	[sflag:s28] =	ssyncadd.s32 s0  }
.Ltmp17:
0x124: {  	_ =	sfence.stream.spmem;
	(pc) =	sbr.rel @p0 .LBB2_39-.Ltmp17, $4  }
0x125: {  	s29 =	simm.s32 $0x3;
	[bflag:$0x0] =	sbarrier.arrive $0xFFFF  }
0x126: {  	s30 =	simm.s32 $0x4;
	[sflag:s29] =	ssyncpa.u1 $0x1  }
0x127: {  	s31 =	simm.s32 $0x3C;
	[sflag:s30] =	ssyncpa.u1 $0x1  }
0x128: {  	s15 =	rddreg [dreg:$0x4];
	[sflag:s31] =	ssyncpa.u1 $0x1  }
0x129: {  	_ =	sfence.stream.spmem;
	s0 =	simm.s32 $0x5  }
0x12a: {  	s2 =	simm.s32 $0x1000;
	s3 =	simm.s32 $0xF218;
	[sflag:s0] =	ssyncpa.u1 $0x0  }
0x12b: {  	[tilespmem:s3], [sflag:$0x5] =	stream.linear.gather [spmem:s2], $0x20, $0x38;
	[tilespmem:$0x1F6F8] =	vst v63  }
0x12c: {  	s26 =	simm.s32 $0x0;
	s28 =	simm.s32 $0xF238  }
0x12d: {  	[tilespmem:s28], [sflag:$0x5] =	stream.linear.gather [spmem:s26], $0x1000, $0x38;
	[tilespmem:$0x1F6F8] =	vst v63  }
0x12e: {  	_ =	swait.ge [sflag:s0], $0x1020  }
0x12f: {  	[sflag:s0] =	ssyncset.done $0x0  }
0x130: {  	s29 =	simm.s32 $0x0;
	[sflag:s0] =	ssyncadd.s32 $0xFFFFEFE0  }
0x131: {  	v0 =	vld.msk [tilespmem:s29+$0xF218], $0x1;
	_ =	sdelay $0x1  }
0x132: {  	s30 =	simm.s32 $0x1  }
0x133: {  	v1 =	vld.msk [tilespmem:s30+$0xF218], $0x1;
	_ =	sdelay $0x1  }
0x134: {  	(v2sf) =	vpush v0, $0x0;
	_ =	sdelay $0x2  }
0x135: {  	(v2sf) =	vpush v1, $0x0;
	_ =	sdelay $0x2  }
0x136: {  	s31 =	simm.s32 $0x2  }
0x137: {  	v0 =	vld.msk [tilespmem:s31+$0xF218], $0x1;
	_ =	sdelay $0x2  }
0x138: {  	s4 =	simm.s32 $0xFFFFFFFF;
	s5 =	simm.s32 $0xFFFFFFFF;
	s0 =	simm.s32 $0xC  }
.LBB2_24:
0x139: {  	s2 =	smov.u32 s5;
	s3 =	smov.u32 s4  }
0x13a: {  	s4 =	sshra.s32 s0, $0x2;
	p1 =	sne.s32 s0, $0x7C;
	s0 =	sadd.s32 $0x4, s0;
	(v2sf) =	vpush v0, $0x0  }
0x13b: {  	v0 =	vld.msk [tilespmem:s4+$0xF218], $0x1  }
.Ltmp18:
0x13c: {  	(pc) =	sbr.rel @p1 .LBB2_24-.Ltmp18, $4  }
0x13d: {  	s5 =	spop (v2sf)  }
0x13e: {  	p2 =	sne.s32 s3, $0xFFFFFFFF;
	s4 =	smov.u32 s5  }
0x13f: {  	p3 =	seq.s32 s5, $0xFFFFFFFF;
	s4 =	smov.u32 @p2 s3  }
0x140: {  	s5 =	smov.u32 @p3 s2;
	s4 =	smov.u32 @p3 s3  }
0x141: {  	(v2sf) =	vpush v0, $0x0;
	_ =	sdelay $0x8  }
0x142: {  	s0 =	spop (v2sf)  }
0x143: {  	p1 =	sne.s32 s4, $0xFFFFFFFF;
	s2 =	smov.u32 s0  }
0x144: {  	s9 =	simm.s32 $0x6;
	p2 =	seq.s32 s0, $0xFFFFFFFF;
	s2 =	smov.u32 @p1 s4  }
0x145: {  	s6 =	simm.s32 $0x0;
	s2 =	smov.u32 @p2 s4;
	s3 =	spop (v2sf)  }
0x146: {  	s0 =	smov.u32 @p2 s5;
	p1 =	sne.s32 s2, $0xFFFFFFFF;
	s4 =	smov.u32 s3  }
.Ltmp19:
0x147: {  	p2 =	seq.s32 s3, $0xFFFFFFFF;
	s4 =	smov.u32 @p1 s2;
	(pc) =	sbr.rel .LBB2_26-.Ltmp19, $4  }
0x148: {  	s10 =	simm.s32 $0xF188;
	s4 =	smov.u32 @p2 s2;
	s7 =	spop (v2sf)  }
0x149: {  	s11 =	simm.s32 $0x0;
	p1 =	sne.s32 s4, $0xFFFFFFFF;
	s8 =	smov.u32 s7  }
0x14a: {  	s3 =	smov.u32 @p2 s0;
	p2 =	seq.s32 s7, $0xFFFFFFFF;
	s8 =	smov.u32 @p1 s4  }
0x14b: {  	[sflag:s9] =	ssyncpa.u1 $0x0;
	s7 =	smov.u32 @p2 s3;
	s8 =	smov.u32 @p2 s4  }
.LBB2_32:
0x14c: {  	p1 =	sgt.u32 s12, $0x270F0  }
0x14d: {  	p2 =	seq.s32 @!p1 s12, s8  }
0x14e: {  	p1 =	por p1, p2  }
0x14f: {  	p2 =	sne.s32 @!p1 s12, s7  }
0x150: {  	p1 =	por p1, !p2  }
0x151: {  	s0 =	sshll.u32 @p1 s11, $0x9  }
0x152: {  	s0 =	sand.u32 @!p1 $0x3FFF8, s12  }
0x153: {  	s2 =	sand.u32 @!p1 $0x7, s12;
	s0 =	sadd.s32 @!p1 s1, s0  }
0x154: {  	[tilespmem:s10], [sflag:$0x6] =	stream.linear.gather @!p1 [hbm4b:s0+s2], $0x80, $0x38;
	[tilespmem:$0x1F6F8] =	vst v63  }
0x155: {  	_ =	swait.ge @!p1 [sflag:s9], $0x80  }
0x156: {  	[sflag:s9] =	ssyncset.done @!p1 $0x0  }
0x157: {  	[sflag:s9] =	ssyncadd.s32 @!p1 $0xFFFFFF80  }
0x158: {  	v1 =	vld @!p1 [tilespmem:$0xF188];
	_ =	sdelay $0x2  }
0x159: {  	s0 =	sshll.u32 @!p1 s11, $0x9  }
0x15a: {  	s2 =	sshrl.u32 @!p1 s0, $0x2  }
0x15b: {  	[tilespmem:s2+$0xF238] =	vst.add.f32.msk @!p1 $0xffff, v1  }
0x15c: {  	v1 =	vld @!p1 [tilespmem:$0xF198];
	_ =	sdelay $0x4  }
0x15d: {  	[tilespmem:s2+$0xF248] =	vst.add.f32.msk @!p1 $0xffff, v1  }
0x15e: {  	v1 =	vld @!p1 [tilespmem:$0xF1A8];
	_ =	sdelay $0x4  }
0x15f: {  	[tilespmem:s2+$0xF258] =	vst.add.f32.msk @!p1 $0xffff, v1  }
0x160: {  	v1 =	vld @!p1 [tilespmem:$0xF1B8];
	_ =	sdelay $0x4  }
0x161: {  	[tilespmem:s2+$0xF268] =	vst.add.f32.msk @!p1 $0xffff, v1  }
0x162: {  	v1 =	vld @!p1 [tilespmem:$0xF1C8];
	_ =	sdelay $0x4  }
0x163: {  	[tilespmem:s2+$0xF278] =	vst.add.f32.msk @!p1 $0xffff, v1  }
0x164: {  	v1 =	vld @!p1 [tilespmem:$0xF1D8];
	_ =	sdelay $0x4  }
0x165: {  	[tilespmem:s2+$0xF288] =	vst.add.f32.msk @!p1 $0xffff, v1  }
0x166: {  	v1 =	vld @!p1 [tilespmem:$0xF1E8];
	_ =	sdelay $0x4  }
0x167: {  	[tilespmem:s2+$0xF298] =	vst.add.f32.msk @!p1 $0xffff, v1  }
0x168: {  	v1 =	vld @!p1 [tilespmem:$0xF1F8];
	_ =	sdelay $0x4  }
0x169: {  	[tilespmem:s2+$0xF2A8] =	vst.add.f32.msk @!p1 $0xffff, v1  }
0x16a: {  	s0 =	sshrl.u32 s0, $0x2;
	[tilespmem:s6+$0xF218] =	vst.msk $0x1, v0  }
0x16b: {  	v0 =	vld [tilespmem:s0+$0xF238];
	_ =	sdelay $0x2  }
0x16c: {  	s31 =	sshll.u32 s6, $0x9  }
0x16d: {  	s2 =	sshra.s32 s31, $0x2  }
0x16e: {  	[tilespmem:s2+$0xF238] =	vst v0  }
0x16f: {  	v0 =	vld [tilespmem:s0+$0xF248];
	_ =	sdelay $0x4  }
0x170: {  	[tilespmem:s2+$0xF248] =	vst v0  }
0x171: {  	v0 =	vld [tilespmem:s0+$0xF258];
	_ =	sdelay $0x4  }
0x172: {  	[tilespmem:s2+$0xF258] =	vst v0  }
0x173: {  	v0 =	vld [tilespmem:s0+$0xF268];
	_ =	sdelay $0x4  }
0x174: {  	[tilespmem:s2+$0xF268] =	vst v0  }
0x175: {  	v0 =	vld [tilespmem:s0+$0xF278];
	_ =	sdelay $0x4  }
0x176: {  	[tilespmem:s2+$0xF278] =	vst v0  }
0x177: {  	v0 =	vld [tilespmem:s0+$0xF288];
	_ =	sdelay $0x4  }
0x178: {  	[tilespmem:s2+$0xF288] =	vst v0  }
0x179: {  	v0 =	vld [tilespmem:s0+$0xF298];
	_ =	sdelay $0x4  }
0x17a: {  	[tilespmem:s2+$0xF298] =	vst v0  }
0x17b: {  	v0 =	vld [tilespmem:s0+$0xF2A8];
	_ =	sdelay $0x4  }
0x17c: {  	s6 =	sadd.s32 $0x1, s6;
	[tilespmem:s2+$0xF2A8] =	vst v0  }
.LBB2_33:
0x17d: {  	s11 =	sadd.s32 $0x1, s11  }
0x17e: {  	p1 =	sne.s32 s11, $0x20  }
.Ltmp20:
0x17f: {  	_ = 	snop;
	(pc) =	sbr.rel @!p1 .LBB2_34-.Ltmp20, $1  }
0x180: {  	_ =	sdelay $0x3  }
.LBB2_26:
0x181: {  	v0 =	vld.msk [tilespmem:s11+$0xF218], $0x1;
	_ =	sdelay $0x4  }
0x182: {  	(v2sf) =	vpush v0, $0x0;
	_ =	sdelay $0xe  }
0x183: {  	s12 =	spop (v2sf)  }
0x184: {  	p1 =	seq.s32 s12, $0xFFFFFFFF  }
.Ltmp21:
0x185: {  	_ = 	snop;
	(pc) =	sbr.rel @p1 .LBB2_33-.Ltmp21, $1  }
0x186: {  	_ =	sdelay $0x3  }
0x187: {  	p1 =	slt.s32 s6, $0x1  }
.Ltmp22:
0x188: {  	_ = 	snop;
	(pc) =	sbr.rel @p1 .LBB2_32-.Ltmp22, $1  }
0x189: {  	_ =	sdelay $0x3  }
0x18a: {  	s13 =	simm.s32 $0xF218;
	p1 =	por $0x0, $0x0  }
0x18b: {  	v1 =	vld.msk @!p1 [tilespmem:s13+$0x0], $0x1;
	_ =	sdelay $0x4  }
0x18c: {  	(v2sf) =	vpush @!p1 v1, $0x0;
	_ =	sdelay $0xd  }
0x18d: {  	p3 =	sne.s32 s6, $0x1  }
.Ltmp23:
0x18e: {  	s0 =	spop @!p1 (v2sf);
	(pc) =	sbr.rel @!p3 .LBB2_30-.Ltmp23, $4  }
0x18f: {  	p2 =	seq.s32 @!p1 s12, s0  }
0x190: {  	s14 =	simm.s32 $0x0;
	p2 =	por !p2, p1  }
0x191: {  	s2 =	simm.s32 $0xFFFFFFFF;
	s14 =	simm.s32 @p2 $0xFFFFFFFF  }
0x192: {  	s0 =	simm.s32 $0x1;
	s14 =	smov.u32 @p1 s2  }
.LBB2_29:
0x193: {  	s2 =	smov.u32 s14;
	p1 =	sne.s32 s14, $0xFFFFFFFF  }
0x194: {  	s13 =	sadd.s32 $0x1, s13;
	s14 =	smov.u32 s0;
	s0 =	sadd.s32 $0x1, s0  }
0x195: {  	p2 =	sne.s32 s6, s0;
	v1 =	vld.msk @!p1 [tilespmem:s13+$0x0], $0x1;
	_ =	sdelay $0x4  }
0x196: {  	(v2sf) =	vpush @!p1 v1, $0x0;
	_ =	sdelay $0xe  }
.Ltmp24:
0x197: {  	s3 =	spop @!p1 (v2sf);
	(pc) =	sbr.rel @p2 .LBB2_29-.Ltmp24, $4  }
0x198: {  	p3 =	seq.s32 @!p1 s12, s3  }
0x199: {  	p3 =	por !p3, p1  }
0x19a: {  	s14 =	simm.s32 @p3 $0xFFFFFFFF  }
0x19b: {  	s14 =	smov.u32 @p1 s2  }
.LBB2_30:
0x19c: {  	p1 =	seq.s32 s14, $0xFFFFFFFF  }
.Ltmp25:
0x19d: {  	_ = 	snop;
	(pc) =	sbr.rel @p1 .LBB2_32-.Ltmp25, $1  }
0x19e: {  	_ =	sdelay $0x3  }
0x19f: {  	s0 =	sshll.u32 s11, $0x7  }
0x1a0: {  	s0 =	sand.u32 $0x3FFFFF80, s0  }
0x1a1: {  	v0 =	vld [tilespmem:s0+$0xF238];
	_ =	sdelay $0x2  }
0x1a2: {  	s2 =	sshll.u32 s14, $0x9  }
0x1a3: {  	s2 =	sshra.s32 s2, $0x2  }
0x1a4: {  	[tilespmem:s2+$0xF238] =	vst.add.f32.msk $0xffff, v0  }
0x1a5: {  	v0 =	vld [tilespmem:s0+$0xF248];
	_ =	sdelay $0x4  }
0x1a6: {  	[tilespmem:s2+$0xF248] =	vst.add.f32.msk $0xffff, v0  }
0x1a7: {  	v0 =	vld [tilespmem:s0+$0xF258];
	_ =	sdelay $0x4  }
0x1a8: {  	[tilespmem:s2+$0xF258] =	vst.add.f32.msk $0xffff, v0  }
0x1a9: {  	v0 =	vld [tilespmem:s0+$0xF268];
	_ =	sdelay $0x4  }
0x1aa: {  	[tilespmem:s2+$0xF268] =	vst.add.f32.msk $0xffff, v0  }
0x1ab: {  	v0 =	vld [tilespmem:s0+$0xF278];
	_ =	sdelay $0x4  }
0x1ac: {  	[tilespmem:s2+$0xF278] =	vst.add.f32.msk $0xffff, v0  }
0x1ad: {  	v0 =	vld [tilespmem:s0+$0xF288];
	_ =	sdelay $0x4  }
0x1ae: {  	[tilespmem:s2+$0xF288] =	vst.add.f32.msk $0xffff, v0  }
0x1af: {  	v0 =	vld [tilespmem:s0+$0xF298];
	_ =	sdelay $0x4  }
0x1b0: {  	[tilespmem:s2+$0xF298] =	vst.add.f32.msk $0xffff, v0  }
0x1b1: {  	v0 =	vld [tilespmem:s0+$0xF2A8]  }
.Ltmp26:
0x1b2: {  	_ = 	snop;
	(pc) =	sbr.rel .LBB2_33-.Ltmp26, $2  }
0x1b3: {  	_ =	sdelay $0x2  }
0x1b4: {  	[tilespmem:s2+$0xF2A8] =	vst.add.f32.msk $0xffff, v0  }
.LBB2_34:
0x1b5: {  	s0 =	simm.s32 $0x6;
	p1 =	seq.s32 s6, $0x0  }
0x1b6: {  	[sflag:s0] =	ssyncpa.u1 $0x1;
	v0 =	vimm.s32 @p1 $0xFFFFFFFF  }
0x1b7: {  	s9 =	sadd.s32 $0xFFFFFFFF, s6;
	[tilespmem:$0x10238] =	vst @p1 v0  }
0x1b8: {  	v0 =	vld.msk @!p1 [tilespmem:s9+$0xF218], $0x1;
	_ =	sdelay $0x1  }
0x1b9: {  	v1 =	vld.msk @!p1 [tilespmem:$0xF218], $0x1;
	_ =	sdelay $0x2  }
0x1ba: {  	p2 =	seq.s32 @!p1 s9, $0x0;
	v0 =	vbroadcast @!p1 v0, $0x0  }
0x1bb: {  	vm0 =	vmmov @!p1 $0x1;
	p2 =	por !p2, p1  }
0x1bc: {  	v1 =	vnsel @!p1 vm0, $0xFFFFFFFF, v1;
	vm0 =	vcmask @!p1 $0x308;
	v0 =	vpsel !p2, $0xFFFFFFFF, v0  }
0x1bd: {  	p2 =	sne.s32 @!p1 s8, s7;
	v0 =	vsel @!p1 vm0, v1, v0  }
0x1be: {  	s0 =	simm.s32 @!p1 $0xF238;
	s2 =	simm.s32 @!p1 $0x0;
	p3 =	por !p2, p1;
	[tilespmem:$0x10238] =	vst @!p1 v0  }
0x1bf: {  	[spmem:s2] =	stream.linear.scatter @!p1 [tilespmem:s0], [sflag:$0x1], $0x80, $0x38;
	[tilespmem:$0x1F6F8] =	vst v63  }
0x1c0: {  	s0 =	sshll.u32 @!p3 s9, $0x9  }
0x1c1: {  	s0 =	sshra.s32 @!p3 s0, $0x2  }
0x1c2: {  	s2 =	simm.s32 @!p3 $0x80;
	s0 =	sadd.s32 @!p3 $0xF238, s0  }
0x1c3: {  	[spmem:s2] =	stream.linear.scatter @!p3 [tilespmem:s0], [sflag:$0x1], $0x80, $0x38;
	[tilespmem:$0x1F6F8] =	vst v63  }
0x1c4: {  	s0 =	simm.s32 @!p3 $0x1  }
0x1c5: {  	_ =	swait.ge @!p3 [sflag:s0], $0x100  }
0x1c6: {  	p1 =	por p2, p1;
	[sflag:s0] =	ssyncset.done @!p3 $0x0  }
0x1c7: {  	[sflag:s0] =	ssyncadd.s32 @!p3 $0xFFFFFF00;
	s0 =	simm.s32 @!p1 $0x1  }
0x1c8: {  	_ =	swait.ge @!p1 [sflag:s0], $0x80  }
0x1c9: {  	s29 =	simm.s32 $0x10238;
	[sflag:s0] =	ssyncset.done @!p1 $0x0  }
0x1ca: {  	s30 =	simm.s32 $0x1000;
	s31 =	simm.s32 $0x1;
	[sflag:s0] =	ssyncadd.s32 @!p1 $0xFFFFFF80  }
0x1cb: {  	[spmem:s30] =	stream.linear.scatter [tilespmem:s29], [sflag:$0x1], $0x10, $0x38;
	[tilespmem:$0x1F6F8] =	vst v63  }
0x1cc: {  	_ =	swait.ge [sflag:s31], $0x10  }
0x1cd: {  	[sflag:s31] =	ssyncset.done $0x0  }
0x1ce: {  	p1 =	seq.s32 s15, $0x0;
	s8 =	rddreg [dreg:$0x1];
	[sflag:s31] =	ssyncadd.s32 $0xFFFFFFF0  }
0x1cf: {  	s2 =	sshll.u32 @p1 s8, $0xE;
	s7 =	rddreg [dreg:$0x2]  }
0x1d0: {  	s0 =	sadd.s32 @p1 $0x15C3C, s2;
	s2 =	sshll.u32 @p1 s7, $0x11  }
0x1d1: {  	_ =	sfence.stream.spmem;
	s0 =	sor.u32 @p1 s2, s0  }
0x1d2: {  	[sflag:s0] =	ssyncadd.remote.s32 @p1 $0x1;
	s0 =	simm.s32 @p1 $0x4  }
0x1d3: {  	s3 =	simm.s32 @!p1 $0x3C;
	s2 =	sand.u32 $0xFFFFFFFE, s8;
	_ =	swait.ge @p1 [sflag:s0], $0x22  }
0x1d4: {  	s4 =	simm.s32 @!p1 $0x0;
	s2 =	sadd.s32 @!p1 $0x4, s2;
	[sflag:s0] =	ssyncset.done @p1 $0x0  }
0x1d5: {  	s5 =	simm.s32 @!p1 $0x100;
	[sflag:s0] =	ssyncadd.s32 @p1 $0xFFFFFFDE;
	s0 =	sshll.u32 @!p1 s2, $0x1A  }
0x1d6: {  	s2 =	sshll.u32 @!p1 s2, $0xD;
	s0 =	sor.u32 @!p1 s0, s7;
	_ =	swait.eq @!p1 [sflag:s3], $0x1  }
0x1d7: {  	s2 =	sor.u32 @!p1 $0x1C04, s2;
	s3 =	simm.s32 @!p1 $0x1C03;
	s0 =	sor.u32 @!p1 $0x80004000, s0  }
0x1d8: {  	[spmem:s5], [sflag:s2] =	dma.general @!p1 [spmem:s4], [sflag:s3], length:$0x20, [dreg:$0x0], stride_count:$0x0, ici_dest:s0, dma_misc:DstOpCode:WRITE  }
0x1d9: {  	p2 =	slt.s32 s9, $0x2;
	s4 =	simm.s32 @!p1 $0x200;
	s5 =	simm.s32 @!p1 $0x202  }
0x1da: {  	[spmem:s5], [sflag:s2] =	dma.general @!p1 [spmem:s4], [sflag:s3], length:$0x2, [dreg:$0x0], stride_count:$0x0, ici_dest:s0, dma_misc:DstOpCode:WRITE  }
.Ltmp27:
0x1db: {  	s0 =	simm.s32 @!p1 $0x3;
	(pc) =	sbr.rel @p2 .LBB2_38-.Ltmp27, $4  }
0x1dc: {  	s2 =	sshll.u32 @!p1 s8, $0xE;
	_ =	swait.ge @!p1 [sflag:s0], $0x22  }
0x1dd: {  	s3 =	sshll.u32 @!p1 s7, $0x11;
	s2 =	sadd.s32 @!p1 $0x11C3C, s2;
	[sflag:s0] =	ssyncset.done @!p1 $0x0  }
0x1de: {  	[sflag:s0] =	ssyncadd.s32 @!p1 $0xFFFFFFDE;
	s0 =	sor.u32 @!p1 s3, s2  }
0x1df: {  	[sflag:s0] =	ssyncadd.remote.s32 @!p1 $0xFFFFFFFF;
	s0 =	simm.s32 $0x0  }
0x1e0: {  	s0 =	simm.s32 $0xF219  }
0x1e1: {  	v0 =	vld.msk [tilespmem:s0+$0x0], $0x1;
	_ =	sdelay $0x4  }
0x1e2: {  	(v2sf) =	vpush v0, $0x0;
	_ =	sdelay $0xb  }
0x1e3: {  	s31 =	sadd.s32 $0xFFFFFFFE, s6  }
0x1e4: {  	s0 =	sadd.s32 $0xFFFFFFFF, s31  }
0x1e5: {  	p2 =	sne.s32 s0, $0x0  }
.Ltmp28:
0x1e6: {  	s2 =	spop (v2sf);
	(pc) =	sbr.rel @!p2 .LBB2_37-.Ltmp28, $4  }
0x1e7: {  	s4 =	simm.s32 $0xF2B8;
	s7 =	simm.s32 $0x0;
	p1 =	sgt.u32 s2, $0x270F0  }
0x1e8: {  	s5 =	simm.s32 $0x0;
	s6 =	simm.s32 $0xF21A;
	s3 =	sand.u32 @!p1 $0x3FFF8, s2  }
0x1e9: {  	s2 =	sand.u32 @!p1 $0x7, s2;
	s7 =	simm.s32 @!p1 $0x200;
	s3 =	sadd.s32 @!p1 s1, s3  }
0x1ea: {  	[hbm4b:s3+s2] =	stream.linear.scatter @!p1 [tilespmem:s4], [sflag:$0x5], $0x80, $0x38;
	[tilespmem:$0x1F6F8] =	vst v63  }
.LBB2_36:
0x1eb: {  	v0 =	vld.msk [tilespmem:s6+$0x0], $0x1;
	s0 =	sadd.s32 $0xFFFFFFFF, s0;
	s5 =	sadd.s32 s5, s7  }
0x1ec: {  	p1 =	sne.s32 s0, $0x0;
	_ =	sdelay $0x3  }
0x1ed: {  	(v2sf) =	vpush v0, $0x0;
	_ =	sdelay $0xe  }
.Ltmp29:
0x1ee: {  	s2 =	spop (v2sf);
	(pc) =	sbr.rel @p1 .LBB2_36-.Ltmp29, $4  }
0x1ef: {  	s7 =	simm.s32 $0x0;
	p2 =	sgt.u32 s2, $0x270F0  }
0x1f0: {  	s4 =	sadd.s32 $0x80, s4;
	s7 =	simm.s32 @!p2 $0x200;
	s3 =	sand.u32 @!p2 $0x3FFF8, s2  }
0x1f1: {  	s6 =	sadd.s32 $0x1, s6;
	s2 =	sand.u32 @!p2 $0x7, s2;
	s3 =	sadd.s32 @!p2 s1, s3  }
0x1f2: {  	[hbm4b:s3+s2] =	stream.linear.scatter @!p2 [tilespmem:s4], [sflag:$0x5], $0x80, $0x38;
	[tilespmem:$0x1F6F8] =	vst v63  }
.LBB2_37:
0x1f3: {  	s0 =	sadd.s32 s5, s7  }
0x1f4: {  	s0 =	sshrl.u32 s0, $0x2  }
.LBB2_38:
0x1f5: {  	s2 =	simm.s32 $0x5  }
0x1f6: {  	_ =	swait.ge [sflag:s2], s0  }
0x1f7: {  	s31 =	ssub.s32 $0x0, s0;
	[sflag:s2] =	ssyncset.done $0x0  }
0x1f8: {  	[sflag:s2] =	ssyncadd.s32 s31  }
0x1f9: {  	[sflag:s2] =	ssyncpa.u1 $0x1  }
.LBB2_39:
0x1fa: {  	s0 =	sor.u32 s15, s16  }
0x1fb: {  	p1 =	sne.s32 s0, $0x0  }
.Ltmp30:
0x1fc: {  	_ = 	snop;
	(pc) =	sbr.rel @p1 .LBB2_54-.Ltmp30, $3  }
0x1fd: {  	_ =	sdelay $0x1  }
0x1fe: {  	[bflag:$0x0] =	sbarrier.arrive $0xFFFF  }
0x1ff: {  	_ =	sfence  }
0x200: {  	s0 =	simm.s32 $0x7  }
0x201: {  	s2 =	simm.s32 $0x1000;
	s3 =	simm.s32 $0xF218;
	[sflag:s0] =	ssyncpa.u1 $0x0  }
0x202: {  	[tilespmem:s3], [sflag:$0x7] =	stream.linear.gather [spmem:s2], $0x20, $0x38;
	[tilespmem:$0x1F6F8] =	vst v63  }
0x203: {  	s30 =	simm.s32 $0xF238;
	s2 =	simm.s32 $0x0  }
0x204: {  	[tilespmem:s30], [sflag:$0x7] =	stream.linear.gather [spmem:s2], $0x1000, $0x38;
	[tilespmem:$0x1F6F8] =	vst v63  }
.Ltmp31:
0x205: {  	_ = 	snop;
	(pc) =	sbr.rel .LBB2_41-.Ltmp31, $4  }
0x206: {  	_ =	swait.ge [sflag:s0], $0x1020  }
0x207: {  	[sflag:s0] =	ssyncset.done $0x0  }
0x208: {  	s31 =	simm.s32 $0x8;
	[sflag:s0] =	ssyncadd.s32 $0xFFFFEFE0  }
0x209: {  	s3 =	simm.s32 $0x0;
	[sflag:s31] =	ssyncpa.u1 $0x0  }
.LBB2_47:
0x20a: {  	p1 =	slt.u32 s4, $0x270F1  }
0x20b: {  	s0 =	sand.u32 @p1 $0x3FFF8, s4  }
0x20c: {  	s4 =	sand.u32 @p1 $0x7, s4;
	s5 =	simm.s32 @p1 $0xF188;
	s0 =	sadd.s32 @p1 s1, s0  }
0x20d: {  	[tilespmem:s5], [sflag:$0x8] =	stream.linear.gather @p1 [hbm4b:s0+s4], $0x80, $0x38;
	[tilespmem:$0x1F6F8] =	vst v63  }
0x20e: {  	s0 =	simm.s32 @p1 $0x8  }
0x20f: {  	_ =	swait.ge @p1 [sflag:s0], $0x80  }
0x210: {  	[sflag:s0] =	ssyncset.done @p1 $0x0  }
0x211: {  	[sflag:s0] =	ssyncadd.s32 @p1 $0xFFFFFF80  }
0x212: {  	v1 =	vld @p1 [tilespmem:$0xF188];
	_ =	sdelay $0x2  }
0x213: {  	s0 =	sshll.u32 @p1 s3, $0x9  }
0x214: {  	s4 =	sshrl.u32 @p1 s0, $0x2  }
0x215: {  	[tilespmem:s4+$0xF238] =	vst.add.f32.msk @p1 $0xffff, v1  }
0x216: {  	v1 =	vld @p1 [tilespmem:$0xF198];
	_ =	sdelay $0x4  }
0x217: {  	[tilespmem:s4+$0xF248] =	vst.add.f32.msk @p1 $0xffff, v1  }
0x218: {  	v1 =	vld @p1 [tilespmem:$0xF1A8];
	_ =	sdelay $0x4  }
0x219: {  	[tilespmem:s4+$0xF258] =	vst.add.f32.msk @p1 $0xffff, v1  }
0x21a: {  	v1 =	vld @p1 [tilespmem:$0xF1B8];
	_ =	sdelay $0x4  }
0x21b: {  	[tilespmem:s4+$0xF268] =	vst.add.f32.msk @p1 $0xffff, v1  }
0x21c: {  	v1 =	vld @p1 [tilespmem:$0xF1C8];
	_ =	sdelay $0x4  }
0x21d: {  	[tilespmem:s4+$0xF278] =	vst.add.f32.msk @p1 $0xffff, v1  }
0x21e: {  	v1 =	vld @p1 [tilespmem:$0xF1D8];
	_ =	sdelay $0x4  }
0x21f: {  	[tilespmem:s4+$0xF288] =	vst.add.f32.msk @p1 $0xffff, v1  }
0x220: {  	v1 =	vld @p1 [tilespmem:$0xF1E8];
	_ =	sdelay $0x4  }
0x221: {  	[tilespmem:s4+$0xF298] =	vst.add.f32.msk @p1 $0xffff, v1  }
0x222: {  	v1 =	vld @p1 [tilespmem:$0xF1F8];
	_ =	sdelay $0x3  }
0x223: {  	s5 =	sshll.u32 @!p1 s3, $0x9  }
0x224: {  	s5 =	smov.u32 @p1 s0;
	[tilespmem:s4+$0xF2A8] =	vst.add.f32.msk @p1 $0xffff, v1  }
0x225: {  	s0 =	sshrl.u32 s5, $0x2;
	[tilespmem:s2+$0xF218] =	vst.msk $0x1, v0  }
0x226: {  	v0 =	vld [tilespmem:s0+$0xF238];
	_ =	sdelay $0x2  }
0x227: {  	s31 =	sshll.u32 s2, $0x9  }
0x228: {  	s4 =	sshra.s32 s31, $0x2  }
0x229: {  	[tilespmem:s4+$0xF238] =	vst v0  }
0x22a: {  	v0 =	vld [tilespmem:s0+$0xF248];
	_ =	sdelay $0x4  }
0x22b: {  	[tilespmem:s4+$0xF248] =	vst v0  }
0x22c: {  	v0 =	vld [tilespmem:s0+$0xF258];
	_ =	sdelay $0x4  }
0x22d: {  	[tilespmem:s4+$0xF258] =	vst v0  }
0x22e: {  	v0 =	vld [tilespmem:s0+$0xF268];
	_ =	sdelay $0x4  }
0x22f: {  	[tilespmem:s4+$0xF268] =	vst v0  }
0x230: {  	v0 =	vld [tilespmem:s0+$0xF278];
	_ =	sdelay $0x4  }
0x231: {  	[tilespmem:s4+$0xF278] =	vst v0  }
0x232: {  	v0 =	vld [tilespmem:s0+$0xF288];
	_ =	sdelay $0x4  }
0x233: {  	[tilespmem:s4+$0xF288] =	vst v0  }
0x234: {  	v0 =	vld [tilespmem:s0+$0xF298];
	_ =	sdelay $0x4  }
0x235: {  	[tilespmem:s4+$0xF298] =	vst v0  }
0x236: {  	v0 =	vld [tilespmem:s0+$0xF2A8];
	_ =	sdelay $0x4  }
0x237: {  	s2 =	sadd.s32 $0x1, s2;
	[tilespmem:s4+$0xF2A8] =	vst v0  }
.LBB2_48:
0x238: {  	s3 =	sadd.s32 $0x1, s3  }
0x239: {  	p1 =	sne.s32 s3, $0x20  }
.Ltmp32:
0x23a: {  	_ = 	snop;
	(pc) =	sbr.rel @!p1 .LBB2_49-.Ltmp32, $1  }
0x23b: {  	_ =	sdelay $0x3  }
.LBB2_41:
0x23c: {  	v0 =	vld.msk [tilespmem:s3+$0xF218], $0x1;
	_ =	sdelay $0x4  }
0x23d: {  	(v2sf) =	vpush v0, $0x0;
	_ =	sdelay $0xe  }
0x23e: {  	s4 =	spop (v2sf)  }
0x23f: {  	p1 =	seq.s32 s4, $0xFFFFFFFF  }
.Ltmp33:
0x240: {  	_ = 	snop;
	(pc) =	sbr.rel @p1 .LBB2_48-.Ltmp33, $1  }
0x241: {  	_ =	sdelay $0x3  }
0x242: {  	p1 =	slt.s32 s2, $0x1  }
.Ltmp34:
0x243: {  	_ = 	snop;
	(pc) =	sbr.rel @p1 .LBB2_47-.Ltmp34, $1  }
0x244: {  	_ =	sdelay $0x3  }
0x245: {  	s5 =	simm.s32 $0xF218;
	p1 =	por $0x0, $0x0  }
0x246: {  	v1 =	vld.msk @!p1 [tilespmem:s5+$0x0], $0x1;
	_ =	sdelay $0x4  }
0x247: {  	(v2sf) =	vpush @!p1 v1, $0x0;
	_ =	sdelay $0xd  }
0x248: {  	p3 =	sne.s32 s2, $0x1  }
.Ltmp35:
0x249: {  	s0 =	spop @!p1 (v2sf);
	(pc) =	sbr.rel @!p3 .LBB2_45-.Ltmp35, $4  }
0x24a: {  	p2 =	seq.s32 @!p1 s4, s0  }
0x24b: {  	s6 =	simm.s32 $0x0;
	p2 =	por !p2, p1  }
0x24c: {  	s7 =	simm.s32 $0xFFFFFFFF;
	s6 =	simm.s32 @p2 $0xFFFFFFFF  }
0x24d: {  	s0 =	simm.s32 $0x1;
	s6 =	smov.u32 @p1 s7  }
.LBB2_44:
0x24e: {  	s7 =	smov.u32 s6;
	p1 =	sne.s32 s6, $0xFFFFFFFF  }
0x24f: {  	s5 =	sadd.s32 $0x1, s5;
	s6 =	smov.u32 s0;
	s0 =	sadd.s32 $0x1, s0  }
0x250: {  	p2 =	sne.s32 s2, s0;
	v1 =	vld.msk @!p1 [tilespmem:s5+$0x0], $0x1;
	_ =	sdelay $0x4  }
0x251: {  	(v2sf) =	vpush @!p1 v1, $0x0;
	_ =	sdelay $0xe  }
.Ltmp36:
0x252: {  	s8 =	spop @!p1 (v2sf);
	(pc) =	sbr.rel @p2 .LBB2_44-.Ltmp36, $4  }
0x253: {  	p3 =	seq.s32 @!p1 s4, s8  }
0x254: {  	p3 =	por !p3, p1  }
0x255: {  	s6 =	simm.s32 @p3 $0xFFFFFFFF  }
0x256: {  	s6 =	smov.u32 @p1 s7  }
.LBB2_45:
0x257: {  	p1 =	seq.s32 s6, $0xFFFFFFFF  }
.Ltmp37:
0x258: {  	_ = 	snop;
	(pc) =	sbr.rel @p1 .LBB2_47-.Ltmp37, $1  }
0x259: {  	_ =	sdelay $0x3  }
0x25a: {  	s0 =	sshll.u32 s3, $0x7  }
0x25b: {  	s0 =	sand.u32 $0x3FFFFF80, s0  }
0x25c: {  	v0 =	vld [tilespmem:s0+$0xF238];
	_ =	sdelay $0x2  }
0x25d: {  	s4 =	sshll.u32 s6, $0x9  }
0x25e: {  	s4 =	sshra.s32 s4, $0x2  }
0x25f: {  	[tilespmem:s4+$0xF238] =	vst.add.f32.msk $0xffff, v0  }
0x260: {  	v0 =	vld [tilespmem:s0+$0xF248];
	_ =	sdelay $0x4  }
0x261: {  	[tilespmem:s4+$0xF248] =	vst.add.f32.msk $0xffff, v0  }
0x262: {  	v0 =	vld [tilespmem:s0+$0xF258];
	_ =	sdelay $0x4  }
0x263: {  	[tilespmem:s4+$0xF258] =	vst.add.f32.msk $0xffff, v0  }
0x264: {  	v0 =	vld [tilespmem:s0+$0xF268];
	_ =	sdelay $0x4  }
0x265: {  	[tilespmem:s4+$0xF268] =	vst.add.f32.msk $0xffff, v0  }
0x266: {  	v0 =	vld [tilespmem:s0+$0xF278];
	_ =	sdelay $0x4  }
0x267: {  	[tilespmem:s4+$0xF278] =	vst.add.f32.msk $0xffff, v0  }
0x268: {  	v0 =	vld [tilespmem:s0+$0xF288];
	_ =	sdelay $0x4  }
0x269: {  	[tilespmem:s4+$0xF288] =	vst.add.f32.msk $0xffff, v0  }
0x26a: {  	v0 =	vld [tilespmem:s0+$0xF298];
	_ =	sdelay $0x4  }
0x26b: {  	[tilespmem:s4+$0xF298] =	vst.add.f32.msk $0xffff, v0  }
0x26c: {  	v0 =	vld [tilespmem:s0+$0xF2A8]  }
.Ltmp38:
0x26d: {  	_ = 	snop;
	(pc) =	sbr.rel .LBB2_48-.Ltmp38, $2  }
0x26e: {  	_ =	sdelay $0x2  }
0x26f: {  	[tilespmem:s4+$0xF2A8] =	vst.add.f32.msk $0xffff, v0  }
.LBB2_49:
0x270: {  	p1 =	slt.s32 s2, $0x1  }
.Ltmp39:
0x271: {  	_ = 	snop;
	(pc) =	sbr.rel @p1 .LBB2_53-.Ltmp39, $3  }
0x272: {  	_ =	sdelay $0x1  }
0x273: {  	s0 =	simm.s32 $0x8  }
0x274: {  	s3 =	simm.s32 $0x0;
	[sflag:s0] =	ssyncpa.u1 $0x1  }
0x275: {  	s0 =	simm.s32 $0xF218  }
0x276: {  	v0 =	vld.msk [tilespmem:s0+$0x0], $0x1;
	_ =	sdelay $0x4  }
0x277: {  	(v2sf) =	vpush v0, $0x0;
	_ =	sdelay $0xe  }
0x278: {  	s0 =	sadd.s32 $0xFFFFFFFF, s2;
	s5 =	spop (v2sf)  }
0x279: {  	p2 =	sne.s32 s0, $0x0;
	p1 =	sgt.u32 s5, $0x270F0  }
.Ltmp40:
0x27a: {  	s6 =	sand.u32 @!p1 $0x3FFF8, s5;
	(pc) =	sbr.rel @!p2 .LBB2_52-.Ltmp40, $4  }
0x27b: {  	s4 =	simm.s32 $0xF238;
	s5 =	sand.u32 @!p1 $0x7, s5;
	s2 =	sadd.s32 @!p1 s1, s6  }
0x27c: {  	[hbm4b:s2+s5] =	stream.linear.scatter @!p1 [tilespmem:s4], [sflag:$0x7], $0x80, $0x38;
	[tilespmem:$0x1F6F8] =	vst v63  }
0x27d: {  	s5 =	simm.s32 $0x0  }
0x27e: {  	s2 =	simm.s32 $0xF219;
	s5 =	simm.s32 @!p1 $0x200  }
.LBB2_51:
0x27f: {  	v0 =	vld.msk [tilespmem:s2+$0x0], $0x1;
	s0 =	sadd.s32 $0xFFFFFFFF, s0;
	s3 =	sadd.s32 s3, s5  }
0x280: {  	p1 =	sne.s32 s0, $0x0;
	_ =	sdelay $0x3  }
0x281: {  	(v2sf) =	vpush v0, $0x0;
	_ =	sdelay $0xe  }
.Ltmp41:
0x282: {  	s6 =	spop (v2sf);
	(pc) =	sbr.rel @p1 .LBB2_51-.Ltmp41, $4  }
0x283: {  	s5 =	simm.s32 $0x0;
	p2 =	sgt.u32 s6, $0x270F0  }
0x284: {  	s4 =	sadd.s32 $0x80, s4;
	s5 =	simm.s32 @!p2 $0x200;
	s7 =	sand.u32 @!p2 $0x3FFF8, s6  }
0x285: {  	s2 =	sadd.s32 $0x1, s2;
	s6 =	sand.u32 @!p2 $0x7, s6;
	s7 =	sadd.s32 @!p2 s1, s7  }
0x286: {  	[hbm4b:s7+s6] =	stream.linear.scatter @!p2 [tilespmem:s4], [sflag:$0x7], $0x80, $0x38;
	[tilespmem:$0x1F6F8] =	vst v63  }
.LBB2_52:
0x287: {  	s0 =	sadd.s32 s3, s5  }
0x288: {  	s3 =	sshrl.u32 s0, $0x2  }
.LBB2_53:
0x289: {  	s0 =	simm.s32 $0x7  }
0x28a: {  	_ =	swait.ge [sflag:s0], s3  }
0x28b: {  	s1 =	ssub.s32 $0x0, s3;
	[sflag:s0] =	ssyncset.done $0x0  }
0x28c: {  	[sflag:s0] =	ssyncadd.s32 s1  }
0x28d: {  	[sflag:s0] =	ssyncpa.u1 $0x1  }
.LBB2_54:
0x28e: {  	_ =	sfence;
	s0 =	simm.s32 $0x1  }
0x28f: {  	[sflag:s0] =	ssyncpa.u1 $0x1  }
0x290: {  	_ =	strace $0x90000056  }
0x291: {  	[bflag:$0x2] =	sbarrier.arrive $0xFFFF  }
0x292: {  	s0 =	rddreg [dreg:$0x3]  }
0x293: {  	s0 =	sadd.s32 @!p0 $0x100000, s0  }
0x294: {  	[sflag:s0] =	ssyncadd.tile.s32 @!p0 $0x1;
	_ =	shalt  }
.Lfunc_end2:
_tile_overlayer_lowered:
.L_overlay_start_2:
0x295: {  	(tag) =	ssettag $0x2  }
0x296: {  	s0 =	rddreg [dreg:$0x0];
	s2 =	stileid.u32  }
0x297: {  	s1 =	rddreg [dreg:$0x1];
	p0 =	sne.s32 s2, $0x0  }
0x298: {  	s3 =	rddreg [dreg:$0x2];
	[bflag:$0x3] =	sbarrier.arrive $0xFFFF;
	s2 =	simm.s32 @!p0 $0x1C01  }
0x299: {  	[timem:s3], [sflag:s2] =	dma.local @!p0 [hbm:s0], s1  }
0x29a: {  	s0 =	simm.s32 @!p0 $0x1  }
0x29b: {  	_ =	swait.ge @!p0 [sflag:s0], s1  }
0x29c: {  	s1 =	ssub.s32 @!p0 $0x0, s1;
	[sflag:s0] =	ssyncset.done @!p0 $0x0  }
0x29d: {  	[sflag:s0] =	ssyncadd.s32 @!p0 s1  }
0x29e: {  	[bflag:$0x3] =	sbarrier.arrive $0xFFFF  }
0x29f: {  	_ =	shalt  }

// kernel: scatter_offload_async_start
scs
__scs_entry_jumppad:
0x0: {  	(pc) =	sbr.rel $0x88, $3  }
0x1: {  	(tag) =	ssettag $0x0;
	lr =	simm.s32 $0x1  }
0x2: {  	[smem:$0x3F6D] =	sst lr;
	_ =	strace $0xD0000000  }
0x3: {  	_ = 	snop  }
0x4: {  	_ = 	snop  }
0x5: {  	_ = 	snop  }
0x6: {  	_ = 	snop  }
0x7: {  	_ = 	snop  }
__scs_overlays_trampoline_lowered:
0x8: {  	[smem:$0x3F7C] =	sst s0  }
0x9: {  	[smem:$0x3F7D] =	sst s1  }
0xa: {  	[smem:$0x3F7E] =	sst s2  }
0xb: {  	[smem:$0x3F7F] =	sst s3  }
0xc: {  	[smem:$0x3F80] =	sst s4  }
0xd: {  	[smem:$0x3F81] =	sst s5  }
0xe: {  	[smem:$0x3F82] =	sst s6  }
0xf: {  	[smem:$0x3F83] =	sst s7  }
0x10: {  	[smem:$0x3F84] =	sst s8  }
0x11: {  	[smem:$0x3F85] =	sst s9;
	s0 =	simm.s32 @!p0 $0x0  }
0x12: {  	s1 =	sld [smem:$0x3F6B];
	s0 =	simm.s32 @p0 $0x1  }
0x13: {  	[smem:$0x3F86] =	sst s0;
	s0 =	simm.s32 @!p1 $0x0  }
0x14: {  	s2 =	sld [smem:$0x3F6A];
	s0 =	simm.s32 @p1 $0x1  }
0x15: {  	[smem:$0x3F87] =	sst s0;
	s0 =	simm.s32 @!p2 $0x0  }
0x16: {  	s3 =	sld [smem:$0x3FDB];
	s0 =	simm.s32 @p2 $0x1  }
0x17: {  	s4 =	simm.s32 $0x1BF5;
	[smem:$0x3F89] =	sst s0  }
0x18: {  	s0 =	sld [smem:$0x3F6C];
	_ =	swait.ge [sflag:s4], $0x0  }
0x19: {  	s7 =	sld [smem:$0x3F6D]  }
0x1a: {  	s8 =	sadd.s32 $0xFFFFE003, lr  }
0x1b: {  	s9 =	sadd.s32 $0xFFFFFEF7, lr;
	s5 =	simm.s32 $0xFFFFFFFF;
	p2 =	slt.u32 s8, $0xFFFFF086  }
0x1c: {  	p1 =	slt.u32 s9, $0xF7A;
	s5 =	simm.s32 @!p2 $0x0  }
0x1d: {  	s5 =	simm.s32 @p1 $0x1;
	p0 =	seq.s32 s7, s2  }
0x1e: {  	s7 =	smul.u32 @!p0 $0xF7A, s2;
	p2 =	seq.s32 @!p0 s5, $0x0  }
0x1f: {  	s9 =	smul.u32 $0xF7A, s1;
	s8 =	simm.s32 @!p0 $0x1BF5;
	p2 =	por !p2, p0  }
0x20: {  	[sflag:s8] =	ssyncset.s32 @!p0 $0xFFFFF086;
	s6 =	sadd.s32 @!p0 s3, s7;
	s7 =	simm.s32 @!p0 $0x108  }
0x21: {  	s3 =	sadd.s32 s3, s9;
	s6 =	sadd.s32 @!p0 $0x88, s6;
	s7 =	simm.s32 @p2 $0x1082  }
0x22: {  	[simem:s7], [sflag:s8] =	dma.local @!p0 [hbm:s6], $0xF7A  }
0x23: {  	s9 =	sor.u32 $0xD0000000, s2;
	s6 =	simm.s32 $0x108;
	_ =	swait.ge @!p0 [sflag:s8], $0x0  }
0x24: {  	s3 =	sadd.s32 $0x88, s3;
	s6 =	simm.s32 @!p1 $0x1082;
	[sflag:s4] =	ssyncset.s32 $0xFFFFF086  }
0x25: {  	[simem:s6], [sflag:s4] =	dma.local [hbm:s3], $0xF7A  }
0x26: {  	[smem:$0x3F6D] =	sst s1;
	(tag) =	ssettag s2;
	_ =	strace s9  }
0x27: {  	s1 =	sld [smem:$0x3F7D]  }
0x28: {  	s2 =	sld [smem:$0x3F7E]  }
0x29: {  	s4 =	sld [smem:$0x3F80]  }
0x2a: {  	p0 =	seq.s32 s5, $0x0;
	s5 =	sld [smem:$0x3F81]  }
0x2b: {  	s6 =	sld [smem:$0x3F82]  }
0x2c: {  	s7 =	sld [smem:$0x3F83]  }
0x2d: {  	s3 =	simm.s32 $0x108;
	s8 =	sld [smem:$0x3F84]  }
0x2e: {  	s3 =	simm.s32 @!p0 $0x1082;
	s9 =	sld [smem:$0x3F85]  }
0x2f: {  	lr =	sadd.s32 s0, s3;
	s0 =	sld [smem:$0x3F7C]  }
0x30: {  	s3 =	sld [smem:$0x3F7F]  }
0x31: {  	[smem:$0x3F88] =	sst s10  }
0x32: {  	s10 =	sld [smem:$0x3F86];
	_ =	sdelay $0x3  }
0x33: {  	p0 =	seq.s32 s10, $0x1;
	s10 =	sld [smem:$0x3F88];
	_ =	sdelay $0x3  }
0x34: {  	[smem:$0x3F88] =	sst s10  }
0x35: {  	s10 =	sld [smem:$0x3F87];
	_ =	sdelay $0x3  }
0x36: {  	p1 =	seq.s32 s10, $0x1;
	s10 =	sld [smem:$0x3F88];
	_ =	sdelay $0x3  }
0x37: {  	[smem:$0x3F88] =	sst s10  }
0x38: {  	s10 =	sld [smem:$0x3F89]  }
0x39: {  	_ = 	snop;
	(pc) =	sbr.ind lr, $3  }
0x3a: {  	_ = 	snop  }
0x3b: {  	_ = 	snop  }
0x3c: {  	p2 =	seq.s32 s10, $0x1;
	s10 =	sld [smem:$0x3F88]  }
0x3d: {  	_ =	shalt  }
0x3e: {  	_ =	shalt  }
0x3f: {  	_ =	shalt  }
0x40: {  	_ =	shalt  }
0x41: {  	_ =	shalt  }
0x42: {  	_ =	shalt  }
0x43: {  	_ =	shalt  }
0x44: {  	_ =	shalt  }
0x45: {  	_ =	shalt  }
0x46: {  	_ =	shalt  }
0x47: {  	_ =	shalt  }
0x48: {  	_ =	shalt  }
0x49: {  	_ =	shalt  }
0x4a: {  	_ =	shalt  }
0x4b: {  	_ =	shalt  }
0x4c: {  	_ =	shalt  }
0x4d: {  	_ =	shalt  }
0x4e: {  	_ =	shalt  }
0x4f: {  	_ =	shalt  }
0x50: {  	_ =	shalt  }
0x51: {  	_ =	shalt  }
0x52: {  	_ =	shalt  }
0x53: {  	_ =	shalt  }
0x54: {  	_ =	shalt  }
0x55: {  	_ =	shalt  }
0x56: {  	_ =	shalt  }
0x57: {  	_ =	shalt  }
0x58: {  	_ =	shalt  }
0x59: {  	_ =	shalt  }
0x5a: {  	_ =	shalt  }
0x5b: {  	_ =	shalt  }
0x5c: {  	_ =	shalt  }
0x5d: {  	_ =	shalt  }
0x5e: {  	_ =	shalt  }
0x5f: {  	_ =	shalt  }
0x60: {  	_ =	shalt  }
0x61: {  	_ =	shalt  }
0x62: {  	_ =	shalt  }
0x63: {  	_ =	shalt  }
0x64: {  	_ =	shalt  }
0x65: {  	_ =	shalt  }
0x66: {  	_ =	shalt  }
0x67: {  	_ =	shalt  }
0x68: {  	_ =	shalt  }
0x69: {  	_ =	shalt  }
0x6a: {  	_ =	shalt  }
0x6b: {  	_ =	shalt  }
0x6c: {  	_ =	shalt  }
0x6d: {  	_ =	shalt  }
0x6e: {  	_ =	shalt  }
0x6f: {  	_ =	shalt  }
0x70: {  	_ =	shalt  }
0x71: {  	_ =	shalt  }
0x72: {  	_ =	shalt  }
0x73: {  	_ =	shalt  }
0x74: {  	_ =	shalt  }
0x75: {  	_ =	shalt  }
0x76: {  	_ =	shalt  }
0x77: {  	_ =	shalt  }
0x78: {  	_ =	shalt  }
0x79: {  	_ =	shalt  }
0x7a: {  	_ =	shalt  }
0x7b: {  	_ =	shalt  }
0x7c: {  	_ =	shalt  }
0x7d: {  	_ =	shalt  }
0x7e: {  	_ =	shalt  }
0x7f: {  	_ =	shalt  }
0x80: {  	_ =	shalt  }
0x81: {  	_ =	shalt  }
0x82: {  	_ =	shalt  }
0x83: {  	_ =	shalt  }
0x84: {  	_ =	shalt  }
0x85: {  	_ =	shalt  }
0x86: {  	_ =	shalt  }
0x87: {  	_ =	shalt  }
.Lfunc_end0:
.L_simem_size_0:
called_computation_lowered:
.L_overlay_start_0:
0x88: {  	s2 =	sld [smem:$0x3FD9]  }
0x89: {  	s3 =	sld [smem:$0x3FFE];
	_ =	sdelay $0x1  }
0x8a: {  	s1 =	srdreg.scid  }
0x8b: {  	s0 =	sand.u32 $0x1, s1  }
0x8c: {  	s15 =	sshll.u32 s0, $0xA;
	s2 =	sadd.s32 s3, s2  }
0x8d: {  	s2 =	sadd.s32 s2, s15  }
0x8e: {  	[smem:$0x3F94] =	sst s2  }
0x8f: {  	_ = 	snop  }
0x90: {  	(tm) =	ssettm $0x1  }
0x91: {  	s16 =	sld [smem:$0x3FFB];
	_ =	sdelay $0x3  }
0x92: {  	_ =	strace s16  }
0x93: {  	s2 =	sld [smem:$0x3FFC];
	_ =	sdelay $0x3  }
0x94: {  	_ =	strace s2  }
0x95: {  	s2 =	sld [smem:$0x3FFD];
	_ =	sdelay $0x3  }
0x96: {  	_ =	strace s2  }
0x97: {  	_ =	strace $0x8FFFFFFF  }
0x98: {  	s17 =	sld [smem:$0x3FDB];
	_ =	sdelay $0x1  }
0x99: {  	s18 =	simm.s32 $_scs_section_size  }
0x9a: {  	s4 =	simm.s32 $_size__tile_overlayer_lowered;
	s5 =	simm.s32 $_tile_overlayer_lowered  }
0x9b: {  	s21 =	simm.s32 $0x1BFF;
	s20 =	sshll.u32 s5, $0x1;
	s2 =	sadd.s32 s18, s17  }
0x9c: {  	s6 =	simm.s32 $0x0;
	s19 =	sshll.u32 s4, $0x1;
	s4 =	sadd.s32 s20, s2  }
0x9d: {  	[timem:s6], [sflag:s21] =	dma.local [hbm:s4], s19  }
0x9e: {  	_ =	swait.ge [sflag:s21], s19  }
0x9f: {  	s3 =	ssub.s32 $0x0, s19;
	[sflag:s21] =	ssyncset.done $0x0  }
0xa0: {  	[sflag:s21] =	ssyncadd.s32 s3;
	_ =	sdelay $0x1  }
0xa1: {  	s22 =	simm.s32 $0x1B8B  }
0xa2: {  	_ =	swait.ge [sflag:s22], $0x1  }
0xa3: {  	[sflag:s22] =	ssyncset.done $0x0  }
0xa4: {  	s23 =	sld [smem:$0x3FFE];
	[sflag:s22] =	ssyncadd.s32 $0xFFFFFFFF  }
0xa5: {  	s25 =	simm.s32 $0x1B8E;
	s24 =	sld [smem:$0x0]  }
0xa6: {  	s26 =	simm.s32 $execute0_lowered;
	[smem:$0x3FD2] =	sst s25  }
0xa7: {  	s5 =	sshll.u32 s26, $0x1;
	_ =	strace $0x80000046;
	[dreg:$0x1] =	wrdreg $0xFFFFFFFF  }
0xa8: {  	s28 =	simm.s32 $_size_execute0_lowered;
	s2 =	sadd.s32 s2, s5;
	[dreg:$0x0] =	wrdreg $0x0  }
0xa9: {  	s5 =	sshll.u32 s28, $0x1;
	[dreg:$0x2] =	wrdreg s2  }
0xaa: {  	[dreg:$0x3] =	wrdreg s5  }
0xab: {  	[dreg:$0x4] =	wrdreg $0xC0  }
0xac: {  	_ =	task [dreg:s6], $0x5FFFF  }
0xad: {  	[dreg:$0x1] =	wrdreg $0xFFFFFFFF  }
0xae: {  	[dreg:$0x0] =	wrdreg $0x60  }
0xaf: {  	[dreg:$0x2] =	wrdreg s23  }
0xb0: {  	[dreg:$0x3] =	wrdreg s1  }
0xb1: {  	[dreg:$0x4] =	wrdreg s24  }
0xb2: {  	[dreg:$0x5] =	wrdreg $0x9  }
0xb3: {  	_ =	task.clear_ibuf [dreg:s6], $0x6FFFF;
	_ =	strace $0x90000046  }
0xb4: {  	s29 =	simm.s32 $0x9;
	_ =	strace $0x80000048  }
0xb5: {  	_ =	swait.ge [sflag:s29], $0x1  }
0xb6: {  	[sflag:s29] =	ssyncadd.s32 $0xFFFFFFFF  }
0xb7: {  	_ =	strace $0x90000048  }
0xb8: {  	_ =	sfence  }
0xb9: {  	s30 =	sld [smem:$0x0];
	_ =	sdelay $0x2  }
0xba: {  	s31 =	sshll.u32 s1, $0xD;
	s1 =	sshrl.u32 s1, $0x2  }
0xbb: {  	s3 =	sand.u32 $0x4000, s31;
	s1 =	sadd.s32 s1, s30  }
0xbc: {  	s0 =	sor.u32 s3, s0;
	s1 =	sshll.u32 s1, $0x11  }
0xbd: {  	s0 =	sor.u32 s1, s0  }
0xbe: {  	s0 =	sadd.s32 $0x8F2B, s0  }
0xbf: {  	[sflag:s0] =	ssyncadd.remote.s32 $0x1  }
0xc0: {  	_ =	sfence.sel $0xFFFF  }
0xc1: {  	[dreg:$0x0] =	wrdreg $0xFFFFFFFF;
	(pc) =	sbr.abs _section_cstart, $3  }
0xc2: {  	[dreg:$0x1] =	wrdreg $0xFFFFFFFF  }
0xc3: {  	_ =	task.clear_ibuf [dreg:s6], $0x2FFFF;
	_ =	strace $0x9FFFFFFF  }
0xc4: {  	(tm) =	ssettm $0x7FFFFFFF  }
0xc5: {  	_ =	shalt  }
tec
execute0_lowered:
.L_overlay_start_1:
0x0: {  	(tag) =	ssettag $0x1  }
0x1: {  	s11 =	rddreg [dreg:$0x0]  }
0x2: {  	s2 =	rddreg [dreg:$0x1];
	_ =	strace $0x80000047;
	s12 =	simm.s32 $0x1  }
0x3: {  	v0 =	vimm.s32 $0x0;
	[sflag:s12] =	ssyncpa.u1 $0x0  }
0x4: {  	[tilespmem:$0x28] =	vst v0  }
0x5: {  	[tilespmem:$0x38] =	vst v0  }
0x6: {  	[tilespmem:$0x48] =	vst v0  }
0x7: {  	[tilespmem:$0x58] =	vst v0  }
0x8: {  	[tilespmem:$0x68] =	vst v0  }
0x9: {  	[tilespmem:$0x78] =	vst v0  }
0xa: {  	[tilespmem:$0x88] =	vst v0  }
0xb: {  	[tilespmem:$0x98] =	vst v0  }
0xc: {  	[tilespmem:$0xA8] =	vst v0  }
0xd: {  	[tilespmem:$0xB8] =	vst v0  }
0xe: {  	[tilespmem:$0xC8] =	vst v0  }
0xf: {  	[tilespmem:$0xD8] =	vst v0  }
0x10: {  	[tilespmem:$0xE8] =	vst v0  }
0x11: {  	[tilespmem:$0xF8] =	vst v0  }
0x12: {  	[tilespmem:$0x108] =	vst v0  }
0x13: {  	[tilespmem:$0x118] =	vst v0  }
0x14: {  	[tilespmem:$0x128] =	vst v0  }
0x15: {  	[tilespmem:$0x138] =	vst v0  }
0x16: {  	[tilespmem:$0x148] =	vst v0  }
0x17: {  	[tilespmem:$0x158] =	vst v0  }
0x18: {  	[tilespmem:$0x168] =	vst v0  }
0x19: {  	[tilespmem:$0x178] =	vst v0  }
0x1a: {  	[tilespmem:$0x188] =	vst v0  }
0x1b: {  	[tilespmem:$0x198] =	vst v0  }
0x1c: {  	[tilespmem:$0x1A8] =	vst v0  }
0x1d: {  	[tilespmem:$0x1B8] =	vst v0  }
0x1e: {  	[tilespmem:$0x1C8] =	vst v0  }
0x1f: {  	[tilespmem:$0x1D8] =	vst v0  }
0x20: {  	[tilespmem:$0x1E8] =	vst v0  }
0x21: {  	[tilespmem:$0x1F8] =	vst v0  }
0x22: {  	[tilespmem:$0x208] =	vst v0  }
0x23: {  	[tilespmem:$0x218] =	vst v0  }
0x24: {  	[tilespmem:$0x228] =	vst v0  }
0x25: {  	[tilespmem:$0x238] =	vst v0  }
0x26: {  	[tilespmem:$0x248] =	vst v0  }
0x27: {  	[tilespmem:$0x258] =	vst v0  }
0x28: {  	[tilespmem:$0x268] =	vst v0  }
0x29: {  	[tilespmem:$0x278] =	vst v0  }
0x2a: {  	[tilespmem:$0x288] =	vst v0  }
0x2b: {  	[tilespmem:$0x298] =	vst v0  }
0x2c: {  	[tilespmem:$0x2A8] =	vst v0  }
0x2d: {  	[tilespmem:$0x2B8] =	vst v0  }
0x2e: {  	[tilespmem:$0x2C8] =	vst v0  }
0x2f: {  	[tilespmem:$0x2D8] =	vst v0  }
0x30: {  	[tilespmem:$0x2E8] =	vst v0  }
0x31: {  	[tilespmem:$0x2F8] =	vst v0  }
0x32: {  	[tilespmem:$0x308] =	vst v0  }
0x33: {  	[tilespmem:$0x318] =	vst v0  }
0x34: {  	[tilespmem:$0x328] =	vst v0  }
0x35: {  	[tilespmem:$0x338] =	vst v0  }
0x36: {  	[tilespmem:$0x348] =	vst v0  }
0x37: {  	[tilespmem:$0x358] =	vst v0  }
0x38: {  	[tilespmem:$0x368] =	vst v0  }
0x39: {  	[tilespmem:$0x378] =	vst v0  }
0x3a: {  	[tilespmem:$0x388] =	vst v0  }
0x3b: {  	[tilespmem:$0x398] =	vst v0  }
0x3c: {  	[tilespmem:$0x3A8] =	vst v0  }
0x3d: {  	[tilespmem:$0x3B8] =	vst v0  }
0x3e: {  	[tilespmem:$0x3C8] =	vst v0  }
0x3f: {  	[tilespmem:$0x3D8] =	vst v0  }
0x40: {  	[tilespmem:$0x3E8] =	vst v0  }
0x41: {  	[tilespmem:$0x3F8] =	vst v0  }
0x42: {  	[tilespmem:$0x408] =	vst v0  }
0x43: {  	[tilespmem:$0x418] =	vst v0  }
0x44: {  	[tilespmem:$0x428] =	vst v0  }
0x45: {  	[tilespmem:$0x438] =	vst v0  }
0x46: {  	[tilespmem:$0x448] =	vst v0  }
0x47: {  	[tilespmem:$0x458] =	vst v0  }
0x48: {  	[tilespmem:$0x468] =	vst v0  }
0x49: {  	[tilespmem:$0x478] =	vst v0  }
0x4a: {  	[tilespmem:$0x488] =	vst v0  }
0x4b: {  	[tilespmem:$0x498] =	vst v0  }
0x4c: {  	[tilespmem:$0x4A8] =	vst v0  }
0x4d: {  	[tilespmem:$0x4B8] =	vst v0  }
0x4e: {  	[tilespmem:$0x4C8] =	vst v0  }
0x4f: {  	[tilespmem:$0x4D8] =	vst v0  }
0x50: {  	[tilespmem:$0x4E8] =	vst v0  }
0x51: {  	[tilespmem:$0x4F8] =	vst v0  }
0x52: {  	[tilespmem:$0x508] =	vst v0  }
0x53: {  	[tilespmem:$0x518] =	vst v0  }
0x54: {  	[tilespmem:$0x528] =	vst v0  }
0x55: {  	[tilespmem:$0x538] =	vst v0  }
0x56: {  	[tilespmem:$0x548] =	vst v0  }
0x57: {  	[tilespmem:$0x558] =	vst v0  }
0x58: {  	[tilespmem:$0x568] =	vst v0  }
0x59: {  	[tilespmem:$0x578] =	vst v0  }
0x5a: {  	[tilespmem:$0x588] =	vst v0  }
0x5b: {  	[tilespmem:$0x598] =	vst v0  }
0x5c: {  	[tilespmem:$0x5A8] =	vst v0  }
0x5d: {  	[tilespmem:$0x5B8] =	vst v0  }
0x5e: {  	[tilespmem:$0x5C8] =	vst v0  }
0x5f: {  	[tilespmem:$0x5D8] =	vst v0  }
0x60: {  	[tilespmem:$0x5E8] =	vst v0  }
0x61: {  	[tilespmem:$0x5F8] =	vst v0  }
0x62: {  	[tilespmem:$0x608] =	vst v0  }
0x63: {  	[tilespmem:$0x618] =	vst v0  }
0x64: {  	[tilespmem:$0x628] =	vst v0  }
0x65: {  	[tilespmem:$0x638] =	vst v0  }
0x66: {  	[tilespmem:$0x648] =	vst v0  }
0x67: {  	[tilespmem:$0x658] =	vst v0  }
0x68: {  	[tilespmem:$0x668] =	vst v0  }
0x69: {  	[tilespmem:$0x678] =	vst v0  }
0x6a: {  	[tilespmem:$0x688] =	vst v0  }
0x6b: {  	[tilespmem:$0x698] =	vst v0  }
0x6c: {  	[tilespmem:$0x6A8] =	vst v0  }
0x6d: {  	[tilespmem:$0x6B8] =	vst v0  }
0x6e: {  	[tilespmem:$0x6C8] =	vst v0  }
0x6f: {  	[tilespmem:$0x6D8] =	vst v0  }
0x70: {  	[tilespmem:$0x6E8] =	vst v0  }
0x71: {  	[tilespmem:$0x6F8] =	vst v0  }
0x72: {  	[tilespmem:$0x708] =	vst v0  }
0x73: {  	[tilespmem:$0x718] =	vst v0  }
0x74: {  	[tilespmem:$0x728] =	vst v0  }
0x75: {  	[tilespmem:$0x738] =	vst v0  }
0x76: {  	[tilespmem:$0x748] =	vst v0  }
0x77: {  	[tilespmem:$0x758] =	vst v0  }
0x78: {  	[tilespmem:$0x768] =	vst v0  }
0x79: {  	[tilespmem:$0x778] =	vst v0  }
0x7a: {  	[tilespmem:$0x788] =	vst v0  }
0x7b: {  	[tilespmem:$0x798] =	vst v0  }
0x7c: {  	[tilespmem:$0x7A8] =	vst v0  }
0x7d: {  	[tilespmem:$0x7B8] =	vst v0  }
0x7e: {  	[tilespmem:$0x7C8] =	vst v0  }
0x7f: {  	[tilespmem:$0x7D8] =	vst v0  }
0x80: {  	[tilespmem:$0x7E8] =	vst v0  }
0x81: {  	[tilespmem:$0x7F8] =	vst v0  }
0x82: {  	[tilespmem:$0x808] =	vst v0  }
0x83: {  	[tilespmem:$0x818] =	vst v0  }
0x84: {  	[tilespmem:$0x828] =	vst v0  }
0x85: {  	[tilespmem:$0x838] =	vst v0  }
0x86: {  	[tilespmem:$0x848] =	vst v0  }
0x87: {  	[tilespmem:$0x858] =	vst v0  }
0x88: {  	[tilespmem:$0x868] =	vst v0  }
0x89: {  	[tilespmem:$0x878] =	vst v0  }
0x8a: {  	[tilespmem:$0x888] =	vst v0  }
0x8b: {  	[tilespmem:$0x898] =	vst v0  }
0x8c: {  	[tilespmem:$0x8A8] =	vst v0  }
0x8d: {  	[tilespmem:$0x8B8] =	vst v0  }
0x8e: {  	[tilespmem:$0x8C8] =	vst v0  }
0x8f: {  	[tilespmem:$0x8D8] =	vst v0  }
0x90: {  	[tilespmem:$0x8E8] =	vst v0  }
0x91: {  	[tilespmem:$0x8F8] =	vst v0  }
0x92: {  	[tilespmem:$0x908] =	vst v0  }
0x93: {  	[tilespmem:$0x918] =	vst v0  }
0x94: {  	[tilespmem:$0x928] =	vst v0  }
0x95: {  	[tilespmem:$0x938] =	vst v0  }
0x96: {  	[tilespmem:$0x948] =	vst v0  }
0x97: {  	[tilespmem:$0x958] =	vst v0  }
0x98: {  	[tilespmem:$0x968] =	vst v0  }
0x99: {  	[tilespmem:$0x978] =	vst v0  }
0x9a: {  	[tilespmem:$0x988] =	vst v0  }
0x9b: {  	[tilespmem:$0x998] =	vst v0  }
0x9c: {  	[tilespmem:$0x9A8] =	vst v0  }
0x9d: {  	[tilespmem:$0x9B8] =	vst v0  }
0x9e: {  	[tilespmem:$0x9C8] =	vst v0  }
0x9f: {  	[tilespmem:$0x9D8] =	vst v0  }
0xa0: {  	[tilespmem:$0x9E8] =	vst v0  }
0xa1: {  	[tilespmem:$0x9F8] =	vst v0  }
0xa2: {  	[tilespmem:$0xA08] =	vst v0  }
0xa3: {  	[tilespmem:$0xA18] =	vst v0  }
0xa4: {  	[tilespmem:$0xA28] =	vst v0  }
0xa5: {  	[tilespmem:$0xA38] =	vst v0  }
0xa6: {  	[tilespmem:$0xA48] =	vst v0  }
0xa7: {  	[tilespmem:$0xA58] =	vst v0  }
0xa8: {  	[tilespmem:$0xA68] =	vst v0  }
0xa9: {  	[tilespmem:$0xA78] =	vst v0  }
0xaa: {  	[tilespmem:$0xA88] =	vst v0  }
0xab: {  	[tilespmem:$0xA98] =	vst v0  }
0xac: {  	[tilespmem:$0xAA8] =	vst v0  }
0xad: {  	[tilespmem:$0xAB8] =	vst v0  }
0xae: {  	[tilespmem:$0xAC8] =	vst v0  }
0xaf: {  	[tilespmem:$0xAD8] =	vst v0  }
0xb0: {  	[tilespmem:$0xAE8] =	vst v0  }
0xb1: {  	[tilespmem:$0xAF8] =	vst v0  }
0xb2: {  	[tilespmem:$0xB08] =	vst v0  }
0xb3: {  	[tilespmem:$0xB18] =	vst v0  }
0xb4: {  	[tilespmem:$0xB28] =	vst v0  }
0xb5: {  	[tilespmem:$0xB38] =	vst v0  }
0xb6: {  	[tilespmem:$0xB48] =	vst v0  }
0xb7: {  	[tilespmem:$0xB58] =	vst v0  }
0xb8: {  	[tilespmem:$0xB68] =	vst v0  }
0xb9: {  	[tilespmem:$0xB78] =	vst v0  }
0xba: {  	[tilespmem:$0xB88] =	vst v0  }
0xbb: {  	[tilespmem:$0xB98] =	vst v0  }
0xbc: {  	[tilespmem:$0xBA8] =	vst v0  }
0xbd: {  	[tilespmem:$0xBB8] =	vst v0  }
0xbe: {  	[tilespmem:$0xBC8] =	vst v0  }
0xbf: {  	[tilespmem:$0xBD8] =	vst v0  }
0xc0: {  	[tilespmem:$0xBE8] =	vst v0  }
0xc1: {  	[tilespmem:$0xBF8] =	vst v0  }
0xc2: {  	[tilespmem:$0xC08] =	vst v0  }
0xc3: {  	[tilespmem:$0xC18] =	vst v0  }
0xc4: {  	[tilespmem:$0xC28] =	vst v0  }
0xc5: {  	[tilespmem:$0xC38] =	vst v0  }
0xc6: {  	[tilespmem:$0xC48] =	vst v0  }
0xc7: {  	[tilespmem:$0xC58] =	vst v0  }
0xc8: {  	[tilespmem:$0xC68] =	vst v0  }
0xc9: {  	[tilespmem:$0xC78] =	vst v0  }
0xca: {  	[tilespmem:$0xC88] =	vst v0  }
0xcb: {  	[tilespmem:$0xC98] =	vst v0  }
0xcc: {  	[tilespmem:$0xCA8] =	vst v0  }
0xcd: {  	[tilespmem:$0xCB8] =	vst v0  }
0xce: {  	[tilespmem:$0xCC8] =	vst v0  }
0xcf: {  	[tilespmem:$0xCD8] =	vst v0  }
0xd0: {  	[tilespmem:$0xCE8] =	vst v0  }
0xd1: {  	[tilespmem:$0xCF8] =	vst v0  }
0xd2: {  	[tilespmem:$0xD08] =	vst v0  }
0xd3: {  	[tilespmem:$0xD18] =	vst v0  }
0xd4: {  	[tilespmem:$0xD28] =	vst v0  }
0xd5: {  	[tilespmem:$0xD38] =	vst v0  }
0xd6: {  	[tilespmem:$0xD48] =	vst v0  }
0xd7: {  	[tilespmem:$0xD58] =	vst v0  }
0xd8: {  	[tilespmem:$0xD68] =	vst v0  }
0xd9: {  	[tilespmem:$0xD78] =	vst v0  }
0xda: {  	[tilespmem:$0xD88] =	vst v0  }
0xdb: {  	[tilespmem:$0xD98] =	vst v0  }
0xdc: {  	[tilespmem:$0xDA8] =	vst v0  }
0xdd: {  	[tilespmem:$0xDB8] =	vst v0  }
0xde: {  	[tilespmem:$0xDC8] =	vst v0  }
0xdf: {  	[tilespmem:$0xDD8] =	vst v0  }
0xe0: {  	[tilespmem:$0xDE8] =	vst v0  }
0xe1: {  	[tilespmem:$0xDF8] =	vst v0  }
0xe2: {  	[tilespmem:$0xE08] =	vst v0  }
0xe3: {  	[tilespmem:$0xE18] =	vst v0  }
0xe4: {  	[tilespmem:$0xE28] =	vst v0  }
0xe5: {  	[tilespmem:$0xE38] =	vst v0  }
0xe6: {  	[tilespmem:$0xE48] =	vst v0  }
0xe7: {  	[tilespmem:$0xE58] =	vst v0  }
0xe8: {  	[tilespmem:$0xE68] =	vst v0  }
0xe9: {  	[tilespmem:$0xE78] =	vst v0  }
0xea: {  	[tilespmem:$0xE88] =	vst v0  }
0xeb: {  	[tilespmem:$0xE98] =	vst v0  }
0xec: {  	[tilespmem:$0xEA8] =	vst v0  }
0xed: {  	[tilespmem:$0xEB8] =	vst v0  }
0xee: {  	[tilespmem:$0xEC8] =	vst v0  }
0xef: {  	[tilespmem:$0xED8] =	vst v0  }
0xf0: {  	[tilespmem:$0xEE8] =	vst v0  }
0xf1: {  	[tilespmem:$0xEF8] =	vst v0  }
0xf2: {  	[tilespmem:$0xF08] =	vst v0  }
0xf3: {  	[tilespmem:$0xF18] =	vst v0  }
0xf4: {  	[tilespmem:$0xF28] =	vst v0  }
0xf5: {  	[tilespmem:$0xF38] =	vst v0  }
0xf6: {  	[tilespmem:$0xF48] =	vst v0  }
0xf7: {  	[tilespmem:$0xF58] =	vst v0  }
0xf8: {  	[tilespmem:$0xF68] =	vst v0  }
0xf9: {  	[tilespmem:$0xF78] =	vst v0  }
0xfa: {  	[tilespmem:$0xF88] =	vst v0  }
0xfb: {  	[tilespmem:$0xF98] =	vst v0  }
0xfc: {  	[tilespmem:$0xFA8] =	vst v0  }
0xfd: {  	[tilespmem:$0xFB8] =	vst v0  }
0xfe: {  	[tilespmem:$0xFC8] =	vst v0  }
0xff: {  	[tilespmem:$0xFD8] =	vst v0  }
0x100: {  	[tilespmem:$0xFE8] =	vst v0  }
0x101: {  	[tilespmem:$0xFF8] =	vst v0  }
0x102: {  	[tilespmem:$0x1028] =	vst v0  }
0x103: {  	[tilespmem:$0x10E8] =	vst v0  }
0x104: {  	[tilespmem:$0x1068] =	vst v0  }
0x105: {  	[tilespmem:$0x1B28] =	vst v0  }
0x106: {  	[tilespmem:$0x1B18] =	vst v0  }
0x107: {  	[tilespmem:$0x1B08] =	vst v0  }
0x108: {  	[tilespmem:$0x1AF8] =	vst v0  }
0x109: {  	[tilespmem:$0x1AE8] =	vst v0  }
0x10a: {  	[tilespmem:$0x1AD8] =	vst v0  }
0x10b: {  	[tilespmem:$0x1AC8] =	vst v0  }
0x10c: {  	[tilespmem:$0x1AB8] =	vst v0  }
0x10d: {  	[tilespmem:$0x1AA8] =	vst v0  }
0x10e: {  	[tilespmem:$0x1A98] =	vst v0  }
0x10f: {  	[tilespmem:$0x1A88] =	vst v0  }
0x110: {  	[tilespmem:$0x1A78] =	vst v0  }
0x111: {  	[tilespmem:$0x1A68] =	vst v0  }
0x112: {  	[tilespmem:$0x1A58] =	vst v0  }
0x113: {  	[tilespmem:$0x1A48] =	vst v0  }
0x114: {  	[tilespmem:$0x1A38] =	vst v0  }
0x115: {  	[tilespmem:$0x1A28] =	vst v0  }
0x116: {  	[tilespmem:$0x1A18] =	vst v0  }
0x117: {  	[tilespmem:$0x1A08] =	vst v0  }
0x118: {  	[tilespmem:$0x19F8] =	vst v0  }
0x119: {  	[tilespmem:$0x19E8] =	vst v0  }
0x11a: {  	[tilespmem:$0x19D8] =	vst v0  }
0x11b: {  	[tilespmem:$0x19C8] =	vst v0  }
0x11c: {  	[tilespmem:$0x19B8] =	vst v0  }
0x11d: {  	[tilespmem:$0x19A8] =	vst v0  }
0x11e: {  	[tilespmem:$0x1998] =	vst v0  }
0x11f: {  	[tilespmem:$0x1988] =	vst v0  }
0x120: {  	[tilespmem:$0x1978] =	vst v0  }
0x121: {  	[tilespmem:$0x1968] =	vst v0  }
0x122: {  	[tilespmem:$0x1958] =	vst v0  }
0x123: {  	[tilespmem:$0x1948] =	vst v0  }
0x124: {  	[tilespmem:$0x1938] =	vst v0  }
0x125: {  	[tilespmem:$0x1928] =	vst v0  }
0x126: {  	[tilespmem:$0x1918] =	vst v0  }
0x127: {  	[tilespmem:$0x1908] =	vst v0  }
0x128: {  	[tilespmem:$0x18F8] =	vst v0  }
0x129: {  	[tilespmem:$0x18E8] =	vst v0  }
0x12a: {  	[tilespmem:$0x18D8] =	vst v0  }
0x12b: {  	[tilespmem:$0x18C8] =	vst v0  }
0x12c: {  	[tilespmem:$0x18B8] =	vst v0  }
0x12d: {  	[tilespmem:$0x18A8] =	vst v0  }
0x12e: {  	[tilespmem:$0x1898] =	vst v0  }
0x12f: {  	[tilespmem:$0x1888] =	vst v0  }
0x130: {  	[tilespmem:$0x1878] =	vst v0  }
0x131: {  	[tilespmem:$0x1868] =	vst v0  }
0x132: {  	[tilespmem:$0x1858] =	vst v0  }
0x133: {  	[tilespmem:$0x1848] =	vst v0  }
0x134: {  	[tilespmem:$0x1838] =	vst v0  }
0x135: {  	[tilespmem:$0x1828] =	vst v0  }
0x136: {  	[tilespmem:$0x1818] =	vst v0  }
0x137: {  	[tilespmem:$0x1808] =	vst v0  }
0x138: {  	[tilespmem:$0x17F8] =	vst v0  }
0x139: {  	[tilespmem:$0x17E8] =	vst v0  }
0x13a: {  	[tilespmem:$0x17D8] =	vst v0  }
0x13b: {  	[tilespmem:$0x17C8] =	vst v0  }
0x13c: {  	[tilespmem:$0x17B8] =	vst v0  }
0x13d: {  	[tilespmem:$0x17A8] =	vst v0  }
0x13e: {  	[tilespmem:$0x1798] =	vst v0  }
0x13f: {  	[tilespmem:$0x1788] =	vst v0  }
0x140: {  	[tilespmem:$0x1778] =	vst v0  }
0x141: {  	[tilespmem:$0x1768] =	vst v0  }
0x142: {  	[tilespmem:$0x1758] =	vst v0  }
0x143: {  	[tilespmem:$0x1748] =	vst v0  }
0x144: {  	[tilespmem:$0x1738] =	vst v0  }
0x145: {  	[tilespmem:$0x1728] =	vst v0  }
0x146: {  	[tilespmem:$0x1718] =	vst v0  }
0x147: {  	[tilespmem:$0x1708] =	vst v0  }
0x148: {  	[tilespmem:$0x16F8] =	vst v0  }
0x149: {  	[tilespmem:$0x16E8] =	vst v0  }
0x14a: {  	[tilespmem:$0x16D8] =	vst v0  }
0x14b: {  	[tilespmem:$0x16C8] =	vst v0  }
0x14c: {  	[tilespmem:$0x16B8] =	vst v0  }
0x14d: {  	[tilespmem:$0x16A8] =	vst v0  }
0x14e: {  	[tilespmem:$0x1698] =	vst v0  }
0x14f: {  	[tilespmem:$0x1688] =	vst v0  }
0x150: {  	[tilespmem:$0x1678] =	vst v0  }
0x151: {  	[tilespmem:$0x1668] =	vst v0  }
0x152: {  	[tilespmem:$0x1658] =	vst v0  }
0x153: {  	[tilespmem:$0x1648] =	vst v0  }
0x154: {  	[tilespmem:$0x1638] =	vst v0  }
0x155: {  	[tilespmem:$0x1628] =	vst v0  }
0x156: {  	[tilespmem:$0x1618] =	vst v0  }
0x157: {  	[tilespmem:$0x1608] =	vst v0  }
0x158: {  	[tilespmem:$0x15F8] =	vst v0  }
0x159: {  	[tilespmem:$0x15E8] =	vst v0  }
0x15a: {  	[tilespmem:$0x15D8] =	vst v0  }
0x15b: {  	[tilespmem:$0x15C8] =	vst v0  }
0x15c: {  	[tilespmem:$0x15B8] =	vst v0  }
0x15d: {  	[tilespmem:$0x15A8] =	vst v0  }
0x15e: {  	[tilespmem:$0x1598] =	vst v0  }
0x15f: {  	[tilespmem:$0x1588] =	vst v0  }
0x160: {  	[tilespmem:$0x1578] =	vst v0  }
0x161: {  	[tilespmem:$0x1568] =	vst v0  }
0x162: {  	[tilespmem:$0x1558] =	vst v0  }
0x163: {  	[tilespmem:$0x1548] =	vst v0  }
0x164: {  	[tilespmem:$0x1538] =	vst v0  }
0x165: {  	[tilespmem:$0x1528] =	vst v0  }
0x166: {  	[tilespmem:$0x1518] =	vst v0  }
0x167: {  	[tilespmem:$0x1508] =	vst v0  }
0x168: {  	[tilespmem:$0x14F8] =	vst v0  }
0x169: {  	[tilespmem:$0x14E8] =	vst v0  }
0x16a: {  	[tilespmem:$0x14D8] =	vst v0  }
0x16b: {  	[tilespmem:$0x14C8] =	vst v0  }
0x16c: {  	[tilespmem:$0x14B8] =	vst v0  }
0x16d: {  	[tilespmem:$0x14A8] =	vst v0  }
0x16e: {  	[tilespmem:$0x1498] =	vst v0  }
0x16f: {  	[tilespmem:$0x1488] =	vst v0  }
0x170: {  	[tilespmem:$0x1478] =	vst v0  }
0x171: {  	[tilespmem:$0x1468] =	vst v0  }
0x172: {  	[tilespmem:$0x1458] =	vst v0  }
0x173: {  	[tilespmem:$0x1448] =	vst v0  }
0x174: {  	[tilespmem:$0x1438] =	vst v0  }
0x175: {  	[tilespmem:$0x1428] =	vst v0  }
0x176: {  	[tilespmem:$0x1418] =	vst v0  }
0x177: {  	[tilespmem:$0x1408] =	vst v0  }
0x178: {  	[tilespmem:$0x13F8] =	vst v0  }
0x179: {  	[tilespmem:$0x13E8] =	vst v0  }
0x17a: {  	[tilespmem:$0x13D8] =	vst v0  }
0x17b: {  	[tilespmem:$0x13C8] =	vst v0  }
0x17c: {  	[tilespmem:$0x13B8] =	vst v0  }
0x17d: {  	[tilespmem:$0x13A8] =	vst v0  }
0x17e: {  	[tilespmem:$0x1398] =	vst v0  }
0x17f: {  	[tilespmem:$0x1388] =	vst v0  }
0x180: {  	[tilespmem:$0x1378] =	vst v0  }
0x181: {  	[tilespmem:$0x1368] =	vst v0  }
0x182: {  	[tilespmem:$0x1358] =	vst v0  }
0x183: {  	[tilespmem:$0x1348] =	vst v0  }
0x184: {  	[tilespmem:$0x1338] =	vst v0  }
0x185: {  	[tilespmem:$0x1328] =	vst v0  }
0x186: {  	[tilespmem:$0x1318] =	vst v0  }
0x187: {  	[tilespmem:$0x1308] =	vst v0  }
0x188: {  	[tilespmem:$0x12F8] =	vst v0  }
0x189: {  	[tilespmem:$0x12E8] =	vst v0  }
0x18a: {  	[tilespmem:$0x12D8] =	vst v0  }
0x18b: {  	[tilespmem:$0x12C8] =	vst v0  }
0x18c: {  	[tilespmem:$0x12B8] =	vst v0  }
0x18d: {  	[tilespmem:$0x12A8] =	vst v0  }
0x18e: {  	[tilespmem:$0x1298] =	vst v0  }
0x18f: {  	[tilespmem:$0x1288] =	vst v0  }
0x190: {  	[tilespmem:$0x1278] =	vst v0  }
0x191: {  	[tilespmem:$0x1268] =	vst v0  }
0x192: {  	[tilespmem:$0x1258] =	vst v0  }
0x193: {  	[tilespmem:$0x1248] =	vst v0  }
0x194: {  	[tilespmem:$0x1238] =	vst v0  }
0x195: {  	[tilespmem:$0x1228] =	vst v0  }
0x196: {  	[tilespmem:$0x1218] =	vst v0  }
0x197: {  	[tilespmem:$0x1208] =	vst v0  }
0x198: {  	[tilespmem:$0x11F8] =	vst v0  }
0x199: {  	[tilespmem:$0x11E8] =	vst v0  }
0x19a: {  	[tilespmem:$0x11D8] =	vst v0  }
0x19b: {  	[tilespmem:$0x11C8] =	vst v0  }
0x19c: {  	[tilespmem:$0x11B8] =	vst v0  }
0x19d: {  	[tilespmem:$0x11A8] =	vst v0  }
0x19e: {  	[tilespmem:$0x1198] =	vst v0  }
0x19f: {  	[tilespmem:$0x1188] =	vst v0  }
0x1a0: {  	[tilespmem:$0x1178] =	vst v0  }
0x1a1: {  	[tilespmem:$0x1168] =	vst v0  }
0x1a2: {  	[tilespmem:$0x1158] =	vst v0  }
0x1a3: {  	[tilespmem:$0x1148] =	vst v0  }
0x1a4: {  	[tilespmem:$0x1138] =	vst v0  }
0x1a5: {  	[tilespmem:$0x1128] =	vst v0  }
0x1a6: {  	[tilespmem:$0x1118] =	vst v0  }
0x1a7: {  	s4 =	stileid.u32;
	[tilespmem:$0x1108] =	vst v0  }
0x1a8: {  	s0 =	smul.u32 $0x17, s4;
	[tilespmem:$0x10F8] =	vst v0  }
0x1a9: {  	s1 =	smin.u32 s4, $0x3;
	[tilespmem:$0x10C8] =	vst v0  }
0x1aa: {  	[tilespmem:$0x10D8] =	vst v0;
	s0 =	sadd.s32 s1, s0  }
0x1ab: {  	p0 =	slt.u32 s4, $0x3;
	[tilespmem:$0x10B8] =	vst v0;
	s1 =	simm.s32 $0x2880;
	s6 =	smul.u32 $0x1B0, s0  }
0x1ac: {  	s1 =	simm.s32 @!p0 $0x26D0;
	[tilespmem:$0x1038] =	vst v0  }
0x1ad: {  	[tilespmem:$0x10A8] =	vst v0;
	s0 =	sadd.s32 s1, s6  }
0x1ae: {  	s3 =	simm.s32 $0x2;
	s8 =	simm.s32 $0x9;
	[tilespmem:$0x1098] =	vst v0;
	s7 =	smin.u32 s0, $0x27100  }
0x1af: {  	s10 =	simm.s32 $0xA;
	s30 =	simm.s32 $0xB;
	[tilespmem:$0x1088] =	vst v0;
	s0 =	ssub.s32 s7, s6  }
0x1b0: {  	s16 =	simm.s32 $0x0;
	p4 =	por $0x0, $0x0;
	[tilespmem:$0x1078] =	vst v0;
	p0 =	sgt.s32 s0, $0x0  }
0x1b1: {  	s17 =	simm.s32 $0xC;
	s21 =	simm.s32 $0x0;
	[tilespmem:$0x1058] =	vst v0;
	s0 =	simm.s32 @!p0 $0x0  }
0x1b2: {  	s18 =	simm.s32 $0x0;
	s2 =	sand.u32 $0x1, s2;
	[tilespmem:$0x1048] =	vst v0;
	s29 =	smulhi.u32 $0x4BDA12F7, s0  }
0x1b3: {  	s20 =	simm.s32 $0x0;
	s31 =	sshll.u32 s4, $0x5;
	[tilespmem:$0x1018] =	vst v0;
	[dreg:$0x5] =	wrdreg s2  }
0x1b4: {  	s2 =	smul.u32 $0x4E20, s2;
	[tilespmem:$0x1008] =	vst v0;
	[sflag:s3] =	ssyncpa.u1 $0x0;
	s1 =	sshrl.u32 s29, $0x7  }
0x1b5: {  	v0 =	vimm.s32 $0xFFFFFFFF;
	s3 =	sadd.s32 $0x534E00, s11;
	[dreg:$0x4] =	wrdreg s31;
	s5 =	smul.u32 $0x1B0, s1  }
.Ltmp0:
0x1b6: {  	[tilespmem:$0x3648] =	vst v0;
	[sflag:s8] =	ssyncpa.u1 $0x0;
	s2 =	sadd.s32 s2, s11;
	(pc) =	sbr.rel .LBB2_1-.Ltmp0, $4  }
0x1b7: {  	[sflag:s10] =	ssyncpa.u1 $0x0;
	s11 =	sadd.s32 $0x3B000, s11;
	p0 =	sne.s32 s0, s5  }
0x1b8: {  	[sflag:s30] =	ssyncpa.u1 $0x0;
	s14 =	sadd.s32 $0x527600, s2;
	s12 =	simm.s32 @!p0 $0x0  }
0x1b9: {  	s15 =	sadd.s32 $0x51D800, s2;
	s19 =	smov.u32 s6;
	s12 =	sadd.s32 s12, s1  }
0x1ba: {  	v0 =	vlaneseq.u32;
	[dreg:$0x6] =	wrdreg s6;
	p0 =	por $0x1, $0x1;
	s4 =	sadd.s32 $0x1, s12  }
.LBB2_18:
0x1bb: {  	s0 =	simm.s32 $0x2  }
0x1bc: {  	_ =	swait.ge [sflag:s0], $0x0  }
0x1bd: {  	[sflag:s0] =	ssyncset.done $0x0;
	s0 =	simm.s32 $0x0  }
.LBB2_19:
0x1be: {  	_ =	swait.ge [sflag:s17], s0  }
0x1bf: {  	s31 =	ssub.s32 $0x0, s0;
	v1 =	vmov s23;
	vm0 =	veq.s32 v0, $0x0;
	[sflag:s17] =	ssyncset.done $0x0  }
0x1c0: {  	vm15 =	veq.s32 v0, $0x2;
	v1 =	vsel vm0, s28, v1;
	[sflag:s17] =	ssyncadd.s32 s31  }
0x1c1: {  	v1 =	vsel vm15, s21, v1;
	[sflag:s17] =	ssyncpa.u1 $0x1  }
0x1c2: {  	[tilespmem:$0x3648] =	vst v1  }
.LBB2_20:
0x1c3: {  	s0 =	sadd.s32 $0x1B0, s19  }
0x1c4: {  	s1 =	smov.u32 s6;
	p1 =	slt.s32 s0, s7  }
0x1c5: {  	s1 =	smov.u32 @p1 s0;
	p1 =	sne.s32 s20, s4  }
.Ltmp1:
0x1c6: {  	_ = 	snop;
	(pc) =	sbr.rel @!p1 .LBB2_21-.Ltmp1, $4  }
0x1c7: {  	_ = 	snop  }
0x1c8: {  	s21 =	smov.u32 s18  }
0x1c9: {  	s31 =	sadd.s32 $0x1, s20;
	s18 =	smov.u32 s19;
	p0 =	por !p0, !p0  }
0x1ca: {  	p4 =	por !p4, !p4;
	s20 =	smov.u32 s31;
	s19 =	smov.u32 s1  }
.LBB2_1:
0x1cb: {  	p2 =	sge.u32 s20, s12  }
0x1cc: {  	s0 =	smulhi.u32 @!p2 $0xAAAAAAAB, s20  }
0x1cd: {  	s1 =	smov.u32 s19;
	p3 =	sgt.s32 @!p2 s19, $0x26F50  }
0x1ce: {  	s2 =	sshra.s32 @!p2 s19, $0x1F;
	p3 =	por !p3, p2;
	s0 =	sshrl.u32 @!p2 s0, $0x1  }
0x1cf: {  	s2 =	sand.u32 @!p2 s2, s19;
	s1 =	simm.s32 @p3 $0x26F50;
	s0 =	smul.u32 @!p2 $0x3, s0  }
0x1d0: {  	s1 =	ssub.s32 @!p2 s1, s2  }
0x1d1: {  	s23 =	sadd.s32 $0xFFFFFFFF, s20;
	s1 =	sadd.s32 @!p2 $0xFFFD90B0, s1;
	s0 =	ssub.s32 @!p2 s20, s0  }
0x1d2: {  	s2 =	sshll.u32 @!p2 s1, $0x2;
	p3 =	sgt.s32 @!p2 s1, $0x1AF;
	s0 =	smul.u32 @!p2 $0x6C0, s0  }
0x1d3: {  	s5 =	sand.u32 @!p2 $0x7, s19;
	s1 =	ssub.s32 @!p2 $0x6C0, s2;
	p3 =	por !p3, p2  }
0x1d4: {  	s2 =	sshrl.u32 @!p2 s19, $0x3;
	s1 =	sshrl.u32 @!p2 s1, $0x2;
	s0 =	sshrl.u32 @!p2 s0, $0x2  }
0x1d5: {  	s2 =	sadd.s32 @!p2 s2, s14;
	s1 =	simm.s32 @!p3 $0x0;
	s0 =	sadd.s32 @!p2 $0x3888, s0  }
0x1d6: {  	[tilespmem:s0], [sflag:$0xA] =	stream.linear.gather @!p2 [hbm4b:s2+s5], s1, $0x38;
	[tilespmem:$0x1F0F8] =	vst v63  }
0x1d7: {  	p2 =	sge.u32 s23, s12  }
0x1d8: {  	p3 =	sgt.s32 @!p2 s18, $0x26F50  }
0x1d9: {  	s0 =	smov.u32 s18;
	s1 =	sshra.s32 @!p2 s18, $0x1F;
	p3 =	por !p3, p2  }
0x1da: {  	s1 =	sand.u32 @!p2 s1, s18;
	s0 =	simm.s32 @p3 $0x26F50  }
0x1db: {  	s0 =	ssub.s32 @!p2 s0, s1  }
0x1dc: {  	s0 =	sadd.s32 @!p2 $0xFFFD90B0, s0  }
0x1dd: {  	s1 =	sshll.u32 @!p2 s0, $0x2  }
0x1de: {  	p3 =	sgt.s32 @!p2 s0, $0x1AF;
	s0 =	ssub.s32 @!p2 $0x6C0, s1  }
0x1df: {  	s22 =	ssub.s32 @!p2 $0x27100, s18;
	p3 =	por !p3, p2;
	s0 =	sshrl.u32 @!p2 s0, $0x2  }
0x1e0: {  	s1 =	sand.u32 @!p2 $0x1, s23;
	s0 =	simm.s32 @!p3 $0x0;
	p3 =	slt.s32 @!p2 s22, $0x1  }
0x1e1: {  	s2 =	simm.s32 @!p2 $0xA;
	s1 =	smul.u32 @!p2 $0x6C0, s1;
	p3 =	por p2, p3  }
.Ltmp2:
0x1e2: {  	_ =	swait.ge @!p2 [sflag:s2], s0;
	(pc) =	sbr.rel @p3 .LBB2_7-.Ltmp2, $4  }
0x1e3: {  	s5 =	ssub.s32 @!p2 $0x0, s0;
	[sflag:s2] =	ssyncset.done @!p2 $0x0  }
0x1e4: {  	s1 =	sshrl.u32 @!p2 s1, $0x2;
	[sflag:s2] =	ssyncadd.s32 @!p2 s5;
	s2 =	sshrl.u32 @!p2 s18, $0x3  }
0x1e5: {  	s1 =	sadd.s32 @!p2 $0x3D98, s1;
	s5 =	sand.u32 @!p2 $0x7, s18;
	s2 =	sadd.s32 @!p2 s2, s15  }
0x1e6: {  	[tilespmem:s1], [sflag:$0xB] =	stream.linear.gather @!p2 [hbm4b:s2+s5], s0, $0x38;
	[tilespmem:$0x1F0F8] =	vst v63  }
0x1e7: {  	s0 =	smulhi.u32 $0xAAAAAAAB, s23;
	_ =	sdelay $0x1  }
0x1e8: {  	s0 =	sshrl.u32 s0, $0x1  }
0x1e9: {  	s0 =	smul.u32 $0x3, s0;
	_ =	sdelay $0x1  }
0x1ea: {  	s0 =	ssub.s32 s23, s0  }
0x1eb: {  	s1 =	simm.s32 $0x1;
	s0 =	smul.u32 $0x6C0, s0  }
.Ltmp3:
0x1ec: {  	s1 =	simm.s32 @!p0 $0x0;
	(pc) =	sbr.rel .LBB2_4-.Ltmp3, $4  }
0x1ed: {  	s1 =	smul.u32 $0x36000, s1  }
0x1ee: {  	p3 =	slt.s32 @!p2 s22, $0x1B0;
	s0 =	sshrl.u32 s0, $0x2  }
0x1ef: {  	p2 =	por !p3, p2;
	s1 =	sshrl.u32 s1, $0x2;
	s0 =	sadd.s32 $0x3888, s0  }
0x1f0: {  	s24 =	simm.s32 $0x0;
	s22 =	simm.s32 @p2 $0x1B0;
	s23 =	sadd.s32 $0x40F8, s1;
	v1 =	vmov s0  }
.LBB2_3:
0x1f1: {  	p2 =	sge.s32 s24, s22  }
.Ltmp4:
0x1f2: {  	_ = 	snop;
	(pc) =	sbr.rel @p2 .LBB2_7-.Ltmp4, $2  }
0x1f3: {  	_ =	sdelay $0x2  }
0x1f4: {  	s23 =	sadd.s32 $0x800, s23  }
.LBB2_4:
0x1f5: {  	p2 =	sle.s32 s22, s24  }
.Ltmp5:
0x1f6: {  	_ = 	snop;
	(pc) =	sbr.rel @p2 .LBB2_3-.Ltmp5, $2  }
0x1f7: {  	_ =	sdelay $0x2  }
0x1f8: {  	s0 =	smov.u32 s24;
	s24 =	sadd.s32 $0x10, s24  }
0x1f9: {  	s1 =	ssub.s32 s22, s0  }
0x1fa: {  	p2 =	slt.s32 s1, $0x10  }
0x1fb: {  	s1 =	simm.s32 @!p2 $0x10  }
0x1fc: {  	v2 =	vmov s1  }
0x1fd: {  	vm0 =	vgt.s32 v2, v0;
	_ =	sdelay $0x5  }
0x1fe: {  	v2 =	vld.idx.msk [tilespmem:v1+s0+$0x0 ss:$0x1], vm0;
	_ =	sdelay $0x2  }
0x1ff: {  	p2 =	slt.s32 s24, s22;
	s1 =	smov.u32 s22  }
0x200: {  	s2 =	smov.u32 s23;
	s25 =	simm.s32 $0x0;
	s1 =	smov.u32 @p2 s24  }
.LBB2_6:
0x201: {  	(v2sf) =	vpush v2, s25;
	_ =	sdelay $0xc  }
0x202: {  	s25 =	sadd.s32 $0x1, s25  }
0x203: {  	s31 =	sadd.s32 s25, s0  }
0x204: {  	p2 =	slt.s32 s31, s1;
	s5 =	spop (v2sf)  }
.Ltmp6:
0x205: {  	s5 =	sshll.u32 s5, $0x4;
	(pc) =	sbr.rel @p2 .LBB2_6-.Ltmp6, $4  }
0x206: {  	s5 =	sand.u32 $0x1FFFFFF0, s5  }
0x207: {  	s5 =	sadd.s32 s11, s5  }
0x208: {  	[tilespmem:s2], [sflag:$0x9] =	stream.linear.gather [hbm4b:s5+s16], $0x8, $0x38;
	[tilespmem:$0x1F0F8] =	vst v63  }
0x209: {  	s2 =	sadd.s32 $0x80, s2  }
.Ltmp7:
0x20a: {  	_ = 	snop;
	(pc) =	sbr.rel .LBB2_3-.Ltmp7, $1  }
0x20b: {  	_ =	sdelay $0x3  }
.LBB2_7:
0x20c: {  	p2 =	slt.u32 s20, $0x2  }
.Ltmp8:
0x20d: {  	_ = 	snop;
	(pc) =	sbr.rel @p2 .LBB2_20-.Ltmp8, $1  }
0x20e: {  	_ =	sdelay $0x3  }
0x20f: {  	p2 =	sgt.s32 s21, $0x26F50  }
0x210: {  	s0 =	smov.u32 s21;
	s1 =	sshra.s32 s21, $0x1F;
	s2 =	ssub.s32 $0x27100, s21  }
0x211: {  	s0 =	simm.s32 @!p2 $0x26F50;
	s1 =	sand.u32 s1, s21;
	p2 =	slt.s32 s2, $0x1B0  }
0x212: {  	s0 =	ssub.s32 s0, s1;
	s2 =	simm.s32 @!p2 $0x1B0  }
0x213: {  	s0 =	sadd.s32 $0xFFFD90B0, s0;
	s24 =	sshll.u32 s2, $0x3  }
0x214: {  	s28 =	simm.s32 $0x9;
	s25 =	sshll.u32 s0, $0x2;
	s1 =	sand.u32 $0x3FFFFFF8, s24  }
0x215: {  	p2 =	sgt.s32 s0, $0x1AF;
	s26 =	ssub.s32 $0x6C0, s25;
	_ =	swait.ge [sflag:s28], s1  }
0x216: {  	s1 =	ssub.s32 $0x0, s1;
	[sflag:s28] =	ssyncset.done $0x0;
	s0 =	sshrl.u32 s26, $0x2  }
0x217: {  	s30 =	simm.s32 $0xB;
	[sflag:s28] =	ssyncadd.s32 s1;
	s0 =	simm.s32 @p2 $0x0  }
0x218: {  	_ =	swait.ge [sflag:s30], s0  }
0x219: {  	s0 =	ssub.s32 $0x0, s0;
	[sflag:s30] =	ssyncset.done $0x0  }
0x21a: {  	[sflag:s30] =	ssyncadd.s32 s0  }
0x21b: {  	v1 =	vld [tilespmem:$0x3648];
	_ =	sdelay $0x4  }
0x21c: {  	(v2sf) =	vpush v1, $0x0  }
0x21d: {  	(v2sf) =	vpush v1, $0x1  }
0x21e: {  	(v2sf) =	vpush v1, $0x2;
	_ =	sdelay $0x3  }
0x21f: {  	s0 =	sadd.s32 $0x1B0, s21  }
0x220: {  	s1 =	ssub.s32 $0x4E200, s21;
	p2 =	slt.s32 s7, s0  }
0x221: {  	s0 =	smov.u32 @p2 s7;
	p2 =	sgt.s32 s1, $0x0  }
0x222: {  	s25 =	ssub.s32 s0, s21;
	s1 =	simm.s32 @!p2 $0x0  }
0x223: {  	p2 =	slt.s32 s1, s25  }
0x224: {  	s25 =	smov.u32 @p2 s1  }
0x225: {  	s24 =	simm.s32 $0x1;
	p2 =	slt.s32 s25, $0x1  }
.Ltmp9:
0x226: {  	s24 =	simm.s32 @!p4 $0x0;
	(pc) =	sbr.rel @p2 .LBB2_12-.Ltmp9, $4  }
0x227: {  	s31 =	smul.u32 $0x6C0, s24  }
0x228: {  	s26 =	spop (v2sf)  }
0x229: {  	s0 =	sshrl.u32 s31, $0x2;
	s29 =	spop (v2sf)  }
0x22a: {  	s22 =	sadd.s32 $0x3D98, s0;
	s21 =	spop (v2sf)  }
0x22b: {  	s0 =	smin.u32 s25, $0x10  }
0x22c: {  	v1 =	vmov s0  }
0x22d: {  	p3 =	sgt.s32 s25, $0x10;
	vm1 =	vgt.u32 v1, v0  }
.Ltmp10:
0x22e: {  	_ = 	snop;
	(pc) =	sbr.rel @!p3 .LBB2_11-.Ltmp10, $2  }
0x22f: {  	_ =	sdelay $0x2  }
0x230: {  	s23 =	simm.s32 $0x10;
	s28 =	sadd.s32 $0xFFFFFFF0, s25;
	s0 =	smov.u32 s22;
	vm0 =	vmmov vm1  }
.LBB2_10:
0x231: {  	s1 =	smin.u32 s28, $0x10;
	s23 =	sadd.s32 $0x10, s23;
	v1 =	vld.msk [tilespmem:s0+$0x0 ss:$0x1], vm1  }
0x232: {  	v2 =	vmov s1;
	p3 =	slt.s32 s23, s25  }
0x233: {  	vm1 =	vgt.u32 v2, v0  }
.Ltmp11:
0x234: {  	(pc) =	sbr.rel @p3 .LBB2_10-.Ltmp11, $3  }
0x235: {  	_ =	sdelay $0x1  }
0x236: {  	v1 =	vshll.u32 v1, $0x4  }
0x237: {  	s28 =	sadd.s32 $0xFFFFFFF0, s28;
	[tilespmem:s0+$0x0] =	vst.msk vm0, v1;
	s0 =	sadd.s32 $0x10, s0;
	vm0 =	vmmov vm1  }
.LBB2_11:
0x238: {  	_ =	sdelay $0x4  }
0x239: {  	v1 =	vld.msk [tilespmem:s0+$0x0 ss:$0x1], vm1;
	_ =	sdelay $0x4  }
0x23a: {  	v1 =	vshll.u32 v1, $0x4  }
0x23b: {  	[tilespmem:s0+$0x0] =	vst.msk vm0, v1  }
.LBB2_12:
0x23c: {  	s0 =	sand.u32 $0x1, s20  }
0x23d: {  	s0 =	smul.u32 $0x1B0, s0  }
0x23e: {  	p3 =	sne.s32 s29, $0xFFFFFFFF  }
0x23f: {  	v1 =	vld.msk @!p3 [tilespmem:s0+$0x3D98], $0x1;
	_ =	sdelay $0x4  }
0x240: {  	(v2sf) =	vpush @!p3 v1, $0x0;
	_ =	sdelay $0xc  }
.Ltmp12:
0x241: {  	_ = 	snop;
	(pc) =	sbr.rel @p2 .LBB2_18-.Ltmp12, $4  }
0x242: {  	_ = 	snop  }
0x243: {  	s28 =	spop @!p3 (v2sf)  }
0x244: {  	s21 =	simm.s32 @!p3 $0x0;
	s23 =	smov.u32 s28  }
0x245: {  	[sflag:s17] =	ssyncpa.u1 $0x0;
	s28 =	smov.u32 @p3 s26;
	s23 =	smov.u32 @p3 s29  }
0x246: {  	v1 =	vld.msk [tilespmem:s22+$0x0], $0x1;
	_ =	sdelay $0x4  }
0x247: {  	(v2sf) =	vpush v1, $0x0;
	_ =	sdelay $0xe  }
0x248: {  	s0 =	simm.s32 @!p4 $0x0;
	s26 =	smul.u32 $0x36000, s24;
	s31 =	spop (v2sf)  }
0x249: {  	s29 =	ssub.s32 $0x0, s25;
	s0 =	simm.s32 @p4 $0x1;
	p2 =	seq.s32 s28, s31  }
0x24a: {  	s1 =	smov.u32 s28;
	[smem:$0x7FD] =	sst s0;
	p3 =	sgt.s32 @!p2 s28, $0x0  }
0x24b: {  	s0 =	sshrl.u32 s26, $0x2;
	s26 =	sadd.s32 $0x1, s29;
	p3 =	por !p3, p2  }
0x24c: {  	s1 =	simm.s32 @p3 $0x0;
	p3 =	seq.s32 s26, $0x0  }
.Ltmp13:
0x24d: {  	_ = 	snop;
	(pc) =	sbr.rel @p3 .LBB2_15-.Ltmp13, $4  }
0x24e: {  	s6 =	smov.u32 s4;
	s25 =	simm.s32 $0x0  }
0x24f: {  	s24 =	sadd.s32 $0x40F8, s0;
	s0 =	simm.s32 @!p2 $0x1;
	s2 =	smin.u32 @!p2 s1, $0x270FF  }
0x250: {  	s30 =	sadd.s32 $0x1, s22;
	s0 =	smov.u32 @p2 s25;
	s5 =	sand.u32 @!p2 $0x3FFF8, s2  }
0x251: {  	s1 =	simm.s32 @!p2 $0x1B38;
	s2 =	sand.u32 @!p2 $0x7, s2;
	s5 =	sadd.s32 @!p2 s3, s5  }
.LBB2_14:
0x252: {  	s4 =	smov.u32 s0  }
0x253: {  	[tilespmem:s1], [sflag:$0x2] =	stream.linear.gather @!p2 [hbm4b:s5+s2], $0x8, $0x38;
	[tilespmem:$0x1F0F8] =	vst v63  }
0x254: {  	s26 =	sadd.s32 $0x1, s26;
	s2 =	smov.u32 s31;
	v1 =	vld.msk [tilespmem:s30+$0x0], $0x1  }
0x255: {  	p3 =	seq.s32 s26, $0x0;
	_ =	sdelay $0x3  }
0x256: {  	(v2sf) =	vpush v1, $0x0;
	_ =	sdelay $0xe  }
0x257: {  	s31 =	spop (v2sf)  }
0x258: {  	p2 =	seq.s32 s2, s31  }
0x259: {  	p4 =	sgt.s32 @!p2 s2, $0x0;
	s1 =	sshll.u32 @!p2 s0, $0x6;
	s0 =	sadd.s32 @!p2 $0x1, s0  }
.Ltmp14:
0x25a: {  	p4 =	por !p4, p2;
	s1 =	sshra.s32 @!p2 s1, $0x2;
	(pc) =	sbr.rel @!p3 .LBB2_14-.Ltmp14, $4  }
0x25b: {  	s0 =	smov.u32 @p2 s4;
	s2 =	simm.s32 @p4 $0x0;
	s1 =	sadd.s32 @!p2 $0x1B38, s1  }
0x25c: {  	s2 =	smin.u32 @!p2 s2, $0x270FF  }
0x25d: {  	s4 =	sand.u32 @!p2 $0x3FFF8, s2;
	s2 =	sand.u32 @!p2 $0x7, s2  }
0x25e: {  	s30 =	sadd.s32 $0x1, s30;
	s5 =	sadd.s32 @!p2 s3, s4  }
.LBB2_15:
0x25f: {  	[tilespmem:s1], [sflag:$0x2] =	stream.linear.gather @!p2 [hbm4b:s5+s2], $0x8, $0x38;
	[tilespmem:$0x1F0F8] =	vst v63  }
0x260: {  	s0 =	sshll.u32 s0, $0x3  }
0x261: {  	s31 =	simm.s32 $0x2;
	s0 =	sand.u32 $0x3FFFFFF8, s0  }
0x262: {  	_ =	swait.ge [sflag:s31], s0  }
0x263: {  	s0 =	ssub.s32 $0x0, s0;
	[sflag:s31] =	ssyncset.done $0x0  }
0x264: {  	[sflag:s31] =	ssyncadd.s32 s0  }
0x265: {  	v1 =	vld.msk [tilespmem:s22+$0x0], $0x1;
	_ =	sdelay $0x4  }
0x266: {  	(v2sf) =	vpush v1, $0x0;
	_ =	sdelay $0xe  }
0x267: {  	s26 =	spop (v2sf)  }
0x268: {  	p2 =	sne.s32 s28, s26  }
0x269: {  	p4 =	sne.s32 @p2 s28, s23  }
0x26a: {  	p3 =	por !p4, !p2  }
0x26b: {  	s0 =	simm.s32 @!p3 $0x0  }
0x26c: {  	v1 =	vld.msk @!p3 [tilespmem:s0+$0x1B38], $0xff  }
0x26d: {  	p5 =	sgt.u32 @!p3 s28, $0x270FF  }
0x26e: {  	s1 =	sshll.u32 @!p3 s21, $0x6;
	p6 =	por @p2 p5, !p4  }
0x26f: {  	s1 =	sshra.s32 @!p3 s1, $0x2;
	p1 =	por p6, !p2;
	p6 =	por p4, !p2  }
0x270: {  	s2 =	sadd.s32 @!p3 $0x28, s1;
	s4 =	sand.u32 @!p1 $0x3FFF8, s28;
	s5 =	sshll.u32 @!p6 s21, $0x6  }
0x271: {  	s28 =	sand.u32 @!p1 $0x7, s28;
	[tilespmem:s1+$0x28] =	vst.add.f32.msk @!p3 $0xff, v1;
	s1 =	sadd.s32 @!p1 s3, s4;
	s4 =	sshra.s32 @!p6 s5, $0x2  }
0x272: {  	[hbm4b:s1+s28] =	stream.linear.scatter @!p1 [tilespmem:s2], [sflag:$0xC], $0x8, $0x38;
	[tilespmem:$0x1F0F8] =	vst v63  }
0x273: {  	s0 =	rddreg [dreg:$0x4];
	s1 =	sadd.s32 @!p6 $0x28, s4;
	s2 =	simm.s32 @!p6 $0x1  }
0x274: {  	[spmem:s0] =	stream.linear.scatter @!p6 [tilespmem:s1], [sflag:$0x1], $0x8, $0x38;
	[tilespmem:$0x1F0F8] =	vst v63  }
0x275: {  	s0 =	sadd.s32 @p2 $0x1, s21;
	_ =	swait.ge @!p6 [sflag:s2], $0x8  }
0x276: {  	s1 =	sshrl.u32 @p2 s0, $0x4;
	[sflag:s2] =	ssyncset.done @!p6 $0x0  }
0x277: {  	s1 =	smulhi.u32 @p2 $0x97B425F, s1;
	[sflag:s2] =	ssyncadd.s32 @!p6 $0xFFFFFFF8  }
0x278: {  	s28 =	sadd.s32 $0x1, s29;
	v1 =	vld.msk @p2 [tilespmem:s24+$0x0], $0xff  }
0x279: {  	p1 =	por @p2 !p5, !p4;
	p4 =	seq.s32 s28, $0x0;
	s1 =	smul.u32 @p2 $0x1B0, s1  }
.Ltmp15:
0x27a: {  	p1 =	por !p1, !p2;
	s2 =	simm.s32 @!p3 $0x0;
	(pc) =	sbr.rel @p4 .LBB2_17-.Ltmp15, $4  }
0x27b: {  	s4 =	sshll.u32 @!p2 s21, $0x6;
	s2 =	simm.s32 @!p1 $0x20;
	s0 =	ssub.s32 @p2 s0, s1  }
0x27c: {  	s29 =	simm.s32 $0x0;
	s2 =	sadd.s32 @!p3 $0x0, s2;
	s5 =	sshll.u32 @p2 s0, $0x4  }
0x27d: {  	s30 =	sshra.s32 @!p2 s4, $0x2;
	s1 =	simm.s32 @p2 $0x1;
	s2 =	smov.u32 @p3 s25;
	[tilespmem:s5+$0x28] =	vst.msk @p2 $0xff, v1  }
0x27e: {  	s21 =	smov.u32 @p2 s0;
	s29 =	smov.u32 @p2 s2;
	s25 =	smov.u32 @p2 s1;
	v1 =	vld.msk @!p2 [tilespmem:s24+$0x0], $0xff  }
.LBB2_16:
0x27f: {  	_ =	sdelay $0x3  }
0x280: {  	s22 =	sadd.s32 $0x1, s22;
	[tilespmem:s30+$0x28] =	vst.add.f32.msk @!p2 $0xff, v1  }
0x281: {  	v1 =	vld.msk [tilespmem:s22+$0x0], $0x1;
	_ =	sdelay $0x4  }
0x282: {  	(v2sf) =	vpush v1, $0x0;
	_ =	sdelay $0xe  }
0x283: {  	s0 =	smov.u32 s26;
	s26 =	spop (v2sf)  }
0x284: {  	p2 =	sne.s32 s0, s26  }
0x285: {  	p5 =	sne.s32 @p2 s0, s23  }
0x286: {  	s4 =	sshll.u32 @!p2 s21, $0x6;
	p4 =	por !p5, !p2  }
0x287: {  	s30 =	sshra.s32 @!p2 s4, $0x2;
	s4 =	sshll.u32 @!p4 s25, $0x6  }
0x288: {  	s4 =	sshra.s32 @!p4 s4, $0x2  }
0x289: {  	p1 =	sgt.u32 @!p4 s0, $0x270FF;
	v1 =	vld.msk @!p4 [tilespmem:s4+$0x1B38], $0xff  }
0x28a: {  	s31 =	sshll.u32 @!p4 s21, $0x6;
	p6 =	por @p2 p1, !p5;
	p1 =	por @p2 !p1, !p5  }
0x28b: {  	s8 =	simm.s32 @!p4 $0x0;
	s31 =	sshra.s32 @!p4 s31, $0x2;
	p1 =	por !p1, !p2  }
0x28c: {  	p5 =	por p5, !p2;
	s8 =	simm.s32 @!p1 $0x20;
	p1 =	por p6, !p2  }
0x28d: {  	s4 =	sadd.s32 @!p4 $0x28, s31;
	s13 =	sshll.u32 @!p5 s21, $0x6;
	s10 =	sand.u32 @!p1 $0x3FFF8, s0  }
0x28e: {  	s13 =	sshra.s32 @!p5 s13, $0x2;
	s0 =	sand.u32 @!p1 $0x7, s0;
	s10 =	sadd.s32 @!p1 s3, s10;
	[tilespmem:s31+$0x28] =	vst.add.f32.msk @!p4 $0xff, v1  }
0x28f: {  	[hbm4b:s10+s0] =	stream.linear.scatter @!p1 [tilespmem:s4], [sflag:$0xC], $0x8, $0x38;
	[tilespmem:$0x1F0F8] =	vst v63  }
0x290: {  	s1 =	rddreg [dreg:$0x4];
	s0 =	sadd.s32 @!p5 $0x28, s13;
	s4 =	simm.s32 @!p5 $0x1  }
0x291: {  	[spmem:s1] =	stream.linear.scatter @!p5 [tilespmem:s0], [sflag:$0x1], $0x8, $0x38;
	[tilespmem:$0x1F0F8] =	vst v63  }
0x292: {  	s2 =	sadd.s32 @p2 $0x1, s21;
	_ =	swait.ge @!p5 [sflag:s4], $0x8  }
0x293: {  	s5 =	sshrl.u32 @p2 s2, $0x4;
	[sflag:s4] =	ssyncset.done @!p5 $0x0  }
0x294: {  	s24 =	sadd.s32 $0x80, s24;
	s5 =	smulhi.u32 @p2 $0x97B425F, s5;
	[sflag:s4] =	ssyncadd.s32 @!p5 $0xFFFFFFF8  }
0x295: {  	s28 =	sadd.s32 $0x1, s28;
	v1 =	vld.msk @p2 [tilespmem:s24+$0x0], $0xff  }
0x296: {  	p3 =	seq.s32 s28, $0x0;
	s5 =	smul.u32 @p2 $0x1B0, s5  }
.Ltmp16:
0x297: {  	_ = 	snop;
	(pc) =	sbr.rel @!p3 .LBB2_16-.Ltmp16, $4  }
0x298: {  	s2 =	ssub.s32 @p2 s2, s5  }
0x299: {  	s8 =	sadd.s32 @!p4 s8, s29;
	s5 =	sshll.u32 @p2 s2, $0x4  }
0x29a: {  	s9 =	sadd.s32 @p2 $0x1, s25;
	s8 =	smov.u32 @p4 s29;
	[tilespmem:s5+$0x28] =	vst.msk @p2 $0xff, v1  }
0x29b: {  	s25 =	smov.u32 @p2 s9;
	s21 =	smov.u32 @p2 s2;
	s29 =	smov.u32 @p2 s8;
	v1 =	vld.msk @!p2 [tilespmem:s24+$0x0], $0xff  }
.LBB2_17:
.Ltmp17:
0x29c: {  	_ = 	snop;
	(pc) =	sbr.rel .LBB2_19-.Ltmp17, $3  }
0x29d: {  	s1 =	sld [smem:$0x7FD];
	_ =	sdelay $0x1  }
0x29e: {  	s0 =	sshrl.u32 s29, $0x2;
	s28 =	smov.u32 s26  }
0x29f: {  	s4 =	smov.u32 s6;
	s6 =	rddreg [dreg:$0x6];
	p4 =	seq.s32 s1, $0x1;
	[tilespmem:s30+$0x28] =	vst.add.f32.msk @!p2 $0xff, v1  }
.LBB2_21:
0x2a0: {  	_ =	sfence.sel $0x180000  }
0x2a1: {  	s0 =	simm.s32 $0x9;
	[bflag:$0x0] =	sbarrier.arrive $0xFFFF  }
0x2a2: {  	s24 =	simm.s32 $0xA;
	[sflag:s0] =	ssyncpa.u1 $0x1  }
0x2a3: {  	s25 =	simm.s32 $0xB;
	[sflag:s24] =	ssyncpa.u1 $0x1  }
0x2a4: {  	s26 =	simm.s32 $0x2;
	[sflag:s25] =	ssyncpa.u1 $0x1  }
0x2a5: {  	[sflag:s26] =	ssyncpa.u1 $0x1  }
0x2a6: {  	v0 =	vld [tilespmem:$0x3648];
	_ =	sdelay $0x4  }
0x2a7: {  	(v2sf) =	vpush v0, $0x0  }
0x2a8: {  	(v2sf) =	vpush v0, $0x1;
	_ =	sdelay $0x1  }
0x2a9: {  	(v2sf) =	vpush v0, $0x2;
	_ =	sdelay $0xb  }
0x2aa: {  	s0 =	spop (v2sf)  }
0x2ab: {  	s1 =	spop (v2sf)  }
0x2ac: {  	s2 =	smov.u32 s0;
	p0 =	sne.s32 s0, s1  }
0x2ad: {  	s4 =	spop (v2sf);
	s2 =	simm.s32 @!p0 $0xFFFFFFFF  }
0x2ae: {  	v2 =	vimm.s32 $0x1;
	v3 =	vlaneseq.u32;
	p0 =	seq.s32 s4, $0xFFFFFFFF;
	v1 =	vmov s2  }
0x2af: {  	s16 =	stileid.u32;
	v0 =	vperm.xlane v0, v2;
	p1 =	sne.s32 @!p0 s0, s1;
	v1 =	vperm.xlane v1, v3  }
0x2b0: {  	vm0 =	vcmask $0x3F04;
	s6 =	simm.s32 $0x3648;
	s0 =	simm.s32 @!p0 $0x1;
	p1 =	por !p1, p0  }
0x2b1: {  	s2 =	sshll.u32 s16, $0x1;
	s1 =	sshll.u32 @!p0 s4, $0x6;
	s0 =	simm.s32 @p1 $0x0;
	v0 =	vsel vm0, v1, v0  }
0x2b2: {  	s5 =	sor.u32 $0x200, s2;
	s1 =	sshra.s32 @!p0 s1, $0x2;
	s0 =	sor.u32 @!p0 s0, s2;
	[tilespmem:$0x3648] =	vst v0  }
0x2b3: {  	[spmem:s5] =	stream.linear.scatter [tilespmem:s6], [sflag:$0x1], $0x2, $0x38;
	[tilespmem:$0x1F0F8] =	vst v63  }
0x2b4: {  	s1 =	sadd.s32 @!p0 $0x28, s1;
	s0 =	sshll.u32 @!p0 s0, $0x4  }
0x2b5: {  	[spmem:s0] =	stream.linear.scatter @!p0 [tilespmem:s1], [sflag:$0x1], $0x10, $0x38;
	[tilespmem:$0x1F0F8] =	vst v63  }
0x2b6: {  	s0 =	simm.s32 @!p0 $0x12  }
0x2b7: {  	s28 =	simm.s32 $0x1;
	s0 =	simm.s32 @p0 $0x2  }
0x2b8: {  	_ =	swait.ge [sflag:s28], s0  }
0x2b9: {  	s0 =	ssub.s32 $0x0, s0;
	[sflag:s28] =	ssyncset.done $0x0  }
0x2ba: {  	p0 =	sne.s32 s16, $0x0;
	[sflag:s28] =	ssyncadd.s32 s0  }
.Ltmp18:
0x2bb: {  	_ =	sfence.stream.spmem;
	(pc) =	sbr.rel @p0 .LBB2_38-.Ltmp18, $4  }
0x2bc: {  	s29 =	simm.s32 $0x3;
	[bflag:$0x0] =	sbarrier.arrive $0xFFFF  }
0x2bd: {  	s30 =	simm.s32 $0x4;
	[sflag:s29] =	ssyncpa.u1 $0x1  }
0x2be: {  	s31 =	simm.s32 $0x3C;
	[sflag:s30] =	ssyncpa.u1 $0x1  }
0x2bf: {  	s17 =	rddreg [dreg:$0x5];
	[sflag:s31] =	ssyncpa.u1 $0x1  }
0x2c0: {  	_ =	sfence.stream.spmem;
	s0 =	simm.s32 $0x5  }
0x2c1: {  	s1 =	simm.s32 $0x200;
	s2 =	simm.s32 $0x3658;
	[sflag:s0] =	ssyncpa.u1 $0x0  }
0x2c2: {  	[tilespmem:s2], [sflag:$0x5] =	stream.linear.gather [spmem:s1], $0x20, $0x38;
	[tilespmem:$0x1F0F8] =	vst v63  }
0x2c3: {  	s26 =	simm.s32 $0x0;
	s28 =	simm.s32 $0x3678  }
0x2c4: {  	[tilespmem:s28], [sflag:$0x5] =	stream.linear.gather [spmem:s26], $0x200, $0x38;
	[tilespmem:$0x1F0F8] =	vst v63  }
0x2c5: {  	_ =	swait.ge [sflag:s0], $0x220  }
0x2c6: {  	[sflag:s0] =	ssyncset.done $0x0  }
0x2c7: {  	s29 =	simm.s32 $0x0;
	[sflag:s0] =	ssyncadd.s32 $0xFFFFFDE0  }
0x2c8: {  	v0 =	vld.msk [tilespmem:s29+$0x3658], $0x1;
	_ =	sdelay $0x1  }
0x2c9: {  	s30 =	simm.s32 $0x1  }
0x2ca: {  	v1 =	vld.msk [tilespmem:s30+$0x3658], $0x1;
	_ =	sdelay $0x1  }
0x2cb: {  	(v2sf) =	vpush v0, $0x0;
	_ =	sdelay $0x2  }
0x2cc: {  	(v2sf) =	vpush v1, $0x0;
	_ =	sdelay $0x2  }
0x2cd: {  	s31 =	simm.s32 $0x2  }
0x2ce: {  	v0 =	vld.msk [tilespmem:s31+$0x3658], $0x1;
	_ =	sdelay $0x2  }
0x2cf: {  	s6 =	simm.s32 $0xFFFFFFFF;
	s1 =	simm.s32 $0xFFFFFFFF;
	s0 =	simm.s32 $0xC  }
.LBB2_23:
0x2d0: {  	s2 =	smov.u32 s6;
	s4 =	smov.u32 s1  }
0x2d1: {  	s1 =	sshra.s32 s0, $0x2;
	p1 =	sne.s32 s0, $0x7C;
	s0 =	sadd.s32 $0x4, s0;
	(v2sf) =	vpush v0, $0x0  }
0x2d2: {  	v0 =	vld.msk [tilespmem:s1+$0x3658], $0x1  }
.Ltmp19:
0x2d3: {  	(pc) =	sbr.rel @p1 .LBB2_23-.Ltmp19, $4  }
0x2d4: {  	s6 =	spop (v2sf)  }
0x2d5: {  	p2 =	sne.s32 s4, $0xFFFFFFFF;
	s1 =	smov.u32 s6  }
0x2d6: {  	p3 =	seq.s32 s6, $0xFFFFFFFF;
	s1 =	smov.u32 @p2 s4  }
0x2d7: {  	s6 =	smov.u32 @p3 s2;
	s1 =	smov.u32 @p3 s4  }
0x2d8: {  	(v2sf) =	vpush v0, $0x0;
	_ =	sdelay $0x8  }
0x2d9: {  	s0 =	spop (v2sf)  }
0x2da: {  	p1 =	sne.s32 s1, $0xFFFFFFFF;
	s2 =	smov.u32 s0  }
0x2db: {  	s9 =	simm.s32 $0x6;
	p2 =	seq.s32 s0, $0xFFFFFFFF;
	s2 =	smov.u32 @p1 s1  }
0x2dc: {  	s10 =	simm.s32 $0x3638;
	s2 =	smov.u32 @p2 s1;
	s1 =	spop (v2sf)  }
0x2dd: {  	s0 =	smov.u32 @p2 s6;
	p1 =	sne.s32 s2, $0xFFFFFFFF;
	s4 =	smov.u32 s1  }
.Ltmp20:
0x2de: {  	p2 =	seq.s32 s1, $0xFFFFFFFF;
	s4 =	smov.u32 @p1 s2;
	(pc) =	sbr.rel .LBB2_25-.Ltmp20, $4  }
0x2df: {  	s11 =	simm.s32 $0x0;
	s4 =	smov.u32 @p2 s2;
	s7 =	spop (v2sf)  }
0x2e0: {  	[sflag:s9] =	ssyncpa.u1 $0x0;
	p1 =	sne.s32 s4, $0xFFFFFFFF;
	s8 =	smov.u32 s7  }
0x2e1: {  	s1 =	smov.u32 @p2 s0;
	p2 =	seq.s32 s7, $0xFFFFFFFF;
	s8 =	smov.u32 @p1 s4  }
0x2e2: {  	s6 =	simm.s32 $0x0;
	s7 =	smov.u32 @p2 s1;
	s8 =	smov.u32 @p2 s4  }
.LBB2_30:
0x2e3: {  	p1 =	sgt.u32 s12, $0x270FF  }
0x2e4: {  	p2 =	seq.s32 @!p1 s12, s8  }
0x2e5: {  	p1 =	por p1, p2  }
0x2e6: {  	p2 =	sne.s32 @!p1 s12, s7  }
0x2e7: {  	p1 =	por p1, !p2  }
0x2e8: {  	s0 =	sshll.u32 @p1 s11, $0x6  }
0x2e9: {  	s0 =	sand.u32 @!p1 $0x3FFF8, s12  }
0x2ea: {  	s1 =	sand.u32 @!p1 $0x7, s12;
	s0 =	sadd.s32 @!p1 s3, s0  }
0x2eb: {  	[tilespmem:s10], [sflag:$0x6] =	stream.linear.gather @!p1 [hbm4b:s0+s1], $0x8, $0x38;
	[tilespmem:$0x1F0F8] =	vst v63  }
0x2ec: {  	_ =	swait.ge @!p1 [sflag:s9], $0x8  }
0x2ed: {  	[sflag:s9] =	ssyncset.done @!p1 $0x0  }
0x2ee: {  	[sflag:s9] =	ssyncadd.s32 @!p1 $0xFFFFFFF8  }
0x2ef: {  	v1 =	vld @!p1 [tilespmem:$0x3638];
	_ =	sdelay $0x2  }
0x2f0: {  	s0 =	sshll.u32 @!p1 s11, $0x6  }
0x2f1: {  	s1 =	sshrl.u32 @!p1 s0, $0x2  }
0x2f2: {  	[tilespmem:s1+$0x3678] =	vst.add.f32.msk @!p1 $0xffff, v1  }
0x2f3: {  	s0 =	sshrl.u32 s0, $0x2;
	[tilespmem:s6+$0x3658] =	vst.msk $0x1, v0  }
0x2f4: {  	v0 =	vld [tilespmem:s0+$0x3678];
	_ =	sdelay $0x2  }
0x2f5: {  	s31 =	sshll.u32 s6, $0x6  }
0x2f6: {  	s0 =	sshra.s32 s31, $0x2  }
0x2f7: {  	s6 =	sadd.s32 $0x1, s6;
	[tilespmem:s0+$0x3678] =	vst v0  }
.LBB2_32:
0x2f8: {  	s11 =	sadd.s32 $0x1, s11  }
0x2f9: {  	p1 =	sne.s32 s11, $0x20  }
.Ltmp21:
0x2fa: {  	_ = 	snop;
	(pc) =	sbr.rel @!p1 .LBB2_33-.Ltmp21, $1  }
0x2fb: {  	_ =	sdelay $0x3  }
.LBB2_25:
0x2fc: {  	v0 =	vld.msk [tilespmem:s11+$0x3658], $0x1;
	_ =	sdelay $0x4  }
0x2fd: {  	(v2sf) =	vpush v0, $0x0;
	_ =	sdelay $0xe  }
0x2fe: {  	s12 =	spop (v2sf)  }
0x2ff: {  	p1 =	seq.s32 s12, $0xFFFFFFFF  }
.Ltmp22:
0x300: {  	_ = 	snop;
	(pc) =	sbr.rel @p1 .LBB2_32-.Ltmp22, $1  }
0x301: {  	_ =	sdelay $0x3  }
0x302: {  	p1 =	slt.s32 s6, $0x1  }
.Ltmp23:
0x303: {  	_ = 	snop;
	(pc) =	sbr.rel @p1 .LBB2_30-.Ltmp23, $1  }
0x304: {  	_ =	sdelay $0x3  }
0x305: {  	s13 =	simm.s32 $0x3658;
	p1 =	por $0x0, $0x0  }
0x306: {  	v1 =	vld.msk @!p1 [tilespmem:s13+$0x0], $0x1;
	_ =	sdelay $0x4  }
0x307: {  	(v2sf) =	vpush @!p1 v1, $0x0;
	_ =	sdelay $0xd  }
0x308: {  	p3 =	sne.s32 s6, $0x1  }
.Ltmp24:
0x309: {  	s0 =	spop @!p1 (v2sf);
	(pc) =	sbr.rel @!p3 .LBB2_29-.Ltmp24, $4  }
0x30a: {  	p2 =	seq.s32 @!p1 s12, s0  }
0x30b: {  	s14 =	simm.s32 $0x0;
	p2 =	por !p2, p1  }
0x30c: {  	s0 =	simm.s32 $0xFFFFFFFF;
	s14 =	simm.s32 @p2 $0xFFFFFFFF  }
0x30d: {  	s15 =	simm.s32 $0x1;
	s14 =	smov.u32 @p1 s0  }
.LBB2_28:
0x30e: {  	s0 =	smov.u32 s14;
	p1 =	sne.s32 s14, $0xFFFFFFFF  }
0x30f: {  	s13 =	sadd.s32 $0x1, s13;
	s14 =	smov.u32 s15;
	s15 =	sadd.s32 $0x1, s15  }
0x310: {  	p2 =	sne.s32 s6, s15;
	v1 =	vld.msk @!p1 [tilespmem:s13+$0x0], $0x1;
	_ =	sdelay $0x4  }
0x311: {  	(v2sf) =	vpush @!p1 v1, $0x0;
	_ =	sdelay $0xe  }
.Ltmp25:
0x312: {  	s1 =	spop @!p1 (v2sf);
	(pc) =	sbr.rel @p2 .LBB2_28-.Ltmp25, $4  }
0x313: {  	p3 =	seq.s32 @!p1 s12, s1  }
0x314: {  	p3 =	por !p3, p1  }
0x315: {  	s14 =	simm.s32 @p3 $0xFFFFFFFF  }
0x316: {  	s14 =	smov.u32 @p1 s0  }
.LBB2_29:
0x317: {  	p1 =	sne.s32 s14, $0xFFFFFFFF  }
.Ltmp26:
0x318: {  	_ = 	snop;
	(pc) =	sbr.rel @!p1 .LBB2_30-.Ltmp26, $1  }
0x319: {  	_ =	sdelay $0x3  }
0x31a: {  	s0 =	sshll.u32 s11, $0x4  }
0x31b: {  	s0 =	sand.u32 $0x3FFFFFF0, s0  }
0x31c: {  	v0 =	vld [tilespmem:s0+$0x3678]  }
.Ltmp27:
0x31d: {  	_ = 	snop;
	(pc) =	sbr.rel .LBB2_32-.Ltmp27, $4  }
0x31e: {  	_ = 	snop  }
0x31f: {  	s31 =	sshll.u32 s14, $0x6  }
0x320: {  	s0 =	sshra.s32 s31, $0x2  }
0x321: {  	[tilespmem:s0+$0x3678] =	vst.add.f32.msk $0xffff, v0  }
.LBB2_33:
0x322: {  	s0 =	simm.s32 $0x6;
	p1 =	seq.s32 s6, $0x0  }
0x323: {  	[sflag:s0] =	ssyncpa.u1 $0x1;
	v0 =	vimm.s32 @p1 $0xFFFFFFFF  }
0x324: {  	s9 =	sadd.s32 $0xFFFFFFFF, s6;
	[tilespmem:$0x3878] =	vst @p1 v0  }
0x325: {  	v0 =	vld.msk @!p1 [tilespmem:s9+$0x3658], $0x1;
	_ =	sdelay $0x1  }
0x326: {  	v1 =	vld.msk @!p1 [tilespmem:$0x3658], $0x1;
	_ =	sdelay $0x2  }
0x327: {  	p2 =	seq.s32 @!p1 s9, $0x0;
	v0 =	vbroadcast @!p1 v0, $0x0  }
0x328: {  	vm0 =	vmmov @!p1 $0x1;
	p2 =	por !p2, p1  }
0x329: {  	v1 =	vnsel @!p1 vm0, $0xFFFFFFFF, v1;
	vm0 =	vcmask @!p1 $0x308;
	v0 =	vpsel !p2, $0xFFFFFFFF, v0  }
0x32a: {  	p2 =	sne.s32 @!p1 s8, s7;
	v0 =	vsel @!p1 vm0, v1, v0  }
0x32b: {  	s0 =	simm.s32 @!p1 $0x3678;
	s1 =	simm.s32 @!p1 $0x0;
	p3 =	por !p2, p1;
	[tilespmem:$0x3878] =	vst @!p1 v0  }
0x32c: {  	[spmem:s1] =	stream.linear.scatter @!p1 [tilespmem:s0], [sflag:$0x1], $0x10, $0x38;
	[tilespmem:$0x1F0F8] =	vst v63  }
0x32d: {  	s0 =	sshll.u32 @!p3 s9, $0x6  }
0x32e: {  	s0 =	sshra.s32 @!p3 s0, $0x2  }
0x32f: {  	s1 =	simm.s32 @!p3 $0x10;
	s0 =	sadd.s32 @!p3 $0x3678, s0  }
0x330: {  	[spmem:s1] =	stream.linear.scatter @!p3 [tilespmem:s0], [sflag:$0x1], $0x10, $0x38;
	[tilespmem:$0x1F0F8] =	vst v63  }
0x331: {  	s0 =	simm.s32 @!p3 $0x1  }
0x332: {  	_ =	swait.ge @!p3 [sflag:s0], $0x20  }
0x333: {  	p1 =	por p2, p1;
	[sflag:s0] =	ssyncset.done @!p3 $0x0  }
0x334: {  	[sflag:s0] =	ssyncadd.s32 @!p3 $0xFFFFFFE0;
	s0 =	simm.s32 @!p1 $0x1  }
0x335: {  	_ =	swait.ge @!p1 [sflag:s0], $0x10  }
0x336: {  	s29 =	simm.s32 $0x3878;
	[sflag:s0] =	ssyncset.done @!p1 $0x0  }
0x337: {  	s30 =	simm.s32 $0x200;
	s31 =	simm.s32 $0x1;
	[sflag:s0] =	ssyncadd.s32 @!p1 $0xFFFFFFF0  }
0x338: {  	[spmem:s30] =	stream.linear.scatter [tilespmem:s29], [sflag:$0x1], $0x10, $0x38;
	[tilespmem:$0x1F0F8] =	vst v63  }
0x339: {  	_ =	swait.ge [sflag:s31], $0x10  }
0x33a: {  	[sflag:s31] =	ssyncset.done $0x0  }
0x33b: {  	p1 =	seq.s32 s17, $0x0;
	s8 =	rddreg [dreg:$0x1];
	[sflag:s31] =	ssyncadd.s32 $0xFFFFFFF0  }
0x33c: {  	s1 =	sshll.u32 @p1 s8, $0xE;
	s7 =	rddreg [dreg:$0x2]  }
0x33d: {  	s0 =	sadd.s32 @p1 $0x15C3C, s1;
	s1 =	sshll.u32 @p1 s7, $0x11  }
0x33e: {  	_ =	sfence.stream.spmem;
	s0 =	sor.u32 @p1 s1, s0  }
0x33f: {  	[sflag:s0] =	ssyncadd.remote.s32 @p1 $0x1;
	s0 =	simm.s32 @p1 $0x4  }
0x340: {  	s2 =	simm.s32 @!p1 $0x3C;
	s1 =	sand.u32 $0xFFFFFFFE, s8;
	_ =	swait.ge @p1 [sflag:s0], $0x6  }
0x341: {  	s4 =	simm.s32 @!p1 $0x0;
	s1 =	sadd.s32 @!p1 $0x4, s1;
	[sflag:s0] =	ssyncset.done @p1 $0x0  }
0x342: {  	s5 =	simm.s32 @!p1 $0x20;
	[sflag:s0] =	ssyncadd.s32 @p1 $0xFFFFFFFA;
	s0 =	sshll.u32 @!p1 s1, $0x1A  }
0x343: {  	s1 =	sshll.u32 @!p1 s1, $0xD;
	s0 =	sor.u32 @!p1 s0, s7;
	_ =	swait.eq @!p1 [sflag:s2], $0x1  }
0x344: {  	s1 =	sor.u32 @!p1 $0x1C04, s1;
	s2 =	simm.s32 @!p1 $0x1C03;
	s0 =	sor.u32 @!p1 $0x80004000, s0  }
0x345: {  	[spmem:s5], [sflag:s1] =	dma.general @!p1 [spmem:s4], [sflag:s2], length:$0x4, [dreg:$0x0], stride_count:$0x0, ici_dest:s0, dma_misc:DstOpCode:WRITE  }
0x346: {  	p2 =	slt.s32 s9, $0x2;
	s4 =	simm.s32 @!p1 $0x40;
	s5 =	simm.s32 @!p1 $0x42  }
0x347: {  	[spmem:s5], [sflag:s1] =	dma.general @!p1 [spmem:s4], [sflag:s2], length:$0x2, [dreg:$0x0], stride_count:$0x0, ici_dest:s0, dma_misc:DstOpCode:WRITE  }
.Ltmp28:
0x348: {  	s0 =	simm.s32 @!p1 $0x3;
	(pc) =	sbr.rel @p2 .LBB2_37-.Ltmp28, $4  }
0x349: {  	s1 =	sshll.u32 @!p1 s8, $0xE;
	_ =	swait.ge @!p1 [sflag:s0], $0x6  }
0x34a: {  	s2 =	sshll.u32 @!p1 s7, $0x11;
	s1 =	sadd.s32 @!p1 $0x11C3C, s1;
	[sflag:s0] =	ssyncset.done @!p1 $0x0  }
0x34b: {  	[sflag:s0] =	ssyncadd.s32 @!p1 $0xFFFFFFFA;
	s0 =	sor.u32 @!p1 s2, s1  }
0x34c: {  	[sflag:s0] =	ssyncadd.remote.s32 @!p1 $0xFFFFFFFF;
	s0 =	simm.s32 $0x0  }
0x34d: {  	s0 =	simm.s32 $0x3659  }
0x34e: {  	v0 =	vld.msk [tilespmem:s0+$0x0], $0x1;
	_ =	sdelay $0x4  }
0x34f: {  	(v2sf) =	vpush v0, $0x0;
	_ =	sdelay $0xd  }
0x350: {  	s2 =	sadd.s32 $0xFFFFFFFE, s6  }
0x351: {  	s2 =	sadd.s32 $0xFFFFFFFF, s2;
	s0 =	spop (v2sf)  }
0x352: {  	p2 =	sne.s32 s2, $0x0;
	p1 =	sgt.u32 s0, $0x270FF  }
.Ltmp29:
0x353: {  	s4 =	sand.u32 @!p1 $0x3FFF8, s0;
	(pc) =	sbr.rel @!p2 .LBB2_36-.Ltmp29, $4  }
0x354: {  	s1 =	simm.s32 $0x3688;
	s0 =	sand.u32 @!p1 $0x7, s0;
	s4 =	sadd.s32 @!p1 s3, s4  }
0x355: {  	[hbm4b:s4+s0] =	stream.linear.scatter @!p1 [tilespmem:s1], [sflag:$0x5], $0x8, $0x38;
	[tilespmem:$0x1F0F8] =	vst v63  }
0x356: {  	s0 =	simm.s32 $0x0  }
0x357: {  	s6 =	simm.s32 $0x0;
	s7 =	simm.s32 $0x365A;
	s0 =	simm.s32 @!p1 $0x20  }
.LBB2_35:
0x358: {  	v0 =	vld.msk [tilespmem:s7+$0x0], $0x1;
	s2 =	sadd.s32 $0xFFFFFFFF, s2;
	s6 =	sadd.s32 s6, s0  }
0x359: {  	p1 =	sne.s32 s2, $0x0;
	_ =	sdelay $0x3  }
0x35a: {  	(v2sf) =	vpush v0, $0x0;
	_ =	sdelay $0xe  }
.Ltmp30:
0x35b: {  	s4 =	spop (v2sf);
	(pc) =	sbr.rel @p1 .LBB2_35-.Ltmp30, $4  }
0x35c: {  	s0 =	simm.s32 $0x0;
	p2 =	sgt.u32 s4, $0x270FF  }
0x35d: {  	s1 =	sadd.s32 $0x10, s1;
	s0 =	simm.s32 @!p2 $0x20;
	s5 =	sand.u32 @!p2 $0x3FFF8, s4  }
0x35e: {  	s7 =	sadd.s32 $0x1, s7;
	s4 =	sand.u32 @!p2 $0x7, s4;
	s5 =	sadd.s32 @!p2 s3, s5  }
0x35f: {  	[hbm4b:s5+s4] =	stream.linear.scatter @!p2 [tilespmem:s1], [sflag:$0x5], $0x8, $0x38;
	[tilespmem:$0x1F0F8] =	vst v63  }
.LBB2_36:
0x360: {  	s0 =	sadd.s32 s6, s0  }
0x361: {  	s0 =	sshrl.u32 s0, $0x2  }
.LBB2_37:
0x362: {  	s1 =	simm.s32 $0x5  }
0x363: {  	_ =	swait.ge [sflag:s1], s0  }
0x364: {  	s31 =	ssub.s32 $0x0, s0;
	[sflag:s1] =	ssyncset.done $0x0  }
0x365: {  	[sflag:s1] =	ssyncadd.s32 s31  }
0x366: {  	[sflag:s1] =	ssyncpa.u1 $0x1  }
.LBB2_38:
0x367: {  	s0 =	sor.u32 s17, s16  }
0x368: {  	p1 =	sne.s32 s0, $0x0  }
.Ltmp31:
0x369: {  	_ = 	snop;
	(pc) =	sbr.rel @p1 .LBB2_53-.Ltmp31, $3  }
0x36a: {  	_ =	sdelay $0x1  }
0x36b: {  	[bflag:$0x0] =	sbarrier.arrive $0xFFFF  }
0x36c: {  	_ =	sfence  }
0x36d: {  	s0 =	simm.s32 $0x7  }
0x36e: {  	s1 =	simm.s32 $0x200;
	s2 =	simm.s32 $0x3658;
	[sflag:s0] =	ssyncpa.u1 $0x0  }
0x36f: {  	[tilespmem:s2], [sflag:$0x7] =	stream.linear.gather [spmem:s1], $0x20, $0x38;
	[tilespmem:$0x1F0F8] =	vst v63  }
0x370: {  	s30 =	simm.s32 $0x3678;
	s1 =	simm.s32 $0x0  }
0x371: {  	[tilespmem:s30], [sflag:$0x7] =	stream.linear.gather [spmem:s1], $0x200, $0x38;
	[tilespmem:$0x1F0F8] =	vst v63  }
.Ltmp32:
0x372: {  	_ = 	snop;
	(pc) =	sbr.rel .LBB2_40-.Ltmp32, $4  }
0x373: {  	_ =	swait.ge [sflag:s0], $0x220  }
0x374: {  	[sflag:s0] =	ssyncset.done $0x0  }
0x375: {  	s31 =	simm.s32 $0x8;
	[sflag:s0] =	ssyncadd.s32 $0xFFFFFDE0  }
0x376: {  	s2 =	simm.s32 $0x0;
	[sflag:s31] =	ssyncpa.u1 $0x0  }
.LBB2_45:
0x377: {  	p1 =	slt.u32 s4, $0x27100  }
0x378: {  	s0 =	sand.u32 @p1 $0x3FFF8, s4  }
0x379: {  	s4 =	sand.u32 @p1 $0x7, s4;
	s5 =	simm.s32 @p1 $0x3638;
	s0 =	sadd.s32 @p1 s3, s0  }
0x37a: {  	[tilespmem:s5], [sflag:$0x8] =	stream.linear.gather @p1 [hbm4b:s0+s4], $0x8, $0x38;
	[tilespmem:$0x1F0F8] =	vst v63  }
0x37b: {  	s0 =	simm.s32 @p1 $0x8  }
0x37c: {  	_ =	swait.ge @p1 [sflag:s0], $0x8  }
0x37d: {  	[sflag:s0] =	ssyncset.done @p1 $0x0  }
0x37e: {  	[sflag:s0] =	ssyncadd.s32 @p1 $0xFFFFFFF8  }
0x37f: {  	v1 =	vld @p1 [tilespmem:$0x3638];
	_ =	sdelay $0x2  }
0x380: {  	s0 =	sshll.u32 @p1 s2, $0x6  }
0x381: {  	s5 =	sshll.u32 @!p1 s2, $0x6;
	s4 =	sshrl.u32 @p1 s0, $0x2  }
0x382: {  	s5 =	smov.u32 @p1 s0;
	[tilespmem:s4+$0x3678] =	vst.add.f32.msk @p1 $0xffff, v1  }
0x383: {  	s0 =	sshrl.u32 s5, $0x2;
	[tilespmem:s1+$0x3658] =	vst.msk $0x1, v0  }
0x384: {  	v0 =	vld [tilespmem:s0+$0x3678];
	_ =	sdelay $0x2  }
0x385: {  	s31 =	sshll.u32 s1, $0x6  }
0x386: {  	s0 =	sshra.s32 s31, $0x2  }
0x387: {  	s1 =	sadd.s32 $0x1, s1;
	[tilespmem:s0+$0x3678] =	vst v0  }
.LBB2_47:
0x388: {  	s2 =	sadd.s32 $0x1, s2  }
0x389: {  	p1 =	sne.s32 s2, $0x20  }
.Ltmp33:
0x38a: {  	_ = 	snop;
	(pc) =	sbr.rel @!p1 .LBB2_48-.Ltmp33, $1  }
0x38b: {  	_ =	sdelay $0x3  }
.LBB2_40:
0x38c: {  	v0 =	vld.msk [tilespmem:s2+$0x3658], $0x1;
	_ =	sdelay $0x4  }
0x38d: {  	(v2sf) =	vpush v0, $0x0;
	_ =	sdelay $0xe  }
0x38e: {  	s4 =	spop (v2sf)  }
0x38f: {  	p1 =	seq.s32 s4, $0xFFFFFFFF  }
.Ltmp34:
0x390: {  	_ = 	snop;
	(pc) =	sbr.rel @p1 .LBB2_47-.Ltmp34, $1  }
0x391: {  	_ =	sdelay $0x3  }
0x392: {  	p1 =	slt.s32 s1, $0x1  }
.Ltmp35:
0x393: {  	_ = 	snop;
	(pc) =	sbr.rel @p1 .LBB2_45-.Ltmp35, $1  }
0x394: {  	_ =	sdelay $0x3  }
0x395: {  	s5 =	simm.s32 $0x3658;
	p1 =	por $0x0, $0x0  }
0x396: {  	v1 =	vld.msk @!p1 [tilespmem:s5+$0x0], $0x1;
	_ =	sdelay $0x4  }
0x397: {  	(v2sf) =	vpush @!p1 v1, $0x0;
	_ =	sdelay $0xd  }
0x398: {  	p3 =	sne.s32 s1, $0x1  }
.Ltmp36:
0x399: {  	s0 =	spop @!p1 (v2sf);
	(pc) =	sbr.rel @!p3 .LBB2_44-.Ltmp36, $4  }
0x39a: {  	p2 =	seq.s32 @!p1 s4, s0  }
0x39b: {  	s6 =	simm.s32 $0x0;
	p2 =	por !p2, p1  }
0x39c: {  	s0 =	simm.s32 $0xFFFFFFFF;
	s6 =	simm.s32 @p2 $0xFFFFFFFF  }
0x39d: {  	s7 =	simm.s32 $0x1;
	s6 =	smov.u32 @p1 s0  }
.LBB2_43:
0x39e: {  	s0 =	smov.u32 s6;
	p1 =	sne.s32 s6, $0xFFFFFFFF  }
0x39f: {  	s5 =	sadd.s32 $0x1, s5;
	s6 =	smov.u32 s7;
	s7 =	sadd.s32 $0x1, s7  }
0x3a0: {  	p2 =	sne.s32 s1, s7;
	v1 =	vld.msk @!p1 [tilespmem:s5+$0x0], $0x1;
	_ =	sdelay $0x4  }
0x3a1: {  	(v2sf) =	vpush @!p1 v1, $0x0;
	_ =	sdelay $0xe  }
.Ltmp37:
0x3a2: {  	s8 =	spop @!p1 (v2sf);
	(pc) =	sbr.rel @p2 .LBB2_43-.Ltmp37, $4  }
0x3a3: {  	p3 =	seq.s32 @!p1 s4, s8  }
0x3a4: {  	p3 =	por !p3, p1  }
0x3a5: {  	s6 =	simm.s32 @p3 $0xFFFFFFFF  }
0x3a6: {  	s6 =	smov.u32 @p1 s0  }
.LBB2_44:
0x3a7: {  	p1 =	sne.s32 s6, $0xFFFFFFFF  }
.Ltmp38:
0x3a8: {  	_ = 	snop;
	(pc) =	sbr.rel @!p1 .LBB2_45-.Ltmp38, $1  }
0x3a9: {  	_ =	sdelay $0x3  }
0x3aa: {  	s0 =	sshll.u32 s2, $0x4  }
0x3ab: {  	s0 =	sand.u32 $0x3FFFFFF0, s0  }
0x3ac: {  	v0 =	vld [tilespmem:s0+$0x3678]  }
.Ltmp39:
0x3ad: {  	_ = 	snop;
	(pc) =	sbr.rel .LBB2_47-.Ltmp39, $4  }
0x3ae: {  	_ = 	snop  }
0x3af: {  	s31 =	sshll.u32 s6, $0x6  }
0x3b0: {  	s0 =	sshra.s32 s31, $0x2  }
0x3b1: {  	[tilespmem:s0+$0x3678] =	vst.add.f32.msk $0xffff, v0  }
.LBB2_48:
0x3b2: {  	p1 =	slt.s32 s1, $0x1  }
.Ltmp40:
0x3b3: {  	_ = 	snop;
	(pc) =	sbr.rel @p1 .LBB2_52-.Ltmp40, $3  }
0x3b4: {  	_ =	sdelay $0x1  }
0x3b5: {  	s0 =	simm.s32 $0x8  }
0x3b6: {  	s2 =	simm.s32 $0x0;
	[sflag:s0] =	ssyncpa.u1 $0x1  }
0x3b7: {  	s0 =	simm.s32 $0x3658  }
0x3b8: {  	v0 =	vld.msk [tilespmem:s0+$0x0], $0x1;
	_ =	sdelay $0x4  }
0x3b9: {  	(v2sf) =	vpush v0, $0x0;
	_ =	sdelay $0xe  }
0x3ba: {  	s1 =	sadd.s32 $0xFFFFFFFF, s1;
	s0 =	spop (v2sf)  }
0x3bb: {  	p2 =	sne.s32 s1, $0x0;
	p1 =	sgt.u32 s0, $0x270FF  }
.Ltmp41:
0x3bc: {  	s5 =	sand.u32 @!p1 $0x3FFF8, s0;
	(pc) =	sbr.rel @!p2 .LBB2_51-.Ltmp41, $4  }
0x3bd: {  	s4 =	simm.s32 $0x3678;
	s0 =	sand.u32 @!p1 $0x7, s0;
	s5 =	sadd.s32 @!p1 s3, s5  }
0x3be: {  	[hbm4b:s5+s0] =	stream.linear.scatter @!p1 [tilespmem:s4], [sflag:$0x7], $0x8, $0x38;
	[tilespmem:$0x1F0F8] =	vst v63  }
0x3bf: {  	s0 =	simm.s32 $0x0  }
0x3c0: {  	s5 =	simm.s32 $0x3659;
	s0 =	simm.s32 @!p1 $0x20  }
.LBB2_50:
0x3c1: {  	v0 =	vld.msk [tilespmem:s5+$0x0], $0x1;
	s1 =	sadd.s32 $0xFFFFFFFF, s1;
	s2 =	sadd.s32 s2, s0  }
0x3c2: {  	p1 =	sne.s32 s1, $0x0;
	_ =	sdelay $0x3  }
0x3c3: {  	(v2sf) =	vpush v0, $0x0;
	_ =	sdelay $0xe  }
.Ltmp42:
0x3c4: {  	s6 =	spop (v2sf);
	(pc) =	sbr.rel @p1 .LBB2_50-.Ltmp42, $4  }
0x3c5: {  	s0 =	simm.s32 $0x0;
	p2 =	sgt.u32 s6, $0x270FF  }
0x3c6: {  	s4 =	sadd.s32 $0x10, s4;
	s0 =	simm.s32 @!p2 $0x20;
	s7 =	sand.u32 @!p2 $0x3FFF8, s6  }
0x3c7: {  	s5 =	sadd.s32 $0x1, s5;
	s6 =	sand.u32 @!p2 $0x7, s6;
	s7 =	sadd.s32 @!p2 s3, s7  }
0x3c8: {  	[hbm4b:s7+s6] =	stream.linear.scatter @!p2 [tilespmem:s4], [sflag:$0x7], $0x8, $0x38;
	[tilespmem:$0x1F0F8] =	vst v63  }
.LBB2_51:
0x3c9: {  	s0 =	sadd.s32 s2, s0  }
0x3ca: {  	s2 =	sshrl.u32 s0, $0x2  }
.LBB2_52:
0x3cb: {  	s0 =	simm.s32 $0x7  }
0x3cc: {  	_ =	swait.ge [sflag:s0], s2  }
0x3cd: {  	s1 =	ssub.s32 $0x0, s2;
	[sflag:s0] =	ssyncset.done $0x0  }
0x3ce: {  	[sflag:s0] =	ssyncadd.s32 s1  }
0x3cf: {  	[sflag:s0] =	ssyncpa.u1 $0x1  }
.LBB2_53:
0x3d0: {  	_ =	sfence;
	s0 =	simm.s32 $0x1  }
0x3d1: {  	[sflag:s0] =	ssyncpa.u1 $0x1  }
0x3d2: {  	_ =	strace $0x90000047  }
0x3d3: {  	[bflag:$0x2] =	sbarrier.arrive $0xFFFF  }
0x3d4: {  	s0 =	rddreg [dreg:$0x3]  }
0x3d5: {  	s0 =	sadd.s32 @!p0 $0x100000, s0  }
0x3d6: {  	[sflag:s0] =	ssyncadd.tile.s32 @!p0 $0x1;
	_ =	shalt  }
.Lfunc_end2:
_tile_overlayer_lowered:
.L_overlay_start_2:
0x3d7: {  	(tag) =	ssettag $0x2  }
0x3d8: {  	s0 =	rddreg [dreg:$0x0];
	s2 =	stileid.u32  }
0x3d9: {  	s1 =	rddreg [dreg:$0x1];
	p0 =	sne.s32 s2, $0x0  }
0x3da: {  	s3 =	rddreg [dreg:$0x2];
	[bflag:$0x3] =	sbarrier.arrive $0xFFFF;
	s2 =	simm.s32 @!p0 $0x1C01  }
0x3db: {  	[timem:s3], [sflag:s2] =	dma.local @!p0 [hbm:s0], s1  }
0x3dc: {  	s0 =	simm.s32 @!p0 $0x1  }
0x3dd: {  	_ =	swait.ge @!p0 [sflag:s0], s1  }
0x3de: {  	s1 =	ssub.s32 @!p0 $0x0, s1;
	[sflag:s0] =	ssyncset.done @!p0 $0x0  }
0x3df: {  	[sflag:s0] =	ssyncadd.s32 @!p0 s1  }
0x3e0: {  	[bflag:$0x3] =	sbarrier.arrive $0xFFFF  }
0x3e1: {  	_ =	shalt  }

</sc_bundles>
